<compile_context>
chip_gen: v7x
topology: tpu7x:2x2x1
jax: 0.10.2.dev20260603
libtpu: 0.0.44.dev20260713+nightly
codegen_flags: <defaults>
</compile_context>

<pallas_src>
import math

import jax
import jax.numpy as jnp
from jax import lax
from jax.experimental import pallas as pl
from jax.experimental.pallas import tpu as pltpu
from jax.experimental.pallas import tpu_sc as plsc

VOCAB = 100000
D = 32
NF = 7
B, L = 1024, 200
N = B * L
SCALE = math.sqrt(float(D))

_info = plsc.get_sparse_core_info()
NC, NS, LANES = _info.num_cores, _info.num_subcores, _info.num_lanes
NW = NC * NS
TOK_PER_W = N // NW
CHUNK = 128
NCHUNK = TOK_PER_W // CHUNK

_mesh = plsc.VectorSubcoreMesh(core_axis_name="c", subcore_axis_name="s")


def _body(xT_hbm, w0, w1, w2, w3, w4, w5, w6, out_hbm,
          idx_v, rows0, rows1, comb, gsem0, gsem1, osem):
    tables = (w0, w1, w2, w3, w4, w5, w6)
    wid = lax.axis_index("s") * NC + lax.axis_index("c")
    base = wid * TOK_PER_W

    for f in range(NF):
        pltpu.sync_copy(xT_hbm.at[pl.ds(f * N + base, TOK_PER_W)],
                        idx_v.at[f])

    HALF = CHUNK // 2

    def fire7(g, rows, sem):
        c0 = jnp.minimum(g, NCHUNK - 1) * CHUNK
        for f in range(NF):
            for h in (0, HALF):
                pltpu.async_copy(
                    tables[f].at[idx_v.at[f, pl.ds(c0 + h, HALF)]],
                    rows.at[f, pl.ds(h, HALF)], sem)

    def drain7(rows, sem):
        for f in range(NF):
            for h in (0, HALF):
                pltpu.make_async_copy(
                    tables[f].at[idx_v.at[f, pl.ds(0, HALF)]],
                    rows.at[f, pl.ds(h, HALF)], sem).wait()

    def pack(rows):
        @pl.loop(0, CHUNK, unroll=2)
        def _tok(t):
            for f in range(NF):
                for j in range(D // LANES):
                    v = rows[f, t, pl.ds(j * LANES, LANES)]
                    comb[t, pl.ds(f * D + j * LANES, LANES)] = v * SCALE

    def fire_out(g):
        tok0 = base + g * CHUNK
        pltpu.async_copy(comb, out_hbm.at[pl.ds(tok0, CHUNK), :], osem)

    def wait_out():
        pltpu.make_async_copy(comb, out_hbm.at[pl.ds(0, CHUNK), :],
                              osem).wait()

    fire7(0, rows0, gsem0)
    fire7(1, rows1, gsem1)
    drain7(rows0, gsem0)

    @pl.loop(0, NCHUNK // 2)
    def _pair(h):
        g = h * 2

        @pl.when(h > 0)
        def _():
            wait_out()
        pack(rows0)
        fire_out(g)
        fire7(g + 2, rows0, gsem0)
        drain7(rows1, gsem1)

        wait_out()
        pack(rows1)
        fire_out(g + 1)
        fire7(g + 3, rows1, gsem1)
        drain7(rows0, gsem0)

    wait_out()


_sc_call = pl.kernel(
    _body,
    out_type=jax.ShapeDtypeStruct((N, NF * D), jnp.float32),
    mesh=_mesh,
    scratch_types=[
        pltpu.VMEM((NF, TOK_PER_W), jnp.int32),
        pltpu.VMEM((NF, CHUNK, D), jnp.float32),
        pltpu.VMEM((NF, CHUNK, D), jnp.float32),
        pltpu.VMEM((CHUNK, NF * D), jnp.float32),
        pltpu.SemaphoreType.DMA,
        pltpu.SemaphoreType.DMA,
        pltpu.SemaphoreType.DMA,
    ],
    compiler_params=pltpu.CompilerParams(use_tc_tiling_on_sc=False),
)


@jax.jit
def kernel(x, W_tempo, W_chord, W_barbeat, W_type, W_pitch, W_duration,
           W_velocity):
    xT = x.reshape(N, NF).T.reshape(NF * N)
    out = _sc_call(xT, W_tempo, W_chord, W_barbeat, W_type, W_pitch,
                   W_duration, W_velocity)
    return out.reshape(B, L, NF * D)

# --- scband reference (transcript-rebuilt; emitter-appended) ---
"""Pipeline reference for scband-multi-embedding-27479200760071 (READ-ONLY COPY).

The authoritative reference and input builder live on the scoring server;
editing this copy changes nothing except your own understanding.
"""

import jax, jax.numpy as jnp
import numpy as np
import math

VOCAB = 100000
D_EMB = 32
B, L, F = 1024, 200, 7
KEYS = ['tempo', 'chord', 'barbeat', 'type', 'pitch', 'duration', 'velocity']

def setup_inputs(seed: int = 0) -> dict:
    key = jax.random.key(seed)
    ks = jax.random.split(key, 1 + len(KEYS))
    x = jax.random.randint(ks[0], (B, L, F), 0, VOCAB, dtype=jnp.int32)
    inp = {'x': x}
    for i, k in enumerate(KEYS):
        inp['W_' + k] = jax.random.normal(ks[1 + i], (VOCAB, D_EMB), dtype=jnp.float32) * 0.02
    return inp

def reference(x, W_tempo, W_chord, W_barbeat, W_type, W_pitch, W_duration, W_velocity):
    s = math.sqrt(float(D_EMB))
    emb_tempo = jnp.take(W_tempo, x[..., 0], axis=0) * s
    emb_chord = jnp.take(W_chord, x[..., 1], axis=0) * s
    emb_barbeat = jnp.take(W_barbeat, x[..., 2], axis=0) * s
    emb_type = jnp.take(W_type, x[..., 3], axis=0) * s
    emb_pitch = jnp.take(W_pitch, x[..., 4], axis=0) * s
    emb_duration = jnp.take(W_duration, x[..., 5], axis=0) * s
    emb_velocity = jnp.take(W_velocity, x[..., 6], axis=0) * s
    return jnp.concatenate([emb_tempo, emb_chord, emb_barbeat, emb_type, emb_pitch, emb_duration, emb_velocity], axis=-1)

if __name__ == "__main__":
    import jax
    _d = setup_inputs()
    print(jax.jit(kernel)(*tuple(_d.values())))

</pallas_src>

<mosaic_0001>
#map = affine_map<(d0, d1) -> (0)>
#map1 = affine_map<(d0, d1) -> (0, 0)>
module attributes {stable_mosaic.version = 14 : i64} {
  func.func @_body(%arg0: i32, %arg1: i32, %arg2: memref<1433600xi32, #tpu.memory_space<hbm>>, %arg3: memref<100000x32xf32, #tpu.memory_space<hbm>>, %arg4: memref<100000x32xf32, #tpu.memory_space<hbm>>, %arg5: memref<100000x32xf32, #tpu.memory_space<hbm>>, %arg6: memref<100000x32xf32, #tpu.memory_space<hbm>>, %arg7: memref<100000x32xf32, #tpu.memory_space<hbm>>, %arg8: memref<100000x32xf32, #tpu.memory_space<hbm>>, %arg9: memref<100000x32xf32, #tpu.memory_space<hbm>>, %arg10: memref<204800x224xf32, #tpu.memory_space<hbm>>, %arg11: memref<7x6400xi32, #tpu.memory_space<vmem>>, %arg12: memref<7x128x32xf32, #tpu.memory_space<vmem>>, %arg13: memref<7x128x32xf32, #tpu.memory_space<vmem>>, %arg14: memref<128x224xf32, #tpu.memory_space<vmem>>, %arg15: memref<!tpu.dma_semaphore, #tpu.memory_space<semaphore_mem>>, %arg16: memref<!tpu.dma_semaphore, #tpu.memory_space<semaphore_mem>>, %arg17: memref<!tpu.dma_semaphore, #tpu.memory_space<semaphore_mem>>) attributes {dimension_semantics = [#tpu.dimension_semantics<core_parallel>, #tpu.dimension_semantics<subcore_parallel>], iteration_bounds = array<i64: 2, 16>, scalar_prefetch = 0 : i64, scratch_operands = 7 : i64, tpu.core_type = #tpu.core_type<sc_vector_subcore>, window_params = [{transform_indices = #map}, {transform_indices = #map1}, {transform_indices = #map1}, {transform_indices = #map1}, {transform_indices = #map1}, {transform_indices = #map1}, {transform_indices = #map1}, {transform_indices = #map1}, {transform_indices = #map1}]} {
    %mul3A = arith.constant 2 : i32
    %mul3A_0 = arith.muli %arg1, %mul3A : i32
    %add3A = arith.addi %mul3A_0, %arg0 : i32
    %mul3A_1 = arith.constant 6400 : i32
    %mul3A_2 = arith.muli %add3A, %mul3A_1 : i32
    %add3A_3 = arith.constant 0 : i32
    %add3A_4 = arith.addi %add3A_3, %mul3A_2 : i32
    %run_scoped3A = arith.constant 0 : i32
    "tpu.region"() ({
      %run_scoped3A_572 = tpu.sem_alloc : memref<!tpu.dma_semaphore, #tpu.memory_space<semaphore_mem>>
      %dma_start3A_573 = arith.constant 0 : i32
      %dma_start3A_574 = tpu.memref_slice %arg11[%run_scoped3A, %dma_start3A_573] : memref<7x6400xi32, #tpu.memory_space<vmem>> -> memref<1x6400xi32, #tpu.memory_space<vmem>>
      %dma_start3A_575 = tpu.memref_squeeze %dma_start3A_574 : memref<1x6400xi32, #tpu.memory_space<vmem>> -> memref<6400xi32, #tpu.memory_space<vmem>>
      %dma_start3A_576 = tpu.memref_slice %arg2[%add3A_4] : memref<1433600xi32, #tpu.memory_space<hbm>> -> memref<6400xi32, #tpu.memory_space<hbm>>
      %dma_start3A_577 = arith.constant 0 : i32
      %dma_start3A_578 = tpu.memref_slice %arg11[%run_scoped3A, %dma_start3A_577] : memref<7x6400xi32, #tpu.memory_space<vmem>> -> memref<1x6400xi32, #tpu.memory_space<vmem>>
      %dma_start3A_579 = tpu.memref_squeeze %dma_start3A_578 : memref<1x6400xi32, #tpu.memory_space<vmem>> -> memref<6400xi32, #tpu.memory_space<vmem>>
      %dma_start3A_580 = tpu.memref_slice %arg2[%add3A_4] : memref<1433600xi32, #tpu.memory_space<hbm>> -> memref<6400xi32, #tpu.memory_space<hbm>>
      tpu.enqueue_dma source(%dma_start3A_580 : memref<6400xi32, #tpu.memory_space<hbm>>) target(%dma_start3A_579 : memref<6400xi32, #tpu.memory_space<vmem>>) target_semaphore(%run_scoped3A_572 : memref<!tpu.dma_semaphore, #tpu.memory_space<semaphore_mem>>)
      %dma_wait3A_581 = arith.constant 0 : i32
      %dma_wait3A_582 = tpu.memref_slice %arg11[%run_scoped3A, %dma_wait3A_581] : memref<7x6400xi32, #tpu.memory_space<vmem>> -> memref<1x6400xi32, #tpu.memory_space<vmem>>
      %dma_wait3A_583 = tpu.memref_squeeze %dma_wait3A_582 : memref<1x6400xi32, #tpu.memory_space<vmem>> -> memref<6400xi32, #tpu.memory_space<vmem>>
      %dma_wait3A_584 = tpu.memref_slice %arg2[%add3A_4] : memref<1433600xi32, #tpu.memory_space<hbm>> -> memref<6400xi32, #tpu.memory_space<hbm>>
      %dma_wait3A_585 = arith.constant 0 : i32
      %dma_wait3A_586 = tpu.memref_slice %arg11[%run_scoped3A, %dma_wait3A_585] : memref<7x6400xi32, #tpu.memory_space<vmem>> -> memref<1x6400xi32, #tpu.memory_space<vmem>>
      %dma_wait3A_587 = tpu.memref_squeeze %dma_wait3A_586 : memref<1x6400xi32, #tpu.memory_space<vmem>> -> memref<6400xi32, #tpu.memory_space<vmem>>
      %dma_wait3A_588 = tpu.memref_slice %arg2[%add3A_4] : memref<1433600xi32, #tpu.memory_space<hbm>> -> memref<6400xi32, #tpu.memory_space<hbm>>
      tpu.wait_dma2 semaphore(%run_scoped3A_572 : memref<!tpu.dma_semaphore, #tpu.memory_space<semaphore_mem>>) src(%dma_wait3A_588 : memref<6400xi32, #tpu.memory_space<hbm>>) dst(%dma_wait3A_587 : memref<6400xi32, #tpu.memory_space<vmem>>)
      tpu.yield
    }) : () -> ()
    %add3A_5 = arith.constant 204800 : i32
    %add3A_6 = arith.addi %add3A_5, %mul3A_2 : i32
    %run_scoped3A_7 = arith.constant 1 : i32
    "tpu.region"() ({
      %run_scoped3A_572 = tpu.sem_alloc : memref<!tpu.dma_semaphore, #tpu.memory_space<semaphore_mem>>
      %dma_start3A_573 = arith.constant 0 : i32
      %dma_start3A_574 = tpu.memref_slice %arg11[%run_scoped3A_7, %dma_start3A_573] : memref<7x6400xi32, #tpu.memory_space<vmem>> -> memref<1x6400xi32, #tpu.memory_space<vmem>>
      %dma_start3A_575 = tpu.memref_squeeze %dma_start3A_574 : memref<1x6400xi32, #tpu.memory_space<vmem>> -> memref<6400xi32, #tpu.memory_space<vmem>>
      %dma_start3A_576 = tpu.memref_slice %arg2[%add3A_6] : memref<1433600xi32, #tpu.memory_space<hbm>> -> memref<6400xi32, #tpu.memory_space<hbm>>
      %dma_start3A_577 = arith.constant 0 : i32
      %dma_start3A_578 = tpu.memref_slice %arg11[%run_scoped3A_7, %dma_start3A_577] : memref<7x6400xi32, #tpu.memory_space<vmem>> -> memref<1x6400xi32, #tpu.memory_space<vmem>>
      %dma_start3A_579 = tpu.memref_squeeze %dma_start3A_578 : memref<1x6400xi32, #tpu.memory_space<vmem>> -> memref<6400xi32, #tpu.memory_space<vmem>>
      %dma_start3A_580 = tpu.memref_slice %arg2[%add3A_6] : memref<1433600xi32, #tpu.memory_space<hbm>> -> memref<6400xi32, #tpu.memory_space<hbm>>
      tpu.enqueue_dma source(%dma_start3A_580 : memref<6400xi32, #tpu.memory_space<hbm>>) target(%dma_start3A_579 : memref<6400xi32, #tpu.memory_space<vmem>>) target_semaphore(%run_scoped3A_572 : memref<!tpu.dma_semaphore, #tpu.memory_space<semaphore_mem>>)
      %dma_wait3A_581 = arith.constant 0 : i32
      %dma_wait3A_582 = tpu.memref_slice %arg11[%run_scoped3A_7, %dma_wait3A_581] : memref<7x6400xi32, #tpu.memory_space<vmem>> -> memref<1x6400xi32, #tpu.memory_space<vmem>>
      %dma_wait3A_583 = tpu.memref_squeeze %dma_wait3A_582 : memref<1x6400xi32, #tpu.memory_space<vmem>> -> memref<6400xi32, #tpu.memory_space<vmem>>
      %dma_wait3A_584 = tpu.memref_slice %arg2[%add3A_6] : memref<1433600xi32, #tpu.memory_space<hbm>> -> memref<6400xi32, #tpu.memory_space<hbm>>
      %dma_wait3A_585 = arith.constant 0 : i32
      %dma_wait3A_586 = tpu.memref_slice %arg11[%run_scoped3A_7, %dma_wait3A_585] : memref<7x6400xi32, #tpu.memory_space<vmem>> -> memref<1x6400xi32, #tpu.memory_space<vmem>>
      %dma_wait3A_587 = tpu.memref_squeeze %dma_wait3A_586 : memref<1x6400xi32, #tpu.memory_space<vmem>> -> memref<6400xi32, #tpu.memory_space<vmem>>
      %dma_wait3A_588 = tpu.memref_slice %arg2[%add3A_6] : memref<1433600xi32, #tpu.memory_space<hbm>> -> memref<6400xi32, #tpu.memory_space<hbm>>
      tpu.wait_dma2 semaphore(%run_scoped3A_572 : memref<!tpu.dma_semaphore, #tpu.memory_space<semaphore_mem>>) src(%dma_wait3A_588 : memref<6400xi32, #tpu.memory_space<hbm>>) dst(%dma_wait3A_587 : memref<6400xi32, #tpu.memory_space<vmem>>)
      tpu.yield
    }) : () -> ()
    %add3A_8 = arith.constant 409600 : i32
    %add3A_9 = arith.addi %add3A_8, %mul3A_2 : i32
    %run_scoped3A_10 = arith.constant 2 : i32
    "tpu.region"() ({
      %run_scoped3A_572 = tpu.sem_alloc : memref<!tpu.dma_semaphore, #tpu.memory_space<semaphore_mem>>
      %dma_start3A_573 = arith.constant 0 : i32
      %dma_start3A_574 = tpu.memref_slice %arg11[%run_scoped3A_10, %dma_start3A_573] : memref<7x6400xi32, #tpu.memory_space<vmem>> -> memref<1x6400xi32, #tpu.memory_space<vmem>>
      %dma_start3A_575 = tpu.memref_squeeze %dma_start3A_574 : memref<1x6400xi32, #tpu.memory_space<vmem>> -> memref<6400xi32, #tpu.memory_space<vmem>>
      %dma_start3A_576 = tpu.memref_slice %arg2[%add3A_9] : memref<1433600xi32, #tpu.memory_space<hbm>> -> memref<6400xi32, #tpu.memory_space<hbm>>
      %dma_start3A_577 = arith.constant 0 : i32
      %dma_start3A_578 = tpu.memref_slice %arg11[%run_scoped3A_10, %dma_start3A_577] : memref<7x6400xi32, #tpu.memory_space<vmem>> -> memref<1x6400xi32, #tpu.memory_space<vmem>>
      %dma_start3A_579 = tpu.memref_squeeze %dma_start3A_578 : memref<1x6400xi32, #tpu.memory_space<vmem>> -> memref<6400xi32, #tpu.memory_space<vmem>>
      %dma_start3A_580 = tpu.memref_slice %arg2[%add3A_9] : memref<1433600xi32, #tpu.memory_space<hbm>> -> memref<6400xi32, #tpu.memory_space<hbm>>
      tpu.enqueue_dma source(%dma_start3A_580 : memref<6400xi32, #tpu.memory_space<hbm>>) target(%dma_start3A_579 : memref<6400xi32, #tpu.memory_space<vmem>>) target_semaphore(%run_scoped3A_572 : memref<!tpu.dma_semaphore, #tpu.memory_space<semaphore_mem>>)
      %dma_wait3A_581 = arith.constant 0 : i32
      %dma_wait3A_582 = tpu.memref_slice %arg11[%run_scoped3A_10, %dma_wait3A_581] : memref<7x6400xi32, #tpu.memory_space<vmem>> -> memref<1x6400xi32, #tpu.memory_space<vmem>>
      %dma_wait3A_583 = tpu.memref_squeeze %dma_wait3A_582 : memref<1x6400xi32, #tpu.memory_space<vmem>> -> memref<6400xi32, #tpu.memory_space<vmem>>
      %dma_wait3A_584 = tpu.memref_slice %arg2[%add3A_9] : memref<1433600xi32, #tpu.memory_space<hbm>> -> memref<6400xi32, #tpu.memory_space<hbm>>
      %dma_wait3A_585 = arith.constant 0 : i32
      %dma_wait3A_586 = tpu.memref_slice %arg11[%run_scoped3A_10, %dma_wait3A_585] : memref<7x6400xi32, #tpu.memory_space<vmem>> -> memref<1x6400xi32, #tpu.memory_space<vmem>>
      %dma_wait3A_587 = tpu.memref_squeeze %dma_wait3A_586 : memref<1x6400xi32, #tpu.memory_space<vmem>> -> memref<6400xi32, #tpu.memory_space<vmem>>
      %dma_wait3A_588 = tpu.memref_slice %arg2[%add3A_9] : memref<1433600xi32, #tpu.memory_space<hbm>> -> memref<6400xi32, #tpu.memory_space<hbm>>
      tpu.wait_dma2 semaphore(%run_scoped3A_572 : memref<!tpu.dma_semaphore, #tpu.memory_space<semaphore_mem>>) src(%dma_wait3A_588 : memref<6400xi32, #tpu.memory_space<hbm>>) dst(%dma_wait3A_587 : memref<6400xi32, #tpu.memory_space<vmem>>)
      tpu.yield
    }) : () -> ()
    %add3A_11 = arith.constant 614400 : i32
    %add3A_12 = arith.addi %add3A_11, %mul3A_2 : i32
    %run_scoped3A_13 = arith.constant 3 : i32
    "tpu.region"() ({
      %run_scoped3A_572 = tpu.sem_alloc : memref<!tpu.dma_semaphore, #tpu.memory_space<semaphore_mem>>
      %dma_start3A_573 = arith.constant 0 : i32
      %dma_start3A_574 = tpu.memref_slice %arg11[%run_scoped3A_13, %dma_start3A_573] : memref<7x6400xi32, #tpu.memory_space<vmem>> -> memref<1x6400xi32, #tpu.memory_space<vmem>>
      %dma_start3A_575 = tpu.memref_squeeze %dma_start3A_574 : memref<1x6400xi32, #tpu.memory_space<vmem>> -> memref<6400xi32, #tpu.memory_space<vmem>>
      %dma_start3A_576 = tpu.memref_slice %arg2[%add3A_12] : memref<1433600xi32, #tpu.memory_space<hbm>> -> memref<6400xi32, #tpu.memory_space<hbm>>
      %dma_start3A_577 = arith.constant 0 : i32
      %dma_start3A_578 = tpu.memref_slice %arg11[%run_scoped3A_13, %dma_start3A_577] : memref<7x6400xi32, #tpu.memory_space<vmem>> -> memref<1x6400xi32, #tpu.memory_space<vmem>>
      %dma_start3A_579 = tpu.memref_squeeze %dma_start3A_578 : memref<1x6400xi32, #tpu.memory_space<vmem>> -> memref<6400xi32, #tpu.memory_space<vmem>>
      %dma_start3A_580 = tpu.memref_slice %arg2[%add3A_12] : memref<1433600xi32, #tpu.memory_space<hbm>> -> memref<6400xi32, #tpu.memory_space<hbm>>
      tpu.enqueue_dma source(%dma_start3A_580 : memref<6400xi32, #tpu.memory_space<hbm>>) target(%dma_start3A_579 : memref<6400xi32, #tpu.memory_space<vmem>>) target_semaphore(%run_scoped3A_572 : memref<!tpu.dma_semaphore, #tpu.memory_space<semaphore_mem>>)
      %dma_wait3A_581 = arith.constant 0 : i32
      %dma_wait3A_582 = tpu.memref_slice %arg11[%run_scoped3A_13, %dma_wait3A_581] : memref<7x6400xi32, #tpu.memory_space<vmem>> -> memref<1x6400xi32, #tpu.memory_space<vmem>>
      %dma_wait3A_583 = tpu.memref_squeeze %dma_wait3A_582 : memref<1x6400xi32, #tpu.memory_space<vmem>> -> memref<6400xi32, #tpu.memory_space<vmem>>
      %dma_wait3A_584 = tpu.memref_slice %arg2[%add3A_12] : memref<1433600xi32, #tpu.memory_space<hbm>> -> memref<6400xi32, #tpu.memory_space<hbm>>
      %dma_wait3A_585 = arith.constant 0 : i32
      %dma_wait3A_586 = tpu.memref_slice %arg11[%run_scoped3A_13, %dma_wait3A_585] : memref<7x6400xi32, #tpu.memory_space<vmem>> -> memref<1x6400xi32, #tpu.memory_space<vmem>>
      %dma_wait3A_587 = tpu.memref_squeeze %dma_wait3A_586 : memref<1x6400xi32, #tpu.memory_space<vmem>> -> memref<6400xi32, #tpu.memory_space<vmem>>
      %dma_wait3A_588 = tpu.memref_slice %arg2[%add3A_12] : memref<1433600xi32, #tpu.memory_space<hbm>> -> memref<6400xi32, #tpu.memory_space<hbm>>
      tpu.wait_dma2 semaphore(%run_scoped3A_572 : memref<!tpu.dma_semaphore, #tpu.memory_space<semaphore_mem>>) src(%dma_wait3A_588 : memref<6400xi32, #tpu.memory_space<hbm>>) dst(%dma_wait3A_587 : memref<6400xi32, #tpu.memory_space<vmem>>)
      tpu.yield
    }) : () -> ()
    %add3A_14 = arith.constant 819200 : i32
    %add3A_15 = arith.addi %add3A_14, %mul3A_2 : i32
    %run_scoped3A_16 = arith.constant 4 : i32
    "tpu.region"() ({
      %run_scoped3A_572 = tpu.sem_alloc : memref<!tpu.dma_semaphore, #tpu.memory_space<semaphore_mem>>
      %dma_start3A_573 = arith.constant 0 : i32
      %dma_start3A_574 = tpu.memref_slice %arg11[%run_scoped3A_16, %dma_start3A_573] : memref<7x6400xi32, #tpu.memory_space<vmem>> -> memref<1x6400xi32, #tpu.memory_space<vmem>>
      %dma_start3A_575 = tpu.memref_squeeze %dma_start3A_574 : memref<1x6400xi32, #tpu.memory_space<vmem>> -> memref<6400xi32, #tpu.memory_space<vmem>>
      %dma_start3A_576 = tpu.memref_slice %arg2[%add3A_15] : memref<1433600xi32, #tpu.memory_space<hbm>> -> memref<6400xi32, #tpu.memory_space<hbm>>
      %dma_start3A_577 = arith.constant 0 : i32
      %dma_start3A_578 = tpu.memref_slice %arg11[%run_scoped3A_16, %dma_start3A_577] : memref<7x6400xi32, #tpu.memory_space<vmem>> -> memref<1x6400xi32, #tpu.memory_space<vmem>>
      %dma_start3A_579 = tpu.memref_squeeze %dma_start3A_578 : memref<1x6400xi32, #tpu.memory_space<vmem>> -> memref<6400xi32, #tpu.memory_space<vmem>>
      %dma_start3A_580 = tpu.memref_slice %arg2[%add3A_15] : memref<1433600xi32, #tpu.memory_space<hbm>> -> memref<6400xi32, #tpu.memory_space<hbm>>
      tpu.enqueue_dma source(%dma_start3A_580 : memref<6400xi32, #tpu.memory_space<hbm>>) target(%dma_start3A_579 : memref<6400xi32, #tpu.memory_space<vmem>>) target_semaphore(%run_scoped3A_572 : memref<!tpu.dma_semaphore, #tpu.memory_space<semaphore_mem>>)
      %dma_wait3A_581 = arith.constant 0 : i32
      %dma_wait3A_582 = tpu.memref_slice %arg11[%run_scoped3A_16, %dma_wait3A_581] : memref<7x6400xi32, #tpu.memory_space<vmem>> -> memref<1x6400xi32, #tpu.memory_space<vmem>>
      %dma_wait3A_583 = tpu.memref_squeeze %dma_wait3A_582 : memref<1x6400xi32, #tpu.memory_space<vmem>> -> memref<6400xi32, #tpu.memory_space<vmem>>
      %dma_wait3A_584 = tpu.memref_slice %arg2[%add3A_15] : memref<1433600xi32, #tpu.memory_space<hbm>> -> memref<6400xi32, #tpu.memory_space<hbm>>
      %dma_wait3A_585 = arith.constant 0 : i32
      %dma_wait3A_586 = tpu.memref_slice %arg11[%run_scoped3A_16, %dma_wait3A_585] : memref<7x6400xi32, #tpu.memory_space<vmem>> -> memref<1x6400xi32, #tpu.memory_space<vmem>>
      %dma_wait3A_587 = tpu.memref_squeeze %dma_wait3A_586 : memref<1x6400xi32, #tpu.memory_space<vmem>> -> memref<6400xi32, #tpu.memory_space<vmem>>
      %dma_wait3A_588 = tpu.memref_slice %arg2[%add3A_15] : memref<1433600xi32, #tpu.memory_space<hbm>> -> memref<6400xi32, #tpu.memory_space<hbm>>
      tpu.wait_dma2 semaphore(%run_scoped3A_572 : memref<!tpu.dma_semaphore, #tpu.memory_space<semaphore_mem>>) src(%dma_wait3A_588 : memref<6400xi32, #tpu.memory_space<hbm>>) dst(%dma_wait3A_587 : memref<6400xi32, #tpu.memory_space<vmem>>)
      tpu.yield
    }) : () -> ()
    %add3A_17 = arith.constant 1024000 : i32
    %add3A_18 = arith.addi %add3A_17, %mul3A_2 : i32
    %run_scoped3A_19 = arith.constant 5 : i32
    "tpu.region"() ({
      %run_scoped3A_572 = tpu.sem_alloc : memref<!tpu.dma_semaphore, #tpu.memory_space<semaphore_mem>>
      %dma_start3A_573 = arith.constant 0 : i32
      %dma_start3A_574 = tpu.memref_slice %arg11[%run_scoped3A_19, %dma_start3A_573] : memref<7x6400xi32, #tpu.memory_space<vmem>> -> memref<1x6400xi32, #tpu.memory_space<vmem>>
      %dma_start3A_575 = tpu.memref_squeeze %dma_start3A_574 : memref<1x6400xi32, #tpu.memory_space<vmem>> -> memref<6400xi32, #tpu.memory_space<vmem>>
      %dma_start3A_576 = tpu.memref_slice %arg2[%add3A_18] : memref<1433600xi32, #tpu.memory_space<hbm>> -> memref<6400xi32, #tpu.memory_space<hbm>>
      %dma_start3A_577 = arith.constant 0 : i32
      %dma_start3A_578 = tpu.memref_slice %arg11[%run_scoped3A_19, %dma_start3A_577] : memref<7x6400xi32, #tpu.memory_space<vmem>> -> memref<1x6400xi32, #tpu.memory_space<vmem>>
      %dma_start3A_579 = tpu.memref_squeeze %dma_start3A_578 : memref<1x6400xi32, #tpu.memory_space<vmem>> -> memref<6400xi32, #tpu.memory_space<vmem>>
      %dma_start3A_580 = tpu.memref_slice %arg2[%add3A_18] : memref<1433600xi32, #tpu.memory_space<hbm>> -> memref<6400xi32, #tpu.memory_space<hbm>>
      tpu.enqueue_dma source(%dma_start3A_580 : memref<6400xi32, #tpu.memory_space<hbm>>) target(%dma_start3A_579 : memref<6400xi32, #tpu.memory_space<vmem>>) target_semaphore(%run_scoped3A_572 : memref<!tpu.dma_semaphore, #tpu.memory_space<semaphore_mem>>)
      %dma_wait3A_581 = arith.constant 0 : i32
      %dma_wait3A_582 = tpu.memref_slice %arg11[%run_scoped3A_19, %dma_wait3A_581] : memref<7x6400xi32, #tpu.memory_space<vmem>> -> memref<1x6400xi32, #tpu.memory_space<vmem>>
      %dma_wait3A_583 = tpu.memref_squeeze %dma_wait3A_582 : memref<1x6400xi32, #tpu.memory_space<vmem>> -> memref<6400xi32, #tpu.memory_space<vmem>>
      %dma_wait3A_584 = tpu.memref_slice %arg2[%add3A_18] : memref<1433600xi32, #tpu.memory_space<hbm>> -> memref<6400xi32, #tpu.memory_space<hbm>>
      %dma_wait3A_585 = arith.constant 0 : i32
      %dma_wait3A_586 = tpu.memref_slice %arg11[%run_scoped3A_19, %dma_wait3A_585] : memref<7x6400xi32, #tpu.memory_space<vmem>> -> memref<1x6400xi32, #tpu.memory_space<vmem>>
      %dma_wait3A_587 = tpu.memref_squeeze %dma_wait3A_586 : memref<1x6400xi32, #tpu.memory_space<vmem>> -> memref<6400xi32, #tpu.memory_space<vmem>>
      %dma_wait3A_588 = tpu.memref_slice %arg2[%add3A_18] : memref<1433600xi32, #tpu.memory_space<hbm>> -> memref<6400xi32, #tpu.memory_space<hbm>>
      tpu.wait_dma2 semaphore(%run_scoped3A_572 : memref<!tpu.dma_semaphore, #tpu.memory_space<semaphore_mem>>) src(%dma_wait3A_588 : memref<6400xi32, #tpu.memory_space<hbm>>) dst(%dma_wait3A_587 : memref<6400xi32, #tpu.memory_space<vmem>>)
      tpu.yield
    }) : () -> ()
    %add3A_20 = arith.constant 1228800 : i32
    %add3A_21 = arith.addi %add3A_20, %mul3A_2 : i32
    %run_scoped3A_22 = arith.constant 6 : i32
    "tpu.region"() ({
      %run_scoped3A_572 = tpu.sem_alloc : memref<!tpu.dma_semaphore, #tpu.memory_space<semaphore_mem>>
      %dma_start3A_573 = arith.constant 0 : i32
      %dma_start3A_574 = tpu.memref_slice %arg11[%run_scoped3A_22, %dma_start3A_573] : memref<7x6400xi32, #tpu.memory_space<vmem>> -> memref<1x6400xi32, #tpu.memory_space<vmem>>
      %dma_start3A_575 = tpu.memref_squeeze %dma_start3A_574 : memref<1x6400xi32, #tpu.memory_space<vmem>> -> memref<6400xi32, #tpu.memory_space<vmem>>
      %dma_start3A_576 = tpu.memref_slice %arg2[%add3A_21] : memref<1433600xi32, #tpu.memory_space<hbm>> -> memref<6400xi32, #tpu.memory_space<hbm>>
      %dma_start3A_577 = arith.constant 0 : i32
      %dma_start3A_578 = tpu.memref_slice %arg11[%run_scoped3A_22, %dma_start3A_577] : memref<7x6400xi32, #tpu.memory_space<vmem>> -> memref<1x6400xi32, #tpu.memory_space<vmem>>
      %dma_start3A_579 = tpu.memref_squeeze %dma_start3A_578 : memref<1x6400xi32, #tpu.memory_space<vmem>> -> memref<6400xi32, #tpu.memory_space<vmem>>
      %dma_start3A_580 = tpu.memref_slice %arg2[%add3A_21] : memref<1433600xi32, #tpu.memory_space<hbm>> -> memref<6400xi32, #tpu.memory_space<hbm>>
      tpu.enqueue_dma source(%dma_start3A_580 : memref<6400xi32, #tpu.memory_space<hbm>>) target(%dma_start3A_579 : memref<6400xi32, #tpu.memory_space<vmem>>) target_semaphore(%run_scoped3A_572 : memref<!tpu.dma_semaphore, #tpu.memory_space<semaphore_mem>>)
      %dma_wait3A_581 = arith.constant 0 : i32
      %dma_wait3A_582 = tpu.memref_slice %arg11[%run_scoped3A_22, %dma_wait3A_581] : memref<7x6400xi32, #tpu.memory_space<vmem>> -> memref<1x6400xi32, #tpu.memory_space<vmem>>
      %dma_wait3A_583 = tpu.memref_squeeze %dma_wait3A_582 : memref<1x6400xi32, #tpu.memory_space<vmem>> -> memref<6400xi32, #tpu.memory_space<vmem>>
      %dma_wait3A_584 = tpu.memref_slice %arg2[%add3A_21] : memref<1433600xi32, #tpu.memory_space<hbm>> -> memref<6400xi32, #tpu.memory_space<hbm>>
      %dma_wait3A_585 = arith.constant 0 : i32
      %dma_wait3A_586 = tpu.memref_slice %arg11[%run_scoped3A_22, %dma_wait3A_585] : memref<7x6400xi32, #tpu.memory_space<vmem>> -> memref<1x6400xi32, #tpu.memory_space<vmem>>
      %dma_wait3A_587 = tpu.memref_squeeze %dma_wait3A_586 : memref<1x6400xi32, #tpu.memory_space<vmem>> -> memref<6400xi32, #tpu.memory_space<vmem>>
      %dma_wait3A_588 = tpu.memref_slice %arg2[%add3A_21] : memref<1433600xi32, #tpu.memory_space<hbm>> -> memref<6400xi32, #tpu.memory_space<hbm>>
      tpu.wait_dma2 semaphore(%run_scoped3A_572 : memref<!tpu.dma_semaphore, #tpu.memory_space<semaphore_mem>>) src(%dma_wait3A_588 : memref<6400xi32, #tpu.memory_space<hbm>>) dst(%dma_wait3A_587 : memref<6400xi32, #tpu.memory_space<vmem>>)
      tpu.yield
    }) : () -> ()
    %min3A = arith.constant 0 : i32
    %min3A_23 = arith.constant 49 : i32
    %min3A_24 = arith.minsi %min3A, %min3A_23 : i32
    %mul3A_25 = arith.constant 128 : i32
    %mul3A_26 = arith.muli %min3A_24, %mul3A_25 : i32
    %add3A_27 = arith.constant 0 : i32
    %add3A_28 = arith.addi %mul3A_26, %add3A_27 : i32
    %dma_start3A = arith.constant 0 : i32
    %dma_start3A_29 = arith.constant 0 : i32
    %dma_start3A_30 = arith.constant 0 : i32
    %dma_start3A_31 = arith.constant 0 : i32
    %dma_start3A_32 = tpu.memref_slice %arg12[%dma_start3A_29, %dma_start3A_30, %dma_start3A_31] : memref<7x128x32xf32, #tpu.memory_space<vmem>> -> memref<1x64x32xf32, #tpu.memory_space<vmem>>
    %dma_start3A_33 = tpu.memref_squeeze %dma_start3A_32 : memref<1x64x32xf32, #tpu.memory_space<vmem>> -> memref<64x32xf32, #tpu.memory_space<vmem>>
    %dma_start3A_34 = tpu.memref_slice %arg11[%dma_start3A, %add3A_28] : memref<7x6400xi32, #tpu.memory_space<vmem>> -> memref<1x64xi32, #tpu.memory_space<vmem>>
    %dma_start3A_35 = tpu.memref_squeeze %dma_start3A_34 : memref<1x64xi32, #tpu.memory_space<vmem>> -> memref<64xi32, #tpu.memory_space<vmem>>
    %dma_start3A_36 = arith.constant 0 : i32
    %dma_start3A_37 = arith.constant 0 : i32
    %dma_start3A_38 = tpu.memref_slice %arg3[%dma_start3A_36, %dma_start3A_37] : memref<100000x32xf32, #tpu.memory_space<hbm>> -> memref<100000x32xf32, #tpu.memory_space<hbm>>
    tpu.enqueue_indirect_dma source(%dma_start3A_38 : memref<100000x32xf32, #tpu.memory_space<hbm>>) target(%dma_start3A_33 : memref<64x32xf32, #tpu.memory_space<vmem>>) offsets(%dma_start3A_35 : memref<64xi32, #tpu.memory_space<vmem>>) semaphore(%arg15 : memref<!tpu.dma_semaphore, #tpu.memory_space<semaphore_mem>>)
    %add3A_39 = arith.constant 64 : i32
    %add3A_40 = arith.addi %mul3A_26, %add3A_39 : i32
    %dma_start3A_41 = arith.constant 0 : i32
    %dma_start3A_42 = arith.constant 0 : i32
    %dma_start3A_43 = arith.constant 64 : i32
    %dma_start3A_44 = arith.constant 0 : i32
    %dma_start3A_45 = tpu.memref_slice %arg12[%dma_start3A_42, %dma_start3A_43, %dma_start3A_44] : memref<7x128x32xf32, #tpu.memory_space<vmem>> -> memref<1x64x32xf32, #tpu.memory_space<vmem>>
    %dma_start3A_46 = tpu.memref_squeeze %dma_start3A_45 : memref<1x64x32xf32, #tpu.memory_space<vmem>> -> memref<64x32xf32, #tpu.memory_space<vmem>>
    %dma_start3A_47 = tpu.memref_slice %arg11[%dma_start3A_41, %add3A_40] : memref<7x6400xi32, #tpu.memory_space<vmem>> -> memref<1x64xi32, #tpu.memory_space<vmem>>
    %dma_start3A_48 = tpu.memref_squeeze %dma_start3A_47 : memref<1x64xi32, #tpu.memory_space<vmem>> -> memref<64xi32, #tpu.memory_space<vmem>>
    %dma_start3A_49 = arith.constant 0 : i32
    %dma_start3A_50 = arith.constant 0 : i32
    %dma_start3A_51 = tpu.memref_slice %arg3[%dma_start3A_49, %dma_start3A_50] : memref<100000x32xf32, #tpu.memory_space<hbm>> -> memref<100000x32xf32, #tpu.memory_space<hbm>>
    tpu.enqueue_indirect_dma source(%dma_start3A_51 : memref<100000x32xf32, #tpu.memory_space<hbm>>) target(%dma_start3A_46 : memref<64x32xf32, #tpu.memory_space<vmem>>) offsets(%dma_start3A_48 : memref<64xi32, #tpu.memory_space<vmem>>) semaphore(%arg15 : memref<!tpu.dma_semaphore, #tpu.memory_space<semaphore_mem>>)
    %add3A_52 = arith.constant 0 : i32
    %add3A_53 = arith.addi %mul3A_26, %add3A_52 : i32
    %dma_start3A_54 = arith.constant 1 : i32
    %dma_start3A_55 = arith.constant 1 : i32
    %dma_start3A_56 = arith.constant 0 : i32
    %dma_start3A_57 = arith.constant 0 : i32
    %dma_start3A_58 = tpu.memref_slice %arg12[%dma_start3A_55, %dma_start3A_56, %dma_start3A_57] : memref<7x128x32xf32, #tpu.memory_space<vmem>> -> memref<1x64x32xf32, #tpu.memory_space<vmem>>
    %dma_start3A_59 = tpu.memref_squeeze %dma_start3A_58 : memref<1x64x32xf32, #tpu.memory_space<vmem>> -> memref<64x32xf32, #tpu.memory_space<vmem>>
    %dma_start3A_60 = tpu.memref_slice %arg11[%dma_start3A_54, %add3A_53] : memref<7x6400xi32, #tpu.memory_space<vmem>> -> memref<1x64xi32, #tpu.memory_space<vmem>>
    %dma_start3A_61 = tpu.memref_squeeze %dma_start3A_60 : memref<1x64xi32, #tpu.memory_space<vmem>> -> memref<64xi32, #tpu.memory_space<vmem>>
    %dma_start3A_62 = arith.constant 0 : i32
    %dma_start3A_63 = arith.constant 0 : i32
    %dma_start3A_64 = tpu.memref_slice %arg4[%dma_start3A_62, %dma_start3A_63] : memref<100000x32xf32, #tpu.memory_space<hbm>> -> memref<100000x32xf32, #tpu.memory_space<hbm>>
    tpu.enqueue_indirect_dma source(%dma_start3A_64 : memref<100000x32xf32, #tpu.memory_space<hbm>>) target(%dma_start3A_59 : memref<64x32xf32, #tpu.memory_space<vmem>>) offsets(%dma_start3A_61 : memref<64xi32, #tpu.memory_space<vmem>>) semaphore(%arg15 : memref<!tpu.dma_semaphore, #tpu.memory_space<semaphore_mem>>)
    %add3A_65 = arith.constant 64 : i32
    %add3A_66 = arith.addi %mul3A_26, %add3A_65 : i32
    %dma_start3A_67 = arith.constant 1 : i32
    %dma_start3A_68 = arith.constant 1 : i32
    %dma_start3A_69 = arith.constant 64 : i32
    %dma_start3A_70 = arith.constant 0 : i32
    %dma_start3A_71 = tpu.memref_slice %arg12[%dma_start3A_68, %dma_start3A_69, %dma_start3A_70] : memref<7x128x32xf32, #tpu.memory_space<vmem>> -> memref<1x64x32xf32, #tpu.memory_space<vmem>>
    %dma_start3A_72 = tpu.memref_squeeze %dma_start3A_71 : memref<1x64x32xf32, #tpu.memory_space<vmem>> -> memref<64x32xf32, #tpu.memory_space<vmem>>
    %dma_start3A_73 = tpu.memref_slice %arg11[%dma_start3A_67, %add3A_66] : memref<7x6400xi32, #tpu.memory_space<vmem>> -> memref<1x64xi32, #tpu.memory_space<vmem>>
    %dma_start3A_74 = tpu.memref_squeeze %dma_start3A_73 : memref<1x64xi32, #tpu.memory_space<vmem>> -> memref<64xi32, #tpu.memory_space<vmem>>
    %dma_start3A_75 = arith.constant 0 : i32
    %dma_start3A_76 = arith.constant 0 : i32
    %dma_start3A_77 = tpu.memref_slice %arg4[%dma_start3A_75, %dma_start3A_76] : memref<100000x32xf32, #tpu.memory_space<hbm>> -> memref<100000x32xf32, #tpu.memory_space<hbm>>
    tpu.enqueue_indirect_dma source(%dma_start3A_77 : memref<100000x32xf32, #tpu.memory_space<hbm>>) target(%dma_start3A_72 : memref<64x32xf32, #tpu.memory_space<vmem>>) offsets(%dma_start3A_74 : memref<64xi32, #tpu.memory_space<vmem>>) semaphore(%arg15 : memref<!tpu.dma_semaphore, #tpu.memory_space<semaphore_mem>>)
    %add3A_78 = arith.constant 0 : i32
    %add3A_79 = arith.addi %mul3A_26, %add3A_78 : i32
    %dma_start3A_80 = arith.constant 2 : i32
    %dma_start3A_81 = arith.constant 2 : i32
    %dma_start3A_82 = arith.constant 0 : i32
    %dma_start3A_83 = arith.constant 0 : i32
    %dma_start3A_84 = tpu.memref_slice %arg12[%dma_start3A_81, %dma_start3A_82, %dma_start3A_83] : memref<7x128x32xf32, #tpu.memory_space<vmem>> -> memref<1x64x32xf32, #tpu.memory_space<vmem>>
    %dma_start3A_85 = tpu.memref_squeeze %dma_start3A_84 : memref<1x64x32xf32, #tpu.memory_space<vmem>> -> memref<64x32xf32, #tpu.memory_space<vmem>>
    %dma_start3A_86 = tpu.memref_slice %arg11[%dma_start3A_80, %add3A_79] : memref<7x6400xi32, #tpu.memory_space<vmem>> -> memref<1x64xi32, #tpu.memory_space<vmem>>
    %dma_start3A_87 = tpu.memref_squeeze %dma_start3A_86 : memref<1x64xi32, #tpu.memory_space<vmem>> -> memref<64xi32, #tpu.memory_space<vmem>>
    %dma_start3A_88 = arith.constant 0 : i32
    %dma_start3A_89 = arith.constant 0 : i32
    %dma_start3A_90 = tpu.memref_slice %arg5[%dma_start3A_88, %dma_start3A_89] : memref<100000x32xf32, #tpu.memory_space<hbm>> -> memref<100000x32xf32, #tpu.memory_space<hbm>>
    tpu.enqueue_indirect_dma source(%dma_start3A_90 : memref<100000x32xf32, #tpu.memory_space<hbm>>) target(%dma_start3A_85 : memref<64x32xf32, #tpu.memory_space<vmem>>) offsets(%dma_start3A_87 : memref<64xi32, #tpu.memory_space<vmem>>) semaphore(%arg15 : memref<!tpu.dma_semaphore, #tpu.memory_space<semaphore_mem>>)
    %add3A_91 = arith.constant 64 : i32
    %add3A_92 = arith.addi %mul3A_26, %add3A_91 : i32
    %dma_start3A_93 = arith.constant 2 : i32
    %dma_start3A_94 = arith.constant 2 : i32
    %dma_start3A_95 = arith.constant 64 : i32
    %dma_start3A_96 = arith.constant 0 : i32
    %dma_start3A_97 = tpu.memref_slice %arg12[%dma_start3A_94, %dma_start3A_95, %dma_start3A_96] : memref<7x128x32xf32, #tpu.memory_space<vmem>> -> memref<1x64x32xf32, #tpu.memory_space<vmem>>
    %dma_start3A_98 = tpu.memref_squeeze %dma_start3A_97 : memref<1x64x32xf32, #tpu.memory_space<vmem>> -> memref<64x32xf32, #tpu.memory_space<vmem>>
    %dma_start3A_99 = tpu.memref_slice %arg11[%dma_start3A_93, %add3A_92] : memref<7x6400xi32, #tpu.memory_space<vmem>> -> memref<1x64xi32, #tpu.memory_space<vmem>>
    %dma_start3A_100 = tpu.memref_squeeze %dma_start3A_99 : memref<1x64xi32, #tpu.memory_space<vmem>> -> memref<64xi32, #tpu.memory_space<vmem>>
    %dma_start3A_101 = arith.constant 0 : i32
    %dma_start3A_102 = arith.constant 0 : i32
    %dma_start3A_103 = tpu.memref_slice %arg5[%dma_start3A_101, %dma_start3A_102] : memref<100000x32xf32, #tpu.memory_space<hbm>> -> memref<100000x32xf32, #tpu.memory_space<hbm>>
    tpu.enqueue_indirect_dma source(%dma_start3A_103 : memref<100000x32xf32, #tpu.memory_space<hbm>>) target(%dma_start3A_98 : memref<64x32xf32, #tpu.memory_space<vmem>>) offsets(%dma_start3A_100 : memref<64xi32, #tpu.memory_space<vmem>>) semaphore(%arg15 : memref<!tpu.dma_semaphore, #tpu.memory_space<semaphore_mem>>)
    %add3A_104 = arith.constant 0 : i32
    %add3A_105 = arith.addi %mul3A_26, %add3A_104 : i32
    %dma_start3A_106 = arith.constant 3 : i32
    %dma_start3A_107 = arith.constant 3 : i32
    %dma_start3A_108 = arith.constant 0 : i32
    %dma_start3A_109 = arith.constant 0 : i32
    %dma_start3A_110 = tpu.memref_slice %arg12[%dma_start3A_107, %dma_start3A_108, %dma_start3A_109] : memref<7x128x32xf32, #tpu.memory_space<vmem>> -> memref<1x64x32xf32, #tpu.memory_space<vmem>>
    %dma_start3A_111 = tpu.memref_squeeze %dma_start3A_110 : memref<1x64x32xf32, #tpu.memory_space<vmem>> -> memref<64x32xf32, #tpu.memory_space<vmem>>
    %dma_start3A_112 = tpu.memref_slice %arg11[%dma_start3A_106, %add3A_105] : memref<7x6400xi32, #tpu.memory_space<vmem>> -> memref<1x64xi32, #tpu.memory_space<vmem>>
    %dma_start3A_113 = tpu.memref_squeeze %dma_start3A_112 : memref<1x64xi32, #tpu.memory_space<vmem>> -> memref<64xi32, #tpu.memory_space<vmem>>
    %dma_start3A_114 = arith.constant 0 : i32
    %dma_start3A_115 = arith.constant 0 : i32
    %dma_start3A_116 = tpu.memref_slice %arg6[%dma_start3A_114, %dma_start3A_115] : memref<100000x32xf32, #tpu.memory_space<hbm>> -> memref<100000x32xf32, #tpu.memory_space<hbm>>
    tpu.enqueue_indirect_dma source(%dma_start3A_116 : memref<100000x32xf32, #tpu.memory_space<hbm>>) target(%dma_start3A_111 : memref<64x32xf32, #tpu.memory_space<vmem>>) offsets(%dma_start3A_113 : memref<64xi32, #tpu.memory_space<vmem>>) semaphore(%arg15 : memref<!tpu.dma_semaphore, #tpu.memory_space<semaphore_mem>>)
    %add3A_117 = arith.constant 64 : i32
    %add3A_118 = arith.addi %mul3A_26, %add3A_117 : i32
    %dma_start3A_119 = arith.constant 3 : i32
    %dma_start3A_120 = arith.constant 3 : i32
    %dma_start3A_121 = arith.constant 64 : i32
    %dma_start3A_122 = arith.constant 0 : i32
    %dma_start3A_123 = tpu.memref_slice %arg12[%dma_start3A_120, %dma_start3A_121, %dma_start3A_122] : memref<7x128x32xf32, #tpu.memory_space<vmem>> -> memref<1x64x32xf32, #tpu.memory_space<vmem>>
    %dma_start3A_124 = tpu.memref_squeeze %dma_start3A_123 : memref<1x64x32xf32, #tpu.memory_space<vmem>> -> memref<64x32xf32, #tpu.memory_space<vmem>>
    %dma_start3A_125 = tpu.memref_slice %arg11[%dma_start3A_119, %add3A_118] : memref<7x6400xi32, #tpu.memory_space<vmem>> -> memref<1x64xi32, #tpu.memory_space<vmem>>
    %dma_start3A_126 = tpu.memref_squeeze %dma_start3A_125 : memref<1x64xi32, #tpu.memory_space<vmem>> -> memref<64xi32, #tpu.memory_space<vmem>>
    %dma_start3A_127 = arith.constant 0 : i32
    %dma_start3A_128 = arith.constant 0 : i32
    %dma_start3A_129 = tpu.memref_slice %arg6[%dma_start3A_127, %dma_start3A_128] : memref<100000x32xf32, #tpu.memory_space<hbm>> -> memref<100000x32xf32, #tpu.memory_space<hbm>>
    tpu.enqueue_indirect_dma source(%dma_start3A_129 : memref<100000x32xf32, #tpu.memory_space<hbm>>) target(%dma_start3A_124 : memref<64x32xf32, #tpu.memory_space<vmem>>) offsets(%dma_start3A_126 : memref<64xi32, #tpu.memory_space<vmem>>) semaphore(%arg15 : memref<!tpu.dma_semaphore, #tpu.memory_space<semaphore_mem>>)
    %add3A_130 = arith.constant 0 : i32
    %add3A_131 = arith.addi %mul3A_26, %add3A_130 : i32
    %dma_start3A_132 = arith.constant 4 : i32
    %dma_start3A_133 = arith.constant 4 : i32
    %dma_start3A_134 = arith.constant 0 : i32
    %dma_start3A_135 = arith.constant 0 : i32
    %dma_start3A_136 = tpu.memref_slice %arg12[%dma_start3A_133, %dma_start3A_134, %dma_start3A_135] : memref<7x128x32xf32, #tpu.memory_space<vmem>> -> memref<1x64x32xf32, #tpu.memory_space<vmem>>
    %dma_start3A_137 = tpu.memref_squeeze %dma_start3A_136 : memref<1x64x32xf32, #tpu.memory_space<vmem>> -> memref<64x32xf32, #tpu.memory_space<vmem>>
    %dma_start3A_138 = tpu.memref_slice %arg11[%dma_start3A_132, %add3A_131] : memref<7x6400xi32, #tpu.memory_space<vmem>> -> memref<1x64xi32, #tpu.memory_space<vmem>>
    %dma_start3A_139 = tpu.memref_squeeze %dma_start3A_138 : memref<1x64xi32, #tpu.memory_space<vmem>> -> memref<64xi32, #tpu.memory_space<vmem>>
    %dma_start3A_140 = arith.constant 0 : i32
    %dma_start3A_141 = arith.constant 0 : i32
    %dma_start3A_142 = tpu.memref_slice %arg7[%dma_start3A_140, %dma_start3A_141] : memref<100000x32xf32, #tpu.memory_space<hbm>> -> memref<100000x32xf32, #tpu.memory_space<hbm>>
    tpu.enqueue_indirect_dma source(%dma_start3A_142 : memref<100000x32xf32, #tpu.memory_space<hbm>>) target(%dma_start3A_137 : memref<64x32xf32, #tpu.memory_space<vmem>>) offsets(%dma_start3A_139 : memref<64xi32, #tpu.memory_space<vmem>>) semaphore(%arg15 : memref<!tpu.dma_semaphore, #tpu.memory_space<semaphore_mem>>)
    %add3A_143 = arith.constant 64 : i32
    %add3A_144 = arith.addi %mul3A_26, %add3A_143 : i32
    %dma_start3A_145 = arith.constant 4 : i32
    %dma_start3A_146 = arith.constant 4 : i32
    %dma_start3A_147 = arith.constant 64 : i32
    %dma_start3A_148 = arith.constant 0 : i32
    %dma_start3A_149 = tpu.memref_slice %arg12[%dma_start3A_146, %dma_start3A_147, %dma_start3A_148] : memref<7x128x32xf32, #tpu.memory_space<vmem>> -> memref<1x64x32xf32, #tpu.memory_space<vmem>>
    %dma_start3A_150 = tpu.memref_squeeze %dma_start3A_149 : memref<1x64x32xf32, #tpu.memory_space<vmem>> -> memref<64x32xf32, #tpu.memory_space<vmem>>
    %dma_start3A_151 = tpu.memref_slice %arg11[%dma_start3A_145, %add3A_144] : memref<7x6400xi32, #tpu.memory_space<vmem>> -> memref<1x64xi32, #tpu.memory_space<vmem>>
    %dma_start3A_152 = tpu.memref_squeeze %dma_start3A_151 : memref<1x64xi32, #tpu.memory_space<vmem>> -> memref<64xi32, #tpu.memory_space<vmem>>
    %dma_start3A_153 = arith.constant 0 : i32
    %dma_start3A_154 = arith.constant 0 : i32
    %dma_start3A_155 = tpu.memref_slice %arg7[%dma_start3A_153, %dma_start3A_154] : memref<100000x32xf32, #tpu.memory_space<hbm>> -> memref<100000x32xf32, #tpu.memory_space<hbm>>
    tpu.enqueue_indirect_dma source(%dma_start3A_155 : memref<100000x32xf32, #tpu.memory_space<hbm>>) target(%dma_start3A_150 : memref<64x32xf32, #tpu.memory_space<vmem>>) offsets(%dma_start3A_152 : memref<64xi32, #tpu.memory_space<vmem>>) semaphore(%arg15 : memref<!tpu.dma_semaphore, #tpu.memory_space<semaphore_mem>>)
    %add3A_156 = arith.constant 0 : i32
    %add3A_157 = arith.addi %mul3A_26, %add3A_156 : i32
    %dma_start3A_158 = arith.constant 5 : i32
    %dma_start3A_159 = arith.constant 5 : i32
    %dma_start3A_160 = arith.constant 0 : i32
    %dma_start3A_161 = arith.constant 0 : i32
    %dma_start3A_162 = tpu.memref_slice %arg12[%dma_start3A_159, %dma_start3A_160, %dma_start3A_161] : memref<7x128x32xf32, #tpu.memory_space<vmem>> -> memref<1x64x32xf32, #tpu.memory_space<vmem>>
    %dma_start3A_163 = tpu.memref_squeeze %dma_start3A_162 : memref<1x64x32xf32, #tpu.memory_space<vmem>> -> memref<64x32xf32, #tpu.memory_space<vmem>>
    %dma_start3A_164 = tpu.memref_slice %arg11[%dma_start3A_158, %add3A_157] : memref<7x6400xi32, #tpu.memory_space<vmem>> -> memref<1x64xi32, #tpu.memory_space<vmem>>
    %dma_start3A_165 = tpu.memref_squeeze %dma_start3A_164 : memref<1x64xi32, #tpu.memory_space<vmem>> -> memref<64xi32, #tpu.memory_space<vmem>>
    %dma_start3A_166 = arith.constant 0 : i32
    %dma_start3A_167 = arith.constant 0 : i32
    %dma_start3A_168 = tpu.memref_slice %arg8[%dma_start3A_166, %dma_start3A_167] : memref<100000x32xf32, #tpu.memory_space<hbm>> -> memref<100000x32xf32, #tpu.memory_space<hbm>>
    tpu.enqueue_indirect_dma source(%dma_start3A_168 : memref<100000x32xf32, #tpu.memory_space<hbm>>) target(%dma_start3A_163 : memref<64x32xf32, #tpu.memory_space<vmem>>) offsets(%dma_start3A_165 : memref<64xi32, #tpu.memory_space<vmem>>) semaphore(%arg15 : memref<!tpu.dma_semaphore, #tpu.memory_space<semaphore_mem>>)
    %add3A_169 = arith.constant 64 : i32
    %add3A_170 = arith.addi %mul3A_26, %add3A_169 : i32
    %dma_start3A_171 = arith.constant 5 : i32
    %dma_start3A_172 = arith.constant 5 : i32
    %dma_start3A_173 = arith.constant 64 : i32
    %dma_start3A_174 = arith.constant 0 : i32
    %dma_start3A_175 = tpu.memref_slice %arg12[%dma_start3A_172, %dma_start3A_173, %dma_start3A_174] : memref<7x128x32xf32, #tpu.memory_space<vmem>> -> memref<1x64x32xf32, #tpu.memory_space<vmem>>
    %dma_start3A_176 = tpu.memref_squeeze %dma_start3A_175 : memref<1x64x32xf32, #tpu.memory_space<vmem>> -> memref<64x32xf32, #tpu.memory_space<vmem>>
    %dma_start3A_177 = tpu.memref_slice %arg11[%dma_start3A_171, %add3A_170] : memref<7x6400xi32, #tpu.memory_space<vmem>> -> memref<1x64xi32, #tpu.memory_space<vmem>>
    %dma_start3A_178 = tpu.memref_squeeze %dma_start3A_177 : memref<1x64xi32, #tpu.memory_space<vmem>> -> memref<64xi32, #tpu.memory_space<vmem>>
    %dma_start3A_179 = arith.constant 0 : i32
    %dma_start3A_180 = arith.constant 0 : i32
    %dma_start3A_181 = tpu.memref_slice %arg8[%dma_start3A_179, %dma_start3A_180] : memref<100000x32xf32, #tpu.memory_space<hbm>> -> memref<100000x32xf32, #tpu.memory_space<hbm>>
    tpu.enqueue_indirect_dma source(%dma_start3A_181 : memref<100000x32xf32, #tpu.memory_space<hbm>>) target(%dma_start3A_176 : memref<64x32xf32, #tpu.memory_space<vmem>>) offsets(%dma_start3A_178 : memref<64xi32, #tpu.memory_space<vmem>>) semaphore(%arg15 : memref<!tpu.dma_semaphore, #tpu.memory_space<semaphore_mem>>)
    %add3A_182 = arith.constant 0 : i32
    %add3A_183 = arith.addi %mul3A_26, %add3A_182 : i32
    %dma_start3A_184 = arith.constant 6 : i32
    %dma_start3A_185 = arith.constant 6 : i32
    %dma_start3A_186 = arith.constant 0 : i32
    %dma_start3A_187 = arith.constant 0 : i32
    %dma_start3A_188 = tpu.memref_slice %arg12[%dma_start3A_185, %dma_start3A_186, %dma_start3A_187] : memref<7x128x32xf32, #tpu.memory_space<vmem>> -> memref<1x64x32xf32, #tpu.memory_space<vmem>>
    %dma_start3A_189 = tpu.memref_squeeze %dma_start3A_188 : memref<1x64x32xf32, #tpu.memory_space<vmem>> -> memref<64x32xf32, #tpu.memory_space<vmem>>
    %dma_start3A_190 = tpu.memref_slice %arg11[%dma_start3A_184, %add3A_183] : memref<7x6400xi32, #tpu.memory_space<vmem>> -> memref<1x64xi32, #tpu.memory_space<vmem>>
    %dma_start3A_191 = tpu.memref_squeeze %dma_start3A_190 : memref<1x64xi32, #tpu.memory_space<vmem>> -> memref<64xi32, #tpu.memory_space<vmem>>
    %dma_start3A_192 = arith.constant 0 : i32
    %dma_start3A_193 = arith.constant 0 : i32
    %dma_start3A_194 = tpu.memref_slice %arg9[%dma_start3A_192, %dma_start3A_193] : memref<100000x32xf32, #tpu.memory_space<hbm>> -> memref<100000x32xf32, #tpu.memory_space<hbm>>
    tpu.enqueue_indirect_dma source(%dma_start3A_194 : memref<100000x32xf32, #tpu.memory_space<hbm>>) target(%dma_start3A_189 : memref<64x32xf32, #tpu.memory_space<vmem>>) offsets(%dma_start3A_191 : memref<64xi32, #tpu.memory_space<vmem>>) semaphore(%arg15 : memref<!tpu.dma_semaphore, #tpu.memory_space<semaphore_mem>>)
    %add3A_195 = arith.constant 64 : i32
    %add3A_196 = arith.addi %mul3A_26, %add3A_195 : i32
    %dma_start3A_197 = arith.constant 6 : i32
    %dma_start3A_198 = arith.constant 6 : i32
    %dma_start3A_199 = arith.constant 64 : i32
    %dma_start3A_200 = arith.constant 0 : i32
    %dma_start3A_201 = tpu.memref_slice %arg12[%dma_start3A_198, %dma_start3A_199, %dma_start3A_200] : memref<7x128x32xf32, #tpu.memory_space<vmem>> -> memref<1x64x32xf32, #tpu.memory_space<vmem>>
    %dma_start3A_202 = tpu.memref_squeeze %dma_start3A_201 : memref<1x64x32xf32, #tpu.memory_space<vmem>> -> memref<64x32xf32, #tpu.memory_space<vmem>>
    %dma_start3A_203 = tpu.memref_slice %arg11[%dma_start3A_197, %add3A_196] : memref<7x6400xi32, #tpu.memory_space<vmem>> -> memref<1x64xi32, #tpu.memory_space<vmem>>
    %dma_start3A_204 = tpu.memref_squeeze %dma_start3A_203 : memref<1x64xi32, #tpu.memory_space<vmem>> -> memref<64xi32, #tpu.memory_space<vmem>>
    %dma_start3A_205 = arith.constant 0 : i32
    %dma_start3A_206 = arith.constant 0 : i32
    %dma_start3A_207 = tpu.memref_slice %arg9[%dma_start3A_205, %dma_start3A_206] : memref<100000x32xf32, #tpu.memory_space<hbm>> -> memref<100000x32xf32, #tpu.memory_space<hbm>>
    tpu.enqueue_indirect_dma source(%dma_start3A_207 : memref<100000x32xf32, #tpu.memory_space<hbm>>) target(%dma_start3A_202 : memref<64x32xf32, #tpu.memory_space<vmem>>) offsets(%dma_start3A_204 : memref<64xi32, #tpu.memory_space<vmem>>) semaphore(%arg15 : memref<!tpu.dma_semaphore, #tpu.memory_space<semaphore_mem>>)
    %min3A_208 = arith.constant 1 : i32
    %min3A_209 = arith.constant 49 : i32
    %min3A_210 = arith.minsi %min3A_208, %min3A_209 : i32
    %mul3A_211 = arith.constant 128 : i32
    %mul3A_212 = arith.muli %min3A_210, %mul3A_211 : i32
    %add3A_213 = arith.constant 0 : i32
    %add3A_214 = arith.addi %mul3A_212, %add3A_213 : i32
    %dma_start3A_215 = arith.constant 0 : i32
    %dma_start3A_216 = arith.constant 0 : i32
    %dma_start3A_217 = arith.constant 0 : i32
    %dma_start3A_218 = arith.constant 0 : i32
    %dma_start3A_219 = tpu.memref_slice %arg13[%dma_start3A_216, %dma_start3A_217, %dma_start3A_218] : memref<7x128x32xf32, #tpu.memory_space<vmem>> -> memref<1x64x32xf32, #tpu.memory_space<vmem>>
    %dma_start3A_220 = tpu.memref_squeeze %dma_start3A_219 : memref<1x64x32xf32, #tpu.memory_space<vmem>> -> memref<64x32xf32, #tpu.memory_space<vmem>>
    %dma_start3A_221 = tpu.memref_slice %arg11[%dma_start3A_215, %add3A_214] : memref<7x6400xi32, #tpu.memory_space<vmem>> -> memref<1x64xi32, #tpu.memory_space<vmem>>
    %dma_start3A_222 = tpu.memref_squeeze %dma_start3A_221 : memref<1x64xi32, #tpu.memory_space<vmem>> -> memref<64xi32, #tpu.memory_space<vmem>>
    %dma_start3A_223 = arith.constant 0 : i32
    %dma_start3A_224 = arith.constant 0 : i32
    %dma_start3A_225 = tpu.memref_slice %arg3[%dma_start3A_223, %dma_start3A_224] : memref<100000x32xf32, #tpu.memory_space<hbm>> -> memref<100000x32xf32, #tpu.memory_space<hbm>>
    tpu.enqueue_indirect_dma source(%dma_start3A_225 : memref<100000x32xf32, #tpu.memory_space<hbm>>) target(%dma_start3A_220 : memref<64x32xf32, #tpu.memory_space<vmem>>) offsets(%dma_start3A_222 : memref<64xi32, #tpu.memory_space<vmem>>) semaphore(%arg16 : memref<!tpu.dma_semaphore, #tpu.memory_space<semaphore_mem>>)
    %add3A_226 = arith.constant 64 : i32
    %add3A_227 = arith.addi %mul3A_212, %add3A_226 : i32
    %dma_start3A_228 = arith.constant 0 : i32
    %dma_start3A_229 = arith.constant 0 : i32
    %dma_start3A_230 = arith.constant 64 : i32
    %dma_start3A_231 = arith.constant 0 : i32
    %dma_start3A_232 = tpu.memref_slice %arg13[%dma_start3A_229, %dma_start3A_230, %dma_start3A_231] : memref<7x128x32xf32, #tpu.memory_space<vmem>> -> memref<1x64x32xf32, #tpu.memory_space<vmem>>
    %dma_start3A_233 = tpu.memref_squeeze %dma_start3A_232 : memref<1x64x32xf32, #tpu.memory_space<vmem>> -> memref<64x32xf32, #tpu.memory_space<vmem>>
    %dma_start3A_234 = tpu.memref_slice %arg11[%dma_start3A_228, %add3A_227] : memref<7x6400xi32, #tpu.memory_space<vmem>> -> memref<1x64xi32, #tpu.memory_space<vmem>>
    %dma_start3A_235 = tpu.memref_squeeze %dma_start3A_234 : memref<1x64xi32, #tpu.memory_space<vmem>> -> memref<64xi32, #tpu.memory_space<vmem>>
    %dma_start3A_236 = arith.constant 0 : i32
    %dma_start3A_237 = arith.constant 0 : i32
    %dma_start3A_238 = tpu.memref_slice %arg3[%dma_start3A_236, %dma_start3A_237] : memref<100000x32xf32, #tpu.memory_space<hbm>> -> memref<100000x32xf32, #tpu.memory_space<hbm>>
    tpu.enqueue_indirect_dma source(%dma_start3A_238 : memref<100000x32xf32, #tpu.memory_space<hbm>>) target(%dma_start3A_233 : memref<64x32xf32, #tpu.memory_space<vmem>>) offsets(%dma_start3A_235 : memref<64xi32, #tpu.memory_space<vmem>>) semaphore(%arg16 : memref<!tpu.dma_semaphore, #tpu.memory_space<semaphore_mem>>)
    %add3A_239 = arith.constant 0 : i32
    %add3A_240 = arith.addi %mul3A_212, %add3A_239 : i32
    %dma_start3A_241 = arith.constant 1 : i32
    %dma_start3A_242 = arith.constant 1 : i32
    %dma_start3A_243 = arith.constant 0 : i32
    %dma_start3A_244 = arith.constant 0 : i32
    %dma_start3A_245 = tpu.memref_slice %arg13[%dma_start3A_242, %dma_start3A_243, %dma_start3A_244] : memref<7x128x32xf32, #tpu.memory_space<vmem>> -> memref<1x64x32xf32, #tpu.memory_space<vmem>>
    %dma_start3A_246 = tpu.memref_squeeze %dma_start3A_245 : memref<1x64x32xf32, #tpu.memory_space<vmem>> -> memref<64x32xf32, #tpu.memory_space<vmem>>
    %dma_start3A_247 = tpu.memref_slice %arg11[%dma_start3A_241, %add3A_240] : memref<7x6400xi32, #tpu.memory_space<vmem>> -> memref<1x64xi32, #tpu.memory_space<vmem>>
    %dma_start3A_248 = tpu.memref_squeeze %dma_start3A_247 : memref<1x64xi32, #tpu.memory_space<vmem>> -> memref<64xi32, #tpu.memory_space<vmem>>
    %dma_start3A_249 = arith.constant 0 : i32
    %dma_start3A_250 = arith.constant 0 : i32
    %dma_start3A_251 = tpu.memref_slice %arg4[%dma_start3A_249, %dma_start3A_250] : memref<100000x32xf32, #tpu.memory_space<hbm>> -> memref<100000x32xf32, #tpu.memory_space<hbm>>
    tpu.enqueue_indirect_dma source(%dma_start3A_251 : memref<100000x32xf32, #tpu.memory_space<hbm>>) target(%dma_start3A_246 : memref<64x32xf32, #tpu.memory_space<vmem>>) offsets(%dma_start3A_248 : memref<64xi32, #tpu.memory_space<vmem>>) semaphore(%arg16 : memref<!tpu.dma_semaphore, #tpu.memory_space<semaphore_mem>>)
    %add3A_252 = arith.constant 64 : i32
    %add3A_253 = arith.addi %mul3A_212, %add3A_252 : i32
    %dma_start3A_254 = arith.constant 1 : i32
    %dma_start3A_255 = arith.constant 1 : i32
    %dma_start3A_256 = arith.constant 64 : i32
    %dma_start3A_257 = arith.constant 0 : i32
    %dma_start3A_258 = tpu.memref_slice %arg13[%dma_start3A_255, %dma_start3A_256, %dma_start3A_257] : memref<7x128x32xf32, #tpu.memory_space<vmem>> -> memref<1x64x32xf32, #tpu.memory_space<vmem>>
    %dma_start3A_259 = tpu.memref_squeeze %dma_start3A_258 : memref<1x64x32xf32, #tpu.memory_space<vmem>> -> memref<64x32xf32, #tpu.memory_space<vmem>>
    %dma_start3A_260 = tpu.memref_slice %arg11[%dma_start3A_254, %add3A_253] : memref<7x6400xi32, #tpu.memory_space<vmem>> -> memref<1x64xi32, #tpu.memory_space<vmem>>
    %dma_start3A_261 = tpu.memref_squeeze %dma_start3A_260 : memref<1x64xi32, #tpu.memory_space<vmem>> -> memref<64xi32, #tpu.memory_space<vmem>>
    %dma_start3A_262 = arith.constant 0 : i32
    %dma_start3A_263 = arith.constant 0 : i32
    %dma_start3A_264 = tpu.memref_slice %arg4[%dma_start3A_262, %dma_start3A_263] : memref<100000x32xf32, #tpu.memory_space<hbm>> -> memref<100000x32xf32, #tpu.memory_space<hbm>>
    tpu.enqueue_indirect_dma source(%dma_start3A_264 : memref<100000x32xf32, #tpu.memory_space<hbm>>) target(%dma_start3A_259 : memref<64x32xf32, #tpu.memory_space<vmem>>) offsets(%dma_start3A_261 : memref<64xi32, #tpu.memory_space<vmem>>) semaphore(%arg16 : memref<!tpu.dma_semaphore, #tpu.memory_space<semaphore_mem>>)
    %add3A_265 = arith.constant 0 : i32
    %add3A_266 = arith.addi %mul3A_212, %add3A_265 : i32
    %dma_start3A_267 = arith.constant 2 : i32
    %dma_start3A_268 = arith.constant 2 : i32
    %dma_start3A_269 = arith.constant 0 : i32
    %dma_start3A_270 = arith.constant 0 : i32
    %dma_start3A_271 = tpu.memref_slice %arg13[%dma_start3A_268, %dma_start3A_269, %dma_start3A_270] : memref<7x128x32xf32, #tpu.memory_space<vmem>> -> memref<1x64x32xf32, #tpu.memory_space<vmem>>
    %dma_start3A_272 = tpu.memref_squeeze %dma_start3A_271 : memref<1x64x32xf32, #tpu.memory_space<vmem>> -> memref<64x32xf32, #tpu.memory_space<vmem>>
    %dma_start3A_273 = tpu.memref_slice %arg11[%dma_start3A_267, %add3A_266] : memref<7x6400xi32, #tpu.memory_space<vmem>> -> memref<1x64xi32, #tpu.memory_space<vmem>>
    %dma_start3A_274 = tpu.memref_squeeze %dma_start3A_273 : memref<1x64xi32, #tpu.memory_space<vmem>> -> memref<64xi32, #tpu.memory_space<vmem>>
    %dma_start3A_275 = arith.constant 0 : i32
    %dma_start3A_276 = arith.constant 0 : i32
    %dma_start3A_277 = tpu.memref_slice %arg5[%dma_start3A_275, %dma_start3A_276] : memref<100000x32xf32, #tpu.memory_space<hbm>> -> memref<100000x32xf32, #tpu.memory_space<hbm>>
    tpu.enqueue_indirect_dma source(%dma_start3A_277 : memref<100000x32xf32, #tpu.memory_space<hbm>>) target(%dma_start3A_272 : memref<64x32xf32, #tpu.memory_space<vmem>>) offsets(%dma_start3A_274 : memref<64xi32, #tpu.memory_space<vmem>>) semaphore(%arg16 : memref<!tpu.dma_semaphore, #tpu.memory_space<semaphore_mem>>)
    %add3A_278 = arith.constant 64 : i32
    %add3A_279 = arith.addi %mul3A_212, %add3A_278 : i32
    %dma_start3A_280 = arith.constant 2 : i32
    %dma_start3A_281 = arith.constant 2 : i32
    %dma_start3A_282 = arith.constant 64 : i32
    %dma_start3A_283 = arith.constant 0 : i32
    %dma_start3A_284 = tpu.memref_slice %arg13[%dma_start3A_281, %dma_start3A_282, %dma_start3A_283] : memref<7x128x32xf32, #tpu.memory_space<vmem>> -> memref<1x64x32xf32, #tpu.memory_space<vmem>>
    %dma_start3A_285 = tpu.memref_squeeze %dma_start3A_284 : memref<1x64x32xf32, #tpu.memory_space<vmem>> -> memref<64x32xf32, #tpu.memory_space<vmem>>
    %dma_start3A_286 = tpu.memref_slice %arg11[%dma_start3A_280, %add3A_279] : memref<7x6400xi32, #tpu.memory_space<vmem>> -> memref<1x64xi32, #tpu.memory_space<vmem>>
    %dma_start3A_287 = tpu.memref_squeeze %dma_start3A_286 : memref<1x64xi32, #tpu.memory_space<vmem>> -> memref<64xi32, #tpu.memory_space<vmem>>
    %dma_start3A_288 = arith.constant 0 : i32
    %dma_start3A_289 = arith.constant 0 : i32
    %dma_start3A_290 = tpu.memref_slice %arg5[%dma_start3A_288, %dma_start3A_289] : memref<100000x32xf32, #tpu.memory_space<hbm>> -> memref<100000x32xf32, #tpu.memory_space<hbm>>
    tpu.enqueue_indirect_dma source(%dma_start3A_290 : memref<100000x32xf32, #tpu.memory_space<hbm>>) target(%dma_start3A_285 : memref<64x32xf32, #tpu.memory_space<vmem>>) offsets(%dma_start3A_287 : memref<64xi32, #tpu.memory_space<vmem>>) semaphore(%arg16 : memref<!tpu.dma_semaphore, #tpu.memory_space<semaphore_mem>>)
    %add3A_291 = arith.constant 0 : i32
    %add3A_292 = arith.addi %mul3A_212, %add3A_291 : i32
    %dma_start3A_293 = arith.constant 3 : i32
    %dma_start3A_294 = arith.constant 3 : i32
    %dma_start3A_295 = arith.constant 0 : i32
    %dma_start3A_296 = arith.constant 0 : i32
    %dma_start3A_297 = tpu.memref_slice %arg13[%dma_start3A_294, %dma_start3A_295, %dma_start3A_296] : memref<7x128x32xf32, #tpu.memory_space<vmem>> -> memref<1x64x32xf32, #tpu.memory_space<vmem>>
    %dma_start3A_298 = tpu.memref_squeeze %dma_start3A_297 : memref<1x64x32xf32, #tpu.memory_space<vmem>> -> memref<64x32xf32, #tpu.memory_space<vmem>>
    %dma_start3A_299 = tpu.memref_slice %arg11[%dma_start3A_293, %add3A_292] : memref<7x6400xi32, #tpu.memory_space<vmem>> -> memref<1x64xi32, #tpu.memory_space<vmem>>
    %dma_start3A_300 = tpu.memref_squeeze %dma_start3A_299 : memref<1x64xi32, #tpu.memory_space<vmem>> -> memref<64xi32, #tpu.memory_space<vmem>>
    %dma_start3A_301 = arith.constant 0 : i32
    %dma_start3A_302 = arith.constant 0 : i32
    %dma_start3A_303 = tpu.memref_slice %arg6[%dma_start3A_301, %dma_start3A_302] : memref<100000x32xf32, #tpu.memory_space<hbm>> -> memref<100000x32xf32, #tpu.memory_space<hbm>>
    tpu.enqueue_indirect_dma source(%dma_start3A_303 : memref<100000x32xf32, #tpu.memory_space<hbm>>) target(%dma_start3A_298 : memref<64x32xf32, #tpu.memory_space<vmem>>) offsets(%dma_start3A_300 : memref<64xi32, #tpu.memory_space<vmem>>) semaphore(%arg16 : memref<!tpu.dma_semaphore, #tpu.memory_space<semaphore_mem>>)
    %add3A_304 = arith.constant 64 : i32
    %add3A_305 = arith.addi %mul3A_212, %add3A_304 : i32
    %dma_start3A_306 = arith.constant 3 : i32
    %dma_start3A_307 = arith.constant 3 : i32
    %dma_start3A_308 = arith.constant 64 : i32
    %dma_start3A_309 = arith.constant 0 : i32
    %dma_start3A_310 = tpu.memref_slice %arg13[%dma_start3A_307, %dma_start3A_308, %dma_start3A_309] : memref<7x128x32xf32, #tpu.memory_space<vmem>> -> memref<1x64x32xf32, #tpu.memory_space<vmem>>
    %dma_start3A_311 = tpu.memref_squeeze %dma_start3A_310 : memref<1x64x32xf32, #tpu.memory_space<vmem>> -> memref<64x32xf32, #tpu.memory_space<vmem>>
    %dma_start3A_312 = tpu.memref_slice %arg11[%dma_start3A_306, %add3A_305] : memref<7x6400xi32, #tpu.memory_space<vmem>> -> memref<1x64xi32, #tpu.memory_space<vmem>>
    %dma_start3A_313 = tpu.memref_squeeze %dma_start3A_312 : memref<1x64xi32, #tpu.memory_space<vmem>> -> memref<64xi32, #tpu.memory_space<vmem>>
    %dma_start3A_314 = arith.constant 0 : i32
    %dma_start3A_315 = arith.constant 0 : i32
    %dma_start3A_316 = tpu.memref_slice %arg6[%dma_start3A_314, %dma_start3A_315] : memref<100000x32xf32, #tpu.memory_space<hbm>> -> memref<100000x32xf32, #tpu.memory_space<hbm>>
    tpu.enqueue_indirect_dma source(%dma_start3A_316 : memref<100000x32xf32, #tpu.memory_space<hbm>>) target(%dma_start3A_311 : memref<64x32xf32, #tpu.memory_space<vmem>>) offsets(%dma_start3A_313 : memref<64xi32, #tpu.memory_space<vmem>>) semaphore(%arg16 : memref<!tpu.dma_semaphore, #tpu.memory_space<semaphore_mem>>)
    %add3A_317 = arith.constant 0 : i32
    %add3A_318 = arith.addi %mul3A_212, %add3A_317 : i32
    %dma_start3A_319 = arith.constant 4 : i32
    %dma_start3A_320 = arith.constant 4 : i32
    %dma_start3A_321 = arith.constant 0 : i32
    %dma_start3A_322 = arith.constant 0 : i32
    %dma_start3A_323 = tpu.memref_slice %arg13[%dma_start3A_320, %dma_start3A_321, %dma_start3A_322] : memref<7x128x32xf32, #tpu.memory_space<vmem>> -> memref<1x64x32xf32, #tpu.memory_space<vmem>>
    %dma_start3A_324 = tpu.memref_squeeze %dma_start3A_323 : memref<1x64x32xf32, #tpu.memory_space<vmem>> -> memref<64x32xf32, #tpu.memory_space<vmem>>
    %dma_start3A_325 = tpu.memref_slice %arg11[%dma_start3A_319, %add3A_318] : memref<7x6400xi32, #tpu.memory_space<vmem>> -> memref<1x64xi32, #tpu.memory_space<vmem>>
    %dma_start3A_326 = tpu.memref_squeeze %dma_start3A_325 : memref<1x64xi32, #tpu.memory_space<vmem>> -> memref<64xi32, #tpu.memory_space<vmem>>
    %dma_start3A_327 = arith.constant 0 : i32
    %dma_start3A_328 = arith.constant 0 : i32
    %dma_start3A_329 = tpu.memref_slice %arg7[%dma_start3A_327, %dma_start3A_328] : memref<100000x32xf32, #tpu.memory_space<hbm>> -> memref<100000x32xf32, #tpu.memory_space<hbm>>
    tpu.enqueue_indirect_dma source(%dma_start3A_329 : memref<100000x32xf32, #tpu.memory_space<hbm>>) target(%dma_start3A_324 : memref<64x32xf32, #tpu.memory_space<vmem>>) offsets(%dma_start3A_326 : memref<64xi32, #tpu.memory_space<vmem>>) semaphore(%arg16 : memref<!tpu.dma_semaphore, #tpu.memory_space<semaphore_mem>>)
    %add3A_330 = arith.constant 64 : i32
    %add3A_331 = arith.addi %mul3A_212, %add3A_330 : i32
    %dma_start3A_332 = arith.constant 4 : i32
    %dma_start3A_333 = arith.constant 4 : i32
    %dma_start3A_334 = arith.constant 64 : i32
    %dma_start3A_335 = arith.constant 0 : i32
    %dma_start3A_336 = tpu.memref_slice %arg13[%dma_start3A_333, %dma_start3A_334, %dma_start3A_335] : memref<7x128x32xf32, #tpu.memory_space<vmem>> -> memref<1x64x32xf32, #tpu.memory_space<vmem>>
    %dma_start3A_337 = tpu.memref_squeeze %dma_start3A_336 : memref<1x64x32xf32, #tpu.memory_space<vmem>> -> memref<64x32xf32, #tpu.memory_space<vmem>>
    %dma_start3A_338 = tpu.memref_slice %arg11[%dma_start3A_332, %add3A_331] : memref<7x6400xi32, #tpu.memory_space<vmem>> -> memref<1x64xi32, #tpu.memory_space<vmem>>
    %dma_start3A_339 = tpu.memref_squeeze %dma_start3A_338 : memref<1x64xi32, #tpu.memory_space<vmem>> -> memref<64xi32, #tpu.memory_space<vmem>>
    %dma_start3A_340 = arith.constant 0 : i32
    %dma_start3A_341 = arith.constant 0 : i32
    %dma_start3A_342 = tpu.memref_slice %arg7[%dma_start3A_340, %dma_start3A_341] : memref<100000x32xf32, #tpu.memory_space<hbm>> -> memref<100000x32xf32, #tpu.memory_space<hbm>>
    tpu.enqueue_indirect_dma source(%dma_start3A_342 : memref<100000x32xf32, #tpu.memory_space<hbm>>) target(%dma_start3A_337 : memref<64x32xf32, #tpu.memory_space<vmem>>) offsets(%dma_start3A_339 : memref<64xi32, #tpu.memory_space<vmem>>) semaphore(%arg16 : memref<!tpu.dma_semaphore, #tpu.memory_space<semaphore_mem>>)
    %add3A_343 = arith.constant 0 : i32
    %add3A_344 = arith.addi %mul3A_212, %add3A_343 : i32
    %dma_start3A_345 = arith.constant 5 : i32
    %dma_start3A_346 = arith.constant 5 : i32
    %dma_start3A_347 = arith.constant 0 : i32
    %dma_start3A_348 = arith.constant 0 : i32
    %dma_start3A_349 = tpu.memref_slice %arg13[%dma_start3A_346, %dma_start3A_347, %dma_start3A_348] : memref<7x128x32xf32, #tpu.memory_space<vmem>> -> memref<1x64x32xf32, #tpu.memory_space<vmem>>
    %dma_start3A_350 = tpu.memref_squeeze %dma_start3A_349 : memref<1x64x32xf32, #tpu.memory_space<vmem>> -> memref<64x32xf32, #tpu.memory_space<vmem>>
    %dma_start3A_351 = tpu.memref_slice %arg11[%dma_start3A_345, %add3A_344] : memref<7x6400xi32, #tpu.memory_space<vmem>> -> memref<1x64xi32, #tpu.memory_space<vmem>>
    %dma_start3A_352 = tpu.memref_squeeze %dma_start3A_351 : memref<1x64xi32, #tpu.memory_space<vmem>> -> memref<64xi32, #tpu.memory_space<vmem>>
    %dma_start3A_353 = arith.constant 0 : i32
    %dma_start3A_354 = arith.constant 0 : i32
    %dma_start3A_355 = tpu.memref_slice %arg8[%dma_start3A_353, %dma_start3A_354] : memref<100000x32xf32, #tpu.memory_space<hbm>> -> memref<100000x32xf32, #tpu.memory_space<hbm>>
    tpu.enqueue_indirect_dma source(%dma_start3A_355 : memref<100000x32xf32, #tpu.memory_space<hbm>>) target(%dma_start3A_350 : memref<64x32xf32, #tpu.memory_space<vmem>>) offsets(%dma_start3A_352 : memref<64xi32, #tpu.memory_space<vmem>>) semaphore(%arg16 : memref<!tpu.dma_semaphore, #tpu.memory_space<semaphore_mem>>)
    %add3A_356 = arith.constant 64 : i32
    %add3A_357 = arith.addi %mul3A_212, %add3A_356 : i32
    %dma_start3A_358 = arith.constant 5 : i32
    %dma_start3A_359 = arith.constant 5 : i32
    %dma_start3A_360 = arith.constant 64 : i32
    %dma_start3A_361 = arith.constant 0 : i32
    %dma_start3A_362 = tpu.memref_slice %arg13[%dma_start3A_359, %dma_start3A_360, %dma_start3A_361] : memref<7x128x32xf32, #tpu.memory_space<vmem>> -> memref<1x64x32xf32, #tpu.memory_space<vmem>>
    %dma_start3A_363 = tpu.memref_squeeze %dma_start3A_362 : memref<1x64x32xf32, #tpu.memory_space<vmem>> -> memref<64x32xf32, #tpu.memory_space<vmem>>
    %dma_start3A_364 = tpu.memref_slice %arg11[%dma_start3A_358, %add3A_357] : memref<7x6400xi32, #tpu.memory_space<vmem>> -> memref<1x64xi32, #tpu.memory_space<vmem>>
    %dma_start3A_365 = tpu.memref_squeeze %dma_start3A_364 : memref<1x64xi32, #tpu.memory_space<vmem>> -> memref<64xi32, #tpu.memory_space<vmem>>
    %dma_start3A_366 = arith.constant 0 : i32
    %dma_start3A_367 = arith.constant 0 : i32
    %dma_start3A_368 = tpu.memref_slice %arg8[%dma_start3A_366, %dma_start3A_367] : memref<100000x32xf32, #tpu.memory_space<hbm>> -> memref<100000x32xf32, #tpu.memory_space<hbm>>
    tpu.enqueue_indirect_dma source(%dma_start3A_368 : memref<100000x32xf32, #tpu.memory_space<hbm>>) target(%dma_start3A_363 : memref<64x32xf32, #tpu.memory_space<vmem>>) offsets(%dma_start3A_365 : memref<64xi32, #tpu.memory_space<vmem>>) semaphore(%arg16 : memref<!tpu.dma_semaphore, #tpu.memory_space<semaphore_mem>>)
    %add3A_369 = arith.constant 0 : i32
    %add3A_370 = arith.addi %mul3A_212, %add3A_369 : i32
    %dma_start3A_371 = arith.constant 6 : i32
    %dma_start3A_372 = arith.constant 6 : i32
    %dma_start3A_373 = arith.constant 0 : i32
    %dma_start3A_374 = arith.constant 0 : i32
    %dma_start3A_375 = tpu.memref_slice %arg13[%dma_start3A_372, %dma_start3A_373, %dma_start3A_374] : memref<7x128x32xf32, #tpu.memory_space<vmem>> -> memref<1x64x32xf32, #tpu.memory_space<vmem>>
    %dma_start3A_376 = tpu.memref_squeeze %dma_start3A_375 : memref<1x64x32xf32, #tpu.memory_space<vmem>> -> memref<64x32xf32, #tpu.memory_space<vmem>>
    %dma_start3A_377 = tpu.memref_slice %arg11[%dma_start3A_371, %add3A_370] : memref<7x6400xi32, #tpu.memory_space<vmem>> -> memref<1x64xi32, #tpu.memory_space<vmem>>
    %dma_start3A_378 = tpu.memref_squeeze %dma_start3A_377 : memref<1x64xi32, #tpu.memory_space<vmem>> -> memref<64xi32, #tpu.memory_space<vmem>>
    %dma_start3A_379 = arith.constant 0 : i32
    %dma_start3A_380 = arith.constant 0 : i32
    %dma_start3A_381 = tpu.memref_slice %arg9[%dma_start3A_379, %dma_start3A_380] : memref<100000x32xf32, #tpu.memory_space<hbm>> -> memref<100000x32xf32, #tpu.memory_space<hbm>>
    tpu.enqueue_indirect_dma source(%dma_start3A_381 : memref<100000x32xf32, #tpu.memory_space<hbm>>) target(%dma_start3A_376 : memref<64x32xf32, #tpu.memory_space<vmem>>) offsets(%dma_start3A_378 : memref<64xi32, #tpu.memory_space<vmem>>) semaphore(%arg16 : memref<!tpu.dma_semaphore, #tpu.memory_space<semaphore_mem>>)
    %add3A_382 = arith.constant 64 : i32
    %add3A_383 = arith.addi %mul3A_212, %add3A_382 : i32
    %dma_start3A_384 = arith.constant 6 : i32
    %dma_start3A_385 = arith.constant 6 : i32
    %dma_start3A_386 = arith.constant 64 : i32
    %dma_start3A_387 = arith.constant 0 : i32
    %dma_start3A_388 = tpu.memref_slice %arg13[%dma_start3A_385, %dma_start3A_386, %dma_start3A_387] : memref<7x128x32xf32, #tpu.memory_space<vmem>> -> memref<1x64x32xf32, #tpu.memory_space<vmem>>
    %dma_start3A_389 = tpu.memref_squeeze %dma_start3A_388 : memref<1x64x32xf32, #tpu.memory_space<vmem>> -> memref<64x32xf32, #tpu.memory_space<vmem>>
    %dma_start3A_390 = tpu.memref_slice %arg11[%dma_start3A_384, %add3A_383] : memref<7x6400xi32, #tpu.memory_space<vmem>> -> memref<1x64xi32, #tpu.memory_space<vmem>>
    %dma_start3A_391 = tpu.memref_squeeze %dma_start3A_390 : memref<1x64xi32, #tpu.memory_space<vmem>> -> memref<64xi32, #tpu.memory_space<vmem>>
    %dma_start3A_392 = arith.constant 0 : i32
    %dma_start3A_393 = arith.constant 0 : i32
    %dma_start3A_394 = tpu.memref_slice %arg9[%dma_start3A_392, %dma_start3A_393] : memref<100000x32xf32, #tpu.memory_space<hbm>> -> memref<100000x32xf32, #tpu.memory_space<hbm>>
    tpu.enqueue_indirect_dma source(%dma_start3A_394 : memref<100000x32xf32, #tpu.memory_space<hbm>>) target(%dma_start3A_389 : memref<64x32xf32, #tpu.memory_space<vmem>>) offsets(%dma_start3A_391 : memref<64xi32, #tpu.memory_space<vmem>>) semaphore(%arg16 : memref<!tpu.dma_semaphore, #tpu.memory_space<semaphore_mem>>)
    %dma_wait3A = arith.constant 0 : i32
    %dma_wait3A_395 = arith.constant 0 : i32
    %dma_wait3A_396 = arith.constant 0 : i32
    %dma_wait3A_397 = arith.constant 0 : i32
    %dma_wait3A_398 = tpu.memref_slice %arg12[%dma_wait3A_395, %dma_wait3A_396, %dma_wait3A_397] : memref<7x128x32xf32, #tpu.memory_space<vmem>> -> memref<1x64x32xf32, #tpu.memory_space<vmem>>
    %dma_wait3A_399 = tpu.memref_squeeze %dma_wait3A_398 : memref<1x64x32xf32, #tpu.memory_space<vmem>> -> memref<64x32xf32, #tpu.memory_space<vmem>>
    %dma_wait3A_400 = arith.constant 0 : i32
    %dma_wait3A_401 = tpu.memref_slice %arg11[%dma_wait3A, %dma_wait3A_400] : memref<7x6400xi32, #tpu.memory_space<vmem>> -> memref<1x64xi32, #tpu.memory_space<vmem>>
    %dma_wait3A_402 = tpu.memref_squeeze %dma_wait3A_401 : memref<1x64xi32, #tpu.memory_space<vmem>> -> memref<64xi32, #tpu.memory_space<vmem>>
    %dma_wait3A_403 = arith.constant 0 : i32
    %dma_wait3A_404 = arith.constant 0 : i32
    %dma_wait3A_405 = tpu.memref_slice %arg3[%dma_wait3A_403, %dma_wait3A_404] : memref<100000x32xf32, #tpu.memory_space<hbm>> -> memref<100000x32xf32, #tpu.memory_space<hbm>>
    tpu.wait_indirect_dma semaphore(%arg15 : memref<!tpu.dma_semaphore, #tpu.memory_space<semaphore_mem>>) src(%dma_wait3A_405 : memref<100000x32xf32, #tpu.memory_space<hbm>>) dst(%dma_wait3A_399 : memref<64x32xf32, #tpu.memory_space<vmem>>)
    %dma_wait3A_406 = arith.constant 0 : i32
    %dma_wait3A_407 = arith.constant 0 : i32
    %dma_wait3A_408 = arith.constant 64 : i32
    %dma_wait3A_409 = arith.constant 0 : i32
    %dma_wait3A_410 = tpu.memref_slice %arg12[%dma_wait3A_407, %dma_wait3A_408, %dma_wait3A_409] : memref<7x128x32xf32, #tpu.memory_space<vmem>> -> memref<1x64x32xf32, #tpu.memory_space<vmem>>
    %dma_wait3A_411 = tpu.memref_squeeze %dma_wait3A_410 : memref<1x64x32xf32, #tpu.memory_space<vmem>> -> memref<64x32xf32, #tpu.memory_space<vmem>>
    %dma_wait3A_412 = arith.constant 0 : i32
    %dma_wait3A_413 = tpu.memref_slice %arg11[%dma_wait3A_406, %dma_wait3A_412] : memref<7x6400xi32, #tpu.memory_space<vmem>> -> memref<1x64xi32, #tpu.memory_space<vmem>>
    %dma_wait3A_414 = tpu.memref_squeeze %dma_wait3A_413 : memref<1x64xi32, #tpu.memory_space<vmem>> -> memref<64xi32, #tpu.memory_space<vmem>>
    %dma_wait3A_415 = arith.constant 0 : i32
    %dma_wait3A_416 = arith.constant 0 : i32
    %dma_wait3A_417 = tpu.memref_slice %arg3[%dma_wait3A_415, %dma_wait3A_416] : memref<100000x32xf32, #tpu.memory_space<hbm>> -> memref<100000x32xf32, #tpu.memory_space<hbm>>
    tpu.wait_indirect_dma semaphore(%arg15 : memref<!tpu.dma_semaphore, #tpu.memory_space<semaphore_mem>>) src(%dma_wait3A_417 : memref<100000x32xf32, #tpu.memory_space<hbm>>) dst(%dma_wait3A_411 : memref<64x32xf32, #tpu.memory_space<vmem>>)
    %dma_wait3A_418 = arith.constant 1 : i32
    %dma_wait3A_419 = arith.constant 1 : i32
    %dma_wait3A_420 = arith.constant 0 : i32
    %dma_wait3A_421 = arith.constant 0 : i32
    %dma_wait3A_422 = tpu.memref_slice %arg12[%dma_wait3A_419, %dma_wait3A_420, %dma_wait3A_421] : memref<7x128x32xf32, #tpu.memory_space<vmem>> -> memref<1x64x32xf32, #tpu.memory_space<vmem>>
    %dma_wait3A_423 = tpu.memref_squeeze %dma_wait3A_422 : memref<1x64x32xf32, #tpu.memory_space<vmem>> -> memref<64x32xf32, #tpu.memory_space<vmem>>
    %dma_wait3A_424 = arith.constant 0 : i32
    %dma_wait3A_425 = tpu.memref_slice %arg11[%dma_wait3A_418, %dma_wait3A_424] : memref<7x6400xi32, #tpu.memory_space<vmem>> -> memref<1x64xi32, #tpu.memory_space<vmem>>
    %dma_wait3A_426 = tpu.memref_squeeze %dma_wait3A_425 : memref<1x64xi32, #tpu.memory_space<vmem>> -> memref<64xi32, #tpu.memory_space<vmem>>
    %dma_wait3A_427 = arith.constant 0 : i32
    %dma_wait3A_428 = arith.constant 0 : i32
    %dma_wait3A_429 = tpu.memref_slice %arg4[%dma_wait3A_427, %dma_wait3A_428] : memref<100000x32xf32, #tpu.memory_space<hbm>> -> memref<100000x32xf32, #tpu.memory_space<hbm>>
    tpu.wait_indirect_dma semaphore(%arg15 : memref<!tpu.dma_semaphore, #tpu.memory_space<semaphore_mem>>) src(%dma_wait3A_429 : memref<100000x32xf32, #tpu.memory_space<hbm>>) dst(%dma_wait3A_423 : memref<64x32xf32, #tpu.memory_space<vmem>>)
    %dma_wait3A_430 = arith.constant 1 : i32
    %dma_wait3A_431 = arith.constant 1 : i32
    %dma_wait3A_432 = arith.constant 64 : i32
    %dma_wait3A_433 = arith.constant 0 : i32
    %dma_wait3A_434 = tpu.memref_slice %arg12[%dma_wait3A_431, %dma_wait3A_432, %dma_wait3A_433] : memref<7x128x32xf32, #tpu.memory_space<vmem>> -> memref<1x64x32xf32, #tpu.memory_space<vmem>>
    %dma_wait3A_435 = tpu.memref_squeeze %dma_wait3A_434 : memref<1x64x32xf32, #tpu.memory_space<vmem>> -> memref<64x32xf32, #tpu.memory_space<vmem>>
    %dma_wait3A_436 = arith.constant 0 : i32
    %dma_wait3A_437 = tpu.memref_slice %arg11[%dma_wait3A_430, %dma_wait3A_436] : memref<7x6400xi32, #tpu.memory_space<vmem>> -> memref<1x64xi32, #tpu.memory_space<vmem>>
    %dma_wait3A_438 = tpu.memref_squeeze %dma_wait3A_437 : memref<1x64xi32, #tpu.memory_space<vmem>> -> memref<64xi32, #tpu.memory_space<vmem>>
    %dma_wait3A_439 = arith.constant 0 : i32
    %dma_wait3A_440 = arith.constant 0 : i32
    %dma_wait3A_441 = tpu.memref_slice %arg4[%dma_wait3A_439, %dma_wait3A_440] : memref<100000x32xf32, #tpu.memory_space<hbm>> -> memref<100000x32xf32, #tpu.memory_space<hbm>>
    tpu.wait_indirect_dma semaphore(%arg15 : memref<!tpu.dma_semaphore, #tpu.memory_space<semaphore_mem>>) src(%dma_wait3A_441 : memref<100000x32xf32, #tpu.memory_space<hbm>>) dst(%dma_wait3A_435 : memref<64x32xf32, #tpu.memory_space<vmem>>)
    %dma_wait3A_442 = arith.constant 2 : i32
    %dma_wait3A_443 = arith.constant 2 : i32
    %dma_wait3A_444 = arith.constant 0 : i32
    %dma_wait3A_445 = arith.constant 0 : i32
    %dma_wait3A_446 = tpu.memref_slice %arg12[%dma_wait3A_443, %dma_wait3A_444, %dma_wait3A_445] : memref<7x128x32xf32, #tpu.memory_space<vmem>> -> memref<1x64x32xf32, #tpu.memory_space<vmem>>
    %dma_wait3A_447 = tpu.memref_squeeze %dma_wait3A_446 : memref<1x64x32xf32, #tpu.memory_space<vmem>> -> memref<64x32xf32, #tpu.memory_space<vmem>>
    %dma_wait3A_448 = arith.constant 0 : i32
    %dma_wait3A_449 = tpu.memref_slice %arg11[%dma_wait3A_442, %dma_wait3A_448] : memref<7x6400xi32, #tpu.memory_space<vmem>> -> memref<1x64xi32, #tpu.memory_space<vmem>>
    %dma_wait3A_450 = tpu.memref_squeeze %dma_wait3A_449 : memref<1x64xi32, #tpu.memory_space<vmem>> -> memref<64xi32, #tpu.memory_space<vmem>>
    %dma_wait3A_451 = arith.constant 0 : i32
    %dma_wait3A_452 = arith.constant 0 : i32
    %dma_wait3A_453 = tpu.memref_slice %arg5[%dma_wait3A_451, %dma_wait3A_452] : memref<100000x32xf32, #tpu.memory_space<hbm>> -> memref<100000x32xf32, #tpu.memory_space<hbm>>
    tpu.wait_indirect_dma semaphore(%arg15 : memref<!tpu.dma_semaphore, #tpu.memory_space<semaphore_mem>>) src(%dma_wait3A_453 : memref<100000x32xf32, #tpu.memory_space<hbm>>) dst(%dma_wait3A_447 : memref<64x32xf32, #tpu.memory_space<vmem>>)
    %dma_wait3A_454 = arith.constant 2 : i32
    %dma_wait3A_455 = arith.constant 2 : i32
    %dma_wait3A_456 = arith.constant 64 : i32
    %dma_wait3A_457 = arith.constant 0 : i32
    %dma_wait3A_458 = tpu.memref_slice %arg12[%dma_wait3A_455, %dma_wait3A_456, %dma_wait3A_457] : memref<7x128x32xf32, #tpu.memory_space<vmem>> -> memref<1x64x32xf32, #tpu.memory_space<vmem>>
    %dma_wait3A_459 = tpu.memref_squeeze %dma_wait3A_458 : memref<1x64x32xf32, #tpu.memory_space<vmem>> -> memref<64x32xf32, #tpu.memory_space<vmem>>
    %dma_wait3A_460 = arith.constant 0 : i32
    %dma_wait3A_461 = tpu.memref_slice %arg11[%dma_wait3A_454, %dma_wait3A_460] : memref<7x6400xi32, #tpu.memory_space<vmem>> -> memref<1x64xi32, #tpu.memory_space<vmem>>
    %dma_wait3A_462 = tpu.memref_squeeze %dma_wait3A_461 : memref<1x64xi32, #tpu.memory_space<vmem>> -> memref<64xi32, #tpu.memory_space<vmem>>
    %dma_wait3A_463 = arith.constant 0 : i32
    %dma_wait3A_464 = arith.constant 0 : i32
    %dma_wait3A_465 = tpu.memref_slice %arg5[%dma_wait3A_463, %dma_wait3A_464] : memref<100000x32xf32, #tpu.memory_space<hbm>> -> memref<100000x32xf32, #tpu.memory_space<hbm>>
    tpu.wait_indirect_dma semaphore(%arg15 : memref<!tpu.dma_semaphore, #tpu.memory_space<semaphore_mem>>) src(%dma_wait3A_465 : memref<100000x32xf32, #tpu.memory_space<hbm>>) dst(%dma_wait3A_459 : memref<64x32xf32, #tpu.memory_space<vmem>>)
    %dma_wait3A_466 = arith.constant 3 : i32
    %dma_wait3A_467 = arith.constant 3 : i32
    %dma_wait3A_468 = arith.constant 0 : i32
    %dma_wait3A_469 = arith.constant 0 : i32
    %dma_wait3A_470 = tpu.memref_slice %arg12[%dma_wait3A_467, %dma_wait3A_468, %dma_wait3A_469] : memref<7x128x32xf32, #tpu.memory_space<vmem>> -> memref<1x64x32xf32, #tpu.memory_space<vmem>>
    %dma_wait3A_471 = tpu.memref_squeeze %dma_wait3A_470 : memref<1x64x32xf32, #tpu.memory_space<vmem>> -> memref<64x32xf32, #tpu.memory_space<vmem>>
    %dma_wait3A_472 = arith.constant 0 : i32
    %dma_wait3A_473 = tpu.memref_slice %arg11[%dma_wait3A_466, %dma_wait3A_472] : memref<7x6400xi32, #tpu.memory_space<vmem>> -> memref<1x64xi32, #tpu.memory_space<vmem>>
    %dma_wait3A_474 = tpu.memref_squeeze %dma_wait3A_473 : memref<1x64xi32, #tpu.memory_space<vmem>> -> memref<64xi32, #tpu.memory_space<vmem>>
    %dma_wait3A_475 = arith.constant 0 : i32
    %dma_wait3A_476 = arith.constant 0 : i32
    %dma_wait3A_477 = tpu.memref_slice %arg6[%dma_wait3A_475, %dma_wait3A_476] : memref<100000x32xf32, #tpu.memory_space<hbm>> -> memref<100000x32xf32, #tpu.memory_space<hbm>>
    tpu.wait_indirect_dma semaphore(%arg15 : memref<!tpu.dma_semaphore, #tpu.memory_space<semaphore_mem>>) src(%dma_wait3A_477 : memref<100000x32xf32, #tpu.memory_space<hbm>>) dst(%dma_wait3A_471 : memref<64x32xf32, #tpu.memory_space<vmem>>)
    %dma_wait3A_478 = arith.constant 3 : i32
    %dma_wait3A_479 = arith.constant 3 : i32
    %dma_wait3A_480 = arith.constant 64 : i32
    %dma_wait3A_481 = arith.constant 0 : i32
    %dma_wait3A_482 = tpu.memref_slice %arg12[%dma_wait3A_479, %dma_wait3A_480, %dma_wait3A_481] : memref<7x128x32xf32, #tpu.memory_space<vmem>> -> memref<1x64x32xf32, #tpu.memory_space<vmem>>
    %dma_wait3A_483 = tpu.memref_squeeze %dma_wait3A_482 : memref<1x64x32xf32, #tpu.memory_space<vmem>> -> memref<64x32xf32, #tpu.memory_space<vmem>>
    %dma_wait3A_484 = arith.constant 0 : i32
    %dma_wait3A_485 = tpu.memref_slice %arg11[%dma_wait3A_478, %dma_wait3A_484] : memref<7x6400xi32, #tpu.memory_space<vmem>> -> memref<1x64xi32, #tpu.memory_space<vmem>>
    %dma_wait3A_486 = tpu.memref_squeeze %dma_wait3A_485 : memref<1x64xi32, #tpu.memory_space<vmem>> -> memref<64xi32, #tpu.memory_space<vmem>>
    %dma_wait3A_487 = arith.constant 0 : i32
    %dma_wait3A_488 = arith.constant 0 : i32
    %dma_wait3A_489 = tpu.memref_slice %arg6[%dma_wait3A_487, %dma_wait3A_488] : memref<100000x32xf32, #tpu.memory_space<hbm>> -> memref<100000x32xf32, #tpu.memory_space<hbm>>
    tpu.wait_indirect_dma semaphore(%arg15 : memref<!tpu.dma_semaphore, #tpu.memory_space<semaphore_mem>>) src(%dma_wait3A_489 : memref<100000x32xf32, #tpu.memory_space<hbm>>) dst(%dma_wait3A_483 : memref<64x32xf32, #tpu.memory_space<vmem>>)
    %dma_wait3A_490 = arith.constant 4 : i32
    %dma_wait3A_491 = arith.constant 4 : i32
    %dma_wait3A_492 = arith.constant 0 : i32
    %dma_wait3A_493 = arith.constant 0 : i32
    %dma_wait3A_494 = tpu.memref_slice %arg12[%dma_wait3A_491, %dma_wait3A_492, %dma_wait3A_493] : memref<7x128x32xf32, #tpu.memory_space<vmem>> -> memref<1x64x32xf32, #tpu.memory_space<vmem>>
    %dma_wait3A_495 = tpu.memref_squeeze %dma_wait3A_494 : memref<1x64x32xf32, #tpu.memory_space<vmem>> -> memref<64x32xf32, #tpu.memory_space<vmem>>
    %dma_wait3A_496 = arith.constant 0 : i32
    %dma_wait3A_497 = tpu.memref_slice %arg11[%dma_wait3A_490, %dma_wait3A_496] : memref<7x6400xi32, #tpu.memory_space<vmem>> -> memref<1x64xi32, #tpu.memory_space<vmem>>
    %dma_wait3A_498 = tpu.memref_squeeze %dma_wait3A_497 : memref<1x64xi32, #tpu.memory_space<vmem>> -> memref<64xi32, #tpu.memory_space<vmem>>
    %dma_wait3A_499 = arith.constant 0 : i32
    %dma_wait3A_500 = arith.constant 0 : i32
    %dma_wait3A_501 = tpu.memref_slice %arg7[%dma_wait3A_499, %dma_wait3A_500] : memref<100000x32xf32, #tpu.memory_space<hbm>> -> memref<100000x32xf32, #tpu.memory_space<hbm>>
    tpu.wait_indirect_dma semaphore(%arg15 : memref<!tpu.dma_semaphore, #tpu.memory_space<semaphore_mem>>) src(%dma_wait3A_501 : memref<100000x32xf32, #tpu.memory_space<hbm>>) dst(%dma_wait3A_495 : memref<64x32xf32, #tpu.memory_space<vmem>>)
    %dma_wait3A_502 = arith.constant 4 : i32
    %dma_wait3A_503 = arith.constant 4 : i32
    %dma_wait3A_504 = arith.constant 64 : i32
    %dma_wait3A_505 = arith.constant 0 : i32
    %dma_wait3A_506 = tpu.memref_slice %arg12[%dma_wait3A_503, %dma_wait3A_504, %dma_wait3A_505] : memref<7x128x32xf32, #tpu.memory_space<vmem>> -> memref<1x64x32xf32, #tpu.memory_space<vmem>>
    %dma_wait3A_507 = tpu.memref_squeeze %dma_wait3A_506 : memref<1x64x32xf32, #tpu.memory_space<vmem>> -> memref<64x32xf32, #tpu.memory_space<vmem>>
    %dma_wait3A_508 = arith.constant 0 : i32
    %dma_wait3A_509 = tpu.memref_slice %arg11[%dma_wait3A_502, %dma_wait3A_508] : memref<7x6400xi32, #tpu.memory_space<vmem>> -> memref<1x64xi32, #tpu.memory_space<vmem>>
    %dma_wait3A_510 = tpu.memref_squeeze %dma_wait3A_509 : memref<1x64xi32, #tpu.memory_space<vmem>> -> memref<64xi32, #tpu.memory_space<vmem>>
    %dma_wait3A_511 = arith.constant 0 : i32
    %dma_wait3A_512 = arith.constant 0 : i32
    %dma_wait3A_513 = tpu.memref_slice %arg7[%dma_wait3A_511, %dma_wait3A_512] : memref<100000x32xf32, #tpu.memory_space<hbm>> -> memref<100000x32xf32, #tpu.memory_space<hbm>>
    tpu.wait_indirect_dma semaphore(%arg15 : memref<!tpu.dma_semaphore, #tpu.memory_space<semaphore_mem>>) src(%dma_wait3A_513 : memref<100000x32xf32, #tpu.memory_space<hbm>>) dst(%dma_wait3A_507 : memref<64x32xf32, #tpu.memory_space<vmem>>)
    %dma_wait3A_514 = arith.constant 5 : i32
    %dma_wait3A_515 = arith.constant 5 : i32
    %dma_wait3A_516 = arith.constant 0 : i32
    %dma_wait3A_517 = arith.constant 0 : i32
    %dma_wait3A_518 = tpu.memref_slice %arg12[%dma_wait3A_515, %dma_wait3A_516, %dma_wait3A_517] : memref<7x128x32xf32, #tpu.memory_space<vmem>> -> memref<1x64x32xf32, #tpu.memory_space<vmem>>
    %dma_wait3A_519 = tpu.memref_squeeze %dma_wait3A_518 : memref<1x64x32xf32, #tpu.memory_space<vmem>> -> memref<64x32xf32, #tpu.memory_space<vmem>>
    %dma_wait3A_520 = arith.constant 0 : i32
    %dma_wait3A_521 = tpu.memref_slice %arg11[%dma_wait3A_514, %dma_wait3A_520] : memref<7x6400xi32, #tpu.memory_space<vmem>> -> memref<1x64xi32, #tpu.memory_space<vmem>>
    %dma_wait3A_522 = tpu.memref_squeeze %dma_wait3A_521 : memref<1x64xi32, #tpu.memory_space<vmem>> -> memref<64xi32, #tpu.memory_space<vmem>>
    %dma_wait3A_523 = arith.constant 0 : i32
    %dma_wait3A_524 = arith.constant 0 : i32
    %dma_wait3A_525 = tpu.memref_slice %arg8[%dma_wait3A_523, %dma_wait3A_524] : memref<100000x32xf32, #tpu.memory_space<hbm>> -> memref<100000x32xf32, #tpu.memory_space<hbm>>
    tpu.wait_indirect_dma semaphore(%arg15 : memref<!tpu.dma_semaphore, #tpu.memory_space<semaphore_mem>>) src(%dma_wait3A_525 : memref<100000x32xf32, #tpu.memory_space<hbm>>) dst(%dma_wait3A_519 : memref<64x32xf32, #tpu.memory_space<vmem>>)
    %dma_wait3A_526 = arith.constant 5 : i32
    %dma_wait3A_527 = arith.constant 5 : i32
    %dma_wait3A_528 = arith.constant 64 : i32
    %dma_wait3A_529 = arith.constant 0 : i32
    %dma_wait3A_530 = tpu.memref_slice %arg12[%dma_wait3A_527, %dma_wait3A_528, %dma_wait3A_529] : memref<7x128x32xf32, #tpu.memory_space<vmem>> -> memref<1x64x32xf32, #tpu.memory_space<vmem>>
    %dma_wait3A_531 = tpu.memref_squeeze %dma_wait3A_530 : memref<1x64x32xf32, #tpu.memory_space<vmem>> -> memref<64x32xf32, #tpu.memory_space<vmem>>
    %dma_wait3A_532 = arith.constant 0 : i32
    %dma_wait3A_533 = tpu.memref_slice %arg11[%dma_wait3A_526, %dma_wait3A_532] : memref<7x6400xi32, #tpu.memory_space<vmem>> -> memref<1x64xi32, #tpu.memory_space<vmem>>
    %dma_wait3A_534 = tpu.memref_squeeze %dma_wait3A_533 : memref<1x64xi32, #tpu.memory_space<vmem>> -> memref<64xi32, #tpu.memory_space<vmem>>
    %dma_wait3A_535 = arith.constant 0 : i32
    %dma_wait3A_536 = arith.constant 0 : i32
    %dma_wait3A_537 = tpu.memref_slice %arg8[%dma_wait3A_535, %dma_wait3A_536] : memref<100000x32xf32, #tpu.memory_space<hbm>> -> memref<100000x32xf32, #tpu.memory_space<hbm>>
    tpu.wait_indirect_dma semaphore(%arg15 : memref<!tpu.dma_semaphore, #tpu.memory_space<semaphore_mem>>) src(%dma_wait3A_537 : memref<100000x32xf32, #tpu.memory_space<hbm>>) dst(%dma_wait3A_531 : memref<64x32xf32, #tpu.memory_space<vmem>>)
    %dma_wait3A_538 = arith.constant 6 : i32
    %dma_wait3A_539 = arith.constant 6 : i32
    %dma_wait3A_540 = arith.constant 0 : i32
    %dma_wait3A_541 = arith.constant 0 : i32
    %dma_wait3A_542 = tpu.memref_slice %arg12[%dma_wait3A_539, %dma_wait3A_540, %dma_wait3A_541] : memref<7x128x32xf32, #tpu.memory_space<vmem>> -> memref<1x64x32xf32, #tpu.memory_space<vmem>>
    %dma_wait3A_543 = tpu.memref_squeeze %dma_wait3A_542 : memref<1x64x32xf32, #tpu.memory_space<vmem>> -> memref<64x32xf32, #tpu.memory_space<vmem>>
    %dma_wait3A_544 = arith.constant 0 : i32
    %dma_wait3A_545 = tpu.memref_slice %arg11[%dma_wait3A_538, %dma_wait3A_544] : memref<7x6400xi32, #tpu.memory_space<vmem>> -> memref<1x64xi32, #tpu.memory_space<vmem>>
    %dma_wait3A_546 = tpu.memref_squeeze %dma_wait3A_545 : memref<1x64xi32, #tpu.memory_space<vmem>> -> memref<64xi32, #tpu.memory_space<vmem>>
    %dma_wait3A_547 = arith.constant 0 : i32
    %dma_wait3A_548 = arith.constant 0 : i32
    %dma_wait3A_549 = tpu.memref_slice %arg9[%dma_wait3A_547, %dma_wait3A_548] : memref<100000x32xf32, #tpu.memory_space<hbm>> -> memref<100000x32xf32, #tpu.memory_space<hbm>>
    tpu.wait_indirect_dma semaphore(%arg15 : memref<!tpu.dma_semaphore, #tpu.memory_space<semaphore_mem>>) src(%dma_wait3A_549 : memref<100000x32xf32, #tpu.memory_space<hbm>>) dst(%dma_wait3A_543 : memref<64x32xf32, #tpu.memory_space<vmem>>)
    %dma_wait3A_550 = arith.constant 6 : i32
    %dma_wait3A_551 = arith.constant 6 : i32
    %dma_wait3A_552 = arith.constant 64 : i32
    %dma_wait3A_553 = arith.constant 0 : i32
    %dma_wait3A_554 = tpu.memref_slice %arg12[%dma_wait3A_551, %dma_wait3A_552, %dma_wait3A_553] : memref<7x128x32xf32, #tpu.memory_space<vmem>> -> memref<1x64x32xf32, #tpu.memory_space<vmem>>
    %dma_wait3A_555 = tpu.memref_squeeze %dma_wait3A_554 : memref<1x64x32xf32, #tpu.memory_space<vmem>> -> memref<64x32xf32, #tpu.memory_space<vmem>>
    %dma_wait3A_556 = arith.constant 0 : i32
    %dma_wait3A_557 = tpu.memref_slice %arg11[%dma_wait3A_550, %dma_wait3A_556] : memref<7x6400xi32, #tpu.memory_space<vmem>> -> memref<1x64xi32, #tpu.memory_space<vmem>>
    %dma_wait3A_558 = tpu.memref_squeeze %dma_wait3A_557 : memref<1x64xi32, #tpu.memory_space<vmem>> -> memref<64xi32, #tpu.memory_space<vmem>>
    %dma_wait3A_559 = arith.constant 0 : i32
    %dma_wait3A_560 = arith.constant 0 : i32
    %dma_wait3A_561 = tpu.memref_slice %arg9[%dma_wait3A_559, %dma_wait3A_560] : memref<100000x32xf32, #tpu.memory_space<hbm>> -> memref<100000x32xf32, #tpu.memory_space<hbm>>
    tpu.wait_indirect_dma semaphore(%arg15 : memref<!tpu.dma_semaphore, #tpu.memory_space<semaphore_mem>>) src(%dma_wait3A_561 : memref<100000x32xf32, #tpu.memory_space<hbm>>) dst(%dma_wait3A_555 : memref<64x32xf32, #tpu.memory_space<vmem>>)
    %scan3A = arith.constant 0 : i32
    %scan3A_562 = arith.constant 25 : i32
    %scan3A_563 = arith.addi %scan3A, %scan3A_562 : i32
    %scan3A_564 = arith.constant 1 : i32
    scf.for %scan3A_572 = %scan3A to %scan3A_563 step %scan3A_564  : i32 {
      %mul3A_573 = arith.constant 1 : i32
      %mul3A_574 = arith.muli %scan3A_572, %mul3A_573 : i32
      %add3A_575 = arith.constant 0 : i32
      %add3A_576 = arith.addi %add3A_575, %mul3A_574 : i32
      %mul3A_577 = arith.constant 2 : i32
      %mul3A_578 = arith.muli %add3A_576, %mul3A_577 : i32
      %gt3A = arith.constant 0 : i32
      %gt3A_579 = arith.cmpi sgt, %add3A_576, %gt3A : i32
      %convert_element_type3A = arith.extui %gt3A_579 : i1 to i32
      %cond3A = arith.constant 0 : i32
      %cond3A_580 = arith.cmpi ne, %convert_element_type3A, %cond3A : i32
      scf.if %cond3A_580 {
        %dma_wait3A_1325 = arith.constant 0 : i32
        %dma_wait3A_1326 = arith.constant 0 : i32
        %dma_wait3A_1327 = tpu.memref_slice %arg10[%dma_wait3A_1325, %dma_wait3A_1326] : memref<204800x224xf32, #tpu.memory_space<hbm>> -> memref<128x224xf32, #tpu.memory_space<hbm>>
        %dma_wait3A_1328 = arith.constant 0 : i32
        %dma_wait3A_1329 = arith.constant 0 : i32
        %dma_wait3A_1330 = tpu.memref_slice %arg10[%dma_wait3A_1328, %dma_wait3A_1329] : memref<204800x224xf32, #tpu.memory_space<hbm>> -> memref<128x224xf32, #tpu.memory_space<hbm>>
        tpu.wait_dma2 semaphore(%arg17 : memref<!tpu.dma_semaphore, #tpu.memory_space<semaphore_mem>>) src(%arg14 : memref<128x224xf32, #tpu.memory_space<vmem>>) dst(%dma_wait3A_1330 : memref<128x224xf32, #tpu.memory_space<hbm>>)
      } else {
      }
      %scan3A_581 = arith.constant 0 : i32
      %scan3A_582 = arith.constant 128 : i32
      %scan3A_583 = arith.addi %scan3A_581, %scan3A_582 : i32
      %scan3A_584 = arith.constant 2 : i32
      scf.for %scan3A_1325 = %scan3A_581 to %scan3A_583 step %scan3A_584  : i32 {
        %mul3A_1326 = arith.constant 1 : i32
        %mul3A_1327 = arith.muli %scan3A_1325, %mul3A_1326 : i32
        %add3A_1328 = arith.constant 0 : i32
        %add3A_1329 = arith.addi %add3A_1328, %mul3A_1327 : i32
        %get3A = arith.constant 0 : i32
        %get3A_1330 = arith.index_cast %get3A : i32 to index
        %get3A_1331 = arith.index_cast %add3A_1329 : i32 to index
        %get3A_1332 = arith.constant 0 : index
        %get3A_1333 = tpu.vector_load %arg12[%get3A_1330, %get3A_1331, %get3A_1332] {strides = array<i32>} : memref<7x128x32xf32, #tpu.memory_space<vmem>>, vector<1x1x16xf32>,
        %get3A_1334 = vector.shape_cast %get3A_1333 : vector<1x1x16xf32> to vector<16xf32>
        %mul3A_1335 = arith.constant 5.65685415 : f32
        %mul3A_1336 = vector.broadcast %mul3A_1335 : f32 to vector<16xf32>
        %mul3A_1337 = arith.mulf %get3A_1334, %mul3A_1336 : vector<16xf32>
        %swap3A = arith.index_cast %add3A_1329 : i32 to index
        %swap3A_1338 = arith.constant 0 : index
        %swap3A_1339 = tpu.vector_load %arg14[%swap3A, %swap3A_1338] {strides = array<i32>} : memref<128x224xf32, #tpu.memory_space<vmem>>, vector<1x16xf32>,
        %swap3A_1340 = vector.shape_cast %swap3A_1339 : vector<1x16xf32> to vector<16xf32>
        %swap3A_1341 = vector.shape_cast %mul3A_1337 : vector<16xf32> to vector<1x16xf32>
        tpu.vector_store %arg14[%swap3A, %swap3A_1338], %swap3A_1341 {strides = array<i32>} : memref<128x224xf32, #tpu.memory_space<vmem>>, vector<1x16xf32>,
        %get3A_1342 = arith.constant 0 : i32
        %get3A_1343 = arith.index_cast %get3A_1342 : i32 to index
        %get3A_1344 = arith.index_cast %add3A_1329 : i32 to index
        %get3A_1345 = arith.constant 16 : index
        %get3A_1346 = tpu.vector_load %arg12[%get3A_1343, %get3A_1344, %get3A_1345] {strides = array<i32>} : memref<7x128x32xf32, #tpu.memory_space<vmem>>, vector<1x1x16xf32>,
        %get3A_1347 = vector.shape_cast %get3A_1346 : vector<1x1x16xf32> to vector<16xf32>
        %mul3A_1348 = arith.constant 5.65685415 : f32
        %mul3A_1349 = vector.broadcast %mul3A_1348 : f32 to vector<16xf32>
        %mul3A_1350 = arith.mulf %get3A_1347, %mul3A_1349 : vector<16xf32>
        %swap3A_1351 = arith.index_cast %add3A_1329 : i32 to index
        %swap3A_1352 = arith.constant 16 : index
        %swap3A_1353 = tpu.vector_load %arg14[%swap3A_1351, %swap3A_1352] {strides = array<i32>} : memref<128x224xf32, #tpu.memory_space<vmem>>, vector<1x16xf32>,
        %swap3A_1354 = vector.shape_cast %swap3A_1353 : vector<1x16xf32> to vector<16xf32>
        %swap3A_1355 = vector.shape_cast %mul3A_1350 : vector<16xf32> to vector<1x16xf32>
        tpu.vector_store %arg14[%swap3A_1351, %swap3A_1352], %swap3A_1355 {strides = array<i32>} : memref<128x224xf32, #tpu.memory_space<vmem>>, vector<1x16xf32>,
        %get3A_1356 = arith.constant 1 : i32
        %get3A_1357 = arith.index_cast %get3A_1356 : i32 to index
        %get3A_1358 = arith.index_cast %add3A_1329 : i32 to index
        %get3A_1359 = arith.constant 0 : index
        %get3A_1360 = tpu.vector_load %arg12[%get3A_1357, %get3A_1358, %get3A_1359] {strides = array<i32>} : memref<7x128x32xf32, #tpu.memory_space<vmem>>, vector<1x1x16xf32>,
        %get3A_1361 = vector.shape_cast %get3A_1360 : vector<1x1x16xf32> to vector<16xf32>
        %mul3A_1362 = arith.constant 5.65685415 : f32
        %mul3A_1363 = vector.broadcast %mul3A_1362 : f32 to vector<16xf32>
        %mul3A_1364 = arith.mulf %get3A_1361, %mul3A_1363 : vector<16xf32>
        %swap3A_1365 = arith.index_cast %add3A_1329 : i32 to index
        %swap3A_1366 = arith.constant 32 : index
        %swap3A_1367 = tpu.vector_load %arg14[%swap3A_1365, %swap3A_1366] {strides = array<i32>} : memref<128x224xf32, #tpu.memory_space<vmem>>, vector<1x16xf32>,
        %swap3A_1368 = vector.shape_cast %swap3A_1367 : vector<1x16xf32> to vector<16xf32>
        %swap3A_1369 = vector.shape_cast %mul3A_1364 : vector<16xf32> to vector<1x16xf32>
        tpu.vector_store %arg14[%swap3A_1365, %swap3A_1366], %swap3A_1369 {strides = array<i32>} : memref<128x224xf32, #tpu.memory_space<vmem>>, vector<1x16xf32>,
        %get3A_1370 = arith.constant 1 : i32
        %get3A_1371 = arith.index_cast %get3A_1370 : i32 to index
        %get3A_1372 = arith.index_cast %add3A_1329 : i32 to index
        %get3A_1373 = arith.constant 16 : index
        %get3A_1374 = tpu.vector_load %arg12[%get3A_1371, %get3A_1372, %get3A_1373] {strides = array<i32>} : memref<7x128x32xf32, #tpu.memory_space<vmem>>, vector<1x1x16xf32>,
        %get3A_1375 = vector.shape_cast %get3A_1374 : vector<1x1x16xf32> to vector<16xf32>
        %mul3A_1376 = arith.constant 5.65685415 : f32
        %mul3A_1377 = vector.broadcast %mul3A_1376 : f32 to vector<16xf32>
        %mul3A_1378 = arith.mulf %get3A_1375, %mul3A_1377 : vector<16xf32>
        %swap3A_1379 = arith.index_cast %add3A_1329 : i32 to index
        %swap3A_1380 = arith.constant 48 : index
        %swap3A_1381 = tpu.vector_load %arg14[%swap3A_1379, %swap3A_1380] {strides = array<i32>} : memref<128x224xf32, #tpu.memory_space<vmem>>, vector<1x16xf32>,
        %swap3A_1382 = vector.shape_cast %swap3A_1381 : vector<1x16xf32> to vector<16xf32>
        %swap3A_1383 = vector.shape_cast %mul3A_1378 : vector<16xf32> to vector<1x16xf32>
        tpu.vector_store %arg14[%swap3A_1379, %swap3A_1380], %swap3A_1383 {strides = array<i32>} : memref<128x224xf32, #tpu.memory_space<vmem>>, vector<1x16xf32>,
        %get3A_1384 = arith.constant 2 : i32
        %get3A_1385 = arith.index_cast %get3A_1384 : i32 to index
        %get3A_1386 = arith.index_cast %add3A_1329 : i32 to index
        %get3A_1387 = arith.constant 0 : index
        %get3A_1388 = tpu.vector_load %arg12[%get3A_1385, %get3A_1386, %get3A_1387] {strides = array<i32>} : memref<7x128x32xf32, #tpu.memory_space<vmem>>, vector<1x1x16xf32>,
        %get3A_1389 = vector.shape_cast %get3A_1388 : vector<1x1x16xf32> to vector<16xf32>
        %mul3A_1390 = arith.constant 5.65685415 : f32
        %mul3A_1391 = vector.broadcast %mul3A_1390 : f32 to vector<16xf32>
        %mul3A_1392 = arith.mulf %get3A_1389, %mul3A_1391 : vector<16xf32>
        %swap3A_1393 = arith.index_cast %add3A_1329 : i32 to index
        %swap3A_1394 = arith.constant 64 : index
        %swap3A_1395 = tpu.vector_load %arg14[%swap3A_1393, %swap3A_1394] {strides = array<i32>} : memref<128x224xf32, #tpu.memory_space<vmem>>, vector<1x16xf32>,
        %swap3A_1396 = vector.shape_cast %swap3A_1395 : vector<1x16xf32> to vector<16xf32>
        %swap3A_1397 = vector.shape_cast %mul3A_1392 : vector<16xf32> to vector<1x16xf32>
        tpu.vector_store %arg14[%swap3A_1393, %swap3A_1394], %swap3A_1397 {strides = array<i32>} : memref<128x224xf32, #tpu.memory_space<vmem>>, vector<1x16xf32>,
        %get3A_1398 = arith.constant 2 : i32
        %get3A_1399 = arith.index_cast %get3A_1398 : i32 to index
        %get3A_1400 = arith.index_cast %add3A_1329 : i32 to index
        %get3A_1401 = arith.constant 16 : index
        %get3A_1402 = tpu.vector_load %arg12[%get3A_1399, %get3A_1400, %get3A_1401] {strides = array<i32>} : memref<7x128x32xf32, #tpu.memory_space<vmem>>, vector<1x1x16xf32>,
        %get3A_1403 = vector.shape_cast %get3A_1402 : vector<1x1x16xf32> to vector<16xf32>
        %mul3A_1404 = arith.constant 5.65685415 : f32
        %mul3A_1405 = vector.broadcast %mul3A_1404 : f32 to vector<16xf32>
        %mul3A_1406 = arith.mulf %get3A_1403, %mul3A_1405 : vector<16xf32>
        %swap3A_1407 = arith.index_cast %add3A_1329 : i32 to index
        %swap3A_1408 = arith.constant 80 : index
        %swap3A_1409 = tpu.vector_load %arg14[%swap3A_1407, %swap3A_1408] {strides = array<i32>} : memref<128x224xf32, #tpu.memory_space<vmem>>, vector<1x16xf32>,
        %swap3A_1410 = vector.shape_cast %swap3A_1409 : vector<1x16xf32> to vector<16xf32>
        %swap3A_1411 = vector.shape_cast %mul3A_1406 : vector<16xf32> to vector<1x16xf32>
        tpu.vector_store %arg14[%swap3A_1407, %swap3A_1408], %swap3A_1411 {strides = array<i32>} : memref<128x224xf32, #tpu.memory_space<vmem>>, vector<1x16xf32>,
        %get3A_1412 = arith.constant 3 : i32
        %get3A_1413 = arith.index_cast %get3A_1412 : i32 to index
        %get3A_1414 = arith.index_cast %add3A_1329 : i32 to index
        %get3A_1415 = arith.constant 0 : index
        %get3A_1416 = tpu.vector_load %arg12[%get3A_1413, %get3A_1414, %get3A_1415] {strides = array<i32>} : memref<7x128x32xf32, #tpu.memory_space<vmem>>, vector<1x1x16xf32>,
        %get3A_1417 = vector.shape_cast %get3A_1416 : vector<1x1x16xf32> to vector<16xf32>
        %mul3A_1418 = arith.constant 5.65685415 : f32
        %mul3A_1419 = vector.broadcast %mul3A_1418 : f32 to vector<16xf32>
        %mul3A_1420 = arith.mulf %get3A_1417, %mul3A_1419 : vector<16xf32>
        %swap3A_1421 = arith.index_cast %add3A_1329 : i32 to index
        %swap3A_1422 = arith.constant 96 : index
        %swap3A_1423 = tpu.vector_load %arg14[%swap3A_1421, %swap3A_1422] {strides = array<i32>} : memref<128x224xf32, #tpu.memory_space<vmem>>, vector<1x16xf32>,
        %swap3A_1424 = vector.shape_cast %swap3A_1423 : vector<1x16xf32> to vector<16xf32>
        %swap3A_1425 = vector.shape_cast %mul3A_1420 : vector<16xf32> to vector<1x16xf32>
        tpu.vector_store %arg14[%swap3A_1421, %swap3A_1422], %swap3A_1425 {strides = array<i32>} : memref<128x224xf32, #tpu.memory_space<vmem>>, vector<1x16xf32>,
        %get3A_1426 = arith.constant 3 : i32
        %get3A_1427 = arith.index_cast %get3A_1426 : i32 to index
        %get3A_1428 = arith.index_cast %add3A_1329 : i32 to index
        %get3A_1429 = arith.constant 16 : index
        %get3A_1430 = tpu.vector_load %arg12[%get3A_1427, %get3A_1428, %get3A_1429] {strides = array<i32>} : memref<7x128x32xf32, #tpu.memory_space<vmem>>, vector<1x1x16xf32>,
        %get3A_1431 = vector.shape_cast %get3A_1430 : vector<1x1x16xf32> to vector<16xf32>
        %mul3A_1432 = arith.constant 5.65685415 : f32
        %mul3A_1433 = vector.broadcast %mul3A_1432 : f32 to vector<16xf32>
        %mul3A_1434 = arith.mulf %get3A_1431, %mul3A_1433 : vector<16xf32>
        %swap3A_1435 = arith.index_cast %add3A_1329 : i32 to index
        %swap3A_1436 = arith.constant 112 : index
        %swap3A_1437 = tpu.vector_load %arg14[%swap3A_1435, %swap3A_1436] {strides = array<i32>} : memref<128x224xf32, #tpu.memory_space<vmem>>, vector<1x16xf32>,
        %swap3A_1438 = vector.shape_cast %swap3A_1437 : vector<1x16xf32> to vector<16xf32>
        %swap3A_1439 = vector.shape_cast %mul3A_1434 : vector<16xf32> to vector<1x16xf32>
        tpu.vector_store %arg14[%swap3A_1435, %swap3A_1436], %swap3A_1439 {strides = array<i32>} : memref<128x224xf32, #tpu.memory_space<vmem>>, vector<1x16xf32>,
        %get3A_1440 = arith.constant 4 : i32
        %get3A_1441 = arith.index_cast %get3A_1440 : i32 to index
        %get3A_1442 = arith.index_cast %add3A_1329 : i32 to index
        %get3A_1443 = arith.constant 0 : index
        %get3A_1444 = tpu.vector_load %arg12[%get3A_1441, %get3A_1442, %get3A_1443] {strides = array<i32>} : memref<7x128x32xf32, #tpu.memory_space<vmem>>, vector<1x1x16xf32>,
        %get3A_1445 = vector.shape_cast %get3A_1444 : vector<1x1x16xf32> to vector<16xf32>
        %mul3A_1446 = arith.constant 5.65685415 : f32
        %mul3A_1447 = vector.broadcast %mul3A_1446 : f32 to vector<16xf32>
        %mul3A_1448 = arith.mulf %get3A_1445, %mul3A_1447 : vector<16xf32>
        %swap3A_1449 = arith.index_cast %add3A_1329 : i32 to index
        %swap3A_1450 = arith.constant 128 : index
        %swap3A_1451 = tpu.vector_load %arg14[%swap3A_1449, %swap3A_1450] {strides = array<i32>} : memref<128x224xf32, #tpu.memory_space<vmem>>, vector<1x16xf32>,
        %swap3A_1452 = vector.shape_cast %swap3A_1451 : vector<1x16xf32> to vector<16xf32>
        %swap3A_1453 = vector.shape_cast %mul3A_1448 : vector<16xf32> to vector<1x16xf32>
        tpu.vector_store %arg14[%swap3A_1449, %swap3A_1450], %swap3A_1453 {strides = array<i32>} : memref<128x224xf32, #tpu.memory_space<vmem>>, vector<1x16xf32>,
        %get3A_1454 = arith.constant 4 : i32
        %get3A_1455 = arith.index_cast %get3A_1454 : i32 to index
        %get3A_1456 = arith.index_cast %add3A_1329 : i32 to index
        %get3A_1457 = arith.constant 16 : index
        %get3A_1458 = tpu.vector_load %arg12[%get3A_1455, %get3A_1456, %get3A_1457] {strides = array<i32>} : memref<7x128x32xf32, #tpu.memory_space<vmem>>, vector<1x1x16xf32>,
        %get3A_1459 = vector.shape_cast %get3A_1458 : vector<1x1x16xf32> to vector<16xf32>
        %mul3A_1460 = arith.constant 5.65685415 : f32
        %mul3A_1461 = vector.broadcast %mul3A_1460 : f32 to vector<16xf32>
        %mul3A_1462 = arith.mulf %get3A_1459, %mul3A_1461 : vector<16xf32>
        %swap3A_1463 = arith.index_cast %add3A_1329 : i32 to index
        %swap3A_1464 = arith.constant 144 : index
        %swap3A_1465 = tpu.vector_load %arg14[%swap3A_1463, %swap3A_1464] {strides = array<i32>} : memref<128x224xf32, #tpu.memory_space<vmem>>, vector<1x16xf32>,
        %swap3A_1466 = vector.shape_cast %swap3A_1465 : vector<1x16xf32> to vector<16xf32>
        %swap3A_1467 = vector.shape_cast %mul3A_1462 : vector<16xf32> to vector<1x16xf32>
        tpu.vector_store %arg14[%swap3A_1463, %swap3A_1464], %swap3A_1467 {strides = array<i32>} : memref<128x224xf32, #tpu.memory_space<vmem>>, vector<1x16xf32>,
        %get3A_1468 = arith.constant 5 : i32
        %get3A_1469 = arith.index_cast %get3A_1468 : i32 to index
        %get3A_1470 = arith.index_cast %add3A_1329 : i32 to index
        %get3A_1471 = arith.constant 0 : index
        %get3A_1472 = tpu.vector_load %arg12[%get3A_1469, %get3A_1470, %get3A_1471] {strides = array<i32>} : memref<7x128x32xf32, #tpu.memory_space<vmem>>, vector<1x1x16xf32>,
        %get3A_1473 = vector.shape_cast %get3A_1472 : vector<1x1x16xf32> to vector<16xf32>
        %mul3A_1474 = arith.constant 5.65685415 : f32
        %mul3A_1475 = vector.broadcast %mul3A_1474 : f32 to vector<16xf32>
        %mul3A_1476 = arith.mulf %get3A_1473, %mul3A_1475 : vector<16xf32>
        %swap3A_1477 = arith.index_cast %add3A_1329 : i32 to index
        %swap3A_1478 = arith.constant 160 : index
        %swap3A_1479 = tpu.vector_load %arg14[%swap3A_1477, %swap3A_1478] {strides = array<i32>} : memref<128x224xf32, #tpu.memory_space<vmem>>, vector<1x16xf32>,
        %swap3A_1480 = vector.shape_cast %swap3A_1479 : vector<1x16xf32> to vector<16xf32>
        %swap3A_1481 = vector.shape_cast %mul3A_1476 : vector<16xf32> to vector<1x16xf32>
        tpu.vector_store %arg14[%swap3A_1477, %swap3A_1478], %swap3A_1481 {strides = array<i32>} : memref<128x224xf32, #tpu.memory_space<vmem>>, vector<1x16xf32>,
        %get3A_1482 = arith.constant 5 : i32
        %get3A_1483 = arith.index_cast %get3A_1482 : i32 to index
        %get3A_1484 = arith.index_cast %add3A_1329 : i32 to index
        %get3A_1485 = arith.constant 16 : index
        %get3A_1486 = tpu.vector_load %arg12[%get3A_1483, %get3A_1484, %get3A_1485] {strides = array<i32>} : memref<7x128x32xf32, #tpu.memory_space<vmem>>, vector<1x1x16xf32>,
        %get3A_1487 = vector.shape_cast %get3A_1486 : vector<1x1x16xf32> to vector<16xf32>
        %mul3A_1488 = arith.constant 5.65685415 : f32
        %mul3A_1489 = vector.broadcast %mul3A_1488 : f32 to vector<16xf32>
        %mul3A_1490 = arith.mulf %get3A_1487, %mul3A_1489 : vector<16xf32>
        %swap3A_1491 = arith.index_cast %add3A_1329 : i32 to index
        %swap3A_1492 = arith.constant 176 : index
        %swap3A_1493 = tpu.vector_load %arg14[%swap3A_1491, %swap3A_1492] {strides = array<i32>} : memref<128x224xf32, #tpu.memory_space<vmem>>, vector<1x16xf32>,
        %swap3A_1494 = vector.shape_cast %swap3A_1493 : vector<1x16xf32> to vector<16xf32>
        %swap3A_1495 = vector.shape_cast %mul3A_1490 : vector<16xf32> to vector<1x16xf32>
        tpu.vector_store %arg14[%swap3A_1491, %swap3A_1492], %swap3A_1495 {strides = array<i32>} : memref<128x224xf32, #tpu.memory_space<vmem>>, vector<1x16xf32>,
        %get3A_1496 = arith.constant 6 : i32
        %get3A_1497 = arith.index_cast %get3A_1496 : i32 to index
        %get3A_1498 = arith.index_cast %add3A_1329 : i32 to index
        %get3A_1499 = arith.constant 0 : index
        %get3A_1500 = tpu.vector_load %arg12[%get3A_1497, %get3A_1498, %get3A_1499] {strides = array<i32>} : memref<7x128x32xf32, #tpu.memory_space<vmem>>, vector<1x1x16xf32>,
        %get3A_1501 = vector.shape_cast %get3A_1500 : vector<1x1x16xf32> to vector<16xf32>
        %mul3A_1502 = arith.constant 5.65685415 : f32
        %mul3A_1503 = vector.broadcast %mul3A_1502 : f32 to vector<16xf32>
        %mul3A_1504 = arith.mulf %get3A_1501, %mul3A_1503 : vector<16xf32>
        %swap3A_1505 = arith.index_cast %add3A_1329 : i32 to index
        %swap3A_1506 = arith.constant 192 : index
        %swap3A_1507 = tpu.vector_load %arg14[%swap3A_1505, %swap3A_1506] {strides = array<i32>} : memref<128x224xf32, #tpu.memory_space<vmem>>, vector<1x16xf32>,
        %swap3A_1508 = vector.shape_cast %swap3A_1507 : vector<1x16xf32> to vector<16xf32>
        %swap3A_1509 = vector.shape_cast %mul3A_1504 : vector<16xf32> to vector<1x16xf32>
        tpu.vector_store %arg14[%swap3A_1505, %swap3A_1506], %swap3A_1509 {strides = array<i32>} : memref<128x224xf32, #tpu.memory_space<vmem>>, vector<1x16xf32>,
        %get3A_1510 = arith.constant 6 : i32
        %get3A_1511 = arith.index_cast %get3A_1510 : i32 to index
        %get3A_1512 = arith.index_cast %add3A_1329 : i32 to index
        %get3A_1513 = arith.constant 16 : index
        %get3A_1514 = tpu.vector_load %arg12[%get3A_1511, %get3A_1512, %get3A_1513] {strides = array<i32>} : memref<7x128x32xf32, #tpu.memory_space<vmem>>, vector<1x1x16xf32>,
        %get3A_1515 = vector.shape_cast %get3A_1514 : vector<1x1x16xf32> to vector<16xf32>
        %mul3A_1516 = arith.constant 5.65685415 : f32
        %mul3A_1517 = vector.broadcast %mul3A_1516 : f32 to vector<16xf32>
        %mul3A_1518 = arith.mulf %get3A_1515, %mul3A_1517 : vector<16xf32>
        %swap3A_1519 = arith.index_cast %add3A_1329 : i32 to index
        %swap3A_1520 = arith.constant 208 : index
        %swap3A_1521 = tpu.vector_load %arg14[%swap3A_1519, %swap3A_1520] {strides = array<i32>} : memref<128x224xf32, #tpu.memory_space<vmem>>, vector<1x16xf32>,
        %swap3A_1522 = vector.shape_cast %swap3A_1521 : vector<1x16xf32> to vector<16xf32>
        %swap3A_1523 = vector.shape_cast %mul3A_1518 : vector<16xf32> to vector<1x16xf32>
        tpu.vector_store %arg14[%swap3A_1519, %swap3A_1520], %swap3A_1523 {strides = array<i32>} : memref<128x224xf32, #tpu.memory_space<vmem>>, vector<1x16xf32>,
        %scan3A_1524 = arith.constant 1 : i32
        %scan3A_1525 = arith.addi %scan3A_1325, %scan3A_1524 : i32
        %mul3A_1526 = arith.constant 1 : i32
        %mul3A_1527 = arith.muli %scan3A_1525, %mul3A_1526 : i32
        %add3A_1528 = arith.constant 0 : i32
        %add3A_1529 = arith.addi %add3A_1528, %mul3A_1527 : i32
        %get3A_1530 = arith.constant 0 : i32
        %get3A_1531 = arith.index_cast %get3A_1530 : i32 to index
        %get3A_1532 = arith.index_cast %add3A_1529 : i32 to index
        %get3A_1533 = arith.constant 0 : index
        %get3A_1534 = tpu.vector_load %arg12[%get3A_1531, %get3A_1532, %get3A_1533] {strides = array<i32>} : memref<7x128x32xf32, #tpu.memory_space<vmem>>, vector<1x1x16xf32>,
        %get3A_1535 = vector.shape_cast %get3A_1534 : vector<1x1x16xf32> to vector<16xf32>
        %mul3A_1536 = arith.constant 5.65685415 : f32
        %mul3A_1537 = vector.broadcast %mul3A_1536 : f32 to vector<16xf32>
        %mul3A_1538 = arith.mulf %get3A_1535, %mul3A_1537 : vector<16xf32>
        %swap3A_1539 = arith.index_cast %add3A_1529 : i32 to index
        %swap3A_1540 = arith.constant 0 : index
        %swap3A_1541 = tpu.vector_load %arg14[%swap3A_1539, %swap3A_1540] {strides = array<i32>} : memref<128x224xf32, #tpu.memory_space<vmem>>, vector<1x16xf32>,
        %swap3A_1542 = vector.shape_cast %swap3A_1541 : vector<1x16xf32> to vector<16xf32>
        %swap3A_1543 = vector.shape_cast %mul3A_1538 : vector<16xf32> to vector<1x16xf32>
        tpu.vector_store %arg14[%swap3A_1539, %swap3A_1540], %swap3A_1543 {strides = array<i32>} : memref<128x224xf32, #tpu.memory_space<vmem>>, vector<1x16xf32>,
        %get3A_1544 = arith.constant 0 : i32
        %get3A_1545 = arith.index_cast %get3A_1544 : i32 to index
        %get3A_1546 = arith.index_cast %add3A_1529 : i32 to index
        %get3A_1547 = arith.constant 16 : index
        %get3A_1548 = tpu.vector_load %arg12[%get3A_1545, %get3A_1546, %get3A_1547] {strides = array<i32>} : memref<7x128x32xf32, #tpu.memory_space<vmem>>, vector<1x1x16xf32>,
        %get3A_1549 = vector.shape_cast %get3A_1548 : vector<1x1x16xf32> to vector<16xf32>
        %mul3A_1550 = arith.constant 5.65685415 : f32
        %mul3A_1551 = vector.broadcast %mul3A_1550 : f32 to vector<16xf32>
        %mul3A_1552 = arith.mulf %get3A_1549, %mul3A_1551 : vector<16xf32>
        %swap3A_1553 = arith.index_cast %add3A_1529 : i32 to index
        %swap3A_1554 = arith.constant 16 : index
        %swap3A_1555 = tpu.vector_load %arg14[%swap3A_1553, %swap3A_1554] {strides = array<i32>} : memref<128x224xf32, #tpu.memory_space<vmem>>, vector<1x16xf32>,
        %swap3A_1556 = vector.shape_cast %swap3A_1555 : vector<1x16xf32> to vector<16xf32>
        %swap3A_1557 = vector.shape_cast %mul3A_1552 : vector<16xf32> to vector<1x16xf32>
        tpu.vector_store %arg14[%swap3A_1553, %swap3A_1554], %swap3A_1557 {strides = array<i32>} : memref<128x224xf32, #tpu.memory_space<vmem>>, vector<1x16xf32>,
        %get3A_1558 = arith.constant 1 : i32
        %get3A_1559 = arith.index_cast %get3A_1558 : i32 to index
        %get3A_1560 = arith.index_cast %add3A_1529 : i32 to index
        %get3A_1561 = arith.constant 0 : index
        %get3A_1562 = tpu.vector_load %arg12[%get3A_1559, %get3A_1560, %get3A_1561] {strides = array<i32>} : memref<7x128x32xf32, #tpu.memory_space<vmem>>, vector<1x1x16xf32>,
        %get3A_1563 = vector.shape_cast %get3A_1562 : vector<1x1x16xf32> to vector<16xf32>
        %mul3A_1564 = arith.constant 5.65685415 : f32
        %mul3A_1565 = vector.broadcast %mul3A_1564 : f32 to vector<16xf32>
        %mul3A_1566 = arith.mulf %get3A_1563, %mul3A_1565 : vector<16xf32>
        %swap3A_1567 = arith.index_cast %add3A_1529 : i32 to index
        %swap3A_1568 = arith.constant 32 : index
        %swap3A_1569 = tpu.vector_load %arg14[%swap3A_1567, %swap3A_1568] {strides = array<i32>} : memref<128x224xf32, #tpu.memory_space<vmem>>, vector<1x16xf32>,
        %swap3A_1570 = vector.shape_cast %swap3A_1569 : vector<1x16xf32> to vector<16xf32>
        %swap3A_1571 = vector.shape_cast %mul3A_1566 : vector<16xf32> to vector<1x16xf32>
        tpu.vector_store %arg14[%swap3A_1567, %swap3A_1568], %swap3A_1571 {strides = array<i32>} : memref<128x224xf32, #tpu.memory_space<vmem>>, vector<1x16xf32>,
        %get3A_1572 = arith.constant 1 : i32
        %get3A_1573 = arith.index_cast %get3A_1572 : i32 to index
        %get3A_1574 = arith.index_cast %add3A_1529 : i32 to index
        %get3A_1575 = arith.constant 16 : index
        %get3A_1576 = tpu.vector_load %arg12[%get3A_1573, %get3A_1574, %get3A_1575] {strides = array<i32>} : memref<7x128x32xf32, #tpu.memory_space<vmem>>, vector<1x1x16xf32>,
        %get3A_1577 = vector.shape_cast %get3A_1576 : vector<1x1x16xf32> to vector<16xf32>
        %mul3A_1578 = arith.constant 5.65685415 : f32
        %mul3A_1579 = vector.broadcast %mul3A_1578 : f32 to vector<16xf32>
        %mul3A_1580 = arith.mulf %get3A_1577, %mul3A_1579 : vector<16xf32>
        %swap3A_1581 = arith.index_cast %add3A_1529 : i32 to index
        %swap3A_1582 = arith.constant 48 : index
        %swap3A_1583 = tpu.vector_load %arg14[%swap3A_1581, %swap3A_1582] {strides = array<i32>} : memref<128x224xf32, #tpu.memory_space<vmem>>, vector<1x16xf32>,
        %swap3A_1584 = vector.shape_cast %swap3A_1583 : vector<1x16xf32> to vector<16xf32>
        %swap3A_1585 = vector.shape_cast %mul3A_1580 : vector<16xf32> to vector<1x16xf32>
        tpu.vector_store %arg14[%swap3A_1581, %swap3A_1582], %swap3A_1585 {strides = array<i32>} : memref<128x224xf32, #tpu.memory_space<vmem>>, vector<1x16xf32>,
        %get3A_1586 = arith.constant 2 : i32
        %get3A_1587 = arith.index_cast %get3A_1586 : i32 to index
        %get3A_1588 = arith.index_cast %add3A_1529 : i32 to index
        %get3A_1589 = arith.constant 0 : index
        %get3A_1590 = tpu.vector_load %arg12[%get3A_1587, %get3A_1588, %get3A_1589] {strides = array<i32>} : memref<7x128x32xf32, #tpu.memory_space<vmem>>, vector<1x1x16xf32>,
        %get3A_1591 = vector.shape_cast %get3A_1590 : vector<1x1x16xf32> to vector<16xf32>
        %mul3A_1592 = arith.constant 5.65685415 : f32
        %mul3A_1593 = vector.broadcast %mul3A_1592 : f32 to vector<16xf32>
        %mul3A_1594 = arith.mulf %get3A_1591, %mul3A_1593 : vector<16xf32>
        %swap3A_1595 = arith.index_cast %add3A_1529 : i32 to index
        %swap3A_1596 = arith.constant 64 : index
        %swap3A_1597 = tpu.vector_load %arg14[%swap3A_1595, %swap3A_1596] {strides = array<i32>} : memref<128x224xf32, #tpu.memory_space<vmem>>, vector<1x16xf32>,
        %swap3A_1598 = vector.shape_cast %swap3A_1597 : vector<1x16xf32> to vector<16xf32>
        %swap3A_1599 = vector.shape_cast %mul3A_1594 : vector<16xf32> to vector<1x16xf32>
        tpu.vector_store %arg14[%swap3A_1595, %swap3A_1596], %swap3A_1599 {strides = array<i32>} : memref<128x224xf32, #tpu.memory_space<vmem>>, vector<1x16xf32>,
        %get3A_1600 = arith.constant 2 : i32
        %get3A_1601 = arith.index_cast %get3A_1600 : i32 to index
        %get3A_1602 = arith.index_cast %add3A_1529 : i32 to index
        %get3A_1603 = arith.constant 16 : index
        %get3A_1604 = tpu.vector_load %arg12[%get3A_1601, %get3A_1602, %get3A_1603] {strides = array<i32>} : memref<7x128x32xf32, #tpu.memory_space<vmem>>, vector<1x1x16xf32>,
        %get3A_1605 = vector.shape_cast %get3A_1604 : vector<1x1x16xf32> to vector<16xf32>
        %mul3A_1606 = arith.constant 5.65685415 : f32
        %mul3A_1607 = vector.broadcast %mul3A_1606 : f32 to vector<16xf32>
        %mul3A_1608 = arith.mulf %get3A_1605, %mul3A_1607 : vector<16xf32>
        %swap3A_1609 = arith.index_cast %add3A_1529 : i32 to index
        %swap3A_1610 = arith.constant 80 : index
        %swap3A_1611 = tpu.vector_load %arg14[%swap3A_1609, %swap3A_1610] {strides = array<i32>} : memref<128x224xf32, #tpu.memory_space<vmem>>, vector<1x16xf32>,
        %swap3A_1612 = vector.shape_cast %swap3A_1611 : vector<1x16xf32> to vector<16xf32>
        %swap3A_1613 = vector.shape_cast %mul3A_1608 : vector<16xf32> to vector<1x16xf32>
        tpu.vector_store %arg14[%swap3A_1609, %swap3A_1610], %swap3A_1613 {strides = array<i32>} : memref<128x224xf32, #tpu.memory_space<vmem>>, vector<1x16xf32>,
        %get3A_1614 = arith.constant 3 : i32
        %get3A_1615 = arith.index_cast %get3A_1614 : i32 to index
        %get3A_1616 = arith.index_cast %add3A_1529 : i32 to index
        %get3A_1617 = arith.constant 0 : index
        %get3A_1618 = tpu.vector_load %arg12[%get3A_1615, %get3A_1616, %get3A_1617] {strides = array<i32>} : memref<7x128x32xf32, #tpu.memory_space<vmem>>, vector<1x1x16xf32>,
        %get3A_1619 = vector.shape_cast %get3A_1618 : vector<1x1x16xf32> to vector<16xf32>
        %mul3A_1620 = arith.constant 5.65685415 : f32
        %mul3A_1621 = vector.broadcast %mul3A_1620 : f32 to vector<16xf32>
        %mul3A_1622 = arith.mulf %get3A_1619, %mul3A_1621 : vector<16xf32>
        %swap3A_1623 = arith.index_cast %add3A_1529 : i32 to index
        %swap3A_1624 = arith.constant 96 : index
        %swap3A_1625 = tpu.vector_load %arg14[%swap3A_1623, %swap3A_1624] {strides = array<i32>} : memref<128x224xf32, #tpu.memory_space<vmem>>, vector<1x16xf32>,
        %swap3A_1626 = vector.shape_cast %swap3A_1625 : vector<1x16xf32> to vector<16xf32>
        %swap3A_1627 = vector.shape_cast %mul3A_1622 : vector<16xf32> to vector<1x16xf32>
        tpu.vector_store %arg14[%swap3A_1623, %swap3A_1624], %swap3A_1627 {strides = array<i32>} : memref<128x224xf32, #tpu.memory_space<vmem>>, vector<1x16xf32>,
        %get3A_1628 = arith.constant 3 : i32
        %get3A_1629 = arith.index_cast %get3A_1628 : i32 to index
        %get3A_1630 = arith.index_cast %add3A_1529 : i32 to index
        %get3A_1631 = arith.constant 16 : index
        %get3A_1632 = tpu.vector_load %arg12[%get3A_1629, %get3A_1630, %get3A_1631] {strides = array<i32>} : memref<7x128x32xf32, #tpu.memory_space<vmem>>, vector<1x1x16xf32>,
        %get3A_1633 = vector.shape_cast %get3A_1632 : vector<1x1x16xf32> to vector<16xf32>
        %mul3A_1634 = arith.constant 5.65685415 : f32
        %mul3A_1635 = vector.broadcast %mul3A_1634 : f32 to vector<16xf32>
        %mul3A_1636 = arith.mulf %get3A_1633, %mul3A_1635 : vector<16xf32>
        %swap3A_1637 = arith.index_cast %add3A_1529 : i32 to index
        %swap3A_1638 = arith.constant 112 : index
        %swap3A_1639 = tpu.vector_load %arg14[%swap3A_1637, %swap3A_1638] {strides = array<i32>} : memref<128x224xf32, #tpu.memory_space<vmem>>, vector<1x16xf32>,
        %swap3A_1640 = vector.shape_cast %swap3A_1639 : vector<1x16xf32> to vector<16xf32>
        %swap3A_1641 = vector.shape_cast %mul3A_1636 : vector<16xf32> to vector<1x16xf32>
        tpu.vector_store %arg14[%swap3A_1637, %swap3A_1638], %swap3A_1641 {strides = array<i32>} : memref<128x224xf32, #tpu.memory_space<vmem>>, vector<1x16xf32>,
        %get3A_1642 = arith.constant 4 : i32
        %get3A_1643 = arith.index_cast %get3A_1642 : i32 to index
        %get3A_1644 = arith.index_cast %add3A_1529 : i32 to index
        %get3A_1645 = arith.constant 0 : index
        %get3A_1646 = tpu.vector_load %arg12[%get3A_1643, %get3A_1644, %get3A_1645] {strides = array<i32>} : memref<7x128x32xf32, #tpu.memory_space<vmem>>, vector<1x1x16xf32>,
        %get3A_1647 = vector.shape_cast %get3A_1646 : vector<1x1x16xf32> to vector<16xf32>
        %mul3A_1648 = arith.constant 5.65685415 : f32
        %mul3A_1649 = vector.broadcast %mul3A_1648 : f32 to vector<16xf32>
        %mul3A_1650 = arith.mulf %get3A_1647, %mul3A_1649 : vector<16xf32>
        %swap3A_1651 = arith.index_cast %add3A_1529 : i32 to index
        %swap3A_1652 = arith.constant 128 : index
        %swap3A_1653 = tpu.vector_load %arg14[%swap3A_1651, %swap3A_1652] {strides = array<i32>} : memref<128x224xf32, #tpu.memory_space<vmem>>, vector<1x16xf32>,
        %swap3A_1654 = vector.shape_cast %swap3A_1653 : vector<1x16xf32> to vector<16xf32>
        %swap3A_1655 = vector.shape_cast %mul3A_1650 : vector<16xf32> to vector<1x16xf32>
        tpu.vector_store %arg14[%swap3A_1651, %swap3A_1652], %swap3A_1655 {strides = array<i32>} : memref<128x224xf32, #tpu.memory_space<vmem>>, vector<1x16xf32>,
        %get3A_1656 = arith.constant 4 : i32
        %get3A_1657 = arith.index_cast %get3A_1656 : i32 to index
        %get3A_1658 = arith.index_cast %add3A_1529 : i32 to index
        %get3A_1659 = arith.constant 16 : index
        %get3A_1660 = tpu.vector_load %arg12[%get3A_1657, %get3A_1658, %get3A_1659] {strides = array<i32>} : memref<7x128x32xf32, #tpu.memory_space<vmem>>, vector<1x1x16xf32>,
        %get3A_1661 = vector.shape_cast %get3A_1660 : vector<1x1x16xf32> to vector<16xf32>
        %mul3A_1662 = arith.constant 5.65685415 : f32
        %mul3A_1663 = vector.broadcast %mul3A_1662 : f32 to vector<16xf32>
        %mul3A_1664 = arith.mulf %get3A_1661, %mul3A_1663 : vector<16xf32>
        %swap3A_1665 = arith.index_cast %add3A_1529 : i32 to index
        %swap3A_1666 = arith.constant 144 : index
        %swap3A_1667 = tpu.vector_load %arg14[%swap3A_1665, %swap3A_1666] {strides = array<i32>} : memref<128x224xf32, #tpu.memory_space<vmem>>, vector<1x16xf32>,
        %swap3A_1668 = vector.shape_cast %swap3A_1667 : vector<1x16xf32> to vector<16xf32>
        %swap3A_1669 = vector.shape_cast %mul3A_1664 : vector<16xf32> to vector<1x16xf32>
        tpu.vector_store %arg14[%swap3A_1665, %swap3A_1666], %swap3A_1669 {strides = array<i32>} : memref<128x224xf32, #tpu.memory_space<vmem>>, vector<1x16xf32>,
        %get3A_1670 = arith.constant 5 : i32
        %get3A_1671 = arith.index_cast %get3A_1670 : i32 to index
        %get3A_1672 = arith.index_cast %add3A_1529 : i32 to index
        %get3A_1673 = arith.constant 0 : index
        %get3A_1674 = tpu.vector_load %arg12[%get3A_1671, %get3A_1672, %get3A_1673] {strides = array<i32>} : memref<7x128x32xf32, #tpu.memory_space<vmem>>, vector<1x1x16xf32>,
        %get3A_1675 = vector.shape_cast %get3A_1674 : vector<1x1x16xf32> to vector<16xf32>
        %mul3A_1676 = arith.constant 5.65685415 : f32
        %mul3A_1677 = vector.broadcast %mul3A_1676 : f32 to vector<16xf32>
        %mul3A_1678 = arith.mulf %get3A_1675, %mul3A_1677 : vector<16xf32>
        %swap3A_1679 = arith.index_cast %add3A_1529 : i32 to index
        %swap3A_1680 = arith.constant 160 : index
        %swap3A_1681 = tpu.vector_load %arg14[%swap3A_1679, %swap3A_1680] {strides = array<i32>} : memref<128x224xf32, #tpu.memory_space<vmem>>, vector<1x16xf32>,
        %swap3A_1682 = vector.shape_cast %swap3A_1681 : vector<1x16xf32> to vector<16xf32>
        %swap3A_1683 = vector.shape_cast %mul3A_1678 : vector<16xf32> to vector<1x16xf32>
        tpu.vector_store %arg14[%swap3A_1679, %swap3A_1680], %swap3A_1683 {strides = array<i32>} : memref<128x224xf32, #tpu.memory_space<vmem>>, vector<1x16xf32>,
        %get3A_1684 = arith.constant 5 : i32
        %get3A_1685 = arith.index_cast %get3A_1684 : i32 to index
        %get3A_1686 = arith.index_cast %add3A_1529 : i32 to index
        %get3A_1687 = arith.constant 16 : index
        %get3A_1688 = tpu.vector_load %arg12[%get3A_1685, %get3A_1686, %get3A_1687] {strides = array<i32>} : memref<7x128x32xf32, #tpu.memory_space<vmem>>, vector<1x1x16xf32>,
        %get3A_1689 = vector.shape_cast %get3A_1688 : vector<1x1x16xf32> to vector<16xf32>
        %mul3A_1690 = arith.constant 5.65685415 : f32
        %mul3A_1691 = vector.broadcast %mul3A_1690 : f32 to vector<16xf32>
        %mul3A_1692 = arith.mulf %get3A_1689, %mul3A_1691 : vector<16xf32>
        %swap3A_1693 = arith.index_cast %add3A_1529 : i32 to index
        %swap3A_1694 = arith.constant 176 : index
        %swap3A_1695 = tpu.vector_load %arg14[%swap3A_1693, %swap3A_1694] {strides = array<i32>} : memref<128x224xf32, #tpu.memory_space<vmem>>, vector<1x16xf32>,
        %swap3A_1696 = vector.shape_cast %swap3A_1695 : vector<1x16xf32> to vector<16xf32>
        %swap3A_1697 = vector.shape_cast %mul3A_1692 : vector<16xf32> to vector<1x16xf32>
        tpu.vector_store %arg14[%swap3A_1693, %swap3A_1694], %swap3A_1697 {strides = array<i32>} : memref<128x224xf32, #tpu.memory_space<vmem>>, vector<1x16xf32>,
        %get3A_1698 = arith.constant 6 : i32
        %get3A_1699 = arith.index_cast %get3A_1698 : i32 to index
        %get3A_1700 = arith.index_cast %add3A_1529 : i32 to index
        %get3A_1701 = arith.constant 0 : index
        %get3A_1702 = tpu.vector_load %arg12[%get3A_1699, %get3A_1700, %get3A_1701] {strides = array<i32>} : memref<7x128x32xf32, #tpu.memory_space<vmem>>, vector<1x1x16xf32>,
        %get3A_1703 = vector.shape_cast %get3A_1702 : vector<1x1x16xf32> to vector<16xf32>
        %mul3A_1704 = arith.constant 5.65685415 : f32
        %mul3A_1705 = vector.broadcast %mul3A_1704 : f32 to vector<16xf32>
        %mul3A_1706 = arith.mulf %get3A_1703, %mul3A_1705 : vector<16xf32>
        %swap3A_1707 = arith.index_cast %add3A_1529 : i32 to index
        %swap3A_1708 = arith.constant 192 : index
        %swap3A_1709 = tpu.vector_load %arg14[%swap3A_1707, %swap3A_1708] {strides = array<i32>} : memref<128x224xf32, #tpu.memory_space<vmem>>, vector<1x16xf32>,
        %swap3A_1710 = vector.shape_cast %swap3A_1709 : vector<1x16xf32> to vector<16xf32>
        %swap3A_1711 = vector.shape_cast %mul3A_1706 : vector<16xf32> to vector<1x16xf32>
        tpu.vector_store %arg14[%swap3A_1707, %swap3A_1708], %swap3A_1711 {strides = array<i32>} : memref<128x224xf32, #tpu.memory_space<vmem>>, vector<1x16xf32>,
        %get3A_1712 = arith.constant 6 : i32
        %get3A_1713 = arith.index_cast %get3A_1712 : i32 to index
        %get3A_1714 = arith.index_cast %add3A_1529 : i32 to index
        %get3A_1715 = arith.constant 16 : index
        %get3A_1716 = tpu.vector_load %arg12[%get3A_1713, %get3A_1714, %get3A_1715] {strides = array<i32>} : memref<7x128x32xf32, #tpu.memory_space<vmem>>, vector<1x1x16xf32>,
        %get3A_1717 = vector.shape_cast %get3A_1716 : vector<1x1x16xf32> to vector<16xf32>
        %mul3A_1718 = arith.constant 5.65685415 : f32
        %mul3A_1719 = vector.broadcast %mul3A_1718 : f32 to vector<16xf32>
        %mul3A_1720 = arith.mulf %get3A_1717, %mul3A_1719 : vector<16xf32>
        %swap3A_1721 = arith.index_cast %add3A_1529 : i32 to index
        %swap3A_1722 = arith.constant 208 : index
        %swap3A_1723 = tpu.vector_load %arg14[%swap3A_1721, %swap3A_1722] {strides = array<i32>} : memref<128x224xf32, #tpu.memory_space<vmem>>, vector<1x16xf32>,
        %swap3A_1724 = vector.shape_cast %swap3A_1723 : vector<1x16xf32> to vector<16xf32>
        %swap3A_1725 = vector.shape_cast %mul3A_1720 : vector<16xf32> to vector<1x16xf32>
        tpu.vector_store %arg14[%swap3A_1721, %swap3A_1722], %swap3A_1725 {strides = array<i32>} : memref<128x224xf32, #tpu.memory_space<vmem>>, vector<1x16xf32>,
      }
      %scan3A_585 = arith.constant 128 : i32
      %mul3A_586 = arith.constant 128 : i32
      %mul3A_587 = arith.muli %mul3A_578, %mul3A_586 : i32
      %add3A_588 = arith.addi %mul3A_2, %mul3A_587 : i32
      %dma_start3A_589 = arith.constant 0 : i32
      %dma_start3A_590 = tpu.memref_slice %arg10[%add3A_588, %dma_start3A_589] : memref<204800x224xf32, #tpu.memory_space<hbm>> -> memref<128x224xf32, #tpu.memory_space<hbm>>
      %dma_start3A_591 = arith.constant 0 : i32
      %dma_start3A_592 = tpu.memref_slice %arg10[%add3A_588, %dma_start3A_591] : memref<204800x224xf32, #tpu.memory_space<hbm>> -> memref<128x224xf32, #tpu.memory_space<hbm>>
      tpu.enqueue_dma source(%arg14 : memref<128x224xf32, #tpu.memory_space<vmem>>) target(%dma_start3A_592 : memref<128x224xf32, #tpu.memory_space<hbm>>) target_semaphore(%arg17 : memref<!tpu.dma_semaphore, #tpu.memory_space<semaphore_mem>>)
      %add3A_593 = arith.constant 2 : i32
      %add3A_594 = arith.addi %mul3A_578, %add3A_593 : i32
      %min3A_595 = arith.constant 49 : i32
      %min3A_596 = arith.minsi %add3A_594, %min3A_595 : i32
      %mul3A_597 = arith.constant 128 : i32
      %mul3A_598 = arith.muli %min3A_596, %mul3A_597 : i32
      %add3A_599 = arith.constant 0 : i32
      %add3A_600 = arith.addi %mul3A_598, %add3A_599 : i32
      %dma_start3A_601 = arith.constant 0 : i32
      %dma_start3A_602 = arith.constant 0 : i32
      %dma_start3A_603 = arith.constant 0 : i32
      %dma_start3A_604 = arith.constant 0 : i32
      %dma_start3A_605 = tpu.memref_slice %arg12[%dma_start3A_602, %dma_start3A_603, %dma_start3A_604] : memref<7x128x32xf32, #tpu.memory_space<vmem>> -> memref<1x64x32xf32, #tpu.memory_space<vmem>>
      %dma_start3A_606 = tpu.memref_squeeze %dma_start3A_605 : memref<1x64x32xf32, #tpu.memory_space<vmem>> -> memref<64x32xf32, #tpu.memory_space<vmem>>
      %dma_start3A_607 = tpu.memref_slice %arg11[%dma_start3A_601, %add3A_600] : memref<7x6400xi32, #tpu.memory_space<vmem>> -> memref<1x64xi32, #tpu.memory_space<vmem>>
      %dma_start3A_608 = tpu.memref_squeeze %dma_start3A_607 : memref<1x64xi32, #tpu.memory_space<vmem>> -> memref<64xi32, #tpu.memory_space<vmem>>
      %dma_start3A_609 = arith.constant 0 : i32
      %dma_start3A_610 = arith.constant 0 : i32
      %dma_start3A_611 = tpu.memref_slice %arg3[%dma_start3A_609, %dma_start3A_610] : memref<100000x32xf32, #tpu.memory_space<hbm>> -> memref<100000x32xf32, #tpu.memory_space<hbm>>
      tpu.enqueue_indirect_dma source(%dma_start3A_611 : memref<100000x32xf32, #tpu.memory_space<hbm>>) target(%dma_start3A_606 : memref<64x32xf32, #tpu.memory_space<vmem>>) offsets(%dma_start3A_608 : memref<64xi32, #tpu.memory_space<vmem>>) semaphore(%arg15 : memref<!tpu.dma_semaphore, #tpu.memory_space<semaphore_mem>>)
      %add3A_612 = arith.constant 64 : i32
      %add3A_613 = arith.addi %mul3A_598, %add3A_612 : i32
      %dma_start3A_614 = arith.constant 0 : i32
      %dma_start3A_615 = arith.constant 0 : i32
      %dma_start3A_616 = arith.constant 64 : i32
      %dma_start3A_617 = arith.constant 0 : i32
      %dma_start3A_618 = tpu.memref_slice %arg12[%dma_start3A_615, %dma_start3A_616, %dma_start3A_617] : memref<7x128x32xf32, #tpu.memory_space<vmem>> -> memref<1x64x32xf32, #tpu.memory_space<vmem>>
      %dma_start3A_619 = tpu.memref_squeeze %dma_start3A_618 : memref<1x64x32xf32, #tpu.memory_space<vmem>> -> memref<64x32xf32, #tpu.memory_space<vmem>>
      %dma_start3A_620 = tpu.memref_slice %arg11[%dma_start3A_614, %add3A_613] : memref<7x6400xi32, #tpu.memory_space<vmem>> -> memref<1x64xi32, #tpu.memory_space<vmem>>
      %dma_start3A_621 = tpu.memref_squeeze %dma_start3A_620 : memref<1x64xi32, #tpu.memory_space<vmem>> -> memref<64xi32, #tpu.memory_space<vmem>>
      %dma_start3A_622 = arith.constant 0 : i32
      %dma_start3A_623 = arith.constant 0 : i32
      %dma_start3A_624 = tpu.memref_slice %arg3[%dma_start3A_622, %dma_start3A_623] : memref<100000x32xf32, #tpu.memory_space<hbm>> -> memref<100000x32xf32, #tpu.memory_space<hbm>>
      tpu.enqueue_indirect_dma source(%dma_start3A_624 : memref<100000x32xf32, #tpu.memory_space<hbm>>) target(%dma_start3A_619 : memref<64x32xf32, #tpu.memory_space<vmem>>) offsets(%dma_start3A_621 : memref<64xi32, #tpu.memory_space<vmem>>) semaphore(%arg15 : memref<!tpu.dma_semaphore, #tpu.memory_space<semaphore_mem>>)
      %add3A_625 = arith.constant 0 : i32
      %add3A_626 = arith.addi %mul3A_598, %add3A_625 : i32
      %dma_start3A_627 = arith.constant 1 : i32
      %dma_start3A_628 = arith.constant 1 : i32
      %dma_start3A_629 = arith.constant 0 : i32
      %dma_start3A_630 = arith.constant 0 : i32
      %dma_start3A_631 = tpu.memref_slice %arg12[%dma_start3A_628, %dma_start3A_629, %dma_start3A_630] : memref<7x128x32xf32, #tpu.memory_space<vmem>> -> memref<1x64x32xf32, #tpu.memory_space<vmem>>
      %dma_start3A_632 = tpu.memref_squeeze %dma_start3A_631 : memref<1x64x32xf32, #tpu.memory_space<vmem>> -> memref<64x32xf32, #tpu.memory_space<vmem>>
      %dma_start3A_633 = tpu.memref_slice %arg11[%dma_start3A_627, %add3A_626] : memref<7x6400xi32, #tpu.memory_space<vmem>> -> memref<1x64xi32, #tpu.memory_space<vmem>>
      %dma_start3A_634 = tpu.memref_squeeze %dma_start3A_633 : memref<1x64xi32, #tpu.memory_space<vmem>> -> memref<64xi32, #tpu.memory_space<vmem>>
      %dma_start3A_635 = arith.constant 0 : i32
      %dma_start3A_636 = arith.constant 0 : i32
      %dma_start3A_637 = tpu.memref_slice %arg4[%dma_start3A_635, %dma_start3A_636] : memref<100000x32xf32, #tpu.memory_space<hbm>> -> memref<100000x32xf32, #tpu.memory_space<hbm>>
      tpu.enqueue_indirect_dma source(%dma_start3A_637 : memref<100000x32xf32, #tpu.memory_space<hbm>>) target(%dma_start3A_632 : memref<64x32xf32, #tpu.memory_space<vmem>>) offsets(%dma_start3A_634 : memref<64xi32, #tpu.memory_space<vmem>>) semaphore(%arg15 : memref<!tpu.dma_semaphore, #tpu.memory_space<semaphore_mem>>)
      %add3A_638 = arith.constant 64 : i32
      %add3A_639 = arith.addi %mul3A_598, %add3A_638 : i32
      %dma_start3A_640 = arith.constant 1 : i32
      %dma_start3A_641 = arith.constant 1 : i32
      %dma_start3A_642 = arith.constant 64 : i32
      %dma_start3A_643 = arith.constant 0 : i32
      %dma_start3A_644 = tpu.memref_slice %arg12[%dma_start3A_641, %dma_start3A_642, %dma_start3A_643] : memref<7x128x32xf32, #tpu.memory_space<vmem>> -> memref<1x64x32xf32, #tpu.memory_space<vmem>>
      %dma_start3A_645 = tpu.memref_squeeze %dma_start3A_644 : memref<1x64x32xf32, #tpu.memory_space<vmem>> -> memref<64x32xf32, #tpu.memory_space<vmem>>
      %dma_start3A_646 = tpu.memref_slice %arg11[%dma_start3A_640, %add3A_639] : memref<7x6400xi32, #tpu.memory_space<vmem>> -> memref<1x64xi32, #tpu.memory_space<vmem>>
      %dma_start3A_647 = tpu.memref_squeeze %dma_start3A_646 : memref<1x64xi32, #tpu.memory_space<vmem>> -> memref<64xi32, #tpu.memory_space<vmem>>
      %dma_start3A_648 = arith.constant 0 : i32
      %dma_start3A_649 = arith.constant 0 : i32
      %dma_start3A_650 = tpu.memref_slice %arg4[%dma_start3A_648, %dma_start3A_649] : memref<100000x32xf32, #tpu.memory_space<hbm>> -> memref<100000x32xf32, #tpu.memory_space<hbm>>
      tpu.enqueue_indirect_dma source(%dma_start3A_650 : memref<100000x32xf32, #tpu.memory_space<hbm>>) target(%dma_start3A_645 : memref<64x32xf32, #tpu.memory_space<vmem>>) offsets(%dma_start3A_647 : memref<64xi32, #tpu.memory_space<vmem>>) semaphore(%arg15 : memref<!tpu.dma_semaphore, #tpu.memory_space<semaphore_mem>>)
      %add3A_651 = arith.constant 0 : i32
      %add3A_652 = arith.addi %mul3A_598, %add3A_651 : i32
      %dma_start3A_653 = arith.constant 2 : i32
      %dma_start3A_654 = arith.constant 2 : i32
      %dma_start3A_655 = arith.constant 0 : i32
      %dma_start3A_656 = arith.constant 0 : i32
      %dma_start3A_657 = tpu.memref_slice %arg12[%dma_start3A_654, %dma_start3A_655, %dma_start3A_656] : memref<7x128x32xf32, #tpu.memory_space<vmem>> -> memref<1x64x32xf32, #tpu.memory_space<vmem>>
      %dma_start3A_658 = tpu.memref_squeeze %dma_start3A_657 : memref<1x64x32xf32, #tpu.memory_space<vmem>> -> memref<64x32xf32, #tpu.memory_space<vmem>>
      %dma_start3A_659 = tpu.memref_slice %arg11[%dma_start3A_653, %add3A_652] : memref<7x6400xi32, #tpu.memory_space<vmem>> -> memref<1x64xi32, #tpu.memory_space<vmem>>
      %dma_start3A_660 = tpu.memref_squeeze %dma_start3A_659 : memref<1x64xi32, #tpu.memory_space<vmem>> -> memref<64xi32, #tpu.memory_space<vmem>>
      %dma_start3A_661 = arith.constant 0 : i32
      %dma_start3A_662 = arith.constant 0 : i32
      %dma_start3A_663 = tpu.memref_slice %arg5[%dma_start3A_661, %dma_start3A_662] : memref<100000x32xf32, #tpu.memory_space<hbm>> -> memref<100000x32xf32, #tpu.memory_space<hbm>>
      tpu.enqueue_indirect_dma source(%dma_start3A_663 : memref<100000x32xf32, #tpu.memory_space<hbm>>) target(%dma_start3A_658 : memref<64x32xf32, #tpu.memory_space<vmem>>) offsets(%dma_start3A_660 : memref<64xi32, #tpu.memory_space<vmem>>) semaphore(%arg15 : memref<!tpu.dma_semaphore, #tpu.memory_space<semaphore_mem>>)
      %add3A_664 = arith.constant 64 : i32
      %add3A_665 = arith.addi %mul3A_598, %add3A_664 : i32
      %dma_start3A_666 = arith.constant 2 : i32
      %dma_start3A_667 = arith.constant 2 : i32
      %dma_start3A_668 = arith.constant 64 : i32
      %dma_start3A_669 = arith.constant 0 : i32
      %dma_start3A_670 = tpu.memref_slice %arg12[%dma_start3A_667, %dma_start3A_668, %dma_start3A_669] : memref<7x128x32xf32, #tpu.memory_space<vmem>> -> memref<1x64x32xf32, #tpu.memory_space<vmem>>
      %dma_start3A_671 = tpu.memref_squeeze %dma_start3A_670 : memref<1x64x32xf32, #tpu.memory_space<vmem>> -> memref<64x32xf32, #tpu.memory_space<vmem>>
      %dma_start3A_672 = tpu.memref_slice %arg11[%dma_start3A_666, %add3A_665] : memref<7x6400xi32, #tpu.memory_space<vmem>> -> memref<1x64xi32, #tpu.memory_space<vmem>>
      %dma_start3A_673 = tpu.memref_squeeze %dma_start3A_672 : memref<1x64xi32, #tpu.memory_space<vmem>> -> memref<64xi32, #tpu.memory_space<vmem>>
      %dma_start3A_674 = arith.constant 0 : i32
      %dma_start3A_675 = arith.constant 0 : i32
      %dma_start3A_676 = tpu.memref_slice %arg5[%dma_start3A_674, %dma_start3A_675] : memref<100000x32xf32, #tpu.memory_space<hbm>> -> memref<100000x32xf32, #tpu.memory_space<hbm>>
      tpu.enqueue_indirect_dma source(%dma_start3A_676 : memref<100000x32xf32, #tpu.memory_space<hbm>>) target(%dma_start3A_671 : memref<64x32xf32, #tpu.memory_space<vmem>>) offsets(%dma_start3A_673 : memref<64xi32, #tpu.memory_space<vmem>>) semaphore(%arg15 : memref<!tpu.dma_semaphore, #tpu.memory_space<semaphore_mem>>)
      %add3A_677 = arith.constant 0 : i32
      %add3A_678 = arith.addi %mul3A_598, %add3A_677 : i32
      %dma_start3A_679 = arith.constant 3 : i32
      %dma_start3A_680 = arith.constant 3 : i32
      %dma_start3A_681 = arith.constant 0 : i32
      %dma_start3A_682 = arith.constant 0 : i32
      %dma_start3A_683 = tpu.memref_slice %arg12[%dma_start3A_680, %dma_start3A_681, %dma_start3A_682] : memref<7x128x32xf32, #tpu.memory_space<vmem>> -> memref<1x64x32xf32, #tpu.memory_space<vmem>>
      %dma_start3A_684 = tpu.memref_squeeze %dma_start3A_683 : memref<1x64x32xf32, #tpu.memory_space<vmem>> -> memref<64x32xf32, #tpu.memory_space<vmem>>
      %dma_start3A_685 = tpu.memref_slice %arg11[%dma_start3A_679, %add3A_678] : memref<7x6400xi32, #tpu.memory_space<vmem>> -> memref<1x64xi32, #tpu.memory_space<vmem>>
      %dma_start3A_686 = tpu.memref_squeeze %dma_start3A_685 : memref<1x64xi32, #tpu.memory_space<vmem>> -> memref<64xi32, #tpu.memory_space<vmem>>
      %dma_start3A_687 = arith.constant 0 : i32
      %dma_start3A_688 = arith.constant 0 : i32
      %dma_start3A_689 = tpu.memref_slice %arg6[%dma_start3A_687, %dma_start3A_688] : memref<100000x32xf32, #tpu.memory_space<hbm>> -> memref<100000x32xf32, #tpu.memory_space<hbm>>
      tpu.enqueue_indirect_dma source(%dma_start3A_689 : memref<100000x32xf32, #tpu.memory_space<hbm>>) target(%dma_start3A_684 : memref<64x32xf32, #tpu.memory_space<vmem>>) offsets(%dma_start3A_686 : memref<64xi32, #tpu.memory_space<vmem>>) semaphore(%arg15 : memref<!tpu.dma_semaphore, #tpu.memory_space<semaphore_mem>>)
      %add3A_690 = arith.constant 64 : i32
      %add3A_691 = arith.addi %mul3A_598, %add3A_690 : i32
      %dma_start3A_692 = arith.constant 3 : i32
      %dma_start3A_693 = arith.constant 3 : i32
      %dma_start3A_694 = arith.constant 64 : i32
      %dma_start3A_695 = arith.constant 0 : i32
      %dma_start3A_696 = tpu.memref_slice %arg12[%dma_start3A_693, %dma_start3A_694, %dma_start3A_695] : memref<7x128x32xf32, #tpu.memory_space<vmem>> -> memref<1x64x32xf32, #tpu.memory_space<vmem>>
      %dma_start3A_697 = tpu.memref_squeeze %dma_start3A_696 : memref<1x64x32xf32, #tpu.memory_space<vmem>> -> memref<64x32xf32, #tpu.memory_space<vmem>>
      %dma_start3A_698 = tpu.memref_slice %arg11[%dma_start3A_692, %add3A_691] : memref<7x6400xi32, #tpu.memory_space<vmem>> -> memref<1x64xi32, #tpu.memory_space<vmem>>
      %dma_start3A_699 = tpu.memref_squeeze %dma_start3A_698 : memref<1x64xi32, #tpu.memory_space<vmem>> -> memref<64xi32, #tpu.memory_space<vmem>>
      %dma_start3A_700 = arith.constant 0 : i32
      %dma_start3A_701 = arith.constant 0 : i32
      %dma_start3A_702 = tpu.memref_slice %arg6[%dma_start3A_700, %dma_start3A_701] : memref<100000x32xf32, #tpu.memory_space<hbm>> -> memref<100000x32xf32, #tpu.memory_space<hbm>>
      tpu.enqueue_indirect_dma source(%dma_start3A_702 : memref<100000x32xf32, #tpu.memory_space<hbm>>) target(%dma_start3A_697 : memref<64x32xf32, #tpu.memory_space<vmem>>) offsets(%dma_start3A_699 : memref<64xi32, #tpu.memory_space<vmem>>) semaphore(%arg15 : memref<!tpu.dma_semaphore, #tpu.memory_space<semaphore_mem>>)
      %add3A_703 = arith.constant 0 : i32
      %add3A_704 = arith.addi %mul3A_598, %add3A_703 : i32
      %dma_start3A_705 = arith.constant 4 : i32
      %dma_start3A_706 = arith.constant 4 : i32
      %dma_start3A_707 = arith.constant 0 : i32
      %dma_start3A_708 = arith.constant 0 : i32
      %dma_start3A_709 = tpu.memref_slice %arg12[%dma_start3A_706, %dma_start3A_707, %dma_start3A_708] : memref<7x128x32xf32, #tpu.memory_space<vmem>> -> memref<1x64x32xf32, #tpu.memory_space<vmem>>
      %dma_start3A_710 = tpu.memref_squeeze %dma_start3A_709 : memref<1x64x32xf32, #tpu.memory_space<vmem>> -> memref<64x32xf32, #tpu.memory_space<vmem>>
      %dma_start3A_711 = tpu.memref_slice %arg11[%dma_start3A_705, %add3A_704] : memref<7x6400xi32, #tpu.memory_space<vmem>> -> memref<1x64xi32, #tpu.memory_space<vmem>>
      %dma_start3A_712 = tpu.memref_squeeze %dma_start3A_711 : memref<1x64xi32, #tpu.memory_space<vmem>> -> memref<64xi32, #tpu.memory_space<vmem>>
      %dma_start3A_713 = arith.constant 0 : i32
      %dma_start3A_714 = arith.constant 0 : i32
      %dma_start3A_715 = tpu.memref_slice %arg7[%dma_start3A_713, %dma_start3A_714] : memref<100000x32xf32, #tpu.memory_space<hbm>> -> memref<100000x32xf32, #tpu.memory_space<hbm>>
      tpu.enqueue_indirect_dma source(%dma_start3A_715 : memref<100000x32xf32, #tpu.memory_space<hbm>>) target(%dma_start3A_710 : memref<64x32xf32, #tpu.memory_space<vmem>>) offsets(%dma_start3A_712 : memref<64xi32, #tpu.memory_space<vmem>>) semaphore(%arg15 : memref<!tpu.dma_semaphore, #tpu.memory_space<semaphore_mem>>)
      %add3A_716 = arith.constant 64 : i32
      %add3A_717 = arith.addi %mul3A_598, %add3A_716 : i32
      %dma_start3A_718 = arith.constant 4 : i32
      %dma_start3A_719 = arith.constant 4 : i32
      %dma_start3A_720 = arith.constant 64 : i32
      %dma_start3A_721 = arith.constant 0 : i32
      %dma_start3A_722 = tpu.memref_slice %arg12[%dma_start3A_719, %dma_start3A_720, %dma_start3A_721] : memref<7x128x32xf32, #tpu.memory_space<vmem>> -> memref<1x64x32xf32, #tpu.memory_space<vmem>>
      %dma_start3A_723 = tpu.memref_squeeze %dma_start3A_722 : memref<1x64x32xf32, #tpu.memory_space<vmem>> -> memref<64x32xf32, #tpu.memory_space<vmem>>
      %dma_start3A_724 = tpu.memref_slice %arg11[%dma_start3A_718, %add3A_717] : memref<7x6400xi32, #tpu.memory_space<vmem>> -> memref<1x64xi32, #tpu.memory_space<vmem>>
      %dma_start3A_725 = tpu.memref_squeeze %dma_start3A_724 : memref<1x64xi32, #tpu.memory_space<vmem>> -> memref<64xi32, #tpu.memory_space<vmem>>
      %dma_start3A_726 = arith.constant 0 : i32
      %dma_start3A_727 = arith.constant 0 : i32
      %dma_start3A_728 = tpu.memref_slice %arg7[%dma_start3A_726, %dma_start3A_727] : memref<100000x32xf32, #tpu.memory_space<hbm>> -> memref<100000x32xf32, #tpu.memory_space<hbm>>
      tpu.enqueue_indirect_dma source(%dma_start3A_728 : memref<100000x32xf32, #tpu.memory_space<hbm>>) target(%dma_start3A_723 : memref<64x32xf32, #tpu.memory_space<vmem>>) offsets(%dma_start3A_725 : memref<64xi32, #tpu.memory_space<vmem>>) semaphore(%arg15 : memref<!tpu.dma_semaphore, #tpu.memory_space<semaphore_mem>>)
      %add3A_729 = arith.constant 0 : i32
      %add3A_730 = arith.addi %mul3A_598, %add3A_729 : i32
      %dma_start3A_731 = arith.constant 5 : i32
      %dma_start3A_732 = arith.constant 5 : i32
      %dma_start3A_733 = arith.constant 0 : i32
      %dma_start3A_734 = arith.constant 0 : i32
      %dma_start3A_735 = tpu.memref_slice %arg12[%dma_start3A_732, %dma_start3A_733, %dma_start3A_734] : memref<7x128x32xf32, #tpu.memory_space<vmem>> -> memref<1x64x32xf32, #tpu.memory_space<vmem>>
      %dma_start3A_736 = tpu.memref_squeeze %dma_start3A_735 : memref<1x64x32xf32, #tpu.memory_space<vmem>> -> memref<64x32xf32, #tpu.memory_space<vmem>>
      %dma_start3A_737 = tpu.memref_slice %arg11[%dma_start3A_731, %add3A_730] : memref<7x6400xi32, #tpu.memory_space<vmem>> -> memref<1x64xi32, #tpu.memory_space<vmem>>
      %dma_start3A_738 = tpu.memref_squeeze %dma_start3A_737 : memref<1x64xi32, #tpu.memory_space<vmem>> -> memref<64xi32, #tpu.memory_space<vmem>>
      %dma_start3A_739 = arith.constant 0 : i32
      %dma_start3A_740 = arith.constant 0 : i32
      %dma_start3A_741 = tpu.memref_slice %arg8[%dma_start3A_739, %dma_start3A_740] : memref<100000x32xf32, #tpu.memory_space<hbm>> -> memref<100000x32xf32, #tpu.memory_space<hbm>>
      tpu.enqueue_indirect_dma source(%dma_start3A_741 : memref<100000x32xf32, #tpu.memory_space<hbm>>) target(%dma_start3A_736 : memref<64x32xf32, #tpu.memory_space<vmem>>) offsets(%dma_start3A_738 : memref<64xi32, #tpu.memory_space<vmem>>) semaphore(%arg15 : memref<!tpu.dma_semaphore, #tpu.memory_space<semaphore_mem>>)
      %add3A_742 = arith.constant 64 : i32
      %add3A_743 = arith.addi %mul3A_598, %add3A_742 : i32
      %dma_start3A_744 = arith.constant 5 : i32
      %dma_start3A_745 = arith.constant 5 : i32
      %dma_start3A_746 = arith.constant 64 : i32
      %dma_start3A_747 = arith.constant 0 : i32
      %dma_start3A_748 = tpu.memref_slice %arg12[%dma_start3A_745, %dma_start3A_746, %dma_start3A_747] : memref<7x128x32xf32, #tpu.memory_space<vmem>> -> memref<1x64x32xf32, #tpu.memory_space<vmem>>
      %dma_start3A_749 = tpu.memref_squeeze %dma_start3A_748 : memref<1x64x32xf32, #tpu.memory_space<vmem>> -> memref<64x32xf32, #tpu.memory_space<vmem>>
      %dma_start3A_750 = tpu.memref_slice %arg11[%dma_start3A_744, %add3A_743] : memref<7x6400xi32, #tpu.memory_space<vmem>> -> memref<1x64xi32, #tpu.memory_space<vmem>>
      %dma_start3A_751 = tpu.memref_squeeze %dma_start3A_750 : memref<1x64xi32, #tpu.memory_space<vmem>> -> memref<64xi32, #tpu.memory_space<vmem>>
      %dma_start3A_752 = arith.constant 0 : i32
      %dma_start3A_753 = arith.constant 0 : i32
      %dma_start3A_754 = tpu.memref_slice %arg8[%dma_start3A_752, %dma_start3A_753] : memref<100000x32xf32, #tpu.memory_space<hbm>> -> memref<100000x32xf32, #tpu.memory_space<hbm>>
      tpu.enqueue_indirect_dma source(%dma_start3A_754 : memref<100000x32xf32, #tpu.memory_space<hbm>>) target(%dma_start3A_749 : memref<64x32xf32, #tpu.memory_space<vmem>>) offsets(%dma_start3A_751 : memref<64xi32, #tpu.memory_space<vmem>>) semaphore(%arg15 : memref<!tpu.dma_semaphore, #tpu.memory_space<semaphore_mem>>)
      %add3A_755 = arith.constant 0 : i32
      %add3A_756 = arith.addi %mul3A_598, %add3A_755 : i32
      %dma_start3A_757 = arith.constant 6 : i32
      %dma_start3A_758 = arith.constant 6 : i32
      %dma_start3A_759 = arith.constant 0 : i32
      %dma_start3A_760 = arith.constant 0 : i32
      %dma_start3A_761 = tpu.memref_slice %arg12[%dma_start3A_758, %dma_start3A_759, %dma_start3A_760] : memref<7x128x32xf32, #tpu.memory_space<vmem>> -> memref<1x64x32xf32, #tpu.memory_space<vmem>>
      %dma_start3A_762 = tpu.memref_squeeze %dma_start3A_761 : memref<1x64x32xf32, #tpu.memory_space<vmem>> -> memref<64x32xf32, #tpu.memory_space<vmem>>
      %dma_start3A_763 = tpu.memref_slice %arg11[%dma_start3A_757, %add3A_756] : memref<7x6400xi32, #tpu.memory_space<vmem>> -> memref<1x64xi32, #tpu.memory_space<vmem>>
      %dma_start3A_764 = tpu.memref_squeeze %dma_start3A_763 : memref<1x64xi32, #tpu.memory_space<vmem>> -> memref<64xi32, #tpu.memory_space<vmem>>
      %dma_start3A_765 = arith.constant 0 : i32
      %dma_start3A_766 = arith.constant 0 : i32
      %dma_start3A_767 = tpu.memref_slice %arg9[%dma_start3A_765, %dma_start3A_766] : memref<100000x32xf32, #tpu.memory_space<hbm>> -> memref<100000x32xf32, #tpu.memory_space<hbm>>
      tpu.enqueue_indirect_dma source(%dma_start3A_767 : memref<100000x32xf32, #tpu.memory_space<hbm>>) target(%dma_start3A_762 : memref<64x32xf32, #tpu.memory_space<vmem>>) offsets(%dma_start3A_764 : memref<64xi32, #tpu.memory_space<vmem>>) semaphore(%arg15 : memref<!tpu.dma_semaphore, #tpu.memory_space<semaphore_mem>>)
      %add3A_768 = arith.constant 64 : i32
      %add3A_769 = arith.addi %mul3A_598, %add3A_768 : i32
      %dma_start3A_770 = arith.constant 6 : i32
      %dma_start3A_771 = arith.constant 6 : i32
      %dma_start3A_772 = arith.constant 64 : i32
      %dma_start3A_773 = arith.constant 0 : i32
      %dma_start3A_774 = tpu.memref_slice %arg12[%dma_start3A_771, %dma_start3A_772, %dma_start3A_773] : memref<7x128x32xf32, #tpu.memory_space<vmem>> -> memref<1x64x32xf32, #tpu.memory_space<vmem>>
      %dma_start3A_775 = tpu.memref_squeeze %dma_start3A_774 : memref<1x64x32xf32, #tpu.memory_space<vmem>> -> memref<64x32xf32, #tpu.memory_space<vmem>>
      %dma_start3A_776 = tpu.memref_slice %arg11[%dma_start3A_770, %add3A_769] : memref<7x6400xi32, #tpu.memory_space<vmem>> -> memref<1x64xi32, #tpu.memory_space<vmem>>
      %dma_start3A_777 = tpu.memref_squeeze %dma_start3A_776 : memref<1x64xi32, #tpu.memory_space<vmem>> -> memref<64xi32, #tpu.memory_space<vmem>>
      %dma_start3A_778 = arith.constant 0 : i32
      %dma_start3A_779 = arith.constant 0 : i32
      %dma_start3A_780 = tpu.memref_slice %arg9[%dma_start3A_778, %dma_start3A_779] : memref<100000x32xf32, #tpu.memory_space<hbm>> -> memref<100000x32xf32, #tpu.memory_space<hbm>>
      tpu.enqueue_indirect_dma source(%dma_start3A_780 : memref<100000x32xf32, #tpu.memory_space<hbm>>) target(%dma_start3A_775 : memref<64x32xf32, #tpu.memory_space<vmem>>) offsets(%dma_start3A_777 : memref<64xi32, #tpu.memory_space<vmem>>) semaphore(%arg15 : memref<!tpu.dma_semaphore, #tpu.memory_space<semaphore_mem>>)
      %dma_wait3A_781 = arith.constant 0 : i32
      %dma_wait3A_782 = arith.constant 0 : i32
      %dma_wait3A_783 = arith.constant 0 : i32
      %dma_wait3A_784 = arith.constant 0 : i32
      %dma_wait3A_785 = tpu.memref_slice %arg13[%dma_wait3A_782, %dma_wait3A_783, %dma_wait3A_784] : memref<7x128x32xf32, #tpu.memory_space<vmem>> -> memref<1x64x32xf32, #tpu.memory_space<vmem>>
      %dma_wait3A_786 = tpu.memref_squeeze %dma_wait3A_785 : memref<1x64x32xf32, #tpu.memory_space<vmem>> -> memref<64x32xf32, #tpu.memory_space<vmem>>
      %dma_wait3A_787 = arith.constant 0 : i32
      %dma_wait3A_788 = tpu.memref_slice %arg11[%dma_wait3A_781, %dma_wait3A_787] : memref<7x6400xi32, #tpu.memory_space<vmem>> -> memref<1x64xi32, #tpu.memory_space<vmem>>
      %dma_wait3A_789 = tpu.memref_squeeze %dma_wait3A_788 : memref<1x64xi32, #tpu.memory_space<vmem>> -> memref<64xi32, #tpu.memory_space<vmem>>
      %dma_wait3A_790 = arith.constant 0 : i32
      %dma_wait3A_791 = arith.constant 0 : i32
      %dma_wait3A_792 = tpu.memref_slice %arg3[%dma_wait3A_790, %dma_wait3A_791] : memref<100000x32xf32, #tpu.memory_space<hbm>> -> memref<100000x32xf32, #tpu.memory_space<hbm>>
      tpu.wait_indirect_dma semaphore(%arg16 : memref<!tpu.dma_semaphore, #tpu.memory_space<semaphore_mem>>) src(%dma_wait3A_792 : memref<100000x32xf32, #tpu.memory_space<hbm>>) dst(%dma_wait3A_786 : memref<64x32xf32, #tpu.memory_space<vmem>>)
      %dma_wait3A_793 = arith.constant 0 : i32
      %dma_wait3A_794 = arith.constant 0 : i32
      %dma_wait3A_795 = arith.constant 64 : i32
      %dma_wait3A_796 = arith.constant 0 : i32
      %dma_wait3A_797 = tpu.memref_slice %arg13[%dma_wait3A_794, %dma_wait3A_795, %dma_wait3A_796] : memref<7x128x32xf32, #tpu.memory_space<vmem>> -> memref<1x64x32xf32, #tpu.memory_space<vmem>>
      %dma_wait3A_798 = tpu.memref_squeeze %dma_wait3A_797 : memref<1x64x32xf32, #tpu.memory_space<vmem>> -> memref<64x32xf32, #tpu.memory_space<vmem>>
      %dma_wait3A_799 = arith.constant 0 : i32
      %dma_wait3A_800 = tpu.memref_slice %arg11[%dma_wait3A_793, %dma_wait3A_799] : memref<7x6400xi32, #tpu.memory_space<vmem>> -> memref<1x64xi32, #tpu.memory_space<vmem>>
      %dma_wait3A_801 = tpu.memref_squeeze %dma_wait3A_800 : memref<1x64xi32, #tpu.memory_space<vmem>> -> memref<64xi32, #tpu.memory_space<vmem>>
      %dma_wait3A_802 = arith.constant 0 : i32
      %dma_wait3A_803 = arith.constant 0 : i32
      %dma_wait3A_804 = tpu.memref_slice %arg3[%dma_wait3A_802, %dma_wait3A_803] : memref<100000x32xf32, #tpu.memory_space<hbm>> -> memref<100000x32xf32, #tpu.memory_space<hbm>>
      tpu.wait_indirect_dma semaphore(%arg16 : memref<!tpu.dma_semaphore, #tpu.memory_space<semaphore_mem>>) src(%dma_wait3A_804 : memref<100000x32xf32, #tpu.memory_space<hbm>>) dst(%dma_wait3A_798 : memref<64x32xf32, #tpu.memory_space<vmem>>)
      %dma_wait3A_805 = arith.constant 1 : i32
      %dma_wait3A_806 = arith.constant 1 : i32
      %dma_wait3A_807 = arith.constant 0 : i32
      %dma_wait3A_808 = arith.constant 0 : i32
      %dma_wait3A_809 = tpu.memref_slice %arg13[%dma_wait3A_806, %dma_wait3A_807, %dma_wait3A_808] : memref<7x128x32xf32, #tpu.memory_space<vmem>> -> memref<1x64x32xf32, #tpu.memory_space<vmem>>
      %dma_wait3A_810 = tpu.memref_squeeze %dma_wait3A_809 : memref<1x64x32xf32, #tpu.memory_space<vmem>> -> memref<64x32xf32, #tpu.memory_space<vmem>>
      %dma_wait3A_811 = arith.constant 0 : i32
      %dma_wait3A_812 = tpu.memref_slice %arg11[%dma_wait3A_805, %dma_wait3A_811] : memref<7x6400xi32, #tpu.memory_space<vmem>> -> memref<1x64xi32, #tpu.memory_space<vmem>>
      %dma_wait3A_813 = tpu.memref_squeeze %dma_wait3A_812 : memref<1x64xi32, #tpu.memory_space<vmem>> -> memref<64xi32, #tpu.memory_space<vmem>>
      %dma_wait3A_814 = arith.constant 0 : i32
      %dma_wait3A_815 = arith.constant 0 : i32
      %dma_wait3A_816 = tpu.memref_slice %arg4[%dma_wait3A_814, %dma_wait3A_815] : memref<100000x32xf32, #tpu.memory_space<hbm>> -> memref<100000x32xf32, #tpu.memory_space<hbm>>
      tpu.wait_indirect_dma semaphore(%arg16 : memref<!tpu.dma_semaphore, #tpu.memory_space<semaphore_mem>>) src(%dma_wait3A_816 : memref<100000x32xf32, #tpu.memory_space<hbm>>) dst(%dma_wait3A_810 : memref<64x32xf32, #tpu.memory_space<vmem>>)
      %dma_wait3A_817 = arith.constant 1 : i32
      %dma_wait3A_818 = arith.constant 1 : i32
      %dma_wait3A_819 = arith.constant 64 : i32
      %dma_wait3A_820 = arith.constant 0 : i32
      %dma_wait3A_821 = tpu.memref_slice %arg13[%dma_wait3A_818, %dma_wait3A_819, %dma_wait3A_820] : memref<7x128x32xf32, #tpu.memory_space<vmem>> -> memref<1x64x32xf32, #tpu.memory_space<vmem>>
      %dma_wait3A_822 = tpu.memref_squeeze %dma_wait3A_821 : memref<1x64x32xf32, #tpu.memory_space<vmem>> -> memref<64x32xf32, #tpu.memory_space<vmem>>
      %dma_wait3A_823 = arith.constant 0 : i32
      %dma_wait3A_824 = tpu.memref_slice %arg11[%dma_wait3A_817, %dma_wait3A_823] : memref<7x6400xi32, #tpu.memory_space<vmem>> -> memref<1x64xi32, #tpu.memory_space<vmem>>
      %dma_wait3A_825 = tpu.memref_squeeze %dma_wait3A_824 : memref<1x64xi32, #tpu.memory_space<vmem>> -> memref<64xi32, #tpu.memory_space<vmem>>
      %dma_wait3A_826 = arith.constant 0 : i32
      %dma_wait3A_827 = arith.constant 0 : i32
      %dma_wait3A_828 = tpu.memref_slice %arg4[%dma_wait3A_826, %dma_wait3A_827] : memref<100000x32xf32, #tpu.memory_space<hbm>> -> memref<100000x32xf32, #tpu.memory_space<hbm>>
      tpu.wait_indirect_dma semaphore(%arg16 : memref<!tpu.dma_semaphore, #tpu.memory_space<semaphore_mem>>) src(%dma_wait3A_828 : memref<100000x32xf32, #tpu.memory_space<hbm>>) dst(%dma_wait3A_822 : memref<64x32xf32, #tpu.memory_space<vmem>>)
      %dma_wait3A_829 = arith.constant 2 : i32
      %dma_wait3A_830 = arith.constant 2 : i32
      %dma_wait3A_831 = arith.constant 0 : i32
      %dma_wait3A_832 = arith.constant 0 : i32
      %dma_wait3A_833 = tpu.memref_slice %arg13[%dma_wait3A_830, %dma_wait3A_831, %dma_wait3A_832] : memref<7x128x32xf32, #tpu.memory_space<vmem>> -> memref<1x64x32xf32, #tpu.memory_space<vmem>>
      %dma_wait3A_834 = tpu.memref_squeeze %dma_wait3A_833 : memref<1x64x32xf32, #tpu.memory_space<vmem>> -> memref<64x32xf32, #tpu.memory_space<vmem>>
      %dma_wait3A_835 = arith.constant 0 : i32
      %dma_wait3A_836 = tpu.memref_slice %arg11[%dma_wait3A_829, %dma_wait3A_835] : memref<7x6400xi32, #tpu.memory_space<vmem>> -> memref<1x64xi32, #tpu.memory_space<vmem>>
      %dma_wait3A_837 = tpu.memref_squeeze %dma_wait3A_836 : memref<1x64xi32, #tpu.memory_space<vmem>> -> memref<64xi32, #tpu.memory_space<vmem>>
      %dma_wait3A_838 = arith.constant 0 : i32
      %dma_wait3A_839 = arith.constant 0 : i32
      %dma_wait3A_840 = tpu.memref_slice %arg5[%dma_wait3A_838, %dma_wait3A_839] : memref<100000x32xf32, #tpu.memory_space<hbm>> -> memref<100000x32xf32, #tpu.memory_space<hbm>>
      tpu.wait_indirect_dma semaphore(%arg16 : memref<!tpu.dma_semaphore, #tpu.memory_space<semaphore_mem>>) src(%dma_wait3A_840 : memref<100000x32xf32, #tpu.memory_space<hbm>>) dst(%dma_wait3A_834 : memref<64x32xf32, #tpu.memory_space<vmem>>)
      %dma_wait3A_841 = arith.constant 2 : i32
      %dma_wait3A_842 = arith.constant 2 : i32
      %dma_wait3A_843 = arith.constant 64 : i32
      %dma_wait3A_844 = arith.constant 0 : i32
      %dma_wait3A_845 = tpu.memref_slice %arg13[%dma_wait3A_842, %dma_wait3A_843, %dma_wait3A_844] : memref<7x128x32xf32, #tpu.memory_space<vmem>> -> memref<1x64x32xf32, #tpu.memory_space<vmem>>
      %dma_wait3A_846 = tpu.memref_squeeze %dma_wait3A_845 : memref<1x64x32xf32, #tpu.memory_space<vmem>> -> memref<64x32xf32, #tpu.memory_space<vmem>>
      %dma_wait3A_847 = arith.constant 0 : i32
      %dma_wait3A_848 = tpu.memref_slice %arg11[%dma_wait3A_841, %dma_wait3A_847] : memref<7x6400xi32, #tpu.memory_space<vmem>> -> memref<1x64xi32, #tpu.memory_space<vmem>>
      %dma_wait3A_849 = tpu.memref_squeeze %dma_wait3A_848 : memref<1x64xi32, #tpu.memory_space<vmem>> -> memref<64xi32, #tpu.memory_space<vmem>>
      %dma_wait3A_850 = arith.constant 0 : i32
      %dma_wait3A_851 = arith.constant 0 : i32
      %dma_wait3A_852 = tpu.memref_slice %arg5[%dma_wait3A_850, %dma_wait3A_851] : memref<100000x32xf32, #tpu.memory_space<hbm>> -> memref<100000x32xf32, #tpu.memory_space<hbm>>
      tpu.wait_indirect_dma semaphore(%arg16 : memref<!tpu.dma_semaphore, #tpu.memory_space<semaphore_mem>>) src(%dma_wait3A_852 : memref<100000x32xf32, #tpu.memory_space<hbm>>) dst(%dma_wait3A_846 : memref<64x32xf32, #tpu.memory_space<vmem>>)
      %dma_wait3A_853 = arith.constant 3 : i32
      %dma_wait3A_854 = arith.constant 3 : i32
      %dma_wait3A_855 = arith.constant 0 : i32
      %dma_wait3A_856 = arith.constant 0 : i32
      %dma_wait3A_857 = tpu.memref_slice %arg13[%dma_wait3A_854, %dma_wait3A_855, %dma_wait3A_856] : memref<7x128x32xf32, #tpu.memory_space<vmem>> -> memref<1x64x32xf32, #tpu.memory_space<vmem>>
      %dma_wait3A_858 = tpu.memref_squeeze %dma_wait3A_857 : memref<1x64x32xf32, #tpu.memory_space<vmem>> -> memref<64x32xf32, #tpu.memory_space<vmem>>
      %dma_wait3A_859 = arith.constant 0 : i32
      %dma_wait3A_860 = tpu.memref_slice %arg11[%dma_wait3A_853, %dma_wait3A_859] : memref<7x6400xi32, #tpu.memory_space<vmem>> -> memref<1x64xi32, #tpu.memory_space<vmem>>
      %dma_wait3A_861 = tpu.memref_squeeze %dma_wait3A_860 : memref<1x64xi32, #tpu.memory_space<vmem>> -> memref<64xi32, #tpu.memory_space<vmem>>
      %dma_wait3A_862 = arith.constant 0 : i32
      %dma_wait3A_863 = arith.constant 0 : i32
      %dma_wait3A_864 = tpu.memref_slice %arg6[%dma_wait3A_862, %dma_wait3A_863] : memref<100000x32xf32, #tpu.memory_space<hbm>> -> memref<100000x32xf32, #tpu.memory_space<hbm>>
      tpu.wait_indirect_dma semaphore(%arg16 : memref<!tpu.dma_semaphore, #tpu.memory_space<semaphore_mem>>) src(%dma_wait3A_864 : memref<100000x32xf32, #tpu.memory_space<hbm>>) dst(%dma_wait3A_858 : memref<64x32xf32, #tpu.memory_space<vmem>>)
      %dma_wait3A_865 = arith.constant 3 : i32
      %dma_wait3A_866 = arith.constant 3 : i32
      %dma_wait3A_867 = arith.constant 64 : i32
      %dma_wait3A_868 = arith.constant 0 : i32
      %dma_wait3A_869 = tpu.memref_slice %arg13[%dma_wait3A_866, %dma_wait3A_867, %dma_wait3A_868] : memref<7x128x32xf32, #tpu.memory_space<vmem>> -> memref<1x64x32xf32, #tpu.memory_space<vmem>>
      %dma_wait3A_870 = tpu.memref_squeeze %dma_wait3A_869 : memref<1x64x32xf32, #tpu.memory_space<vmem>> -> memref<64x32xf32, #tpu.memory_space<vmem>>
      %dma_wait3A_871 = arith.constant 0 : i32
      %dma_wait3A_872 = tpu.memref_slice %arg11[%dma_wait3A_865, %dma_wait3A_871] : memref<7x6400xi32, #tpu.memory_space<vmem>> -> memref<1x64xi32, #tpu.memory_space<vmem>>
      %dma_wait3A_873 = tpu.memref_squeeze %dma_wait3A_872 : memref<1x64xi32, #tpu.memory_space<vmem>> -> memref<64xi32, #tpu.memory_space<vmem>>
      %dma_wait3A_874 = arith.constant 0 : i32
      %dma_wait3A_875 = arith.constant 0 : i32
      %dma_wait3A_876 = tpu.memref_slice %arg6[%dma_wait3A_874, %dma_wait3A_875] : memref<100000x32xf32, #tpu.memory_space<hbm>> -> memref<100000x32xf32, #tpu.memory_space<hbm>>
      tpu.wait_indirect_dma semaphore(%arg16 : memref<!tpu.dma_semaphore, #tpu.memory_space<semaphore_mem>>) src(%dma_wait3A_876 : memref<100000x32xf32, #tpu.memory_space<hbm>>) dst(%dma_wait3A_870 : memref<64x32xf32, #tpu.memory_space<vmem>>)
      %dma_wait3A_877 = arith.constant 4 : i32
      %dma_wait3A_878 = arith.constant 4 : i32
      %dma_wait3A_879 = arith.constant 0 : i32
      %dma_wait3A_880 = arith.constant 0 : i32
      %dma_wait3A_881 = tpu.memref_slice %arg13[%dma_wait3A_878, %dma_wait3A_879, %dma_wait3A_880] : memref<7x128x32xf32, #tpu.memory_space<vmem>> -> memref<1x64x32xf32, #tpu.memory_space<vmem>>
      %dma_wait3A_882 = tpu.memref_squeeze %dma_wait3A_881 : memref<1x64x32xf32, #tpu.memory_space<vmem>> -> memref<64x32xf32, #tpu.memory_space<vmem>>
      %dma_wait3A_883 = arith.constant 0 : i32
      %dma_wait3A_884 = tpu.memref_slice %arg11[%dma_wait3A_877, %dma_wait3A_883] : memref<7x6400xi32, #tpu.memory_space<vmem>> -> memref<1x64xi32, #tpu.memory_space<vmem>>
      %dma_wait3A_885 = tpu.memref_squeeze %dma_wait3A_884 : memref<1x64xi32, #tpu.memory_space<vmem>> -> memref<64xi32, #tpu.memory_space<vmem>>
      %dma_wait3A_886 = arith.constant 0 : i32
      %dma_wait3A_887 = arith.constant 0 : i32
      %dma_wait3A_888 = tpu.memref_slice %arg7[%dma_wait3A_886, %dma_wait3A_887] : memref<100000x32xf32, #tpu.memory_space<hbm>> -> memref<100000x32xf32, #tpu.memory_space<hbm>>
      tpu.wait_indirect_dma semaphore(%arg16 : memref<!tpu.dma_semaphore, #tpu.memory_space<semaphore_mem>>) src(%dma_wait3A_888 : memref<100000x32xf32, #tpu.memory_space<hbm>>) dst(%dma_wait3A_882 : memref<64x32xf32, #tpu.memory_space<vmem>>)
      %dma_wait3A_889 = arith.constant 4 : i32
      %dma_wait3A_890 = arith.constant 4 : i32
      %dma_wait3A_891 = arith.constant 64 : i32
      %dma_wait3A_892 = arith.constant 0 : i32
      %dma_wait3A_893 = tpu.memref_slice %arg13[%dma_wait3A_890, %dma_wait3A_891, %dma_wait3A_892] : memref<7x128x32xf32, #tpu.memory_space<vmem>> -> memref<1x64x32xf32, #tpu.memory_space<vmem>>
      %dma_wait3A_894 = tpu.memref_squeeze %dma_wait3A_893 : memref<1x64x32xf32, #tpu.memory_space<vmem>> -> memref<64x32xf32, #tpu.memory_space<vmem>>
      %dma_wait3A_895 = arith.constant 0 : i32
      %dma_wait3A_896 = tpu.memref_slice %arg11[%dma_wait3A_889, %dma_wait3A_895] : memref<7x6400xi32, #tpu.memory_space<vmem>> -> memref<1x64xi32, #tpu.memory_space<vmem>>
      %dma_wait3A_897 = tpu.memref_squeeze %dma_wait3A_896 : memref<1x64xi32, #tpu.memory_space<vmem>> -> memref<64xi32, #tpu.memory_space<vmem>>
      %dma_wait3A_898 = arith.constant 0 : i32
      %dma_wait3A_899 = arith.constant 0 : i32
      %dma_wait3A_900 = tpu.memref_slice %arg7[%dma_wait3A_898, %dma_wait3A_899] : memref<100000x32xf32, #tpu.memory_space<hbm>> -> memref<100000x32xf32, #tpu.memory_space<hbm>>
      tpu.wait_indirect_dma semaphore(%arg16 : memref<!tpu.dma_semaphore, #tpu.memory_space<semaphore_mem>>) src(%dma_wait3A_900 : memref<100000x32xf32, #tpu.memory_space<hbm>>) dst(%dma_wait3A_894 : memref<64x32xf32, #tpu.memory_space<vmem>>)
      %dma_wait3A_901 = arith.constant 5 : i32
      %dma_wait3A_902 = arith.constant 5 : i32
      %dma_wait3A_903 = arith.constant 0 : i32
      %dma_wait3A_904 = arith.constant 0 : i32
      %dma_wait3A_905 = tpu.memref_slice %arg13[%dma_wait3A_902, %dma_wait3A_903, %dma_wait3A_904] : memref<7x128x32xf32, #tpu.memory_space<vmem>> -> memref<1x64x32xf32, #tpu.memory_space<vmem>>
      %dma_wait3A_906 = tpu.memref_squeeze %dma_wait3A_905 : memref<1x64x32xf32, #tpu.memory_space<vmem>> -> memref<64x32xf32, #tpu.memory_space<vmem>>
      %dma_wait3A_907 = arith.constant 0 : i32
      %dma_wait3A_908 = tpu.memref_slice %arg11[%dma_wait3A_901, %dma_wait3A_907] : memref<7x6400xi32, #tpu.memory_space<vmem>> -> memref<1x64xi32, #tpu.memory_space<vmem>>
      %dma_wait3A_909 = tpu.memref_squeeze %dma_wait3A_908 : memref<1x64xi32, #tpu.memory_space<vmem>> -> memref<64xi32, #tpu.memory_space<vmem>>
      %dma_wait3A_910 = arith.constant 0 : i32
      %dma_wait3A_911 = arith.constant 0 : i32
      %dma_wait3A_912 = tpu.memref_slice %arg8[%dma_wait3A_910, %dma_wait3A_911] : memref<100000x32xf32, #tpu.memory_space<hbm>> -> memref<100000x32xf32, #tpu.memory_space<hbm>>
      tpu.wait_indirect_dma semaphore(%arg16 : memref<!tpu.dma_semaphore, #tpu.memory_space<semaphore_mem>>) src(%dma_wait3A_912 : memref<100000x32xf32, #tpu.memory_space<hbm>>) dst(%dma_wait3A_906 : memref<64x32xf32, #tpu.memory_space<vmem>>)
      %dma_wait3A_913 = arith.constant 5 : i32
      %dma_wait3A_914 = arith.constant 5 : i32
      %dma_wait3A_915 = arith.constant 64 : i32
      %dma_wait3A_916 = arith.constant 0 : i32
      %dma_wait3A_917 = tpu.memref_slice %arg13[%dma_wait3A_914, %dma_wait3A_915, %dma_wait3A_916] : memref<7x128x32xf32, #tpu.memory_space<vmem>> -> memref<1x64x32xf32, #tpu.memory_space<vmem>>
      %dma_wait3A_918 = tpu.memref_squeeze %dma_wait3A_917 : memref<1x64x32xf32, #tpu.memory_space<vmem>> -> memref<64x32xf32, #tpu.memory_space<vmem>>
      %dma_wait3A_919 = arith.constant 0 : i32
      %dma_wait3A_920 = tpu.memref_slice %arg11[%dma_wait3A_913, %dma_wait3A_919] : memref<7x6400xi32, #tpu.memory_space<vmem>> -> memref<1x64xi32, #tpu.memory_space<vmem>>
      %dma_wait3A_921 = tpu.memref_squeeze %dma_wait3A_920 : memref<1x64xi32, #tpu.memory_space<vmem>> -> memref<64xi32, #tpu.memory_space<vmem>>
      %dma_wait3A_922 = arith.constant 0 : i32
      %dma_wait3A_923 = arith.constant 0 : i32
      %dma_wait3A_924 = tpu.memref_slice %arg8[%dma_wait3A_922, %dma_wait3A_923] : memref<100000x32xf32, #tpu.memory_space<hbm>> -> memref<100000x32xf32, #tpu.memory_space<hbm>>
      tpu.wait_indirect_dma semaphore(%arg16 : memref<!tpu.dma_semaphore, #tpu.memory_space<semaphore_mem>>) src(%dma_wait3A_924 : memref<100000x32xf32, #tpu.memory_space<hbm>>) dst(%dma_wait3A_918 : memref<64x32xf32, #tpu.memory_space<vmem>>)
      %dma_wait3A_925 = arith.constant 6 : i32
      %dma_wait3A_926 = arith.constant 6 : i32
      %dma_wait3A_927 = arith.constant 0 : i32
      %dma_wait3A_928 = arith.constant 0 : i32
      %dma_wait3A_929 = tpu.memref_slice %arg13[%dma_wait3A_926, %dma_wait3A_927, %dma_wait3A_928] : memref<7x128x32xf32, #tpu.memory_space<vmem>> -> memref<1x64x32xf32, #tpu.memory_space<vmem>>
      %dma_wait3A_930 = tpu.memref_squeeze %dma_wait3A_929 : memref<1x64x32xf32, #tpu.memory_space<vmem>> -> memref<64x32xf32, #tpu.memory_space<vmem>>
      %dma_wait3A_931 = arith.constant 0 : i32
      %dma_wait3A_932 = tpu.memref_slice %arg11[%dma_wait3A_925, %dma_wait3A_931] : memref<7x6400xi32, #tpu.memory_space<vmem>> -> memref<1x64xi32, #tpu.memory_space<vmem>>
      %dma_wait3A_933 = tpu.memref_squeeze %dma_wait3A_932 : memref<1x64xi32, #tpu.memory_space<vmem>> -> memref<64xi32, #tpu.memory_space<vmem>>
      %dma_wait3A_934 = arith.constant 0 : i32
      %dma_wait3A_935 = arith.constant 0 : i32
      %dma_wait3A_936 = tpu.memref_slice %arg9[%dma_wait3A_934, %dma_wait3A_935] : memref<100000x32xf32, #tpu.memory_space<hbm>> -> memref<100000x32xf32, #tpu.memory_space<hbm>>
      tpu.wait_indirect_dma semaphore(%arg16 : memref<!tpu.dma_semaphore, #tpu.memory_space<semaphore_mem>>) src(%dma_wait3A_936 : memref<100000x32xf32, #tpu.memory_space<hbm>>) dst(%dma_wait3A_930 : memref<64x32xf32, #tpu.memory_space<vmem>>)
      %dma_wait3A_937 = arith.constant 6 : i32
      %dma_wait3A_938 = arith.constant 6 : i32
      %dma_wait3A_939 = arith.constant 64 : i32
      %dma_wait3A_940 = arith.constant 0 : i32
      %dma_wait3A_941 = tpu.memref_slice %arg13[%dma_wait3A_938, %dma_wait3A_939, %dma_wait3A_940] : memref<7x128x32xf32, #tpu.memory_space<vmem>> -> memref<1x64x32xf32, #tpu.memory_space<vmem>>
      %dma_wait3A_942 = tpu.memref_squeeze %dma_wait3A_941 : memref<1x64x32xf32, #tpu.memory_space<vmem>> -> memref<64x32xf32, #tpu.memory_space<vmem>>
      %dma_wait3A_943 = arith.constant 0 : i32
      %dma_wait3A_944 = tpu.memref_slice %arg11[%dma_wait3A_937, %dma_wait3A_943] : memref<7x6400xi32, #tpu.memory_space<vmem>> -> memref<1x64xi32, #tpu.memory_space<vmem>>
      %dma_wait3A_945 = tpu.memref_squeeze %dma_wait3A_944 : memref<1x64xi32, #tpu.memory_space<vmem>> -> memref<64xi32, #tpu.memory_space<vmem>>
      %dma_wait3A_946 = arith.constant 0 : i32
      %dma_wait3A_947 = arith.constant 0 : i32
      %dma_wait3A_948 = tpu.memref_slice %arg9[%dma_wait3A_946, %dma_wait3A_947] : memref<100000x32xf32, #tpu.memory_space<hbm>> -> memref<100000x32xf32, #tpu.memory_space<hbm>>
      tpu.wait_indirect_dma semaphore(%arg16 : memref<!tpu.dma_semaphore, #tpu.memory_space<semaphore_mem>>) src(%dma_wait3A_948 : memref<100000x32xf32, #tpu.memory_space<hbm>>) dst(%dma_wait3A_942 : memref<64x32xf32, #tpu.memory_space<vmem>>)
      %dma_wait3A_949 = arith.constant 0 : i32
      %dma_wait3A_950 = arith.constant 0 : i32
      %dma_wait3A_951 = tpu.memref_slice %arg10[%dma_wait3A_949, %dma_wait3A_950] : memref<204800x224xf32, #tpu.memory_space<hbm>> -> memref<128x224xf32, #tpu.memory_space<hbm>>
      %dma_wait3A_952 = arith.constant 0 : i32
      %dma_wait3A_953 = arith.constant 0 : i32
      %dma_wait3A_954 = tpu.memref_slice %arg10[%dma_wait3A_952, %dma_wait3A_953] : memref<204800x224xf32, #tpu.memory_space<hbm>> -> memref<128x224xf32, #tpu.memory_space<hbm>>
      tpu.wait_dma2 semaphore(%arg17 : memref<!tpu.dma_semaphore, #tpu.memory_space<semaphore_mem>>) src(%arg14 : memref<128x224xf32, #tpu.memory_space<vmem>>) dst(%dma_wait3A_954 : memref<128x224xf32, #tpu.memory_space<hbm>>)
      %scan3A_955 = arith.constant 0 : i32
      %scan3A_956 = arith.constant 128 : i32
      %scan3A_957 = arith.addi %scan3A_955, %scan3A_956 : i32
      %scan3A_958 = arith.constant 2 : i32
      scf.for %scan3A_1325 = %scan3A_955 to %scan3A_957 step %scan3A_958  : i32 {
        %mul3A_1326 = arith.constant 1 : i32
        %mul3A_1327 = arith.muli %scan3A_1325, %mul3A_1326 : i32
        %add3A_1328 = arith.constant 0 : i32
        %add3A_1329 = arith.addi %add3A_1328, %mul3A_1327 : i32
        %get3A = arith.constant 0 : i32
        %get3A_1330 = arith.index_cast %get3A : i32 to index
        %get3A_1331 = arith.index_cast %add3A_1329 : i32 to index
        %get3A_1332 = arith.constant 0 : index
        %get3A_1333 = tpu.vector_load %arg13[%get3A_1330, %get3A_1331, %get3A_1332] {strides = array<i32>} : memref<7x128x32xf32, #tpu.memory_space<vmem>>, vector<1x1x16xf32>,
        %get3A_1334 = vector.shape_cast %get3A_1333 : vector<1x1x16xf32> to vector<16xf32>
        %mul3A_1335 = arith.constant 5.65685415 : f32
        %mul3A_1336 = vector.broadcast %mul3A_1335 : f32 to vector<16xf32>
        %mul3A_1337 = arith.mulf %get3A_1334, %mul3A_1336 : vector<16xf32>
        %swap3A = arith.index_cast %add3A_1329 : i32 to index
        %swap3A_1338 = arith.constant 0 : index
        %swap3A_1339 = tpu.vector_load %arg14[%swap3A, %swap3A_1338] {strides = array<i32>} : memref<128x224xf32, #tpu.memory_space<vmem>>, vector<1x16xf32>,
        %swap3A_1340 = vector.shape_cast %swap3A_1339 : vector<1x16xf32> to vector<16xf32>
        %swap3A_1341 = vector.shape_cast %mul3A_1337 : vector<16xf32> to vector<1x16xf32>
        tpu.vector_store %arg14[%swap3A, %swap3A_1338], %swap3A_1341 {strides = array<i32>} : memref<128x224xf32, #tpu.memory_space<vmem>>, vector<1x16xf32>,
        %get3A_1342 = arith.constant 0 : i32
        %get3A_1343 = arith.index_cast %get3A_1342 : i32 to index
        %get3A_1344 = arith.index_cast %add3A_1329 : i32 to index
        %get3A_1345 = arith.constant 16 : index
        %get3A_1346 = tpu.vector_load %arg13[%get3A_1343, %get3A_1344, %get3A_1345] {strides = array<i32>} : memref<7x128x32xf32, #tpu.memory_space<vmem>>, vector<1x1x16xf32>,
        %get3A_1347 = vector.shape_cast %get3A_1346 : vector<1x1x16xf32> to vector<16xf32>
        %mul3A_1348 = arith.constant 5.65685415 : f32
        %mul3A_1349 = vector.broadcast %mul3A_1348 : f32 to vector<16xf32>
        %mul3A_1350 = arith.mulf %get3A_1347, %mul3A_1349 : vector<16xf32>
        %swap3A_1351 = arith.index_cast %add3A_1329 : i32 to index
        %swap3A_1352 = arith.constant 16 : index
        %swap3A_1353 = tpu.vector_load %arg14[%swap3A_1351, %swap3A_1352] {strides = array<i32>} : memref<128x224xf32, #tpu.memory_space<vmem>>, vector<1x16xf32>,
        %swap3A_1354 = vector.shape_cast %swap3A_1353 : vector<1x16xf32> to vector<16xf32>
        %swap3A_1355 = vector.shape_cast %mul3A_1350 : vector<16xf32> to vector<1x16xf32>
        tpu.vector_store %arg14[%swap3A_1351, %swap3A_1352], %swap3A_1355 {strides = array<i32>} : memref<128x224xf32, #tpu.memory_space<vmem>>, vector<1x16xf32>,
        %get3A_1356 = arith.constant 1 : i32
        %get3A_1357 = arith.index_cast %get3A_1356 : i32 to index
        %get3A_1358 = arith.index_cast %add3A_1329 : i32 to index
        %get3A_1359 = arith.constant 0 : index
        %get3A_1360 = tpu.vector_load %arg13[%get3A_1357, %get3A_1358, %get3A_1359] {strides = array<i32>} : memref<7x128x32xf32, #tpu.memory_space<vmem>>, vector<1x1x16xf32>,
        %get3A_1361 = vector.shape_cast %get3A_1360 : vector<1x1x16xf32> to vector<16xf32>
        %mul3A_1362 = arith.constant 5.65685415 : f32
        %mul3A_1363 = vector.broadcast %mul3A_1362 : f32 to vector<16xf32>
        %mul3A_1364 = arith.mulf %get3A_1361, %mul3A_1363 : vector<16xf32>
        %swap3A_1365 = arith.index_cast %add3A_1329 : i32 to index
        %swap3A_1366 = arith.constant 32 : index
        %swap3A_1367 = tpu.vector_load %arg14[%swap3A_1365, %swap3A_1366] {strides = array<i32>} : memref<128x224xf32, #tpu.memory_space<vmem>>, vector<1x16xf32>,
        %swap3A_1368 = vector.shape_cast %swap3A_1367 : vector<1x16xf32> to vector<16xf32>
        %swap3A_1369 = vector.shape_cast %mul3A_1364 : vector<16xf32> to vector<1x16xf32>
        tpu.vector_store %arg14[%swap3A_1365, %swap3A_1366], %swap3A_1369 {strides = array<i32>} : memref<128x224xf32, #tpu.memory_space<vmem>>, vector<1x16xf32>,
        %get3A_1370 = arith.constant 1 : i32
        %get3A_1371 = arith.index_cast %get3A_1370 : i32 to index
        %get3A_1372 = arith.index_cast %add3A_1329 : i32 to index
        %get3A_1373 = arith.constant 16 : index
        %get3A_1374 = tpu.vector_load %arg13[%get3A_1371, %get3A_1372, %get3A_1373] {strides = array<i32>} : memref<7x128x32xf32, #tpu.memory_space<vmem>>, vector<1x1x16xf32>,
        %get3A_1375 = vector.shape_cast %get3A_1374 : vector<1x1x16xf32> to vector<16xf32>
        %mul3A_1376 = arith.constant 5.65685415 : f32
        %mul3A_1377 = vector.broadcast %mul3A_1376 : f32 to vector<16xf32>
        %mul3A_1378 = arith.mulf %get3A_1375, %mul3A_1377 : vector<16xf32>
        %swap3A_1379 = arith.index_cast %add3A_1329 : i32 to index
        %swap3A_1380 = arith.constant 48 : index
        %swap3A_1381 = tpu.vector_load %arg14[%swap3A_1379, %swap3A_1380] {strides = array<i32>} : memref<128x224xf32, #tpu.memory_space<vmem>>, vector<1x16xf32>,
        %swap3A_1382 = vector.shape_cast %swap3A_1381 : vector<1x16xf32> to vector<16xf32>
        %swap3A_1383 = vector.shape_cast %mul3A_1378 : vector<16xf32> to vector<1x16xf32>
        tpu.vector_store %arg14[%swap3A_1379, %swap3A_1380], %swap3A_1383 {strides = array<i32>} : memref<128x224xf32, #tpu.memory_space<vmem>>, vector<1x16xf32>,
        %get3A_1384 = arith.constant 2 : i32
        %get3A_1385 = arith.index_cast %get3A_1384 : i32 to index
        %get3A_1386 = arith.index_cast %add3A_1329 : i32 to index
        %get3A_1387 = arith.constant 0 : index
        %get3A_1388 = tpu.vector_load %arg13[%get3A_1385, %get3A_1386, %get3A_1387] {strides = array<i32>} : memref<7x128x32xf32, #tpu.memory_space<vmem>>, vector<1x1x16xf32>,
        %get3A_1389 = vector.shape_cast %get3A_1388 : vector<1x1x16xf32> to vector<16xf32>
        %mul3A_1390 = arith.constant 5.65685415 : f32
        %mul3A_1391 = vector.broadcast %mul3A_1390 : f32 to vector<16xf32>
        %mul3A_1392 = arith.mulf %get3A_1389, %mul3A_1391 : vector<16xf32>
        %swap3A_1393 = arith.index_cast %add3A_1329 : i32 to index
        %swap3A_1394 = arith.constant 64 : index
        %swap3A_1395 = tpu.vector_load %arg14[%swap3A_1393, %swap3A_1394] {strides = array<i32>} : memref<128x224xf32, #tpu.memory_space<vmem>>, vector<1x16xf32>,
        %swap3A_1396 = vector.shape_cast %swap3A_1395 : vector<1x16xf32> to vector<16xf32>
        %swap3A_1397 = vector.shape_cast %mul3A_1392 : vector<16xf32> to vector<1x16xf32>
        tpu.vector_store %arg14[%swap3A_1393, %swap3A_1394], %swap3A_1397 {strides = array<i32>} : memref<128x224xf32, #tpu.memory_space<vmem>>, vector<1x16xf32>,
        %get3A_1398 = arith.constant 2 : i32
        %get3A_1399 = arith.index_cast %get3A_1398 : i32 to index
        %get3A_1400 = arith.index_cast %add3A_1329 : i32 to index
        %get3A_1401 = arith.constant 16 : index
        %get3A_1402 = tpu.vector_load %arg13[%get3A_1399, %get3A_1400, %get3A_1401] {strides = array<i32>} : memref<7x128x32xf32, #tpu.memory_space<vmem>>, vector<1x1x16xf32>,
        %get3A_1403 = vector.shape_cast %get3A_1402 : vector<1x1x16xf32> to vector<16xf32>
        %mul3A_1404 = arith.constant 5.65685415 : f32
        %mul3A_1405 = vector.broadcast %mul3A_1404 : f32 to vector<16xf32>
        %mul3A_1406 = arith.mulf %get3A_1403, %mul3A_1405 : vector<16xf32>
        %swap3A_1407 = arith.index_cast %add3A_1329 : i32 to index
        %swap3A_1408 = arith.constant 80 : index
        %swap3A_1409 = tpu.vector_load %arg14[%swap3A_1407, %swap3A_1408] {strides = array<i32>} : memref<128x224xf32, #tpu.memory_space<vmem>>, vector<1x16xf32>,
        %swap3A_1410 = vector.shape_cast %swap3A_1409 : vector<1x16xf32> to vector<16xf32>
        %swap3A_1411 = vector.shape_cast %mul3A_1406 : vector<16xf32> to vector<1x16xf32>
        tpu.vector_store %arg14[%swap3A_1407, %swap3A_1408], %swap3A_1411 {strides = array<i32>} : memref<128x224xf32, #tpu.memory_space<vmem>>, vector<1x16xf32>,
        %get3A_1412 = arith.constant 3 : i32
        %get3A_1413 = arith.index_cast %get3A_1412 : i32 to index
        %get3A_1414 = arith.index_cast %add3A_1329 : i32 to index
        %get3A_1415 = arith.constant 0 : index
        %get3A_1416 = tpu.vector_load %arg13[%get3A_1413, %get3A_1414, %get3A_1415] {strides = array<i32>} : memref<7x128x32xf32, #tpu.memory_space<vmem>>, vector<1x1x16xf32>,
        %get3A_1417 = vector.shape_cast %get3A_1416 : vector<1x1x16xf32> to vector<16xf32>
        %mul3A_1418 = arith.constant 5.65685415 : f32
        %mul3A_1419 = vector.broadcast %mul3A_1418 : f32 to vector<16xf32>
        %mul3A_1420 = arith.mulf %get3A_1417, %mul3A_1419 : vector<16xf32>
        %swap3A_1421 = arith.index_cast %add3A_1329 : i32 to index
        %swap3A_1422 = arith.constant 96 : index
        %swap3A_1423 = tpu.vector_load %arg14[%swap3A_1421, %swap3A_1422] {strides = array<i32>} : memref<128x224xf32, #tpu.memory_space<vmem>>, vector<1x16xf32>,
        %swap3A_1424 = vector.shape_cast %swap3A_1423 : vector<1x16xf32> to vector<16xf32>
        %swap3A_1425 = vector.shape_cast %mul3A_1420 : vector<16xf32> to vector<1x16xf32>
        tpu.vector_store %arg14[%swap3A_1421, %swap3A_1422], %swap3A_1425 {strides = array<i32>} : memref<128x224xf32, #tpu.memory_space<vmem>>, vector<1x16xf32>,
        %get3A_1426 = arith.constant 3 : i32
        %get3A_1427 = arith.index_cast %get3A_1426 : i32 to index
        %get3A_1428 = arith.index_cast %add3A_1329 : i32 to index
        %get3A_1429 = arith.constant 16 : index
        %get3A_1430 = tpu.vector_load %arg13[%get3A_1427, %get3A_1428, %get3A_1429] {strides = array<i32>} : memref<7x128x32xf32, #tpu.memory_space<vmem>>, vector<1x1x16xf32>,
        %get3A_1431 = vector.shape_cast %get3A_1430 : vector<1x1x16xf32> to vector<16xf32>
        %mul3A_1432 = arith.constant 5.65685415 : f32
        %mul3A_1433 = vector.broadcast %mul3A_1432 : f32 to vector<16xf32>
        %mul3A_1434 = arith.mulf %get3A_1431, %mul3A_1433 : vector<16xf32>
        %swap3A_1435 = arith.index_cast %add3A_1329 : i32 to index
        %swap3A_1436 = arith.constant 112 : index
        %swap3A_1437 = tpu.vector_load %arg14[%swap3A_1435, %swap3A_1436] {strides = array<i32>} : memref<128x224xf32, #tpu.memory_space<vmem>>, vector<1x16xf32>,
        %swap3A_1438 = vector.shape_cast %swap3A_1437 : vector<1x16xf32> to vector<16xf32>
        %swap3A_1439 = vector.shape_cast %mul3A_1434 : vector<16xf32> to vector<1x16xf32>
        tpu.vector_store %arg14[%swap3A_1435, %swap3A_1436], %swap3A_1439 {strides = array<i32>} : memref<128x224xf32, #tpu.memory_space<vmem>>, vector<1x16xf32>,
        %get3A_1440 = arith.constant 4 : i32
        %get3A_1441 = arith.index_cast %get3A_1440 : i32 to index
        %get3A_1442 = arith.index_cast %add3A_1329 : i32 to index
        %get3A_1443 = arith.constant 0 : index
        %get3A_1444 = tpu.vector_load %arg13[%get3A_1441, %get3A_1442, %get3A_1443] {strides = array<i32>} : memref<7x128x32xf32, #tpu.memory_space<vmem>>, vector<1x1x16xf32>,
        %get3A_1445 = vector.shape_cast %get3A_1444 : vector<1x1x16xf32> to vector<16xf32>
        %mul3A_1446 = arith.constant 5.65685415 : f32
        %mul3A_1447 = vector.broadcast %mul3A_1446 : f32 to vector<16xf32>
        %mul3A_1448 = arith.mulf %get3A_1445, %mul3A_1447 : vector<16xf32>
        %swap3A_1449 = arith.index_cast %add3A_1329 : i32 to index
        %swap3A_1450 = arith.constant 128 : index
        %swap3A_1451 = tpu.vector_load %arg14[%swap3A_1449, %swap3A_1450] {strides = array<i32>} : memref<128x224xf32, #tpu.memory_space<vmem>>, vector<1x16xf32>,
        %swap3A_1452 = vector.shape_cast %swap3A_1451 : vector<1x16xf32> to vector<16xf32>
        %swap3A_1453 = vector.shape_cast %mul3A_1448 : vector<16xf32> to vector<1x16xf32>
        tpu.vector_store %arg14[%swap3A_1449, %swap3A_1450], %swap3A_1453 {strides = array<i32>} : memref<128x224xf32, #tpu.memory_space<vmem>>, vector<1x16xf32>,
        %get3A_1454 = arith.constant 4 : i32
        %get3A_1455 = arith.index_cast %get3A_1454 : i32 to index
        %get3A_1456 = arith.index_cast %add3A_1329 : i32 to index
        %get3A_1457 = arith.constant 16 : index
        %get3A_1458 = tpu.vector_load %arg13[%get3A_1455, %get3A_1456, %get3A_1457] {strides = array<i32>} : memref<7x128x32xf32, #tpu.memory_space<vmem>>, vector<1x1x16xf32>,
        %get3A_1459 = vector.shape_cast %get3A_1458 : vector<1x1x16xf32> to vector<16xf32>
        %mul3A_1460 = arith.constant 5.65685415 : f32
        %mul3A_1461 = vector.broadcast %mul3A_1460 : f32 to vector<16xf32>
        %mul3A_1462 = arith.mulf %get3A_1459, %mul3A_1461 : vector<16xf32>
        %swap3A_1463 = arith.index_cast %add3A_1329 : i32 to index
        %swap3A_1464 = arith.constant 144 : index
        %swap3A_1465 = tpu.vector_load %arg14[%swap3A_1463, %swap3A_1464] {strides = array<i32>} : memref<128x224xf32, #tpu.memory_space<vmem>>, vector<1x16xf32>,
        %swap3A_1466 = vector.shape_cast %swap3A_1465 : vector<1x16xf32> to vector<16xf32>
        %swap3A_1467 = vector.shape_cast %mul3A_1462 : vector<16xf32> to vector<1x16xf32>
        tpu.vector_store %arg14[%swap3A_1463, %swap3A_1464], %swap3A_1467 {strides = array<i32>} : memref<128x224xf32, #tpu.memory_space<vmem>>, vector<1x16xf32>,
        %get3A_1468 = arith.constant 5 : i32
        %get3A_1469 = arith.index_cast %get3A_1468 : i32 to index
        %get3A_1470 = arith.index_cast %add3A_1329 : i32 to index
        %get3A_1471 = arith.constant 0 : index
        %get3A_1472 = tpu.vector_load %arg13[%get3A_1469, %get3A_1470, %get3A_1471] {strides = array<i32>} : memref<7x128x32xf32, #tpu.memory_space<vmem>>, vector<1x1x16xf32>,
        %get3A_1473 = vector.shape_cast %get3A_1472 : vector<1x1x16xf32> to vector<16xf32>
        %mul3A_1474 = arith.constant 5.65685415 : f32
        %mul3A_1475 = vector.broadcast %mul3A_1474 : f32 to vector<16xf32>
        %mul3A_1476 = arith.mulf %get3A_1473, %mul3A_1475 : vector<16xf32>
        %swap3A_1477 = arith.index_cast %add3A_1329 : i32 to index
        %swap3A_1478 = arith.constant 160 : index
        %swap3A_1479 = tpu.vector_load %arg14[%swap3A_1477, %swap3A_1478] {strides = array<i32>} : memref<128x224xf32, #tpu.memory_space<vmem>>, vector<1x16xf32>,
        %swap3A_1480 = vector.shape_cast %swap3A_1479 : vector<1x16xf32> to vector<16xf32>
        %swap3A_1481 = vector.shape_cast %mul3A_1476 : vector<16xf32> to vector<1x16xf32>
        tpu.vector_store %arg14[%swap3A_1477, %swap3A_1478], %swap3A_1481 {strides = array<i32>} : memref<128x224xf32, #tpu.memory_space<vmem>>, vector<1x16xf32>,
        %get3A_1482 = arith.constant 5 : i32
        %get3A_1483 = arith.index_cast %get3A_1482 : i32 to index
        %get3A_1484 = arith.index_cast %add3A_1329 : i32 to index
        %get3A_1485 = arith.constant 16 : index
        %get3A_1486 = tpu.vector_load %arg13[%get3A_1483, %get3A_1484, %get3A_1485] {strides = array<i32>} : memref<7x128x32xf32, #tpu.memory_space<vmem>>, vector<1x1x16xf32>,
        %get3A_1487 = vector.shape_cast %get3A_1486 : vector<1x1x16xf32> to vector<16xf32>
        %mul3A_1488 = arith.constant 5.65685415 : f32
        %mul3A_1489 = vector.broadcast %mul3A_1488 : f32 to vector<16xf32>
        %mul3A_1490 = arith.mulf %get3A_1487, %mul3A_1489 : vector<16xf32>
        %swap3A_1491 = arith.index_cast %add3A_1329 : i32 to index
        %swap3A_1492 = arith.constant 176 : index
        %swap3A_1493 = tpu.vector_load %arg14[%swap3A_1491, %swap3A_1492] {strides = array<i32>} : memref<128x224xf32, #tpu.memory_space<vmem>>, vector<1x16xf32>,
        %swap3A_1494 = vector.shape_cast %swap3A_1493 : vector<1x16xf32> to vector<16xf32>
        %swap3A_1495 = vector.shape_cast %mul3A_1490 : vector<16xf32> to vector<1x16xf32>
        tpu.vector_store %arg14[%swap3A_1491, %swap3A_1492], %swap3A_1495 {strides = array<i32>} : memref<128x224xf32, #tpu.memory_space<vmem>>, vector<1x16xf32>,
        %get3A_1496 = arith.constant 6 : i32
        %get3A_1497 = arith.index_cast %get3A_1496 : i32 to index
        %get3A_1498 = arith.index_cast %add3A_1329 : i32 to index
        %get3A_1499 = arith.constant 0 : index
        %get3A_1500 = tpu.vector_load %arg13[%get3A_1497, %get3A_1498, %get3A_1499] {strides = array<i32>} : memref<7x128x32xf32, #tpu.memory_space<vmem>>, vector<1x1x16xf32>,
        %get3A_1501 = vector.shape_cast %get3A_1500 : vector<1x1x16xf32> to vector<16xf32>
        %mul3A_1502 = arith.constant 5.65685415 : f32
        %mul3A_1503 = vector.broadcast %mul3A_1502 : f32 to vector<16xf32>
        %mul3A_1504 = arith.mulf %get3A_1501, %mul3A_1503 : vector<16xf32>
        %swap3A_1505 = arith.index_cast %add3A_1329 : i32 to index
        %swap3A_1506 = arith.constant 192 : index
        %swap3A_1507 = tpu.vector_load %arg14[%swap3A_1505, %swap3A_1506] {strides = array<i32>} : memref<128x224xf32, #tpu.memory_space<vmem>>, vector<1x16xf32>,
        %swap3A_1508 = vector.shape_cast %swap3A_1507 : vector<1x16xf32> to vector<16xf32>
        %swap3A_1509 = vector.shape_cast %mul3A_1504 : vector<16xf32> to vector<1x16xf32>
        tpu.vector_store %arg14[%swap3A_1505, %swap3A_1506], %swap3A_1509 {strides = array<i32>} : memref<128x224xf32, #tpu.memory_space<vmem>>, vector<1x16xf32>,
        %get3A_1510 = arith.constant 6 : i32
        %get3A_1511 = arith.index_cast %get3A_1510 : i32 to index
        %get3A_1512 = arith.index_cast %add3A_1329 : i32 to index
        %get3A_1513 = arith.constant 16 : index
        %get3A_1514 = tpu.vector_load %arg13[%get3A_1511, %get3A_1512, %get3A_1513] {strides = array<i32>} : memref<7x128x32xf32, #tpu.memory_space<vmem>>, vector<1x1x16xf32>,
        %get3A_1515 = vector.shape_cast %get3A_1514 : vector<1x1x16xf32> to vector<16xf32>
        %mul3A_1516 = arith.constant 5.65685415 : f32
        %mul3A_1517 = vector.broadcast %mul3A_1516 : f32 to vector<16xf32>
        %mul3A_1518 = arith.mulf %get3A_1515, %mul3A_1517 : vector<16xf32>
        %swap3A_1519 = arith.index_cast %add3A_1329 : i32 to index
        %swap3A_1520 = arith.constant 208 : index
        %swap3A_1521 = tpu.vector_load %arg14[%swap3A_1519, %swap3A_1520] {strides = array<i32>} : memref<128x224xf32, #tpu.memory_space<vmem>>, vector<1x16xf32>,
        %swap3A_1522 = vector.shape_cast %swap3A_1521 : vector<1x16xf32> to vector<16xf32>
        %swap3A_1523 = vector.shape_cast %mul3A_1518 : vector<16xf32> to vector<1x16xf32>
        tpu.vector_store %arg14[%swap3A_1519, %swap3A_1520], %swap3A_1523 {strides = array<i32>} : memref<128x224xf32, #tpu.memory_space<vmem>>, vector<1x16xf32>,
        %scan3A_1524 = arith.constant 1 : i32
        %scan3A_1525 = arith.addi %scan3A_1325, %scan3A_1524 : i32
        %mul3A_1526 = arith.constant 1 : i32
        %mul3A_1527 = arith.muli %scan3A_1525, %mul3A_1526 : i32
        %add3A_1528 = arith.constant 0 : i32
        %add3A_1529 = arith.addi %add3A_1528, %mul3A_1527 : i32
        %get3A_1530 = arith.constant 0 : i32
        %get3A_1531 = arith.index_cast %get3A_1530 : i32 to index
        %get3A_1532 = arith.index_cast %add3A_1529 : i32 to index
        %get3A_1533 = arith.constant 0 : index
        %get3A_1534 = tpu.vector_load %arg13[%get3A_1531, %get3A_1532, %get3A_1533] {strides = array<i32>} : memref<7x128x32xf32, #tpu.memory_space<vmem>>, vector<1x1x16xf32>,
        %get3A_1535 = vector.shape_cast %get3A_1534 : vector<1x1x16xf32> to vector<16xf32>
        %mul3A_1536 = arith.constant 5.65685415 : f32
        %mul3A_1537 = vector.broadcast %mul3A_1536 : f32 to vector<16xf32>
        %mul3A_1538 = arith.mulf %get3A_1535, %mul3A_1537 : vector<16xf32>
        %swap3A_1539 = arith.index_cast %add3A_1529 : i32 to index
        %swap3A_1540 = arith.constant 0 : index
        %swap3A_1541 = tpu.vector_load %arg14[%swap3A_1539, %swap3A_1540] {strides = array<i32>} : memref<128x224xf32, #tpu.memory_space<vmem>>, vector<1x16xf32>,
        %swap3A_1542 = vector.shape_cast %swap3A_1541 : vector<1x16xf32> to vector<16xf32>
        %swap3A_1543 = vector.shape_cast %mul3A_1538 : vector<16xf32> to vector<1x16xf32>
        tpu.vector_store %arg14[%swap3A_1539, %swap3A_1540], %swap3A_1543 {strides = array<i32>} : memref<128x224xf32, #tpu.memory_space<vmem>>, vector<1x16xf32>,
        %get3A_1544 = arith.constant 0 : i32
        %get3A_1545 = arith.index_cast %get3A_1544 : i32 to index
        %get3A_1546 = arith.index_cast %add3A_1529 : i32 to index
        %get3A_1547 = arith.constant 16 : index
        %get3A_1548 = tpu.vector_load %arg13[%get3A_1545, %get3A_1546, %get3A_1547] {strides = array<i32>} : memref<7x128x32xf32, #tpu.memory_space<vmem>>, vector<1x1x16xf32>,
        %get3A_1549 = vector.shape_cast %get3A_1548 : vector<1x1x16xf32> to vector<16xf32>
        %mul3A_1550 = arith.constant 5.65685415 : f32
        %mul3A_1551 = vector.broadcast %mul3A_1550 : f32 to vector<16xf32>
        %mul3A_1552 = arith.mulf %get3A_1549, %mul3A_1551 : vector<16xf32>
        %swap3A_1553 = arith.index_cast %add3A_1529 : i32 to index
        %swap3A_1554 = arith.constant 16 : index
        %swap3A_1555 = tpu.vector_load %arg14[%swap3A_1553, %swap3A_1554] {strides = array<i32>} : memref<128x224xf32, #tpu.memory_space<vmem>>, vector<1x16xf32>,
        %swap3A_1556 = vector.shape_cast %swap3A_1555 : vector<1x16xf32> to vector<16xf32>
        %swap3A_1557 = vector.shape_cast %mul3A_1552 : vector<16xf32> to vector<1x16xf32>
        tpu.vector_store %arg14[%swap3A_1553, %swap3A_1554], %swap3A_1557 {strides = array<i32>} : memref<128x224xf32, #tpu.memory_space<vmem>>, vector<1x16xf32>,
        %get3A_1558 = arith.constant 1 : i32
        %get3A_1559 = arith.index_cast %get3A_1558 : i32 to index
        %get3A_1560 = arith.index_cast %add3A_1529 : i32 to index
        %get3A_1561 = arith.constant 0 : index
        %get3A_1562 = tpu.vector_load %arg13[%get3A_1559, %get3A_1560, %get3A_1561] {strides = array<i32>} : memref<7x128x32xf32, #tpu.memory_space<vmem>>, vector<1x1x16xf32>,
        %get3A_1563 = vector.shape_cast %get3A_1562 : vector<1x1x16xf32> to vector<16xf32>
        %mul3A_1564 = arith.constant 5.65685415 : f32
        %mul3A_1565 = vector.broadcast %mul3A_1564 : f32 to vector<16xf32>
        %mul3A_1566 = arith.mulf %get3A_1563, %mul3A_1565 : vector<16xf32>
        %swap3A_1567 = arith.index_cast %add3A_1529 : i32 to index
        %swap3A_1568 = arith.constant 32 : index
        %swap3A_1569 = tpu.vector_load %arg14[%swap3A_1567, %swap3A_1568] {strides = array<i32>} : memref<128x224xf32, #tpu.memory_space<vmem>>, vector<1x16xf32>,
        %swap3A_1570 = vector.shape_cast %swap3A_1569 : vector<1x16xf32> to vector<16xf32>
        %swap3A_1571 = vector.shape_cast %mul3A_1566 : vector<16xf32> to vector<1x16xf32>
        tpu.vector_store %arg14[%swap3A_1567, %swap3A_1568], %swap3A_1571 {strides = array<i32>} : memref<128x224xf32, #tpu.memory_space<vmem>>, vector<1x16xf32>,
        %get3A_1572 = arith.constant 1 : i32
        %get3A_1573 = arith.index_cast %get3A_1572 : i32 to index
        %get3A_1574 = arith.index_cast %add3A_1529 : i32 to index
        %get3A_1575 = arith.constant 16 : index
        %get3A_1576 = tpu.vector_load %arg13[%get3A_1573, %get3A_1574, %get3A_1575] {strides = array<i32>} : memref<7x128x32xf32, #tpu.memory_space<vmem>>, vector<1x1x16xf32>,
        %get3A_1577 = vector.shape_cast %get3A_1576 : vector<1x1x16xf32> to vector<16xf32>
        %mul3A_1578 = arith.constant 5.65685415 : f32
        %mul3A_1579 = vector.broadcast %mul3A_1578 : f32 to vector<16xf32>
        %mul3A_1580 = arith.mulf %get3A_1577, %mul3A_1579 : vector<16xf32>
        %swap3A_1581 = arith.index_cast %add3A_1529 : i32 to index
        %swap3A_1582 = arith.constant 48 : index
        %swap3A_1583 = tpu.vector_load %arg14[%swap3A_1581, %swap3A_1582] {strides = array<i32>} : memref<128x224xf32, #tpu.memory_space<vmem>>, vector<1x16xf32>,
        %swap3A_1584 = vector.shape_cast %swap3A_1583 : vector<1x16xf32> to vector<16xf32>
        %swap3A_1585 = vector.shape_cast %mul3A_1580 : vector<16xf32> to vector<1x16xf32>
        tpu.vector_store %arg14[%swap3A_1581, %swap3A_1582], %swap3A_1585 {strides = array<i32>} : memref<128x224xf32, #tpu.memory_space<vmem>>, vector<1x16xf32>,
        %get3A_1586 = arith.constant 2 : i32
        %get3A_1587 = arith.index_cast %get3A_1586 : i32 to index
        %get3A_1588 = arith.index_cast %add3A_1529 : i32 to index
        %get3A_1589 = arith.constant 0 : index
        %get3A_1590 = tpu.vector_load %arg13[%get3A_1587, %get3A_1588, %get3A_1589] {strides = array<i32>} : memref<7x128x32xf32, #tpu.memory_space<vmem>>, vector<1x1x16xf32>,
        %get3A_1591 = vector.shape_cast %get3A_1590 : vector<1x1x16xf32> to vector<16xf32>
        %mul3A_1592 = arith.constant 5.65685415 : f32
        %mul3A_1593 = vector.broadcast %mul3A_1592 : f32 to vector<16xf32>
        %mul3A_1594 = arith.mulf %get3A_1591, %mul3A_1593 : vector<16xf32>
        %swap3A_1595 = arith.index_cast %add3A_1529 : i32 to index
        %swap3A_1596 = arith.constant 64 : index
        %swap3A_1597 = tpu.vector_load %arg14[%swap3A_1595, %swap3A_1596] {strides = array<i32>} : memref<128x224xf32, #tpu.memory_space<vmem>>, vector<1x16xf32>,
        %swap3A_1598 = vector.shape_cast %swap3A_1597 : vector<1x16xf32> to vector<16xf32>
        %swap3A_1599 = vector.shape_cast %mul3A_1594 : vector<16xf32> to vector<1x16xf32>
        tpu.vector_store %arg14[%swap3A_1595, %swap3A_1596], %swap3A_1599 {strides = array<i32>} : memref<128x224xf32, #tpu.memory_space<vmem>>, vector<1x16xf32>,
        %get3A_1600 = arith.constant 2 : i32
        %get3A_1601 = arith.index_cast %get3A_1600 : i32 to index
        %get3A_1602 = arith.index_cast %add3A_1529 : i32 to index
        %get3A_1603 = arith.constant 16 : index
        %get3A_1604 = tpu.vector_load %arg13[%get3A_1601, %get3A_1602, %get3A_1603] {strides = array<i32>} : memref<7x128x32xf32, #tpu.memory_space<vmem>>, vector<1x1x16xf32>,
        %get3A_1605 = vector.shape_cast %get3A_1604 : vector<1x1x16xf32> to vector<16xf32>
        %mul3A_1606 = arith.constant 5.65685415 : f32
        %mul3A_1607 = vector.broadcast %mul3A_1606 : f32 to vector<16xf32>
        %mul3A_1608 = arith.mulf %get3A_1605, %mul3A_1607 : vector<16xf32>
        %swap3A_1609 = arith.index_cast %add3A_1529 : i32 to index
        %swap3A_1610 = arith.constant 80 : index
        %swap3A_1611 = tpu.vector_load %arg14[%swap3A_1609, %swap3A_1610] {strides = array<i32>} : memref<128x224xf32, #tpu.memory_space<vmem>>, vector<1x16xf32>,
        %swap3A_1612 = vector.shape_cast %swap3A_1611 : vector<1x16xf32> to vector<16xf32>
        %swap3A_1613 = vector.shape_cast %mul3A_1608 : vector<16xf32> to vector<1x16xf32>
        tpu.vector_store %arg14[%swap3A_1609, %swap3A_1610], %swap3A_1613 {strides = array<i32>} : memref<128x224xf32, #tpu.memory_space<vmem>>, vector<1x16xf32>,
        %get3A_1614 = arith.constant 3 : i32
        %get3A_1615 = arith.index_cast %get3A_1614 : i32 to index
        %get3A_1616 = arith.index_cast %add3A_1529 : i32 to index
        %get3A_1617 = arith.constant 0 : index
        %get3A_1618 = tpu.vector_load %arg13[%get3A_1615, %get3A_1616, %get3A_1617] {strides = array<i32>} : memref<7x128x32xf32, #tpu.memory_space<vmem>>, vector<1x1x16xf32>,
        %get3A_1619 = vector.shape_cast %get3A_1618 : vector<1x1x16xf32> to vector<16xf32>
        %mul3A_1620 = arith.constant 5.65685415 : f32
        %mul3A_1621 = vector.broadcast %mul3A_1620 : f32 to vector<16xf32>
        %mul3A_1622 = arith.mulf %get3A_1619, %mul3A_1621 : vector<16xf32>
        %swap3A_1623 = arith.index_cast %add3A_1529 : i32 to index
        %swap3A_1624 = arith.constant 96 : index
        %swap3A_1625 = tpu.vector_load %arg14[%swap3A_1623, %swap3A_1624] {strides = array<i32>} : memref<128x224xf32, #tpu.memory_space<vmem>>, vector<1x16xf32>,
        %swap3A_1626 = vector.shape_cast %swap3A_1625 : vector<1x16xf32> to vector<16xf32>
        %swap3A_1627 = vector.shape_cast %mul3A_1622 : vector<16xf32> to vector<1x16xf32>
        tpu.vector_store %arg14[%swap3A_1623, %swap3A_1624], %swap3A_1627 {strides = array<i32>} : memref<128x224xf32, #tpu.memory_space<vmem>>, vector<1x16xf32>,
        %get3A_1628 = arith.constant 3 : i32
        %get3A_1629 = arith.index_cast %get3A_1628 : i32 to index
        %get3A_1630 = arith.index_cast %add3A_1529 : i32 to index
        %get3A_1631 = arith.constant 16 : index
        %get3A_1632 = tpu.vector_load %arg13[%get3A_1629, %get3A_1630, %get3A_1631] {strides = array<i32>} : memref<7x128x32xf32, #tpu.memory_space<vmem>>, vector<1x1x16xf32>,
        %get3A_1633 = vector.shape_cast %get3A_1632 : vector<1x1x16xf32> to vector<16xf32>
        %mul3A_1634 = arith.constant 5.65685415 : f32
        %mul3A_1635 = vector.broadcast %mul3A_1634 : f32 to vector<16xf32>
        %mul3A_1636 = arith.mulf %get3A_1633, %mul3A_1635 : vector<16xf32>
        %swap3A_1637 = arith.index_cast %add3A_1529 : i32 to index
        %swap3A_1638 = arith.constant 112 : index
        %swap3A_1639 = tpu.vector_load %arg14[%swap3A_1637, %swap3A_1638] {strides = array<i32>} : memref<128x224xf32, #tpu.memory_space<vmem>>, vector<1x16xf32>,
        %swap3A_1640 = vector.shape_cast %swap3A_1639 : vector<1x16xf32> to vector<16xf32>
        %swap3A_1641 = vector.shape_cast %mul3A_1636 : vector<16xf32> to vector<1x16xf32>
        tpu.vector_store %arg14[%swap3A_1637, %swap3A_1638], %swap3A_1641 {strides = array<i32>} : memref<128x224xf32, #tpu.memory_space<vmem>>, vector<1x16xf32>,
        %get3A_1642 = arith.constant 4 : i32
        %get3A_1643 = arith.index_cast %get3A_1642 : i32 to index
        %get3A_1644 = arith.index_cast %add3A_1529 : i32 to index
        %get3A_1645 = arith.constant 0 : index
        %get3A_1646 = tpu.vector_load %arg13[%get3A_1643, %get3A_1644, %get3A_1645] {strides = array<i32>} : memref<7x128x32xf32, #tpu.memory_space<vmem>>, vector<1x1x16xf32>,
        %get3A_1647 = vector.shape_cast %get3A_1646 : vector<1x1x16xf32> to vector<16xf32>
        %mul3A_1648 = arith.constant 5.65685415 : f32
        %mul3A_1649 = vector.broadcast %mul3A_1648 : f32 to vector<16xf32>
        %mul3A_1650 = arith.mulf %get3A_1647, %mul3A_1649 : vector<16xf32>
        %swap3A_1651 = arith.index_cast %add3A_1529 : i32 to index
        %swap3A_1652 = arith.constant 128 : index
        %swap3A_1653 = tpu.vector_load %arg14[%swap3A_1651, %swap3A_1652] {strides = array<i32>} : memref<128x224xf32, #tpu.memory_space<vmem>>, vector<1x16xf32>,
        %swap3A_1654 = vector.shape_cast %swap3A_1653 : vector<1x16xf32> to vector<16xf32>
        %swap3A_1655 = vector.shape_cast %mul3A_1650 : vector<16xf32> to vector<1x16xf32>
        tpu.vector_store %arg14[%swap3A_1651, %swap3A_1652], %swap3A_1655 {strides = array<i32>} : memref<128x224xf32, #tpu.memory_space<vmem>>, vector<1x16xf32>,
        %get3A_1656 = arith.constant 4 : i32
        %get3A_1657 = arith.index_cast %get3A_1656 : i32 to index
        %get3A_1658 = arith.index_cast %add3A_1529 : i32 to index
        %get3A_1659 = arith.constant 16 : index
        %get3A_1660 = tpu.vector_load %arg13[%get3A_1657, %get3A_1658, %get3A_1659] {strides = array<i32>} : memref<7x128x32xf32, #tpu.memory_space<vmem>>, vector<1x1x16xf32>,
        %get3A_1661 = vector.shape_cast %get3A_1660 : vector<1x1x16xf32> to vector<16xf32>
        %mul3A_1662 = arith.constant 5.65685415 : f32
        %mul3A_1663 = vector.broadcast %mul3A_1662 : f32 to vector<16xf32>
        %mul3A_1664 = arith.mulf %get3A_1661, %mul3A_1663 : vector<16xf32>
        %swap3A_1665 = arith.index_cast %add3A_1529 : i32 to index
        %swap3A_1666 = arith.constant 144 : index
        %swap3A_1667 = tpu.vector_load %arg14[%swap3A_1665, %swap3A_1666] {strides = array<i32>} : memref<128x224xf32, #tpu.memory_space<vmem>>, vector<1x16xf32>,
        %swap3A_1668 = vector.shape_cast %swap3A_1667 : vector<1x16xf32> to vector<16xf32>
        %swap3A_1669 = vector.shape_cast %mul3A_1664 : vector<16xf32> to vector<1x16xf32>
        tpu.vector_store %arg14[%swap3A_1665, %swap3A_1666], %swap3A_1669 {strides = array<i32>} : memref<128x224xf32, #tpu.memory_space<vmem>>, vector<1x16xf32>,
        %get3A_1670 = arith.constant 5 : i32
        %get3A_1671 = arith.index_cast %get3A_1670 : i32 to index
        %get3A_1672 = arith.index_cast %add3A_1529 : i32 to index
        %get3A_1673 = arith.constant 0 : index
        %get3A_1674 = tpu.vector_load %arg13[%get3A_1671, %get3A_1672, %get3A_1673] {strides = array<i32>} : memref<7x128x32xf32, #tpu.memory_space<vmem>>, vector<1x1x16xf32>,
        %get3A_1675 = vector.shape_cast %get3A_1674 : vector<1x1x16xf32> to vector<16xf32>
        %mul3A_1676 = arith.constant 5.65685415 : f32
        %mul3A_1677 = vector.broadcast %mul3A_1676 : f32 to vector<16xf32>
        %mul3A_1678 = arith.mulf %get3A_1675, %mul3A_1677 : vector<16xf32>
        %swap3A_1679 = arith.index_cast %add3A_1529 : i32 to index
        %swap3A_1680 = arith.constant 160 : index
        %swap3A_1681 = tpu.vector_load %arg14[%swap3A_1679, %swap3A_1680] {strides = array<i32>} : memref<128x224xf32, #tpu.memory_space<vmem>>, vector<1x16xf32>,
        %swap3A_1682 = vector.shape_cast %swap3A_1681 : vector<1x16xf32> to vector<16xf32>
        %swap3A_1683 = vector.shape_cast %mul3A_1678 : vector<16xf32> to vector<1x16xf32>
        tpu.vector_store %arg14[%swap3A_1679, %swap3A_1680], %swap3A_1683 {strides = array<i32>} : memref<128x224xf32, #tpu.memory_space<vmem>>, vector<1x16xf32>,
        %get3A_1684 = arith.constant 5 : i32
        %get3A_1685 = arith.index_cast %get3A_1684 : i32 to index
        %get3A_1686 = arith.index_cast %add3A_1529 : i32 to index
        %get3A_1687 = arith.constant 16 : index
        %get3A_1688 = tpu.vector_load %arg13[%get3A_1685, %get3A_1686, %get3A_1687] {strides = array<i32>} : memref<7x128x32xf32, #tpu.memory_space<vmem>>, vector<1x1x16xf32>,
        %get3A_1689 = vector.shape_cast %get3A_1688 : vector<1x1x16xf32> to vector<16xf32>
        %mul3A_1690 = arith.constant 5.65685415 : f32
        %mul3A_1691 = vector.broadcast %mul3A_1690 : f32 to vector<16xf32>
        %mul3A_1692 = arith.mulf %get3A_1689, %mul3A_1691 : vector<16xf32>
        %swap3A_1693 = arith.index_cast %add3A_1529 : i32 to index
        %swap3A_1694 = arith.constant 176 : index
        %swap3A_1695 = tpu.vector_load %arg14[%swap3A_1693, %swap3A_1694] {strides = array<i32>} : memref<128x224xf32, #tpu.memory_space<vmem>>, vector<1x16xf32>,
        %swap3A_1696 = vector.shape_cast %swap3A_1695 : vector<1x16xf32> to vector<16xf32>
        %swap3A_1697 = vector.shape_cast %mul3A_1692 : vector<16xf32> to vector<1x16xf32>
        tpu.vector_store %arg14[%swap3A_1693, %swap3A_1694], %swap3A_1697 {strides = array<i32>} : memref<128x224xf32, #tpu.memory_space<vmem>>, vector<1x16xf32>,
        %get3A_1698 = arith.constant 6 : i32
        %get3A_1699 = arith.index_cast %get3A_1698 : i32 to index
        %get3A_1700 = arith.index_cast %add3A_1529 : i32 to index
        %get3A_1701 = arith.constant 0 : index
        %get3A_1702 = tpu.vector_load %arg13[%get3A_1699, %get3A_1700, %get3A_1701] {strides = array<i32>} : memref<7x128x32xf32, #tpu.memory_space<vmem>>, vector<1x1x16xf32>,
        %get3A_1703 = vector.shape_cast %get3A_1702 : vector<1x1x16xf32> to vector<16xf32>
        %mul3A_1704 = arith.constant 5.65685415 : f32
        %mul3A_1705 = vector.broadcast %mul3A_1704 : f32 to vector<16xf32>
        %mul3A_1706 = arith.mulf %get3A_1703, %mul3A_1705 : vector<16xf32>
        %swap3A_1707 = arith.index_cast %add3A_1529 : i32 to index
        %swap3A_1708 = arith.constant 192 : index
        %swap3A_1709 = tpu.vector_load %arg14[%swap3A_1707, %swap3A_1708] {strides = array<i32>} : memref<128x224xf32, #tpu.memory_space<vmem>>, vector<1x16xf32>,
        %swap3A_1710 = vector.shape_cast %swap3A_1709 : vector<1x16xf32> to vector<16xf32>
        %swap3A_1711 = vector.shape_cast %mul3A_1706 : vector<16xf32> to vector<1x16xf32>
        tpu.vector_store %arg14[%swap3A_1707, %swap3A_1708], %swap3A_1711 {strides = array<i32>} : memref<128x224xf32, #tpu.memory_space<vmem>>, vector<1x16xf32>,
        %get3A_1712 = arith.constant 6 : i32
        %get3A_1713 = arith.index_cast %get3A_1712 : i32 to index
        %get3A_1714 = arith.index_cast %add3A_1529 : i32 to index
        %get3A_1715 = arith.constant 16 : index
        %get3A_1716 = tpu.vector_load %arg13[%get3A_1713, %get3A_1714, %get3A_1715] {strides = array<i32>} : memref<7x128x32xf32, #tpu.memory_space<vmem>>, vector<1x1x16xf32>,
        %get3A_1717 = vector.shape_cast %get3A_1716 : vector<1x1x16xf32> to vector<16xf32>
        %mul3A_1718 = arith.constant 5.65685415 : f32
        %mul3A_1719 = vector.broadcast %mul3A_1718 : f32 to vector<16xf32>
        %mul3A_1720 = arith.mulf %get3A_1717, %mul3A_1719 : vector<16xf32>
        %swap3A_1721 = arith.index_cast %add3A_1529 : i32 to index
        %swap3A_1722 = arith.constant 208 : index
        %swap3A_1723 = tpu.vector_load %arg14[%swap3A_1721, %swap3A_1722] {strides = array<i32>} : memref<128x224xf32, #tpu.memory_space<vmem>>, vector<1x16xf32>,
        %swap3A_1724 = vector.shape_cast %swap3A_1723 : vector<1x16xf32> to vector<16xf32>
        %swap3A_1725 = vector.shape_cast %mul3A_1720 : vector<16xf32> to vector<1x16xf32>
        tpu.vector_store %arg14[%swap3A_1721, %swap3A_1722], %swap3A_1725 {strides = array<i32>} : memref<128x224xf32, #tpu.memory_space<vmem>>, vector<1x16xf32>,
      }
      %scan3A_959 = arith.constant 128 : i32
      %add3A_960 = arith.constant 1 : i32
      %add3A_961 = arith.addi %mul3A_578, %add3A_960 : i32
      %mul3A_962 = arith.constant 128 : i32
      %mul3A_963 = arith.muli %add3A_961, %mul3A_962 : i32
      %add3A_964 = arith.addi %mul3A_2, %mul3A_963 : i32
      %dma_start3A_965 = arith.constant 0 : i32
      %dma_start3A_966 = tpu.memref_slice %arg10[%add3A_964, %dma_start3A_965] : memref<204800x224xf32, #tpu.memory_space<hbm>> -> memref<128x224xf32, #tpu.memory_space<hbm>>
      %dma_start3A_967 = arith.constant 0 : i32
      %dma_start3A_968 = tpu.memref_slice %arg10[%add3A_964, %dma_start3A_967] : memref<204800x224xf32, #tpu.memory_space<hbm>> -> memref<128x224xf32, #tpu.memory_space<hbm>>
      tpu.enqueue_dma source(%arg14 : memref<128x224xf32, #tpu.memory_space<vmem>>) target(%dma_start3A_968 : memref<128x224xf32, #tpu.memory_space<hbm>>) target_semaphore(%arg17 : memref<!tpu.dma_semaphore, #tpu.memory_space<semaphore_mem>>)
      %add3A_969 = arith.constant 3 : i32
      %add3A_970 = arith.addi %mul3A_578, %add3A_969 : i32
      %min3A_971 = arith.constant 49 : i32
      %min3A_972 = arith.minsi %add3A_970, %min3A_971 : i32
      %mul3A_973 = arith.constant 128 : i32
      %mul3A_974 = arith.muli %min3A_972, %mul3A_973 : i32
      %add3A_975 = arith.constant 0 : i32
      %add3A_976 = arith.addi %mul3A_974, %add3A_975 : i32
      %dma_start3A_977 = arith.constant 0 : i32
      %dma_start3A_978 = arith.constant 0 : i32
      %dma_start3A_979 = arith.constant 0 : i32
      %dma_start3A_980 = arith.constant 0 : i32
      %dma_start3A_981 = tpu.memref_slice %arg13[%dma_start3A_978, %dma_start3A_979, %dma_start3A_980] : memref<7x128x32xf32, #tpu.memory_space<vmem>> -> memref<1x64x32xf32, #tpu.memory_space<vmem>>
      %dma_start3A_982 = tpu.memref_squeeze %dma_start3A_981 : memref<1x64x32xf32, #tpu.memory_space<vmem>> -> memref<64x32xf32, #tpu.memory_space<vmem>>
      %dma_start3A_983 = tpu.memref_slice %arg11[%dma_start3A_977, %add3A_976] : memref<7x6400xi32, #tpu.memory_space<vmem>> -> memref<1x64xi32, #tpu.memory_space<vmem>>
      %dma_start3A_984 = tpu.memref_squeeze %dma_start3A_983 : memref<1x64xi32, #tpu.memory_space<vmem>> -> memref<64xi32, #tpu.memory_space<vmem>>
      %dma_start3A_985 = arith.constant 0 : i32
      %dma_start3A_986 = arith.constant 0 : i32
      %dma_start3A_987 = tpu.memref_slice %arg3[%dma_start3A_985, %dma_start3A_986] : memref<100000x32xf32, #tpu.memory_space<hbm>> -> memref<100000x32xf32, #tpu.memory_space<hbm>>
      tpu.enqueue_indirect_dma source(%dma_start3A_987 : memref<100000x32xf32, #tpu.memory_space<hbm>>) target(%dma_start3A_982 : memref<64x32xf32, #tpu.memory_space<vmem>>) offsets(%dma_start3A_984 : memref<64xi32, #tpu.memory_space<vmem>>) semaphore(%arg16 : memref<!tpu.dma_semaphore, #tpu.memory_space<semaphore_mem>>)
      %add3A_988 = arith.constant 64 : i32
      %add3A_989 = arith.addi %mul3A_974, %add3A_988 : i32
      %dma_start3A_990 = arith.constant 0 : i32
      %dma_start3A_991 = arith.constant 0 : i32
      %dma_start3A_992 = arith.constant 64 : i32
      %dma_start3A_993 = arith.constant 0 : i32
      %dma_start3A_994 = tpu.memref_slice %arg13[%dma_start3A_991, %dma_start3A_992, %dma_start3A_993] : memref<7x128x32xf32, #tpu.memory_space<vmem>> -> memref<1x64x32xf32, #tpu.memory_space<vmem>>
      %dma_start3A_995 = tpu.memref_squeeze %dma_start3A_994 : memref<1x64x32xf32, #tpu.memory_space<vmem>> -> memref<64x32xf32, #tpu.memory_space<vmem>>
      %dma_start3A_996 = tpu.memref_slice %arg11[%dma_start3A_990, %add3A_989] : memref<7x6400xi32, #tpu.memory_space<vmem>> -> memref<1x64xi32, #tpu.memory_space<vmem>>
      %dma_start3A_997 = tpu.memref_squeeze %dma_start3A_996 : memref<1x64xi32, #tpu.memory_space<vmem>> -> memref<64xi32, #tpu.memory_space<vmem>>
      %dma_start3A_998 = arith.constant 0 : i32
      %dma_start3A_999 = arith.constant 0 : i32
      %dma_start3A_1000 = tpu.memref_slice %arg3[%dma_start3A_998, %dma_start3A_999] : memref<100000x32xf32, #tpu.memory_space<hbm>> -> memref<100000x32xf32, #tpu.memory_space<hbm>>
      tpu.enqueue_indirect_dma source(%dma_start3A_1000 : memref<100000x32xf32, #tpu.memory_space<hbm>>) target(%dma_start3A_995 : memref<64x32xf32, #tpu.memory_space<vmem>>) offsets(%dma_start3A_997 : memref<64xi32, #tpu.memory_space<vmem>>) semaphore(%arg16 : memref<!tpu.dma_semaphore, #tpu.memory_space<semaphore_mem>>)
      %add3A_1001 = arith.constant 0 : i32
      %add3A_1002 = arith.addi %mul3A_974, %add3A_1001 : i32
      %dma_start3A_1003 = arith.constant 1 : i32
      %dma_start3A_1004 = arith.constant 1 : i32
      %dma_start3A_1005 = arith.constant 0 : i32
      %dma_start3A_1006 = arith.constant 0 : i32
      %dma_start3A_1007 = tpu.memref_slice %arg13[%dma_start3A_1004, %dma_start3A_1005, %dma_start3A_1006] : memref<7x128x32xf32, #tpu.memory_space<vmem>> -> memref<1x64x32xf32, #tpu.memory_space<vmem>>
      %dma_start3A_1008 = tpu.memref_squeeze %dma_start3A_1007 : memref<1x64x32xf32, #tpu.memory_space<vmem>> -> memref<64x32xf32, #tpu.memory_space<vmem>>
      %dma_start3A_1009 = tpu.memref_slice %arg11[%dma_start3A_1003, %add3A_1002] : memref<7x6400xi32, #tpu.memory_space<vmem>> -> memref<1x64xi32, #tpu.memory_space<vmem>>
      %dma_start3A_1010 = tpu.memref_squeeze %dma_start3A_1009 : memref<1x64xi32, #tpu.memory_space<vmem>> -> memref<64xi32, #tpu.memory_space<vmem>>
      %dma_start3A_1011 = arith.constant 0 : i32
      %dma_start3A_1012 = arith.constant 0 : i32
      %dma_start3A_1013 = tpu.memref_slice %arg4[%dma_start3A_1011, %dma_start3A_1012] : memref<100000x32xf32, #tpu.memory_space<hbm>> -> memref<100000x32xf32, #tpu.memory_space<hbm>>
      tpu.enqueue_indirect_dma source(%dma_start3A_1013 : memref<100000x32xf32, #tpu.memory_space<hbm>>) target(%dma_start3A_1008 : memref<64x32xf32, #tpu.memory_space<vmem>>) offsets(%dma_start3A_1010 : memref<64xi32, #tpu.memory_space<vmem>>) semaphore(%arg16 : memref<!tpu.dma_semaphore, #tpu.memory_space<semaphore_mem>>)
      %add3A_1014 = arith.constant 64 : i32
      %add3A_1015 = arith.addi %mul3A_974, %add3A_1014 : i32
      %dma_start3A_1016 = arith.constant 1 : i32
      %dma_start3A_1017 = arith.constant 1 : i32
      %dma_start3A_1018 = arith.constant 64 : i32
      %dma_start3A_1019 = arith.constant 0 : i32
      %dma_start3A_1020 = tpu.memref_slice %arg13[%dma_start3A_1017, %dma_start3A_1018, %dma_start3A_1019] : memref<7x128x32xf32, #tpu.memory_space<vmem>> -> memref<1x64x32xf32, #tpu.memory_space<vmem>>
      %dma_start3A_1021 = tpu.memref_squeeze %dma_start3A_1020 : memref<1x64x32xf32, #tpu.memory_space<vmem>> -> memref<64x32xf32, #tpu.memory_space<vmem>>
      %dma_start3A_1022 = tpu.memref_slice %arg11[%dma_start3A_1016, %add3A_1015] : memref<7x6400xi32, #tpu.memory_space<vmem>> -> memref<1x64xi32, #tpu.memory_space<vmem>>
      %dma_start3A_1023 = tpu.memref_squeeze %dma_start3A_1022 : memref<1x64xi32, #tpu.memory_space<vmem>> -> memref<64xi32, #tpu.memory_space<vmem>>
      %dma_start3A_1024 = arith.constant 0 : i32
      %dma_start3A_1025 = arith.constant 0 : i32
      %dma_start3A_1026 = tpu.memref_slice %arg4[%dma_start3A_1024, %dma_start3A_1025] : memref<100000x32xf32, #tpu.memory_space<hbm>> -> memref<100000x32xf32, #tpu.memory_space<hbm>>
      tpu.enqueue_indirect_dma source(%dma_start3A_1026 : memref<100000x32xf32, #tpu.memory_space<hbm>>) target(%dma_start3A_1021 : memref<64x32xf32, #tpu.memory_space<vmem>>) offsets(%dma_start3A_1023 : memref<64xi32, #tpu.memory_space<vmem>>) semaphore(%arg16 : memref<!tpu.dma_semaphore, #tpu.memory_space<semaphore_mem>>)
      %add3A_1027 = arith.constant 0 : i32
      %add3A_1028 = arith.addi %mul3A_974, %add3A_1027 : i32
      %dma_start3A_1029 = arith.constant 2 : i32
      %dma_start3A_1030 = arith.constant 2 : i32
      %dma_start3A_1031 = arith.constant 0 : i32
      %dma_start3A_1032 = arith.constant 0 : i32
      %dma_start3A_1033 = tpu.memref_slice %arg13[%dma_start3A_1030, %dma_start3A_1031, %dma_start3A_1032] : memref<7x128x32xf32, #tpu.memory_space<vmem>> -> memref<1x64x32xf32, #tpu.memory_space<vmem>>
      %dma_start3A_1034 = tpu.memref_squeeze %dma_start3A_1033 : memref<1x64x32xf32, #tpu.memory_space<vmem>> -> memref<64x32xf32, #tpu.memory_space<vmem>>
      %dma_start3A_1035 = tpu.memref_slice %arg11[%dma_start3A_1029, %add3A_1028] : memref<7x6400xi32, #tpu.memory_space<vmem>> -> memref<1x64xi32, #tpu.memory_space<vmem>>
      %dma_start3A_1036 = tpu.memref_squeeze %dma_start3A_1035 : memref<1x64xi32, #tpu.memory_space<vmem>> -> memref<64xi32, #tpu.memory_space<vmem>>
      %dma_start3A_1037 = arith.constant 0 : i32
      %dma_start3A_1038 = arith.constant 0 : i32
      %dma_start3A_1039 = tpu.memref_slice %arg5[%dma_start3A_1037, %dma_start3A_1038] : memref<100000x32xf32, #tpu.memory_space<hbm>> -> memref<100000x32xf32, #tpu.memory_space<hbm>>
      tpu.enqueue_indirect_dma source(%dma_start3A_1039 : memref<100000x32xf32, #tpu.memory_space<hbm>>) target(%dma_start3A_1034 : memref<64x32xf32, #tpu.memory_space<vmem>>) offsets(%dma_start3A_1036 : memref<64xi32, #tpu.memory_space<vmem>>) semaphore(%arg16 : memref<!tpu.dma_semaphore, #tpu.memory_space<semaphore_mem>>)
      %add3A_1040 = arith.constant 64 : i32
      %add3A_1041 = arith.addi %mul3A_974, %add3A_1040 : i32
      %dma_start3A_1042 = arith.constant 2 : i32
      %dma_start3A_1043 = arith.constant 2 : i32
      %dma_start3A_1044 = arith.constant 64 : i32
      %dma_start3A_1045 = arith.constant 0 : i32
      %dma_start3A_1046 = tpu.memref_slice %arg13[%dma_start3A_1043, %dma_start3A_1044, %dma_start3A_1045] : memref<7x128x32xf32, #tpu.memory_space<vmem>> -> memref<1x64x32xf32, #tpu.memory_space<vmem>>
      %dma_start3A_1047 = tpu.memref_squeeze %dma_start3A_1046 : memref<1x64x32xf32, #tpu.memory_space<vmem>> -> memref<64x32xf32, #tpu.memory_space<vmem>>
      %dma_start3A_1048 = tpu.memref_slice %arg11[%dma_start3A_1042, %add3A_1041] : memref<7x6400xi32, #tpu.memory_space<vmem>> -> memref<1x64xi32, #tpu.memory_space<vmem>>
      %dma_start3A_1049 = tpu.memref_squeeze %dma_start3A_1048 : memref<1x64xi32, #tpu.memory_space<vmem>> -> memref<64xi32, #tpu.memory_space<vmem>>
      %dma_start3A_1050 = arith.constant 0 : i32
      %dma_start3A_1051 = arith.constant 0 : i32
      %dma_start3A_1052 = tpu.memref_slice %arg5[%dma_start3A_1050, %dma_start3A_1051] : memref<100000x32xf32, #tpu.memory_space<hbm>> -> memref<100000x32xf32, #tpu.memory_space<hbm>>
      tpu.enqueue_indirect_dma source(%dma_start3A_1052 : memref<100000x32xf32, #tpu.memory_space<hbm>>) target(%dma_start3A_1047 : memref<64x32xf32, #tpu.memory_space<vmem>>) offsets(%dma_start3A_1049 : memref<64xi32, #tpu.memory_space<vmem>>) semaphore(%arg16 : memref<!tpu.dma_semaphore, #tpu.memory_space<semaphore_mem>>)
      %add3A_1053 = arith.constant 0 : i32
      %add3A_1054 = arith.addi %mul3A_974, %add3A_1053 : i32
      %dma_start3A_1055 = arith.constant 3 : i32
      %dma_start3A_1056 = arith.constant 3 : i32
      %dma_start3A_1057 = arith.constant 0 : i32
      %dma_start3A_1058 = arith.constant 0 : i32
      %dma_start3A_1059 = tpu.memref_slice %arg13[%dma_start3A_1056, %dma_start3A_1057, %dma_start3A_1058] : memref<7x128x32xf32, #tpu.memory_space<vmem>> -> memref<1x64x32xf32, #tpu.memory_space<vmem>>
      %dma_start3A_1060 = tpu.memref_squeeze %dma_start3A_1059 : memref<1x64x32xf32, #tpu.memory_space<vmem>> -> memref<64x32xf32, #tpu.memory_space<vmem>>
      %dma_start3A_1061 = tpu.memref_slice %arg11[%dma_start3A_1055, %add3A_1054] : memref<7x6400xi32, #tpu.memory_space<vmem>> -> memref<1x64xi32, #tpu.memory_space<vmem>>
      %dma_start3A_1062 = tpu.memref_squeeze %dma_start3A_1061 : memref<1x64xi32, #tpu.memory_space<vmem>> -> memref<64xi32, #tpu.memory_space<vmem>>
      %dma_start3A_1063 = arith.constant 0 : i32
      %dma_start3A_1064 = arith.constant 0 : i32
      %dma_start3A_1065 = tpu.memref_slice %arg6[%dma_start3A_1063, %dma_start3A_1064] : memref<100000x32xf32, #tpu.memory_space<hbm>> -> memref<100000x32xf32, #tpu.memory_space<hbm>>
      tpu.enqueue_indirect_dma source(%dma_start3A_1065 : memref<100000x32xf32, #tpu.memory_space<hbm>>) target(%dma_start3A_1060 : memref<64x32xf32, #tpu.memory_space<vmem>>) offsets(%dma_start3A_1062 : memref<64xi32, #tpu.memory_space<vmem>>) semaphore(%arg16 : memref<!tpu.dma_semaphore, #tpu.memory_space<semaphore_mem>>)
      %add3A_1066 = arith.constant 64 : i32
      %add3A_1067 = arith.addi %mul3A_974, %add3A_1066 : i32
      %dma_start3A_1068 = arith.constant 3 : i32
      %dma_start3A_1069 = arith.constant 3 : i32
      %dma_start3A_1070 = arith.constant 64 : i32
      %dma_start3A_1071 = arith.constant 0 : i32
      %dma_start3A_1072 = tpu.memref_slice %arg13[%dma_start3A_1069, %dma_start3A_1070, %dma_start3A_1071] : memref<7x128x32xf32, #tpu.memory_space<vmem>> -> memref<1x64x32xf32, #tpu.memory_space<vmem>>
      %dma_start3A_1073 = tpu.memref_squeeze %dma_start3A_1072 : memref<1x64x32xf32, #tpu.memory_space<vmem>> -> memref<64x32xf32, #tpu.memory_space<vmem>>
      %dma_start3A_1074 = tpu.memref_slice %arg11[%dma_start3A_1068, %add3A_1067] : memref<7x6400xi32, #tpu.memory_space<vmem>> -> memref<1x64xi32, #tpu.memory_space<vmem>>
      %dma_start3A_1075 = tpu.memref_squeeze %dma_start3A_1074 : memref<1x64xi32, #tpu.memory_space<vmem>> -> memref<64xi32, #tpu.memory_space<vmem>>
      %dma_start3A_1076 = arith.constant 0 : i32
      %dma_start3A_1077 = arith.constant 0 : i32
      %dma_start3A_1078 = tpu.memref_slice %arg6[%dma_start3A_1076, %dma_start3A_1077] : memref<100000x32xf32, #tpu.memory_space<hbm>> -> memref<100000x32xf32, #tpu.memory_space<hbm>>
      tpu.enqueue_indirect_dma source(%dma_start3A_1078 : memref<100000x32xf32, #tpu.memory_space<hbm>>) target(%dma_start3A_1073 : memref<64x32xf32, #tpu.memory_space<vmem>>) offsets(%dma_start3A_1075 : memref<64xi32, #tpu.memory_space<vmem>>) semaphore(%arg16 : memref<!tpu.dma_semaphore, #tpu.memory_space<semaphore_mem>>)
      %add3A_1079 = arith.constant 0 : i32
      %add3A_1080 = arith.addi %mul3A_974, %add3A_1079 : i32
      %dma_start3A_1081 = arith.constant 4 : i32
      %dma_start3A_1082 = arith.constant 4 : i32
      %dma_start3A_1083 = arith.constant 0 : i32
      %dma_start3A_1084 = arith.constant 0 : i32
      %dma_start3A_1085 = tpu.memref_slice %arg13[%dma_start3A_1082, %dma_start3A_1083, %dma_start3A_1084] : memref<7x128x32xf32, #tpu.memory_space<vmem>> -> memref<1x64x32xf32, #tpu.memory_space<vmem>>
      %dma_start3A_1086 = tpu.memref_squeeze %dma_start3A_1085 : memref<1x64x32xf32, #tpu.memory_space<vmem>> -> memref<64x32xf32, #tpu.memory_space<vmem>>
      %dma_start3A_1087 = tpu.memref_slice %arg11[%dma_start3A_1081, %add3A_1080] : memref<7x6400xi32, #tpu.memory_space<vmem>> -> memref<1x64xi32, #tpu.memory_space<vmem>>
      %dma_start3A_1088 = tpu.memref_squeeze %dma_start3A_1087 : memref<1x64xi32, #tpu.memory_space<vmem>> -> memref<64xi32, #tpu.memory_space<vmem>>
      %dma_start3A_1089 = arith.constant 0 : i32
      %dma_start3A_1090 = arith.constant 0 : i32
      %dma_start3A_1091 = tpu.memref_slice %arg7[%dma_start3A_1089, %dma_start3A_1090] : memref<100000x32xf32, #tpu.memory_space<hbm>> -> memref<100000x32xf32, #tpu.memory_space<hbm>>
      tpu.enqueue_indirect_dma source(%dma_start3A_1091 : memref<100000x32xf32, #tpu.memory_space<hbm>>) target(%dma_start3A_1086 : memref<64x32xf32, #tpu.memory_space<vmem>>) offsets(%dma_start3A_1088 : memref<64xi32, #tpu.memory_space<vmem>>) semaphore(%arg16 : memref<!tpu.dma_semaphore, #tpu.memory_space<semaphore_mem>>)
      %add3A_1092 = arith.constant 64 : i32
      %add3A_1093 = arith.addi %mul3A_974, %add3A_1092 : i32
      %dma_start3A_1094 = arith.constant 4 : i32
      %dma_start3A_1095 = arith.constant 4 : i32
      %dma_start3A_1096 = arith.constant 64 : i32
      %dma_start3A_1097 = arith.constant 0 : i32
      %dma_start3A_1098 = tpu.memref_slice %arg13[%dma_start3A_1095, %dma_start3A_1096, %dma_start3A_1097] : memref<7x128x32xf32, #tpu.memory_space<vmem>> -> memref<1x64x32xf32, #tpu.memory_space<vmem>>
      %dma_start3A_1099 = tpu.memref_squeeze %dma_start3A_1098 : memref<1x64x32xf32, #tpu.memory_space<vmem>> -> memref<64x32xf32, #tpu.memory_space<vmem>>
      %dma_start3A_1100 = tpu.memref_slice %arg11[%dma_start3A_1094, %add3A_1093] : memref<7x6400xi32, #tpu.memory_space<vmem>> -> memref<1x64xi32, #tpu.memory_space<vmem>>
      %dma_start3A_1101 = tpu.memref_squeeze %dma_start3A_1100 : memref<1x64xi32, #tpu.memory_space<vmem>> -> memref<64xi32, #tpu.memory_space<vmem>>
      %dma_start3A_1102 = arith.constant 0 : i32
      %dma_start3A_1103 = arith.constant 0 : i32
      %dma_start3A_1104 = tpu.memref_slice %arg7[%dma_start3A_1102, %dma_start3A_1103] : memref<100000x32xf32, #tpu.memory_space<hbm>> -> memref<100000x32xf32, #tpu.memory_space<hbm>>
      tpu.enqueue_indirect_dma source(%dma_start3A_1104 : memref<100000x32xf32, #tpu.memory_space<hbm>>) target(%dma_start3A_1099 : memref<64x32xf32, #tpu.memory_space<vmem>>) offsets(%dma_start3A_1101 : memref<64xi32, #tpu.memory_space<vmem>>) semaphore(%arg16 : memref<!tpu.dma_semaphore, #tpu.memory_space<semaphore_mem>>)
      %add3A_1105 = arith.constant 0 : i32
      %add3A_1106 = arith.addi %mul3A_974, %add3A_1105 : i32
      %dma_start3A_1107 = arith.constant 5 : i32
      %dma_start3A_1108 = arith.constant 5 : i32
      %dma_start3A_1109 = arith.constant 0 : i32
      %dma_start3A_1110 = arith.constant 0 : i32
      %dma_start3A_1111 = tpu.memref_slice %arg13[%dma_start3A_1108, %dma_start3A_1109, %dma_start3A_1110] : memref<7x128x32xf32, #tpu.memory_space<vmem>> -> memref<1x64x32xf32, #tpu.memory_space<vmem>>
      %dma_start3A_1112 = tpu.memref_squeeze %dma_start3A_1111 : memref<1x64x32xf32, #tpu.memory_space<vmem>> -> memref<64x32xf32, #tpu.memory_space<vmem>>
      %dma_start3A_1113 = tpu.memref_slice %arg11[%dma_start3A_1107, %add3A_1106] : memref<7x6400xi32, #tpu.memory_space<vmem>> -> memref<1x64xi32, #tpu.memory_space<vmem>>
      %dma_start3A_1114 = tpu.memref_squeeze %dma_start3A_1113 : memref<1x64xi32, #tpu.memory_space<vmem>> -> memref<64xi32, #tpu.memory_space<vmem>>
      %dma_start3A_1115 = arith.constant 0 : i32
      %dma_start3A_1116 = arith.constant 0 : i32
      %dma_start3A_1117 = tpu.memref_slice %arg8[%dma_start3A_1115, %dma_start3A_1116] : memref<100000x32xf32, #tpu.memory_space<hbm>> -> memref<100000x32xf32, #tpu.memory_space<hbm>>
      tpu.enqueue_indirect_dma source(%dma_start3A_1117 : memref<100000x32xf32, #tpu.memory_space<hbm>>) target(%dma_start3A_1112 : memref<64x32xf32, #tpu.memory_space<vmem>>) offsets(%dma_start3A_1114 : memref<64xi32, #tpu.memory_space<vmem>>) semaphore(%arg16 : memref<!tpu.dma_semaphore, #tpu.memory_space<semaphore_mem>>)
      %add3A_1118 = arith.constant 64 : i32
      %add3A_1119 = arith.addi %mul3A_974, %add3A_1118 : i32
      %dma_start3A_1120 = arith.constant 5 : i32
      %dma_start3A_1121 = arith.constant 5 : i32
      %dma_start3A_1122 = arith.constant 64 : i32
      %dma_start3A_1123 = arith.constant 0 : i32
      %dma_start3A_1124 = tpu.memref_slice %arg13[%dma_start3A_1121, %dma_start3A_1122, %dma_start3A_1123] : memref<7x128x32xf32, #tpu.memory_space<vmem>> -> memref<1x64x32xf32, #tpu.memory_space<vmem>>
      %dma_start3A_1125 = tpu.memref_squeeze %dma_start3A_1124 : memref<1x64x32xf32, #tpu.memory_space<vmem>> -> memref<64x32xf32, #tpu.memory_space<vmem>>
      %dma_start3A_1126 = tpu.memref_slice %arg11[%dma_start3A_1120, %add3A_1119] : memref<7x6400xi32, #tpu.memory_space<vmem>> -> memref<1x64xi32, #tpu.memory_space<vmem>>
      %dma_start3A_1127 = tpu.memref_squeeze %dma_start3A_1126 : memref<1x64xi32, #tpu.memory_space<vmem>> -> memref<64xi32, #tpu.memory_space<vmem>>
      %dma_start3A_1128 = arith.constant 0 : i32
      %dma_start3A_1129 = arith.constant 0 : i32
      %dma_start3A_1130 = tpu.memref_slice %arg8[%dma_start3A_1128, %dma_start3A_1129] : memref<100000x32xf32, #tpu.memory_space<hbm>> -> memref<100000x32xf32, #tpu.memory_space<hbm>>
      tpu.enqueue_indirect_dma source(%dma_start3A_1130 : memref<100000x32xf32, #tpu.memory_space<hbm>>) target(%dma_start3A_1125 : memref<64x32xf32, #tpu.memory_space<vmem>>) offsets(%dma_start3A_1127 : memref<64xi32, #tpu.memory_space<vmem>>) semaphore(%arg16 : memref<!tpu.dma_semaphore, #tpu.memory_space<semaphore_mem>>)
      %add3A_1131 = arith.constant 0 : i32
      %add3A_1132 = arith.addi %mul3A_974, %add3A_1131 : i32
      %dma_start3A_1133 = arith.constant 6 : i32
      %dma_start3A_1134 = arith.constant 6 : i32
      %dma_start3A_1135 = arith.constant 0 : i32
      %dma_start3A_1136 = arith.constant 0 : i32
      %dma_start3A_1137 = tpu.memref_slice %arg13[%dma_start3A_1134, %dma_start3A_1135, %dma_start3A_1136] : memref<7x128x32xf32, #tpu.memory_space<vmem>> -> memref<1x64x32xf32, #tpu.memory_space<vmem>>
      %dma_start3A_1138 = tpu.memref_squeeze %dma_start3A_1137 : memref<1x64x32xf32, #tpu.memory_space<vmem>> -> memref<64x32xf32, #tpu.memory_space<vmem>>
      %dma_start3A_1139 = tpu.memref_slice %arg11[%dma_start3A_1133, %add3A_1132] : memref<7x6400xi32, #tpu.memory_space<vmem>> -> memref<1x64xi32, #tpu.memory_space<vmem>>
      %dma_start3A_1140 = tpu.memref_squeeze %dma_start3A_1139 : memref<1x64xi32, #tpu.memory_space<vmem>> -> memref<64xi32, #tpu.memory_space<vmem>>
      %dma_start3A_1141 = arith.constant 0 : i32
      %dma_start3A_1142 = arith.constant 0 : i32
      %dma_start3A_1143 = tpu.memref_slice %arg9[%dma_start3A_1141, %dma_start3A_1142] : memref<100000x32xf32, #tpu.memory_space<hbm>> -> memref<100000x32xf32, #tpu.memory_space<hbm>>
      tpu.enqueue_indirect_dma source(%dma_start3A_1143 : memref<100000x32xf32, #tpu.memory_space<hbm>>) target(%dma_start3A_1138 : memref<64x32xf32, #tpu.memory_space<vmem>>) offsets(%dma_start3A_1140 : memref<64xi32, #tpu.memory_space<vmem>>) semaphore(%arg16 : memref<!tpu.dma_semaphore, #tpu.memory_space<semaphore_mem>>)
      %add3A_1144 = arith.constant 64 : i32
      %add3A_1145 = arith.addi %mul3A_974, %add3A_1144 : i32
      %dma_start3A_1146 = arith.constant 6 : i32
      %dma_start3A_1147 = arith.constant 6 : i32
      %dma_start3A_1148 = arith.constant 64 : i32
      %dma_start3A_1149 = arith.constant 0 : i32
      %dma_start3A_1150 = tpu.memref_slice %arg13[%dma_start3A_1147, %dma_start3A_1148, %dma_start3A_1149] : memref<7x128x32xf32, #tpu.memory_space<vmem>> -> memref<1x64x32xf32, #tpu.memory_space<vmem>>
      %dma_start3A_1151 = tpu.memref_squeeze %dma_start3A_1150 : memref<1x64x32xf32, #tpu.memory_space<vmem>> -> memref<64x32xf32, #tpu.memory_space<vmem>>
      %dma_start3A_1152 = tpu.memref_slice %arg11[%dma_start3A_1146, %add3A_1145] : memref<7x6400xi32, #tpu.memory_space<vmem>> -> memref<1x64xi32, #tpu.memory_space<vmem>>
      %dma_start3A_1153 = tpu.memref_squeeze %dma_start3A_1152 : memref<1x64xi32, #tpu.memory_space<vmem>> -> memref<64xi32, #tpu.memory_space<vmem>>
      %dma_start3A_1154 = arith.constant 0 : i32
      %dma_start3A_1155 = arith.constant 0 : i32
      %dma_start3A_1156 = tpu.memref_slice %arg9[%dma_start3A_1154, %dma_start3A_1155] : memref<100000x32xf32, #tpu.memory_space<hbm>> -> memref<100000x32xf32, #tpu.memory_space<hbm>>
      tpu.enqueue_indirect_dma source(%dma_start3A_1156 : memref<100000x32xf32, #tpu.memory_space<hbm>>) target(%dma_start3A_1151 : memref<64x32xf32, #tpu.memory_space<vmem>>) offsets(%dma_start3A_1153 : memref<64xi32, #tpu.memory_space<vmem>>) semaphore(%arg16 : memref<!tpu.dma_semaphore, #tpu.memory_space<semaphore_mem>>)
      %dma_wait3A_1157 = arith.constant 0 : i32
      %dma_wait3A_1158 = arith.constant 0 : i32
      %dma_wait3A_1159 = arith.constant 0 : i32
      %dma_wait3A_1160 = arith.constant 0 : i32
      %dma_wait3A_1161 = tpu.memref_slice %arg12[%dma_wait3A_1158, %dma_wait3A_1159, %dma_wait3A_1160] : memref<7x128x32xf32, #tpu.memory_space<vmem>> -> memref<1x64x32xf32, #tpu.memory_space<vmem>>
      %dma_wait3A_1162 = tpu.memref_squeeze %dma_wait3A_1161 : memref<1x64x32xf32, #tpu.memory_space<vmem>> -> memref<64x32xf32, #tpu.memory_space<vmem>>
      %dma_wait3A_1163 = arith.constant 0 : i32
      %dma_wait3A_1164 = tpu.memref_slice %arg11[%dma_wait3A_1157, %dma_wait3A_1163] : memref<7x6400xi32, #tpu.memory_space<vmem>> -> memref<1x64xi32, #tpu.memory_space<vmem>>
      %dma_wait3A_1165 = tpu.memref_squeeze %dma_wait3A_1164 : memref<1x64xi32, #tpu.memory_space<vmem>> -> memref<64xi32, #tpu.memory_space<vmem>>
      %dma_wait3A_1166 = arith.constant 0 : i32
      %dma_wait3A_1167 = arith.constant 0 : i32
      %dma_wait3A_1168 = tpu.memref_slice %arg3[%dma_wait3A_1166, %dma_wait3A_1167] : memref<100000x32xf32, #tpu.memory_space<hbm>> -> memref<100000x32xf32, #tpu.memory_space<hbm>>
      tpu.wait_indirect_dma semaphore(%arg15 : memref<!tpu.dma_semaphore, #tpu.memory_space<semaphore_mem>>) src(%dma_wait3A_1168 : memref<100000x32xf32, #tpu.memory_space<hbm>>) dst(%dma_wait3A_1162 : memref<64x32xf32, #tpu.memory_space<vmem>>)
      %dma_wait3A_1169 = arith.constant 0 : i32
      %dma_wait3A_1170 = arith.constant 0 : i32
      %dma_wait3A_1171 = arith.constant 64 : i32
      %dma_wait3A_1172 = arith.constant 0 : i32
      %dma_wait3A_1173 = tpu.memref_slice %arg12[%dma_wait3A_1170, %dma_wait3A_1171, %dma_wait3A_1172] : memref<7x128x32xf32, #tpu.memory_space<vmem>> -> memref<1x64x32xf32, #tpu.memory_space<vmem>>
      %dma_wait3A_1174 = tpu.memref_squeeze %dma_wait3A_1173 : memref<1x64x32xf32, #tpu.memory_space<vmem>> -> memref<64x32xf32, #tpu.memory_space<vmem>>
      %dma_wait3A_1175 = arith.constant 0 : i32
      %dma_wait3A_1176 = tpu.memref_slice %arg11[%dma_wait3A_1169, %dma_wait3A_1175] : memref<7x6400xi32, #tpu.memory_space<vmem>> -> memref<1x64xi32, #tpu.memory_space<vmem>>
      %dma_wait3A_1177 = tpu.memref_squeeze %dma_wait3A_1176 : memref<1x64xi32, #tpu.memory_space<vmem>> -> memref<64xi32, #tpu.memory_space<vmem>>
      %dma_wait3A_1178 = arith.constant 0 : i32
      %dma_wait3A_1179 = arith.constant 0 : i32
      %dma_wait3A_1180 = tpu.memref_slice %arg3[%dma_wait3A_1178, %dma_wait3A_1179] : memref<100000x32xf32, #tpu.memory_space<hbm>> -> memref<100000x32xf32, #tpu.memory_space<hbm>>
      tpu.wait_indirect_dma semaphore(%arg15 : memref<!tpu.dma_semaphore, #tpu.memory_space<semaphore_mem>>) src(%dma_wait3A_1180 : memref<100000x32xf32, #tpu.memory_space<hbm>>) dst(%dma_wait3A_1174 : memref<64x32xf32, #tpu.memory_space<vmem>>)
      %dma_wait3A_1181 = arith.constant 1 : i32
      %dma_wait3A_1182 = arith.constant 1 : i32
      %dma_wait3A_1183 = arith.constant 0 : i32
      %dma_wait3A_1184 = arith.constant 0 : i32
      %dma_wait3A_1185 = tpu.memref_slice %arg12[%dma_wait3A_1182, %dma_wait3A_1183, %dma_wait3A_1184] : memref<7x128x32xf32, #tpu.memory_space<vmem>> -> memref<1x64x32xf32, #tpu.memory_space<vmem>>
      %dma_wait3A_1186 = tpu.memref_squeeze %dma_wait3A_1185 : memref<1x64x32xf32, #tpu.memory_space<vmem>> -> memref<64x32xf32, #tpu.memory_space<vmem>>
      %dma_wait3A_1187 = arith.constant 0 : i32
      %dma_wait3A_1188 = tpu.memref_slice %arg11[%dma_wait3A_1181, %dma_wait3A_1187] : memref<7x6400xi32, #tpu.memory_space<vmem>> -> memref<1x64xi32, #tpu.memory_space<vmem>>
      %dma_wait3A_1189 = tpu.memref_squeeze %dma_wait3A_1188 : memref<1x64xi32, #tpu.memory_space<vmem>> -> memref<64xi32, #tpu.memory_space<vmem>>
      %dma_wait3A_1190 = arith.constant 0 : i32
      %dma_wait3A_1191 = arith.constant 0 : i32
      %dma_wait3A_1192 = tpu.memref_slice %arg4[%dma_wait3A_1190, %dma_wait3A_1191] : memref<100000x32xf32, #tpu.memory_space<hbm>> -> memref<100000x32xf32, #tpu.memory_space<hbm>>
      tpu.wait_indirect_dma semaphore(%arg15 : memref<!tpu.dma_semaphore, #tpu.memory_space<semaphore_mem>>) src(%dma_wait3A_1192 : memref<100000x32xf32, #tpu.memory_space<hbm>>) dst(%dma_wait3A_1186 : memref<64x32xf32, #tpu.memory_space<vmem>>)
      %dma_wait3A_1193 = arith.constant 1 : i32
      %dma_wait3A_1194 = arith.constant 1 : i32
      %dma_wait3A_1195 = arith.constant 64 : i32
      %dma_wait3A_1196 = arith.constant 0 : i32
      %dma_wait3A_1197 = tpu.memref_slice %arg12[%dma_wait3A_1194, %dma_wait3A_1195, %dma_wait3A_1196] : memref<7x128x32xf32, #tpu.memory_space<vmem>> -> memref<1x64x32xf32, #tpu.memory_space<vmem>>
      %dma_wait3A_1198 = tpu.memref_squeeze %dma_wait3A_1197 : memref<1x64x32xf32, #tpu.memory_space<vmem>> -> memref<64x32xf32, #tpu.memory_space<vmem>>
      %dma_wait3A_1199 = arith.constant 0 : i32
      %dma_wait3A_1200 = tpu.memref_slice %arg11[%dma_wait3A_1193, %dma_wait3A_1199] : memref<7x6400xi32, #tpu.memory_space<vmem>> -> memref<1x64xi32, #tpu.memory_space<vmem>>
      %dma_wait3A_1201 = tpu.memref_squeeze %dma_wait3A_1200 : memref<1x64xi32, #tpu.memory_space<vmem>> -> memref<64xi32, #tpu.memory_space<vmem>>
      %dma_wait3A_1202 = arith.constant 0 : i32
      %dma_wait3A_1203 = arith.constant 0 : i32
      %dma_wait3A_1204 = tpu.memref_slice %arg4[%dma_wait3A_1202, %dma_wait3A_1203] : memref<100000x32xf32, #tpu.memory_space<hbm>> -> memref<100000x32xf32, #tpu.memory_space<hbm>>
      tpu.wait_indirect_dma semaphore(%arg15 : memref<!tpu.dma_semaphore, #tpu.memory_space<semaphore_mem>>) src(%dma_wait3A_1204 : memref<100000x32xf32, #tpu.memory_space<hbm>>) dst(%dma_wait3A_1198 : memref<64x32xf32, #tpu.memory_space<vmem>>)
      %dma_wait3A_1205 = arith.constant 2 : i32
      %dma_wait3A_1206 = arith.constant 2 : i32
      %dma_wait3A_1207 = arith.constant 0 : i32
      %dma_wait3A_1208 = arith.constant 0 : i32
      %dma_wait3A_1209 = tpu.memref_slice %arg12[%dma_wait3A_1206, %dma_wait3A_1207, %dma_wait3A_1208] : memref<7x128x32xf32, #tpu.memory_space<vmem>> -> memref<1x64x32xf32, #tpu.memory_space<vmem>>
      %dma_wait3A_1210 = tpu.memref_squeeze %dma_wait3A_1209 : memref<1x64x32xf32, #tpu.memory_space<vmem>> -> memref<64x32xf32, #tpu.memory_space<vmem>>
      %dma_wait3A_1211 = arith.constant 0 : i32
      %dma_wait3A_1212 = tpu.memref_slice %arg11[%dma_wait3A_1205, %dma_wait3A_1211] : memref<7x6400xi32, #tpu.memory_space<vmem>> -> memref<1x64xi32, #tpu.memory_space<vmem>>
      %dma_wait3A_1213 = tpu.memref_squeeze %dma_wait3A_1212 : memref<1x64xi32, #tpu.memory_space<vmem>> -> memref<64xi32, #tpu.memory_space<vmem>>
      %dma_wait3A_1214 = arith.constant 0 : i32
      %dma_wait3A_1215 = arith.constant 0 : i32
      %dma_wait3A_1216 = tpu.memref_slice %arg5[%dma_wait3A_1214, %dma_wait3A_1215] : memref<100000x32xf32, #tpu.memory_space<hbm>> -> memref<100000x32xf32, #tpu.memory_space<hbm>>
      tpu.wait_indirect_dma semaphore(%arg15 : memref<!tpu.dma_semaphore, #tpu.memory_space<semaphore_mem>>) src(%dma_wait3A_1216 : memref<100000x32xf32, #tpu.memory_space<hbm>>) dst(%dma_wait3A_1210 : memref<64x32xf32, #tpu.memory_space<vmem>>)
      %dma_wait3A_1217 = arith.constant 2 : i32
      %dma_wait3A_1218 = arith.constant 2 : i32
      %dma_wait3A_1219 = arith.constant 64 : i32
      %dma_wait3A_1220 = arith.constant 0 : i32
      %dma_wait3A_1221 = tpu.memref_slice %arg12[%dma_wait3A_1218, %dma_wait3A_1219, %dma_wait3A_1220] : memref<7x128x32xf32, #tpu.memory_space<vmem>> -> memref<1x64x32xf32, #tpu.memory_space<vmem>>
      %dma_wait3A_1222 = tpu.memref_squeeze %dma_wait3A_1221 : memref<1x64x32xf32, #tpu.memory_space<vmem>> -> memref<64x32xf32, #tpu.memory_space<vmem>>
      %dma_wait3A_1223 = arith.constant 0 : i32
      %dma_wait3A_1224 = tpu.memref_slice %arg11[%dma_wait3A_1217, %dma_wait3A_1223] : memref<7x6400xi32, #tpu.memory_space<vmem>> -> memref<1x64xi32, #tpu.memory_space<vmem>>
      %dma_wait3A_1225 = tpu.memref_squeeze %dma_wait3A_1224 : memref<1x64xi32, #tpu.memory_space<vmem>> -> memref<64xi32, #tpu.memory_space<vmem>>
      %dma_wait3A_1226 = arith.constant 0 : i32
      %dma_wait3A_1227 = arith.constant 0 : i32
      %dma_wait3A_1228 = tpu.memref_slice %arg5[%dma_wait3A_1226, %dma_wait3A_1227] : memref<100000x32xf32, #tpu.memory_space<hbm>> -> memref<100000x32xf32, #tpu.memory_space<hbm>>
      tpu.wait_indirect_dma semaphore(%arg15 : memref<!tpu.dma_semaphore, #tpu.memory_space<semaphore_mem>>) src(%dma_wait3A_1228 : memref<100000x32xf32, #tpu.memory_space<hbm>>) dst(%dma_wait3A_1222 : memref<64x32xf32, #tpu.memory_space<vmem>>)
      %dma_wait3A_1229 = arith.constant 3 : i32
      %dma_wait3A_1230 = arith.constant 3 : i32
      %dma_wait3A_1231 = arith.constant 0 : i32
      %dma_wait3A_1232 = arith.constant 0 : i32
      %dma_wait3A_1233 = tpu.memref_slice %arg12[%dma_wait3A_1230, %dma_wait3A_1231, %dma_wait3A_1232] : memref<7x128x32xf32, #tpu.memory_space<vmem>> -> memref<1x64x32xf32, #tpu.memory_space<vmem>>
      %dma_wait3A_1234 = tpu.memref_squeeze %dma_wait3A_1233 : memref<1x64x32xf32, #tpu.memory_space<vmem>> -> memref<64x32xf32, #tpu.memory_space<vmem>>
      %dma_wait3A_1235 = arith.constant 0 : i32
      %dma_wait3A_1236 = tpu.memref_slice %arg11[%dma_wait3A_1229, %dma_wait3A_1235] : memref<7x6400xi32, #tpu.memory_space<vmem>> -> memref<1x64xi32, #tpu.memory_space<vmem>>
      %dma_wait3A_1237 = tpu.memref_squeeze %dma_wait3A_1236 : memref<1x64xi32, #tpu.memory_space<vmem>> -> memref<64xi32, #tpu.memory_space<vmem>>
      %dma_wait3A_1238 = arith.constant 0 : i32
      %dma_wait3A_1239 = arith.constant 0 : i32
      %dma_wait3A_1240 = tpu.memref_slice %arg6[%dma_wait3A_1238, %dma_wait3A_1239] : memref<100000x32xf32, #tpu.memory_space<hbm>> -> memref<100000x32xf32, #tpu.memory_space<hbm>>
      tpu.wait_indirect_dma semaphore(%arg15 : memref<!tpu.dma_semaphore, #tpu.memory_space<semaphore_mem>>) src(%dma_wait3A_1240 : memref<100000x32xf32, #tpu.memory_space<hbm>>) dst(%dma_wait3A_1234 : memref<64x32xf32, #tpu.memory_space<vmem>>)
      %dma_wait3A_1241 = arith.constant 3 : i32
      %dma_wait3A_1242 = arith.constant 3 : i32
      %dma_wait3A_1243 = arith.constant 64 : i32
      %dma_wait3A_1244 = arith.constant 0 : i32
      %dma_wait3A_1245 = tpu.memref_slice %arg12[%dma_wait3A_1242, %dma_wait3A_1243, %dma_wait3A_1244] : memref<7x128x32xf32, #tpu.memory_space<vmem>> -> memref<1x64x32xf32, #tpu.memory_space<vmem>>
      %dma_wait3A_1246 = tpu.memref_squeeze %dma_wait3A_1245 : memref<1x64x32xf32, #tpu.memory_space<vmem>> -> memref<64x32xf32, #tpu.memory_space<vmem>>
      %dma_wait3A_1247 = arith.constant 0 : i32
      %dma_wait3A_1248 = tpu.memref_slice %arg11[%dma_wait3A_1241, %dma_wait3A_1247] : memref<7x6400xi32, #tpu.memory_space<vmem>> -> memref<1x64xi32, #tpu.memory_space<vmem>>
      %dma_wait3A_1249 = tpu.memref_squeeze %dma_wait3A_1248 : memref<1x64xi32, #tpu.memory_space<vmem>> -> memref<64xi32, #tpu.memory_space<vmem>>
      %dma_wait3A_1250 = arith.constant 0 : i32
      %dma_wait3A_1251 = arith.constant 0 : i32
      %dma_wait3A_1252 = tpu.memref_slice %arg6[%dma_wait3A_1250, %dma_wait3A_1251] : memref<100000x32xf32, #tpu.memory_space<hbm>> -> memref<100000x32xf32, #tpu.memory_space<hbm>>
      tpu.wait_indirect_dma semaphore(%arg15 : memref<!tpu.dma_semaphore, #tpu.memory_space<semaphore_mem>>) src(%dma_wait3A_1252 : memref<100000x32xf32, #tpu.memory_space<hbm>>) dst(%dma_wait3A_1246 : memref<64x32xf32, #tpu.memory_space<vmem>>)
      %dma_wait3A_1253 = arith.constant 4 : i32
      %dma_wait3A_1254 = arith.constant 4 : i32
      %dma_wait3A_1255 = arith.constant 0 : i32
      %dma_wait3A_1256 = arith.constant 0 : i32
      %dma_wait3A_1257 = tpu.memref_slice %arg12[%dma_wait3A_1254, %dma_wait3A_1255, %dma_wait3A_1256] : memref<7x128x32xf32, #tpu.memory_space<vmem>> -> memref<1x64x32xf32, #tpu.memory_space<vmem>>
      %dma_wait3A_1258 = tpu.memref_squeeze %dma_wait3A_1257 : memref<1x64x32xf32, #tpu.memory_space<vmem>> -> memref<64x32xf32, #tpu.memory_space<vmem>>
      %dma_wait3A_1259 = arith.constant 0 : i32
      %dma_wait3A_1260 = tpu.memref_slice %arg11[%dma_wait3A_1253, %dma_wait3A_1259] : memref<7x6400xi32, #tpu.memory_space<vmem>> -> memref<1x64xi32, #tpu.memory_space<vmem>>
      %dma_wait3A_1261 = tpu.memref_squeeze %dma_wait3A_1260 : memref<1x64xi32, #tpu.memory_space<vmem>> -> memref<64xi32, #tpu.memory_space<vmem>>
      %dma_wait3A_1262 = arith.constant 0 : i32
      %dma_wait3A_1263 = arith.constant 0 : i32
      %dma_wait3A_1264 = tpu.memref_slice %arg7[%dma_wait3A_1262, %dma_wait3A_1263] : memref<100000x32xf32, #tpu.memory_space<hbm>> -> memref<100000x32xf32, #tpu.memory_space<hbm>>
      tpu.wait_indirect_dma semaphore(%arg15 : memref<!tpu.dma_semaphore, #tpu.memory_space<semaphore_mem>>) src(%dma_wait3A_1264 : memref<100000x32xf32, #tpu.memory_space<hbm>>) dst(%dma_wait3A_1258 : memref<64x32xf32, #tpu.memory_space<vmem>>)
      %dma_wait3A_1265 = arith.constant 4 : i32
      %dma_wait3A_1266 = arith.constant 4 : i32
      %dma_wait3A_1267 = arith.constant 64 : i32
      %dma_wait3A_1268 = arith.constant 0 : i32
      %dma_wait3A_1269 = tpu.memref_slice %arg12[%dma_wait3A_1266, %dma_wait3A_1267, %dma_wait3A_1268] : memref<7x128x32xf32, #tpu.memory_space<vmem>> -> memref<1x64x32xf32, #tpu.memory_space<vmem>>
      %dma_wait3A_1270 = tpu.memref_squeeze %dma_wait3A_1269 : memref<1x64x32xf32, #tpu.memory_space<vmem>> -> memref<64x32xf32, #tpu.memory_space<vmem>>
      %dma_wait3A_1271 = arith.constant 0 : i32
      %dma_wait3A_1272 = tpu.memref_slice %arg11[%dma_wait3A_1265, %dma_wait3A_1271] : memref<7x6400xi32, #tpu.memory_space<vmem>> -> memref<1x64xi32, #tpu.memory_space<vmem>>
      %dma_wait3A_1273 = tpu.memref_squeeze %dma_wait3A_1272 : memref<1x64xi32, #tpu.memory_space<vmem>> -> memref<64xi32, #tpu.memory_space<vmem>>
      %dma_wait3A_1274 = arith.constant 0 : i32
      %dma_wait3A_1275 = arith.constant 0 : i32
      %dma_wait3A_1276 = tpu.memref_slice %arg7[%dma_wait3A_1274, %dma_wait3A_1275] : memref<100000x32xf32, #tpu.memory_space<hbm>> -> memref<100000x32xf32, #tpu.memory_space<hbm>>
      tpu.wait_indirect_dma semaphore(%arg15 : memref<!tpu.dma_semaphore, #tpu.memory_space<semaphore_mem>>) src(%dma_wait3A_1276 : memref<100000x32xf32, #tpu.memory_space<hbm>>) dst(%dma_wait3A_1270 : memref<64x32xf32, #tpu.memory_space<vmem>>)
      %dma_wait3A_1277 = arith.constant 5 : i32
      %dma_wait3A_1278 = arith.constant 5 : i32
      %dma_wait3A_1279 = arith.constant 0 : i32
      %dma_wait3A_1280 = arith.constant 0 : i32
      %dma_wait3A_1281 = tpu.memref_slice %arg12[%dma_wait3A_1278, %dma_wait3A_1279, %dma_wait3A_1280] : memref<7x128x32xf32, #tpu.memory_space<vmem>> -> memref<1x64x32xf32, #tpu.memory_space<vmem>>
      %dma_wait3A_1282 = tpu.memref_squeeze %dma_wait3A_1281 : memref<1x64x32xf32, #tpu.memory_space<vmem>> -> memref<64x32xf32, #tpu.memory_space<vmem>>
      %dma_wait3A_1283 = arith.constant 0 : i32
      %dma_wait3A_1284 = tpu.memref_slice %arg11[%dma_wait3A_1277, %dma_wait3A_1283] : memref<7x6400xi32, #tpu.memory_space<vmem>> -> memref<1x64xi32, #tpu.memory_space<vmem>>
      %dma_wait3A_1285 = tpu.memref_squeeze %dma_wait3A_1284 : memref<1x64xi32, #tpu.memory_space<vmem>> -> memref<64xi32, #tpu.memory_space<vmem>>
      %dma_wait3A_1286 = arith.constant 0 : i32
      %dma_wait3A_1287 = arith.constant 0 : i32
      %dma_wait3A_1288 = tpu.memref_slice %arg8[%dma_wait3A_1286, %dma_wait3A_1287] : memref<100000x32xf32, #tpu.memory_space<hbm>> -> memref<100000x32xf32, #tpu.memory_space<hbm>>
      tpu.wait_indirect_dma semaphore(%arg15 : memref<!tpu.dma_semaphore, #tpu.memory_space<semaphore_mem>>) src(%dma_wait3A_1288 : memref<100000x32xf32, #tpu.memory_space<hbm>>) dst(%dma_wait3A_1282 : memref<64x32xf32, #tpu.memory_space<vmem>>)
      %dma_wait3A_1289 = arith.constant 5 : i32
      %dma_wait3A_1290 = arith.constant 5 : i32
      %dma_wait3A_1291 = arith.constant 64 : i32
      %dma_wait3A_1292 = arith.constant 0 : i32
      %dma_wait3A_1293 = tpu.memref_slice %arg12[%dma_wait3A_1290, %dma_wait3A_1291, %dma_wait3A_1292] : memref<7x128x32xf32, #tpu.memory_space<vmem>> -> memref<1x64x32xf32, #tpu.memory_space<vmem>>
      %dma_wait3A_1294 = tpu.memref_squeeze %dma_wait3A_1293 : memref<1x64x32xf32, #tpu.memory_space<vmem>> -> memref<64x32xf32, #tpu.memory_space<vmem>>
      %dma_wait3A_1295 = arith.constant 0 : i32
      %dma_wait3A_1296 = tpu.memref_slice %arg11[%dma_wait3A_1289, %dma_wait3A_1295] : memref<7x6400xi32, #tpu.memory_space<vmem>> -> memref<1x64xi32, #tpu.memory_space<vmem>>
      %dma_wait3A_1297 = tpu.memref_squeeze %dma_wait3A_1296 : memref<1x64xi32, #tpu.memory_space<vmem>> -> memref<64xi32, #tpu.memory_space<vmem>>
      %dma_wait3A_1298 = arith.constant 0 : i32
      %dma_wait3A_1299 = arith.constant 0 : i32
      %dma_wait3A_1300 = tpu.memref_slice %arg8[%dma_wait3A_1298, %dma_wait3A_1299] : memref<100000x32xf32, #tpu.memory_space<hbm>> -> memref<100000x32xf32, #tpu.memory_space<hbm>>
      tpu.wait_indirect_dma semaphore(%arg15 : memref<!tpu.dma_semaphore, #tpu.memory_space<semaphore_mem>>) src(%dma_wait3A_1300 : memref<100000x32xf32, #tpu.memory_space<hbm>>) dst(%dma_wait3A_1294 : memref<64x32xf32, #tpu.memory_space<vmem>>)
      %dma_wait3A_1301 = arith.constant 6 : i32
      %dma_wait3A_1302 = arith.constant 6 : i32
      %dma_wait3A_1303 = arith.constant 0 : i32
      %dma_wait3A_1304 = arith.constant 0 : i32
      %dma_wait3A_1305 = tpu.memref_slice %arg12[%dma_wait3A_1302, %dma_wait3A_1303, %dma_wait3A_1304] : memref<7x128x32xf32, #tpu.memory_space<vmem>> -> memref<1x64x32xf32, #tpu.memory_space<vmem>>
      %dma_wait3A_1306 = tpu.memref_squeeze %dma_wait3A_1305 : memref<1x64x32xf32, #tpu.memory_space<vmem>> -> memref<64x32xf32, #tpu.memory_space<vmem>>
      %dma_wait3A_1307 = arith.constant 0 : i32
      %dma_wait3A_1308 = tpu.memref_slice %arg11[%dma_wait3A_1301, %dma_wait3A_1307] : memref<7x6400xi32, #tpu.memory_space<vmem>> -> memref<1x64xi32, #tpu.memory_space<vmem>>
      %dma_wait3A_1309 = tpu.memref_squeeze %dma_wait3A_1308 : memref<1x64xi32, #tpu.memory_space<vmem>> -> memref<64xi32, #tpu.memory_space<vmem>>
      %dma_wait3A_1310 = arith.constant 0 : i32
      %dma_wait3A_1311 = arith.constant 0 : i32
      %dma_wait3A_1312 = tpu.memref_slice %arg9[%dma_wait3A_1310, %dma_wait3A_1311] : memref<100000x32xf32, #tpu.memory_space<hbm>> -> memref<100000x32xf32, #tpu.memory_space<hbm>>
      tpu.wait_indirect_dma semaphore(%arg15 : memref<!tpu.dma_semaphore, #tpu.memory_space<semaphore_mem>>) src(%dma_wait3A_1312 : memref<100000x32xf32, #tpu.memory_space<hbm>>) dst(%dma_wait3A_1306 : memref<64x32xf32, #tpu.memory_space<vmem>>)
      %dma_wait3A_1313 = arith.constant 6 : i32
      %dma_wait3A_1314 = arith.constant 6 : i32
      %dma_wait3A_1315 = arith.constant 64 : i32
      %dma_wait3A_1316 = arith.constant 0 : i32
      %dma_wait3A_1317 = tpu.memref_slice %arg12[%dma_wait3A_1314, %dma_wait3A_1315, %dma_wait3A_1316] : memref<7x128x32xf32, #tpu.memory_space<vmem>> -> memref<1x64x32xf32, #tpu.memory_space<vmem>>
      %dma_wait3A_1318 = tpu.memref_squeeze %dma_wait3A_1317 : memref<1x64x32xf32, #tpu.memory_space<vmem>> -> memref<64x32xf32, #tpu.memory_space<vmem>>
      %dma_wait3A_1319 = arith.constant 0 : i32
      %dma_wait3A_1320 = tpu.memref_slice %arg11[%dma_wait3A_1313, %dma_wait3A_1319] : memref<7x6400xi32, #tpu.memory_space<vmem>> -> memref<1x64xi32, #tpu.memory_space<vmem>>
      %dma_wait3A_1321 = tpu.memref_squeeze %dma_wait3A_1320 : memref<1x64xi32, #tpu.memory_space<vmem>> -> memref<64xi32, #tpu.memory_space<vmem>>
      %dma_wait3A_1322 = arith.constant 0 : i32
      %dma_wait3A_1323 = arith.constant 0 : i32
      %dma_wait3A_1324 = tpu.memref_slice %arg9[%dma_wait3A_1322, %dma_wait3A_1323] : memref<100000x32xf32, #tpu.memory_space<hbm>> -> memref<100000x32xf32, #tpu.memory_space<hbm>>
      tpu.wait_indirect_dma semaphore(%arg15 : memref<!tpu.dma_semaphore, #tpu.memory_space<semaphore_mem>>) src(%dma_wait3A_1324 : memref<100000x32xf32, #tpu.memory_space<hbm>>) dst(%dma_wait3A_1318 : memref<64x32xf32, #tpu.memory_space<vmem>>)
    }
    %scan3A_565 = arith.constant 25 : i32
    %dma_wait3A_566 = arith.constant 0 : i32
    %dma_wait3A_567 = arith.constant 0 : i32
    %dma_wait3A_568 = tpu.memref_slice %arg10[%dma_wait3A_566, %dma_wait3A_567] : memref<204800x224xf32, #tpu.memory_space<hbm>> -> memref<128x224xf32, #tpu.memory_space<hbm>>
    %dma_wait3A_569 = arith.constant 0 : i32
    %dma_wait3A_570 = arith.constant 0 : i32
    %dma_wait3A_571 = tpu.memref_slice %arg10[%dma_wait3A_569, %dma_wait3A_570] : memref<204800x224xf32, #tpu.memory_space<hbm>> -> memref<128x224xf32, #tpu.memory_space<hbm>>
    tpu.wait_dma2 semaphore(%arg17 : memref<!tpu.dma_semaphore, #tpu.memory_space<semaphore_mem>>) src(%arg14 : memref<128x224xf32, #tpu.memory_space<vmem>>) dst(%dma_wait3A_571 : memref<128x224xf32, #tpu.memory_space<hbm>>)
    return
  }
}

</mosaic_0001>

<sc_bundles>
// kernel: kernel.3.cloned.1.call-start
scs
__scs_entry_jumppad:
0x0: {  	(pc) =	sbr.rel $0x88, $3  }
0x1: {  	(tag) =	ssettag $0x0;
	lr =	simm.s32 $0x1  }
0x2: {  	[smem:$0x3F99] =	sst lr;
	_ =	strace $0xD0000000  }
0x3: {  	_ = 	snop  }
0x4: {  	_ = 	snop  }
0x5: {  	_ = 	snop  }
0x6: {  	_ = 	snop  }
0x7: {  	_ = 	snop  }
__scs_overlays_trampoline_lowered:
0x8: {  	[smem:$0x3FA8] =	sst s0  }
0x9: {  	[smem:$0x3FA9] =	sst s1  }
0xa: {  	[smem:$0x3FAA] =	sst s2  }
0xb: {  	[smem:$0x3FAB] =	sst s3  }
0xc: {  	[smem:$0x3FAC] =	sst s4  }
0xd: {  	[smem:$0x3FAD] =	sst s5  }
0xe: {  	[smem:$0x3FAE] =	sst s6  }
0xf: {  	[smem:$0x3FAF] =	sst s7  }
0x10: {  	[smem:$0x3FB0] =	sst s8  }
0x11: {  	[smem:$0x3FB1] =	sst s9;
	s0 =	simm.s32 @!p0 $0x0  }
0x12: {  	s1 =	sld [smem:$0x3F97];
	s0 =	simm.s32 @p0 $0x1  }
0x13: {  	[smem:$0x3FB2] =	sst s0;
	s0 =	simm.s32 @!p1 $0x0  }
0x14: {  	s2 =	sld [smem:$0x3F96];
	s0 =	simm.s32 @p1 $0x1  }
0x15: {  	[smem:$0x3FB3] =	sst s0;
	s0 =	simm.s32 @!p2 $0x0  }
0x16: {  	s3 =	sld [smem:$0x3FDB];
	s0 =	simm.s32 @p2 $0x1  }
0x17: {  	s4 =	simm.s32 $0x1BF5;
	[smem:$0x3FB5] =	sst s0  }
0x18: {  	s0 =	sld [smem:$0x3F98];
	_ =	swait.ge [sflag:s4], $0x0  }
0x19: {  	s7 =	sld [smem:$0x3F99]  }
0x1a: {  	s8 =	sadd.s32 $0xFFFFE003, lr  }
0x1b: {  	s9 =	sadd.s32 $0xFFFFFEF7, lr;
	s5 =	simm.s32 $0xFFFFFFFF;
	p2 =	slt.u32 s8, $0xFFFFF086  }
0x1c: {  	p1 =	slt.u32 s9, $0xF7A;
	s5 =	simm.s32 @!p2 $0x0  }
0x1d: {  	s5 =	simm.s32 @p1 $0x1;
	p0 =	seq.s32 s7, s2  }
0x1e: {  	s7 =	smul.u32 @!p0 $0xF7A, s2;
	p2 =	seq.s32 @!p0 s5, $0x0  }
0x1f: {  	s9 =	smul.u32 $0xF7A, s1;
	s8 =	simm.s32 @!p0 $0x1BF5;
	p2 =	por !p2, p0  }
0x20: {  	[sflag:s8] =	ssyncset.s32 @!p0 $0xFFFFF086;
	s6 =	sadd.s32 @!p0 s3, s7;
	s7 =	simm.s32 @!p0 $0x108  }
0x21: {  	s3 =	sadd.s32 s3, s9;
	s6 =	sadd.s32 @!p0 $0x88, s6;
	s7 =	simm.s32 @p2 $0x1082  }
0x22: {  	[simem:s7], [sflag:s8] =	dma.local @!p0 [hbm:s6], $0xF7A  }
0x23: {  	s9 =	sor.u32 $0xD0000000, s2;
	s6 =	simm.s32 $0x108;
	_ =	swait.ge @!p0 [sflag:s8], $0x0  }
0x24: {  	s3 =	sadd.s32 $0x88, s3;
	s6 =	simm.s32 @!p1 $0x1082;
	[sflag:s4] =	ssyncset.s32 $0xFFFFF086  }
0x25: {  	[simem:s6], [sflag:s4] =	dma.local [hbm:s3], $0xF7A  }
0x26: {  	[smem:$0x3F99] =	sst s1;
	(tag) =	ssettag s2;
	_ =	strace s9  }
0x27: {  	s1 =	sld [smem:$0x3FA9]  }
0x28: {  	s2 =	sld [smem:$0x3FAA]  }
0x29: {  	s4 =	sld [smem:$0x3FAC]  }
0x2a: {  	p0 =	seq.s32 s5, $0x0;
	s5 =	sld [smem:$0x3FAD]  }
0x2b: {  	s6 =	sld [smem:$0x3FAE]  }
0x2c: {  	s7 =	sld [smem:$0x3FAF]  }
0x2d: {  	s3 =	simm.s32 $0x108;
	s8 =	sld [smem:$0x3FB0]  }
0x2e: {  	s3 =	simm.s32 @!p0 $0x1082;
	s9 =	sld [smem:$0x3FB1]  }
0x2f: {  	lr =	sadd.s32 s0, s3;
	s0 =	sld [smem:$0x3FA8]  }
0x30: {  	s3 =	sld [smem:$0x3FAB]  }
0x31: {  	[smem:$0x3FB4] =	sst s10  }
0x32: {  	s10 =	sld [smem:$0x3FB2];
	_ =	sdelay $0x3  }
0x33: {  	p0 =	seq.s32 s10, $0x1;
	s10 =	sld [smem:$0x3FB4];
	_ =	sdelay $0x3  }
0x34: {  	[smem:$0x3FB4] =	sst s10  }
0x35: {  	s10 =	sld [smem:$0x3FB3];
	_ =	sdelay $0x3  }
0x36: {  	p1 =	seq.s32 s10, $0x1;
	s10 =	sld [smem:$0x3FB4];
	_ =	sdelay $0x3  }
0x37: {  	[smem:$0x3FB4] =	sst s10  }
0x38: {  	s10 =	sld [smem:$0x3FB5]  }
0x39: {  	_ = 	snop;
	(pc) =	sbr.ind lr, $3  }
0x3a: {  	_ = 	snop  }
0x3b: {  	_ = 	snop  }
0x3c: {  	p2 =	seq.s32 s10, $0x1;
	s10 =	sld [smem:$0x3FB4]  }
0x3d: {  	_ =	shalt  }
0x3e: {  	_ =	shalt  }
0x3f: {  	_ =	shalt  }
0x40: {  	_ =	shalt  }
0x41: {  	_ =	shalt  }
0x42: {  	_ =	shalt  }
0x43: {  	_ =	shalt  }
0x44: {  	_ =	shalt  }
0x45: {  	_ =	shalt  }
0x46: {  	_ =	shalt  }
0x47: {  	_ =	shalt  }
0x48: {  	_ =	shalt  }
0x49: {  	_ =	shalt  }
0x4a: {  	_ =	shalt  }
0x4b: {  	_ =	shalt  }
0x4c: {  	_ =	shalt  }
0x4d: {  	_ =	shalt  }
0x4e: {  	_ =	shalt  }
0x4f: {  	_ =	shalt  }
0x50: {  	_ =	shalt  }
0x51: {  	_ =	shalt  }
0x52: {  	_ =	shalt  }
0x53: {  	_ =	shalt  }
0x54: {  	_ =	shalt  }
0x55: {  	_ =	shalt  }
0x56: {  	_ =	shalt  }
0x57: {  	_ =	shalt  }
0x58: {  	_ =	shalt  }
0x59: {  	_ =	shalt  }
0x5a: {  	_ =	shalt  }
0x5b: {  	_ =	shalt  }
0x5c: {  	_ =	shalt  }
0x5d: {  	_ =	shalt  }
0x5e: {  	_ =	shalt  }
0x5f: {  	_ =	shalt  }
0x60: {  	_ =	shalt  }
0x61: {  	_ =	shalt  }
0x62: {  	_ =	shalt  }
0x63: {  	_ =	shalt  }
0x64: {  	_ =	shalt  }
0x65: {  	_ =	shalt  }
0x66: {  	_ =	shalt  }
0x67: {  	_ =	shalt  }
0x68: {  	_ =	shalt  }
0x69: {  	_ =	shalt  }
0x6a: {  	_ =	shalt  }
0x6b: {  	_ =	shalt  }
0x6c: {  	_ =	shalt  }
0x6d: {  	_ =	shalt  }
0x6e: {  	_ =	shalt  }
0x6f: {  	_ =	shalt  }
0x70: {  	_ =	shalt  }
0x71: {  	_ =	shalt  }
0x72: {  	_ =	shalt  }
0x73: {  	_ =	shalt  }
0x74: {  	_ =	shalt  }
0x75: {  	_ =	shalt  }
0x76: {  	_ =	shalt  }
0x77: {  	_ =	shalt  }
0x78: {  	_ =	shalt  }
0x79: {  	_ =	shalt  }
0x7a: {  	_ =	shalt  }
0x7b: {  	_ =	shalt  }
0x7c: {  	_ =	shalt  }
0x7d: {  	_ =	shalt  }
0x7e: {  	_ =	shalt  }
0x7f: {  	_ =	shalt  }
0x80: {  	_ =	shalt  }
0x81: {  	_ =	shalt  }
0x82: {  	_ =	shalt  }
0x83: {  	_ =	shalt  }
0x84: {  	_ =	shalt  }
0x85: {  	_ =	shalt  }
0x86: {  	_ =	shalt  }
0x87: {  	_ =	shalt  }
.Lfunc_end0:
.L_simem_size_0:
called_computation.1_lowered:
.L_overlay_start_0:
0x88: {  	s2 =	sld [smem:$0x3FD9]  }
0x89: {  	s3 =	sld [smem:$0x3FFE];
	_ =	sdelay $0x1  }
0x8a: {  	s1 =	srdreg.scid  }
0x8b: {  	s0 =	sand.u32 $0x1, s1  }
0x8c: {  	s17 =	sshll.u32 s0, $0xA;
	s2 =	sadd.s32 s3, s2  }
0x8d: {  	s2 =	sadd.s32 s2, s17  }
0x8e: {  	[smem:$0x3FC0] =	sst s2  }
0x8f: {  	_ = 	snop  }
0x90: {  	s2 =	sld [smem:$0x3FD0];
	(tm) =	ssettm $0x1  }
0x91: {  	s18 =	sld [smem:$0x3FFB];
	_ =	sdelay $0x3  }
0x92: {  	_ =	strace s18  }
0x93: {  	s3 =	sld [smem:$0x3FFC];
	_ =	sdelay $0x3  }
0x94: {  	_ =	strace s3  }
0x95: {  	s3 =	sld [smem:$0x3FFD];
	_ =	sdelay $0x3  }
0x96: {  	_ =	strace s3  }
0x97: {  	_ =	strace $0x8FFFFFFF  }
0x98: {  	s19 =	sld [smem:$0x3FDB];
	_ =	sdelay $0x1  }
0x99: {  	s4 =	simm.s32 $_scs_section_size  }
0x9a: {  	s5 =	simm.s32 $_size__tile_overlayer_lowered;
	s6 =	simm.s32 $_tile_overlayer_lowered  }
0x9b: {  	s22 =	simm.s32 $0x1BFF;
	s21 =	sshll.u32 s6, $0x1;
	s3 =	sadd.s32 s4, s19  }
0x9c: {  	s7 =	simm.s32 $0x0;
	s20 =	sshll.u32 s5, $0x1;
	s5 =	sadd.s32 s21, s3  }
0x9d: {  	[timem:s7], [sflag:s22] =	dma.local [hbm:s5], s20  }
0x9e: {  	_ =	swait.ge [sflag:s22], s20  }
0x9f: {  	s4 =	ssub.s32 $0x0, s20;
	[sflag:s22] =	ssyncset.done $0x0  }
0xa0: {  	[sflag:s22] =	ssyncadd.s32 s4;
	_ =	sdelay $0x1  }
0xa1: {  	s23 =	simm.s32 $0x1B8B  }
0xa2: {  	_ =	swait.ge [sflag:s23], $0x1  }
0xa3: {  	[sflag:s23] =	ssyncset.done $0x0  }
0xa4: {  	s25 =	simm.s32 $0x1B8E;
	s24 =	sld [smem:$0x3FFE];
	[sflag:s23] =	ssyncadd.s32 $0xFFFFFFFF  }
0xa5: {  	s26 =	simm.s32 $execute0_lowered;
	[smem:$0x3FD2] =	sst s25  }
0xa6: {  	s5 =	sshll.u32 s26, $0x1;
	_ =	strace $0x80000046;
	[dreg:$0x1] =	wrdreg $0xFFFFFFFF  }
0xa7: {  	s28 =	simm.s32 $_size_execute0_lowered;
	s3 =	sadd.s32 s3, s5;
	[dreg:$0x0] =	wrdreg $0x0  }
0xa8: {  	s5 =	sshll.u32 s28, $0x1;
	[dreg:$0x2] =	wrdreg s3  }
0xa9: {  	[dreg:$0x3] =	wrdreg s5  }
0xaa: {  	[dreg:$0x4] =	wrdreg $0xC0  }
0xab: {  	_ =	task [dreg:s7], $0x5FFFF  }
0xac: {  	[dreg:$0x1] =	wrdreg $0xFFFFFFFF  }
0xad: {  	[dreg:$0x0] =	wrdreg $0x60  }
0xae: {  	[dreg:$0x2] =	wrdreg s24  }
0xaf: {  	[dreg:$0x3] =	wrdreg s2  }
0xb0: {  	[dreg:$0x4] =	wrdreg $0x9  }
0xb1: {  	_ =	task.clear_ibuf [dreg:s7], $0x5FFFF;
	_ =	strace $0x90000046  }
0xb2: {  	s29 =	simm.s32 $0x9;
	_ =	strace $0x80000048  }
0xb3: {  	_ =	swait.ge [sflag:s29], $0x1  }
0xb4: {  	[sflag:s29] =	ssyncadd.s32 $0xFFFFFFFF  }
0xb5: {  	_ =	strace $0x90000048  }
0xb6: {  	_ =	sfence  }
0xb7: {  	s30 =	sld [smem:$0x0];
	_ =	sdelay $0x2  }
0xb8: {  	s31 =	sshll.u32 s1, $0xD;
	s1 =	sshrl.u32 s1, $0x2  }
0xb9: {  	s3 =	sand.u32 $0x4000, s31;
	s1 =	sadd.s32 s1, s30  }
0xba: {  	s0 =	sor.u32 s3, s0;
	s1 =	sshll.u32 s1, $0x11  }
0xbb: {  	s0 =	sor.u32 s1, s0  }
0xbc: {  	s0 =	sadd.s32 $0x8F2B, s0  }
0xbd: {  	[sflag:s0] =	ssyncadd.remote.s32 $0x1  }
0xbe: {  	_ =	sfence.sel $0xFFFF  }
0xbf: {  	[dreg:$0x0] =	wrdreg $0xFFFFFFFF;
	(pc) =	sbr.abs _section_cstart, $3  }
0xc0: {  	[dreg:$0x1] =	wrdreg $0xFFFFFFFF  }
0xc1: {  	_ =	task.clear_ibuf [dreg:s7], $0x2FFFF;
	_ =	strace $0x9FFFFFFF  }
0xc2: {  	(tm) =	ssettm $0x7FFFFFFF  }
0xc3: {  	_ =	shalt  }
tec
execute0_lowered:
.L_overlay_start_1:
0x0: {  	(tag) =	ssettag $0x1  }
0x1: {  	s0 =	srdreg.scid  }
0x2: {  	s2 =	stileid.u32;
	s1 =	rddreg [dreg:$0x0]  }
0x3: {  	s29 =	simm.s32 $0x40;
	s28 =	simm.s32 $0x1;
	s14 =	simm.s32 $0x3  }
0x4: {  	s0 =	sand.u32 $0x1, s0;
	s3 =	sshll.u32 s2, $0x1;
	s2 =	rddreg [dreg:$0x1]  }
0x5: {  	s6 =	sadd.s32 $0x95000, s1;
	s7 =	sadd.s32 $0xF6C00, s1;
	s4 =	sor.u32 s0, s3  }
0x6: {  	s8 =	sadd.s32 $0x158800, s1;
	s0 =	ssub.s32 $0x2, s0;
	s4 =	smul.u32 $0x1900, s4  }
0x7: {  	s9 =	sadd.s32 $0x1BA400, s1;
	s10 =	sadd.s32 $0x21C000, s1;
	s13 =	sshrl.u32 s0, $0x1  }
0x8: {  	s3 =	simm.s32 $0x0;
	s0 =	ssub.s32 s0, s13;
	s5 =	sshrl.u32 s4, $0x3  }
0x9: {  	[smem:$0x7FF] =	sst s3;
	s0 =	smax.u32 s0, $0x1;
	s12 =	sadd.s32 s5, s1  }
0xa: {  	_ =	strace $0x80000047;
	[dreg:$0xa] =	wrdreg s0;
	s22 =	sadd.s32 $0x7800, s12  }
0xb: {  	s11 =	sadd.s32 $0x27DC00, s1;
	s23 =	sadd.s32 $0xDC00, s12;
	[dreg:$0x3] =	wrdreg s22  }
0xc: {  	s13 =	simm.s32 $0x2;
	s24 =	sadd.s32 $0x14000, s12;
	[dreg:$0x4] =	wrdreg s23  }
0xd: {  	s19 =	sor.u32 $0x80, s4;
	s25 =	sadd.s32 $0x1A400, s12;
	[dreg:$0x5] =	wrdreg s24  }
0xe: {  	s5 =	sadd.s32 $0x33400, s1;
	s26 =	sadd.s32 $0x20800, s12;
	[dreg:$0x6] =	wrdreg s25  }
0xf: {  	s0 =	simm.s32 $0x0;
	s30 =	sadd.s32 $0x26C00, s12;
	[dreg:$0x7] =	wrdreg s26  }
0x10: {  	s31 =	sadd.s32 $0x2D000, s12;
	s12 =	simm.s32 $0x18F00;
	[dreg:$0x8] =	wrdreg s30  }
0x11: {  	[dreg:$0x9] =	wrdreg s31;
	s22 =	simm.s32 $0x16700;
	s23 =	simm.s32 $0x16F00  }
0x12: {  	s24 =	simm.s32 $0x17700;
	s25 =	simm.s32 $0x17F00;
	s26 =	simm.s32 $0x18700  }
.LBB2_1:
0x13: {  	[dreg:$0xb] =	wrdreg s0  }
0x14: {  	s15 =	rddreg [dreg:$0x3];
	s16 =	simm.s32 $0x4  }
0x15: {  	[tilespmem:s3], [sflag:$0x4] =	stream.linear.gather [hbm4b:s15+s3], $0x1900, $0x38;
	[tilespmem:$0x1FF00] =	vst v63  }
0x16: {  	_ =	swait.ge [sflag:s16], $0x1900  }
0x17: {  	[sflag:s16] =	ssyncset.done $0x0  }
0x18: {  	s17 =	simm.s32 $0x1900;
	s20 =	rddreg [dreg:$0x4];
	[sflag:s16] =	ssyncadd.s32 $0xFFFFE700  }
0x19: {  	[tilespmem:s17], [sflag:$0x4] =	stream.linear.gather [hbm4b:s20+s3], $0x1900, $0x38;
	[tilespmem:$0x1FF00] =	vst v63  }
0x1a: {  	_ =	swait.ge [sflag:s16], $0x1900  }
0x1b: {  	[sflag:s16] =	ssyncset.done $0x0  }
0x1c: {  	s18 =	simm.s32 $0x3200;
	s21 =	rddreg [dreg:$0x5];
	[sflag:s16] =	ssyncadd.s32 $0xFFFFE700  }
0x1d: {  	[tilespmem:s18], [sflag:$0x4] =	stream.linear.gather [hbm4b:s21+s3], $0x1900, $0x38;
	[tilespmem:$0x1FF00] =	vst v63  }
0x1e: {  	_ =	swait.ge [sflag:s16], $0x1900  }
0x1f: {  	[sflag:s16] =	ssyncset.done $0x0  }
0x20: {  	s20 =	simm.s32 $0x4B00;
	s0 =	rddreg [dreg:$0x6];
	[sflag:s16] =	ssyncadd.s32 $0xFFFFE700  }
0x21: {  	[tilespmem:s20], [sflag:$0x4] =	stream.linear.gather [hbm4b:s0+s3], $0x1900, $0x38;
	[tilespmem:$0x1FF00] =	vst v63  }
0x22: {  	_ =	swait.ge [sflag:s16], $0x1900  }
0x23: {  	[sflag:s16] =	ssyncset.done $0x0  }
0x24: {  	s21 =	simm.s32 $0x6400;
	s1 =	rddreg [dreg:$0x7];
	[sflag:s16] =	ssyncadd.s32 $0xFFFFE700  }
0x25: {  	[tilespmem:s21], [sflag:$0x4] =	stream.linear.gather [hbm4b:s1+s3], $0x1900, $0x38;
	[tilespmem:$0x1FF00] =	vst v63  }
0x26: {  	_ =	swait.ge [sflag:s16], $0x1900  }
0x27: {  	[sflag:s16] =	ssyncset.done $0x0  }
0x28: {  	s30 =	simm.s32 $0x7D00;
	s15 =	rddreg [dreg:$0x8];
	[sflag:s16] =	ssyncadd.s32 $0xFFFFE700  }
0x29: {  	[tilespmem:s30], [sflag:$0x4] =	stream.linear.gather [hbm4b:s15+s3], $0x1900, $0x38;
	[tilespmem:$0x1FF00] =	vst v63  }
0x2a: {  	_ =	swait.ge [sflag:s16], $0x1900  }
0x2b: {  	[sflag:s16] =	ssyncset.done $0x0  }
0x2c: {  	s31 =	simm.s32 $0x9600;
	s15 =	rddreg [dreg:$0x9];
	[sflag:s16] =	ssyncadd.s32 $0xFFFFE700  }
0x2d: {  	[tilespmem:s31], [sflag:$0x4] =	stream.linear.gather [hbm4b:s15+s3], $0x1900, $0x38;
	[tilespmem:$0x1FF00] =	vst v63  }
0x2e: {  	_ =	swait.ge [sflag:s16], $0x1900  }
0x2f: {  	[sflag:s16] =	ssyncset.done $0x0  }
0x30: {  	[sflag:s16] =	ssyncadd.s32 $0xFFFFE700;
	s16 =	simm.s32 $0xAF00  }
0x31: {  	[tilespmem:s16], [sflag:$0x1] =	stream.indirect.gather [hbm4b:s5+s29], $0x20, s3, s29, $0xb8;
	[tilespmem:$0x1FF00] =	vst v63  }
0x32: {  	s16 =	simm.s32 $0xB700  }
0x33: {  	[tilespmem:s16], [sflag:$0x1] =	stream.indirect.gather [hbm4b:s5+s29], $0x20, s29, s29, $0xb8;
	[tilespmem:$0x1FF00] =	vst v63  }
0x34: {  	s16 =	simm.s32 $0xBF00  }
0x35: {  	[tilespmem:s16], [sflag:$0x1] =	stream.indirect.gather [hbm4b:s6+s29], $0x20, s17, s29, $0xb8;
	[tilespmem:$0x1FF00] =	vst v63  }
0x36: {  	s16 =	simm.s32 $0x1940;
	s17 =	simm.s32 $0xC700  }
0x37: {  	[tilespmem:s17], [sflag:$0x1] =	stream.indirect.gather [hbm4b:s6+s29], $0x20, s16, s29, $0xb8;
	[tilespmem:$0x1FF00] =	vst v63  }
0x38: {  	s17 =	simm.s32 $0xCF00  }
0x39: {  	[tilespmem:s17], [sflag:$0x1] =	stream.indirect.gather [hbm4b:s7+s29], $0x20, s18, s29, $0xb8;
	[tilespmem:$0x1FF00] =	vst v63  }
0x3a: {  	s16 =	simm.s32 $0x3240;
	s17 =	simm.s32 $0xD700  }
0x3b: {  	[tilespmem:s17], [sflag:$0x1] =	stream.indirect.gather [hbm4b:s7+s29], $0x20, s16, s29, $0xb8;
	[tilespmem:$0x1FF00] =	vst v63  }
0x3c: {  	s18 =	simm.s32 $0xDF00  }
0x3d: {  	[tilespmem:s18], [sflag:$0x1] =	stream.indirect.gather [hbm4b:s8+s29], $0x20, s20, s29, $0xb8;
	[tilespmem:$0x1FF00] =	vst v63  }
0x3e: {  	s16 =	simm.s32 $0x4B40;
	s17 =	simm.s32 $0xE700  }
0x3f: {  	[tilespmem:s17], [sflag:$0x1] =	stream.indirect.gather [hbm4b:s8+s29], $0x20, s16, s29, $0xb8;
	[tilespmem:$0x1FF00] =	vst v63  }
0x40: {  	s18 =	simm.s32 $0xEF00  }
0x41: {  	[tilespmem:s18], [sflag:$0x1] =	stream.indirect.gather [hbm4b:s9+s29], $0x20, s21, s29, $0xb8;
	[tilespmem:$0x1FF00] =	vst v63  }
0x42: {  	s20 =	simm.s32 $0x6440;
	s21 =	simm.s32 $0xF700  }
0x43: {  	[tilespmem:s21], [sflag:$0x1] =	stream.indirect.gather [hbm4b:s9+s29], $0x20, s20, s29, $0xb8;
	[tilespmem:$0x1FF00] =	vst v63  }
0x44: {  	s1 =	simm.s32 $0xFF00  }
0x45: {  	[tilespmem:s1], [sflag:$0x1] =	stream.indirect.gather [hbm4b:s10+s29], $0x20, s30, s29, $0xb8;
	[tilespmem:$0x1FF00] =	vst v63  }
0x46: {  	s0 =	simm.s32 $0x10700;
	s17 =	simm.s32 $0x7D40  }
0x47: {  	[tilespmem:s0], [sflag:$0x1] =	stream.indirect.gather [hbm4b:s10+s29], $0x20, s17, s29, $0xb8;
	[tilespmem:$0x1FF00] =	vst v63  }
0x48: {  	s0 =	simm.s32 $0x10F00  }
0x49: {  	[tilespmem:s0], [sflag:$0x1] =	stream.indirect.gather [hbm4b:s11+s29], $0x20, s31, s29, $0xb8;
	[tilespmem:$0x1FF00] =	vst v63  }
0x4a: {  	s18 =	simm.s32 $0x9640;
	s31 =	simm.s32 $0x11700  }
0x4b: {  	[tilespmem:s31], [sflag:$0x1] =	stream.indirect.gather [hbm4b:s11+s29], $0x20, s18, s29, $0xb8;
	[tilespmem:$0x1FF00] =	vst v63  }
0x4c: {  	s20 =	simm.s32 $0x80;
	s21 =	simm.s32 $0x11F00  }
0x4d: {  	[tilespmem:s21], [sflag:$0x2] =	stream.indirect.gather [hbm4b:s5+s29], $0x20, s20, s29, $0xb8;
	[tilespmem:$0x1FF00] =	vst v63  }
0x4e: {  	s17 =	simm.s32 $0xC0;
	s18 =	simm.s32 $0x12700  }
0x4f: {  	[tilespmem:s18], [sflag:$0x2] =	stream.indirect.gather [hbm4b:s5+s29], $0x20, s17, s29, $0xb8;
	[tilespmem:$0x1FF00] =	vst v63  }
0x50: {  	s20 =	simm.s32 $0x1980;
	s21 =	simm.s32 $0x12F00  }
0x51: {  	[tilespmem:s21], [sflag:$0x2] =	stream.indirect.gather [hbm4b:s6+s29], $0x20, s20, s29, $0xb8;
	[tilespmem:$0x1FF00] =	vst v63  }
0x52: {  	s17 =	simm.s32 $0x19C0;
	s18 =	simm.s32 $0x13700  }
0x53: {  	[tilespmem:s18], [sflag:$0x2] =	stream.indirect.gather [hbm4b:s6+s29], $0x20, s17, s29, $0xb8;
	[tilespmem:$0x1FF00] =	vst v63  }
0x54: {  	s20 =	simm.s32 $0x3280;
	s21 =	simm.s32 $0x13F00  }
0x55: {  	[tilespmem:s21], [sflag:$0x2] =	stream.indirect.gather [hbm4b:s7+s29], $0x20, s20, s29, $0xb8;
	[tilespmem:$0x1FF00] =	vst v63  }
0x56: {  	s17 =	simm.s32 $0x32C0;
	s18 =	simm.s32 $0x14700  }
0x57: {  	[tilespmem:s18], [sflag:$0x2] =	stream.indirect.gather [hbm4b:s7+s29], $0x20, s17, s29, $0xb8;
	[tilespmem:$0x1FF00] =	vst v63  }
0x58: {  	s20 =	simm.s32 $0x4B80;
	s21 =	simm.s32 $0x14F00  }
0x59: {  	[tilespmem:s21], [sflag:$0x2] =	stream.indirect.gather [hbm4b:s8+s29], $0x20, s20, s29, $0xb8;
	[tilespmem:$0x1FF00] =	vst v63  }
0x5a: {  	s17 =	simm.s32 $0x4BC0;
	s18 =	simm.s32 $0x15700  }
0x5b: {  	[tilespmem:s18], [sflag:$0x2] =	stream.indirect.gather [hbm4b:s8+s29], $0x20, s17, s29, $0xb8;
	[tilespmem:$0x1FF00] =	vst v63  }
0x5c: {  	s20 =	simm.s32 $0x6480;
	s21 =	simm.s32 $0x15F00  }
0x5d: {  	[tilespmem:s21], [sflag:$0x2] =	stream.indirect.gather [hbm4b:s9+s29], $0x20, s20, s29, $0xb8;
	[tilespmem:$0x1FF00] =	vst v63  }
0x5e: {  	s16 =	simm.s32 $0x64C0  }
0x5f: {  	[tilespmem:s22], [sflag:$0x2] =	stream.indirect.gather [hbm4b:s9+s29], $0x20, s16, s29, $0xb8;
	[tilespmem:$0x1FF00] =	vst v63  }
0x60: {  	s17 =	simm.s32 $0x7D80  }
0x61: {  	[tilespmem:s23], [sflag:$0x2] =	stream.indirect.gather [hbm4b:s10+s29], $0x20, s17, s29, $0xb8;
	[tilespmem:$0x1FF00] =	vst v63  }
0x62: {  	s18 =	simm.s32 $0x7DC0  }
0x63: {  	[tilespmem:s24], [sflag:$0x2] =	stream.indirect.gather [hbm4b:s10+s29], $0x20, s18, s29, $0xb8;
	[tilespmem:$0x1FF00] =	vst v63  }
0x64: {  	s20 =	simm.s32 $0x9680  }
0x65: {  	[tilespmem:s25], [sflag:$0x2] =	stream.indirect.gather [hbm4b:s11+s29], $0x20, s20, s29, $0xb8;
	[tilespmem:$0x1FF00] =	vst v63  }
0x66: {  	s21 =	simm.s32 $0x96C0  }
0x67: {  	[tilespmem:s26], [sflag:$0x2] =	stream.indirect.gather [hbm4b:s11+s29], $0x20, s21, s29, $0xb8;
	[tilespmem:$0x1FF00] =	vst v63  }
0x68: {  	_ =	swait.ge [sflag:s28], $0x800  }
0x69: {  	[sflag:s28] =	ssyncset.done $0x0  }
0x6a: {  	[sflag:s28] =	ssyncadd.s32 $0xFFFFF800  }
0x6b: {  	_ =	swait.ge [sflag:s28], $0x800  }
0x6c: {  	[sflag:s28] =	ssyncset.done $0x0  }
0x6d: {  	[sflag:s28] =	ssyncadd.s32 $0xFFFFF800  }
0x6e: {  	_ =	swait.ge [sflag:s28], $0x800  }
0x6f: {  	[sflag:s28] =	ssyncset.done $0x0  }
0x70: {  	[sflag:s28] =	ssyncadd.s32 $0xFFFFF800  }
0x71: {  	_ =	swait.ge [sflag:s28], $0x800  }
0x72: {  	[sflag:s28] =	ssyncset.done $0x0  }
0x73: {  	[sflag:s28] =	ssyncadd.s32 $0xFFFFF800  }
0x74: {  	_ =	swait.ge [sflag:s28], $0x800  }
0x75: {  	[sflag:s28] =	ssyncset.done $0x0  }
0x76: {  	[sflag:s28] =	ssyncadd.s32 $0xFFFFF800  }
0x77: {  	_ =	swait.ge [sflag:s28], $0x800  }
0x78: {  	[sflag:s28] =	ssyncset.done $0x0  }
0x79: {  	[sflag:s28] =	ssyncadd.s32 $0xFFFFF800  }
0x7a: {  	_ =	swait.ge [sflag:s28], $0x800  }
0x7b: {  	[sflag:s28] =	ssyncset.done $0x0  }
0x7c: {  	[sflag:s28] =	ssyncadd.s32 $0xFFFFF800  }
0x7d: {  	_ =	swait.ge [sflag:s28], $0x800  }
0x7e: {  	[sflag:s28] =	ssyncset.done $0x0  }
0x7f: {  	[sflag:s28] =	ssyncadd.s32 $0xFFFFF800  }
0x80: {  	_ =	swait.ge [sflag:s28], $0x800  }
0x81: {  	[sflag:s28] =	ssyncset.done $0x0  }
0x82: {  	[sflag:s28] =	ssyncadd.s32 $0xFFFFF800  }
0x83: {  	_ =	swait.ge [sflag:s28], $0x800  }
0x84: {  	[sflag:s28] =	ssyncset.done $0x0  }
0x85: {  	[sflag:s28] =	ssyncadd.s32 $0xFFFFF800  }
0x86: {  	_ =	swait.ge [sflag:s28], $0x800  }
0x87: {  	[sflag:s28] =	ssyncset.done $0x0  }
0x88: {  	[sflag:s28] =	ssyncadd.s32 $0xFFFFF800  }
0x89: {  	_ =	swait.ge [sflag:s28], $0x800  }
0x8a: {  	[sflag:s28] =	ssyncset.done $0x0  }
0x8b: {  	[sflag:s28] =	ssyncadd.s32 $0xFFFFF800  }
0x8c: {  	_ =	swait.ge [sflag:s28], $0x800  }
0x8d: {  	[sflag:s28] =	ssyncset.done $0x0  }
0x8e: {  	[sflag:s28] =	ssyncadd.s32 $0xFFFFF800  }
0x8f: {  	_ =	swait.ge [sflag:s28], $0x800  }
0x90: {  	s15 =	simm.s32 $0x0;
	[sflag:s28] =	ssyncset.done $0x0  }
0x91: {  	s30 =	simm.s32 $0xFF00;
	s1 =	simm.s32 $0x10700;
	[sflag:s28] =	ssyncadd.s32 $0xFFFFF800  }
.LBB2_2:
0x92: {  	p0 =	seq.s32 s15, $0x0  }
0x93: {  	s16 =	simm.s32 @!p0 $0x3  }
0x94: {  	_ =	swait.ge @!p0 [sflag:s16], $0x7000  }
0x95: {  	[sflag:s16] =	ssyncset.done @!p0 $0x0  }
0x96: {  	s21 =	simm.s32 $0xAF00;
	[sflag:s16] =	ssyncadd.s32 @!p0 $0xFFFF9000  }
0x97: {  	v0 =	vld [tilespmem:s21+$0x0];
	_ =	sdelay $0x4  }
0x98: {  	v0 =	vmul.f32 $5.656854150e+00, v0  }
0x99: {  	s17 =	simm.s32 $0x18FE0  }
0x9a: {  	[tilespmem:s17+$0xFFFFFF20] =	vst v0  }
0x9b: {  	v0 =	vld [tilespmem:s21+$0x10];
	_ =	sdelay $0x4  }
0x9c: {  	v0 =	vmul.f32 $5.656854150e+00, v0;
	_ =	sdelay $0x1  }
0x9d: {  	[tilespmem:s17+$0xFFFFFF30] =	vst v0  }
0x9e: {  	v0 =	vld [tilespmem:s21+$0x1000];
	_ =	sdelay $0x4  }
0x9f: {  	v0 =	vmul.f32 $5.656854150e+00, v0;
	_ =	sdelay $0x1  }
0xa0: {  	[tilespmem:s17+$0xFFFFFF40] =	vst v0  }
0xa1: {  	v0 =	vld [tilespmem:s21+$0x1010];
	_ =	sdelay $0x4  }
0xa2: {  	v0 =	vmul.f32 $5.656854150e+00, v0;
	_ =	sdelay $0x1  }
0xa3: {  	[tilespmem:s17+$0xFFFFFF50] =	vst v0  }
0xa4: {  	v0 =	vld [tilespmem:s21+$0x2000];
	_ =	sdelay $0x4  }
0xa5: {  	v0 =	vmul.f32 $5.656854150e+00, v0;
	_ =	sdelay $0x1  }
0xa6: {  	[tilespmem:s17+$0xFFFFFF60] =	vst v0  }
0xa7: {  	v0 =	vld [tilespmem:s21+$0x2010];
	_ =	sdelay $0x4  }
0xa8: {  	v0 =	vmul.f32 $5.656854150e+00, v0;
	_ =	sdelay $0x1  }
0xa9: {  	[tilespmem:s17+$0xFFFFFF70] =	vst v0  }
0xaa: {  	v0 =	vld [tilespmem:s21+$0x3000];
	_ =	sdelay $0x4  }
0xab: {  	v0 =	vmul.f32 $5.656854150e+00, v0;
	_ =	sdelay $0x1  }
0xac: {  	[tilespmem:s17+$0xFFFFFF80] =	vst v0  }
0xad: {  	v0 =	vld [tilespmem:s21+$0x3010];
	_ =	sdelay $0x4  }
0xae: {  	v0 =	vmul.f32 $5.656854150e+00, v0;
	_ =	sdelay $0x1  }
0xaf: {  	[tilespmem:s17+$0xFFFFFF90] =	vst v0  }
0xb0: {  	v0 =	vld [tilespmem:s21+$0x4000];
	_ =	sdelay $0x4  }
0xb1: {  	v0 =	vmul.f32 $5.656854150e+00, v0;
	_ =	sdelay $0x1  }
0xb2: {  	[tilespmem:s17+$0xFFFFFFA0] =	vst v0  }
0xb3: {  	v0 =	vld [tilespmem:s21+$0x4010];
	_ =	sdelay $0x4  }
0xb4: {  	v0 =	vmul.f32 $5.656854150e+00, v0;
	_ =	sdelay $0x1  }
0xb5: {  	[tilespmem:s17+$0xFFFFFFB0] =	vst v0  }
0xb6: {  	v0 =	vld [tilespmem:s21+$0x5000];
	_ =	sdelay $0x4  }
0xb7: {  	v0 =	vmul.f32 $5.656854150e+00, v0;
	_ =	sdelay $0x1  }
0xb8: {  	[tilespmem:s17+$0xFFFFFFC0] =	vst v0  }
0xb9: {  	v0 =	vld [tilespmem:s21+$0x5010];
	_ =	sdelay $0x4  }
0xba: {  	v0 =	vmul.f32 $5.656854150e+00, v0;
	_ =	sdelay $0x1  }
0xbb: {  	[tilespmem:s17+$0xFFFFFFD0] =	vst v0  }
0xbc: {  	v0 =	vld [tilespmem:s21+$0x6000];
	_ =	sdelay $0x4  }
0xbd: {  	v0 =	vmul.f32 $5.656854150e+00, v0;
	_ =	sdelay $0x1  }
0xbe: {  	[tilespmem:s17+$0xFFFFFFE0] =	vst v0  }
0xbf: {  	v0 =	vld [tilespmem:s21+$0x6010];
	_ =	sdelay $0x4  }
0xc0: {  	v0 =	vmul.f32 $5.656854150e+00, v0;
	_ =	sdelay $0x1  }
0xc1: {  	[tilespmem:s17+$0xFFFFFFF0] =	vst v0  }
0xc2: {  	v0 =	vld [tilespmem:s21+$0x20];
	_ =	sdelay $0x4  }
0xc3: {  	v0 =	vmul.f32 $5.656854150e+00, v0;
	_ =	sdelay $0x1  }
0xc4: {  	[tilespmem:s17+$0x0] =	vst v0  }
0xc5: {  	v0 =	vld [tilespmem:s21+$0x30];
	_ =	sdelay $0x4  }
0xc6: {  	v0 =	vmul.f32 $5.656854150e+00, v0;
	_ =	sdelay $0x1  }
0xc7: {  	[tilespmem:s17+$0x10] =	vst v0  }
0xc8: {  	v0 =	vld [tilespmem:s21+$0x1020];
	_ =	sdelay $0x4  }
0xc9: {  	v0 =	vmul.f32 $5.656854150e+00, v0;
	_ =	sdelay $0x1  }
0xca: {  	[tilespmem:s17+$0x20] =	vst v0  }
0xcb: {  	v0 =	vld [tilespmem:s21+$0x1030];
	_ =	sdelay $0x4  }
0xcc: {  	v0 =	vmul.f32 $5.656854150e+00, v0;
	_ =	sdelay $0x1  }
0xcd: {  	[tilespmem:s17+$0x30] =	vst v0  }
0xce: {  	v0 =	vld [tilespmem:s21+$0x2020];
	_ =	sdelay $0x4  }
0xcf: {  	v0 =	vmul.f32 $5.656854150e+00, v0;
	_ =	sdelay $0x1  }
0xd0: {  	[tilespmem:s17+$0x40] =	vst v0  }
0xd1: {  	v0 =	vld [tilespmem:s21+$0x2030];
	_ =	sdelay $0x4  }
0xd2: {  	v0 =	vmul.f32 $5.656854150e+00, v0;
	_ =	sdelay $0x1  }
0xd3: {  	[tilespmem:s17+$0x50] =	vst v0  }
0xd4: {  	v0 =	vld [tilespmem:s21+$0x3020];
	_ =	sdelay $0x4  }
0xd5: {  	v0 =	vmul.f32 $5.656854150e+00, v0;
	_ =	sdelay $0x1  }
0xd6: {  	[tilespmem:s17+$0x60] =	vst v0  }
0xd7: {  	v0 =	vld [tilespmem:s21+$0x3030];
	_ =	sdelay $0x4  }
0xd8: {  	v0 =	vmul.f32 $5.656854150e+00, v0;
	_ =	sdelay $0x1  }
0xd9: {  	[tilespmem:s17+$0x70] =	vst v0  }
0xda: {  	v0 =	vld [tilespmem:s21+$0x4020];
	_ =	sdelay $0x4  }
0xdb: {  	v0 =	vmul.f32 $5.656854150e+00, v0;
	_ =	sdelay $0x1  }
0xdc: {  	[tilespmem:s17+$0x80] =	vst v0  }
0xdd: {  	v0 =	vld [tilespmem:s21+$0x4030];
	_ =	sdelay $0x4  }
0xde: {  	v0 =	vmul.f32 $5.656854150e+00, v0;
	_ =	sdelay $0x1  }
0xdf: {  	[tilespmem:s17+$0x90] =	vst v0  }
0xe0: {  	v0 =	vld [tilespmem:s21+$0x5020];
	_ =	sdelay $0x4  }
0xe1: {  	v0 =	vmul.f32 $5.656854150e+00, v0;
	_ =	sdelay $0x1  }
0xe2: {  	[tilespmem:s17+$0xA0] =	vst v0  }
0xe3: {  	v0 =	vld [tilespmem:s21+$0x5030];
	_ =	sdelay $0x4  }
0xe4: {  	v0 =	vmul.f32 $5.656854150e+00, v0;
	_ =	sdelay $0x1  }
0xe5: {  	[tilespmem:s17+$0xB0] =	vst v0  }
0xe6: {  	v0 =	vld [tilespmem:s21+$0x6020];
	_ =	sdelay $0x4  }
0xe7: {  	v0 =	vmul.f32 $5.656854150e+00, v0;
	_ =	sdelay $0x1  }
0xe8: {  	[tilespmem:s17+$0xC0] =	vst v0  }
0xe9: {  	v0 =	vld [tilespmem:s21+$0x6030];
	_ =	sdelay $0x4  }
0xea: {  	v0 =	vmul.f32 $5.656854150e+00, v0;
	_ =	sdelay $0x1  }
0xeb: {  	s18 =	simm.s32 $0x0;
	s20 =	simm.s32 $0xAF40;
	s16 =	sshll.u32 s15, $0x1;
	[tilespmem:s17+$0xD0] =	vst v0  }
.LBB2_3:
0xec: {  	v0 =	vld [tilespmem:s20+$0x0];
	s18 =	sadd.s32 $0x2, s18  }
0xed: {  	p0 =	slt.u32 s18, $0x7E;
	_ =	sdelay $0x3  }
0xee: {  	v0 =	vmul.f32 $5.656854150e+00, v0  }
0xef: {  	s17 =	sadd.s32 $0x1C0, s17  }
0xf0: {  	[tilespmem:s17+$0xFFFFFF20] =	vst v0  }
0xf1: {  	v0 =	vld [tilespmem:s20+$0x10];
	_ =	sdelay $0x4  }
0xf2: {  	v0 =	vmul.f32 $5.656854150e+00, v0;
	_ =	sdelay $0x1  }
0xf3: {  	[tilespmem:s17+$0xFFFFFF30] =	vst v0  }
0xf4: {  	v0 =	vld [tilespmem:s20+$0x1000];
	_ =	sdelay $0x4  }
0xf5: {  	v0 =	vmul.f32 $5.656854150e+00, v0;
	_ =	sdelay $0x1  }
0xf6: {  	[tilespmem:s17+$0xFFFFFF40] =	vst v0  }
0xf7: {  	v0 =	vld [tilespmem:s20+$0x1010];
	_ =	sdelay $0x4  }
0xf8: {  	v0 =	vmul.f32 $5.656854150e+00, v0;
	_ =	sdelay $0x1  }
0xf9: {  	[tilespmem:s17+$0xFFFFFF50] =	vst v0  }
0xfa: {  	v0 =	vld [tilespmem:s20+$0x2000];
	_ =	sdelay $0x4  }
0xfb: {  	v0 =	vmul.f32 $5.656854150e+00, v0;
	_ =	sdelay $0x1  }
0xfc: {  	[tilespmem:s17+$0xFFFFFF60] =	vst v0  }
0xfd: {  	v0 =	vld [tilespmem:s20+$0x2010];
	_ =	sdelay $0x4  }
0xfe: {  	v0 =	vmul.f32 $5.656854150e+00, v0;
	_ =	sdelay $0x1  }
0xff: {  	[tilespmem:s17+$0xFFFFFF70] =	vst v0  }
0x100: {  	v0 =	vld [tilespmem:s20+$0x3000];
	_ =	sdelay $0x4  }
0x101: {  	v0 =	vmul.f32 $5.656854150e+00, v0;
	_ =	sdelay $0x1  }
0x102: {  	[tilespmem:s17+$0xFFFFFF80] =	vst v0  }
0x103: {  	v0 =	vld [tilespmem:s20+$0x3010];
	_ =	sdelay $0x4  }
0x104: {  	v0 =	vmul.f32 $5.656854150e+00, v0;
	_ =	sdelay $0x1  }
0x105: {  	[tilespmem:s17+$0xFFFFFF90] =	vst v0  }
0x106: {  	v0 =	vld [tilespmem:s20+$0x4000];
	_ =	sdelay $0x4  }
0x107: {  	v0 =	vmul.f32 $5.656854150e+00, v0;
	_ =	sdelay $0x1  }
0x108: {  	[tilespmem:s17+$0xFFFFFFA0] =	vst v0  }
0x109: {  	v0 =	vld [tilespmem:s20+$0x4010];
	_ =	sdelay $0x4  }
0x10a: {  	v0 =	vmul.f32 $5.656854150e+00, v0;
	_ =	sdelay $0x1  }
0x10b: {  	[tilespmem:s17+$0xFFFFFFB0] =	vst v0  }
0x10c: {  	v0 =	vld [tilespmem:s20+$0x5000];
	_ =	sdelay $0x4  }
0x10d: {  	v0 =	vmul.f32 $5.656854150e+00, v0;
	_ =	sdelay $0x1  }
0x10e: {  	[tilespmem:s17+$0xFFFFFFC0] =	vst v0  }
0x10f: {  	v0 =	vld [tilespmem:s20+$0x5010];
	_ =	sdelay $0x4  }
0x110: {  	v0 =	vmul.f32 $5.656854150e+00, v0;
	_ =	sdelay $0x1  }
0x111: {  	[tilespmem:s17+$0xFFFFFFD0] =	vst v0  }
0x112: {  	v0 =	vld [tilespmem:s20+$0x6000];
	_ =	sdelay $0x4  }
0x113: {  	v0 =	vmul.f32 $5.656854150e+00, v0;
	_ =	sdelay $0x1  }
0x114: {  	[tilespmem:s17+$0xFFFFFFE0] =	vst v0  }
0x115: {  	v0 =	vld [tilespmem:s20+$0x6010];
	_ =	sdelay $0x4  }
0x116: {  	v0 =	vmul.f32 $5.656854150e+00, v0;
	_ =	sdelay $0x1  }
0x117: {  	[tilespmem:s17+$0xFFFFFFF0] =	vst v0  }
0x118: {  	v0 =	vld [tilespmem:s20+$0x20];
	_ =	sdelay $0x4  }
0x119: {  	v0 =	vmul.f32 $5.656854150e+00, v0;
	_ =	sdelay $0x1  }
0x11a: {  	[tilespmem:s17+$0x0] =	vst v0  }
0x11b: {  	v0 =	vld [tilespmem:s20+$0x30];
	_ =	sdelay $0x4  }
0x11c: {  	v0 =	vmul.f32 $5.656854150e+00, v0;
	_ =	sdelay $0x1  }
0x11d: {  	[tilespmem:s17+$0x10] =	vst v0  }
0x11e: {  	v0 =	vld [tilespmem:s20+$0x1020];
	_ =	sdelay $0x4  }
0x11f: {  	v0 =	vmul.f32 $5.656854150e+00, v0;
	_ =	sdelay $0x1  }
0x120: {  	[tilespmem:s17+$0x20] =	vst v0  }
0x121: {  	v0 =	vld [tilespmem:s20+$0x1030];
	_ =	sdelay $0x4  }
0x122: {  	v0 =	vmul.f32 $5.656854150e+00, v0;
	_ =	sdelay $0x1  }
0x123: {  	[tilespmem:s17+$0x30] =	vst v0  }
0x124: {  	v0 =	vld [tilespmem:s20+$0x2020];
	_ =	sdelay $0x4  }
0x125: {  	v0 =	vmul.f32 $5.656854150e+00, v0;
	_ =	sdelay $0x1  }
0x126: {  	[tilespmem:s17+$0x40] =	vst v0  }
0x127: {  	v0 =	vld [tilespmem:s20+$0x2030];
	_ =	sdelay $0x4  }
0x128: {  	v0 =	vmul.f32 $5.656854150e+00, v0;
	_ =	sdelay $0x1  }
0x129: {  	[tilespmem:s17+$0x50] =	vst v0  }
0x12a: {  	v0 =	vld [tilespmem:s20+$0x3020];
	_ =	sdelay $0x4  }
0x12b: {  	v0 =	vmul.f32 $5.656854150e+00, v0;
	_ =	sdelay $0x1  }
0x12c: {  	[tilespmem:s17+$0x60] =	vst v0  }
0x12d: {  	v0 =	vld [tilespmem:s20+$0x3030];
	_ =	sdelay $0x4  }
0x12e: {  	v0 =	vmul.f32 $5.656854150e+00, v0;
	_ =	sdelay $0x1  }
0x12f: {  	[tilespmem:s17+$0x70] =	vst v0  }
0x130: {  	v0 =	vld [tilespmem:s20+$0x4020];
	_ =	sdelay $0x4  }
0x131: {  	v0 =	vmul.f32 $5.656854150e+00, v0;
	_ =	sdelay $0x1  }
0x132: {  	[tilespmem:s17+$0x80] =	vst v0  }
0x133: {  	v0 =	vld [tilespmem:s20+$0x4030];
	_ =	sdelay $0x4  }
0x134: {  	v0 =	vmul.f32 $5.656854150e+00, v0;
	_ =	sdelay $0x1  }
0x135: {  	[tilespmem:s17+$0x90] =	vst v0  }
0x136: {  	v0 =	vld [tilespmem:s20+$0x5020];
	_ =	sdelay $0x4  }
0x137: {  	v0 =	vmul.f32 $5.656854150e+00, v0;
	_ =	sdelay $0x1  }
0x138: {  	[tilespmem:s17+$0xA0] =	vst v0  }
0x139: {  	v0 =	vld [tilespmem:s20+$0x5030];
	_ =	sdelay $0x4  }
0x13a: {  	v0 =	vmul.f32 $5.656854150e+00, v0;
	_ =	sdelay $0x1  }
0x13b: {  	[tilespmem:s17+$0xB0] =	vst v0  }
0x13c: {  	v0 =	vld [tilespmem:s20+$0x6020];
	_ =	sdelay $0x4  }
0x13d: {  	v0 =	vmul.f32 $5.656854150e+00, v0;
	_ =	sdelay $0x1  }
0x13e: {  	[tilespmem:s17+$0xC0] =	vst v0  }
0x13f: {  	v0 =	vld [tilespmem:s20+$0x6030];
	_ =	sdelay $0x2  }
.Ltmp0:
0x140: {  	(pc) =	sbr.rel @p0 .LBB2_3-.Ltmp0, $3  }
0x141: {  	_ = 	snop  }
0x142: {  	v0 =	vmul.f32 $5.656854150e+00, v0;
	_ =	sdelay $0x1  }
0x143: {  	s20 =	sadd.s32 $0x40, s20;
	[tilespmem:s17+$0xD0] =	vst v0  }
0x144: {  	s17 =	sshll.u32 s15, $0x8  }
0x145: {  	s18 =	sadd.s32 s4, s17  }
0x146: {  	s18 =	smul.u32 $0x1C, s18;
	_ =	sdelay $0x1  }
0x147: {  	s20 =	smin.u32 s16, $0x2F;
	s18 =	sadd.s32 s2, s18  }
0x148: {  	[hbm4b:s18+s3] =	stream.linear.scatter [tilespmem:s12], [sflag:$0x3], $0x7000, $0x38;
	[tilespmem:$0x1FF00] =	vst v63  }
0x149: {  	s18 =	sshll.u32 s20, $0x7  }
0x14a: {  	s21 =	simm.s32 $0xAF00;
	s20 =	sadd.s32 $0x100, s18  }
0x14b: {  	[tilespmem:s21], [sflag:$0x1] =	stream.indirect.gather [hbm4b:s5+s29], $0x20, s20, s29, $0xb8;
	[tilespmem:$0x1FF00] =	vst v63  }
0x14c: {  	s20 =	sadd.s32 $0x140, s18;
	s21 =	simm.s32 $0xB700  }
0x14d: {  	[tilespmem:s21], [sflag:$0x1] =	stream.indirect.gather [hbm4b:s5+s29], $0x20, s20, s29, $0xb8;
	[tilespmem:$0x1FF00] =	vst v63  }
0x14e: {  	s20 =	sadd.s32 $0x1A00, s18;
	s21 =	simm.s32 $0xBF00  }
0x14f: {  	[tilespmem:s21], [sflag:$0x1] =	stream.indirect.gather [hbm4b:s6+s29], $0x20, s20, s29, $0xb8;
	[tilespmem:$0x1FF00] =	vst v63  }
0x150: {  	s20 =	sadd.s32 $0x1A40, s18;
	s21 =	simm.s32 $0xC700  }
0x151: {  	[tilespmem:s21], [sflag:$0x1] =	stream.indirect.gather [hbm4b:s6+s29], $0x20, s20, s29, $0xb8;
	[tilespmem:$0x1FF00] =	vst v63  }
0x152: {  	s20 =	sadd.s32 $0x3300, s18;
	s21 =	simm.s32 $0xCF00  }
0x153: {  	[tilespmem:s21], [sflag:$0x1] =	stream.indirect.gather [hbm4b:s7+s29], $0x20, s20, s29, $0xb8;
	[tilespmem:$0x1FF00] =	vst v63  }
0x154: {  	s20 =	sadd.s32 $0x3340, s18;
	s21 =	simm.s32 $0xD700  }
0x155: {  	[tilespmem:s21], [sflag:$0x1] =	stream.indirect.gather [hbm4b:s7+s29], $0x20, s20, s29, $0xb8;
	[tilespmem:$0x1FF00] =	vst v63  }
0x156: {  	s20 =	sadd.s32 $0x4C00, s18;
	s21 =	simm.s32 $0xDF00  }
0x157: {  	[tilespmem:s21], [sflag:$0x1] =	stream.indirect.gather [hbm4b:s8+s29], $0x20, s20, s29, $0xb8;
	[tilespmem:$0x1FF00] =	vst v63  }
0x158: {  	s20 =	sadd.s32 $0x4C40, s18;
	s21 =	simm.s32 $0xE700  }
0x159: {  	[tilespmem:s21], [sflag:$0x1] =	stream.indirect.gather [hbm4b:s8+s29], $0x20, s20, s29, $0xb8;
	[tilespmem:$0x1FF00] =	vst v63  }
0x15a: {  	s20 =	sadd.s32 $0x6500, s18;
	s21 =	simm.s32 $0xEF00  }
0x15b: {  	[tilespmem:s21], [sflag:$0x1] =	stream.indirect.gather [hbm4b:s9+s29], $0x20, s20, s29, $0xb8;
	[tilespmem:$0x1FF00] =	vst v63  }
0x15c: {  	s20 =	sadd.s32 $0x6540, s18;
	s21 =	simm.s32 $0xF700  }
0x15d: {  	[tilespmem:s21], [sflag:$0x1] =	stream.indirect.gather [hbm4b:s9+s29], $0x20, s20, s29, $0xb8;
	[tilespmem:$0x1FF00] =	vst v63  }
0x15e: {  	s21 =	sadd.s32 $0x7E00, s18  }
0x15f: {  	[tilespmem:s30], [sflag:$0x1] =	stream.indirect.gather [hbm4b:s10+s29], $0x20, s21, s29, $0xb8;
	[tilespmem:$0x1FF00] =	vst v63  }
0x160: {  	s21 =	sadd.s32 $0x7E40, s18  }
0x161: {  	[tilespmem:s1], [sflag:$0x1] =	stream.indirect.gather [hbm4b:s10+s29], $0x20, s21, s29, $0xb8;
	[tilespmem:$0x1FF00] =	vst v63  }
0x162: {  	s21 =	sadd.s32 $0x9700, s18  }
0x163: {  	[tilespmem:s0], [sflag:$0x1] =	stream.indirect.gather [hbm4b:s11+s29], $0x20, s21, s29, $0xb8;
	[tilespmem:$0x1FF00] =	vst v63  }
0x164: {  	s18 =	sadd.s32 $0x9740, s18  }
0x165: {  	[tilespmem:s31], [sflag:$0x1] =	stream.indirect.gather [hbm4b:s11+s29], $0x20, s18, s29, $0xb8;
	[tilespmem:$0x1FF00] =	vst v63  }
0x166: {  	_ =	swait.ge [sflag:s13], $0x800  }
0x167: {  	[sflag:s13] =	ssyncset.done $0x0  }
0x168: {  	[sflag:s13] =	ssyncadd.s32 $0xFFFFF800  }
0x169: {  	_ =	swait.ge [sflag:s13], $0x800  }
0x16a: {  	[sflag:s13] =	ssyncset.done $0x0  }
0x16b: {  	[sflag:s13] =	ssyncadd.s32 $0xFFFFF800  }
0x16c: {  	_ =	swait.ge [sflag:s13], $0x800  }
0x16d: {  	[sflag:s13] =	ssyncset.done $0x0  }
0x16e: {  	[sflag:s13] =	ssyncadd.s32 $0xFFFFF800  }
0x16f: {  	_ =	swait.ge [sflag:s13], $0x800  }
0x170: {  	[sflag:s13] =	ssyncset.done $0x0  }
0x171: {  	[sflag:s13] =	ssyncadd.s32 $0xFFFFF800  }
0x172: {  	_ =	swait.ge [sflag:s13], $0x800  }
0x173: {  	[sflag:s13] =	ssyncset.done $0x0  }
0x174: {  	[sflag:s13] =	ssyncadd.s32 $0xFFFFF800  }
0x175: {  	_ =	swait.ge [sflag:s13], $0x800  }
0x176: {  	[sflag:s13] =	ssyncset.done $0x0  }
0x177: {  	[sflag:s13] =	ssyncadd.s32 $0xFFFFF800  }
0x178: {  	_ =	swait.ge [sflag:s13], $0x800  }
0x179: {  	[sflag:s13] =	ssyncset.done $0x0  }
0x17a: {  	[sflag:s13] =	ssyncadd.s32 $0xFFFFF800  }
0x17b: {  	_ =	swait.ge [sflag:s13], $0x800  }
0x17c: {  	[sflag:s13] =	ssyncset.done $0x0  }
0x17d: {  	[sflag:s13] =	ssyncadd.s32 $0xFFFFF800  }
0x17e: {  	_ =	swait.ge [sflag:s13], $0x800  }
0x17f: {  	[sflag:s13] =	ssyncset.done $0x0  }
0x180: {  	[sflag:s13] =	ssyncadd.s32 $0xFFFFF800  }
0x181: {  	_ =	swait.ge [sflag:s13], $0x800  }
0x182: {  	[sflag:s13] =	ssyncset.done $0x0  }
0x183: {  	[sflag:s13] =	ssyncadd.s32 $0xFFFFF800  }
0x184: {  	_ =	swait.ge [sflag:s13], $0x800  }
0x185: {  	[sflag:s13] =	ssyncset.done $0x0  }
0x186: {  	[sflag:s13] =	ssyncadd.s32 $0xFFFFF800  }
0x187: {  	_ =	swait.ge [sflag:s13], $0x800  }
0x188: {  	[sflag:s13] =	ssyncset.done $0x0  }
0x189: {  	[sflag:s13] =	ssyncadd.s32 $0xFFFFF800  }
0x18a: {  	_ =	swait.ge [sflag:s13], $0x800  }
0x18b: {  	[sflag:s13] =	ssyncset.done $0x0  }
0x18c: {  	[sflag:s13] =	ssyncadd.s32 $0xFFFFF800  }
0x18d: {  	_ =	swait.ge [sflag:s13], $0x800  }
0x18e: {  	[sflag:s13] =	ssyncset.done $0x0  }
0x18f: {  	[sflag:s13] =	ssyncadd.s32 $0xFFFFF800  }
0x190: {  	_ =	swait.ge [sflag:s14], $0x7000  }
0x191: {  	[sflag:s14] =	ssyncset.done $0x0  }
0x192: {  	s21 =	simm.s32 $0x11F00;
	[sflag:s14] =	ssyncadd.s32 $0xFFFF9000  }
0x193: {  	v0 =	vld [tilespmem:s21+$0x0];
	_ =	sdelay $0x4  }
0x194: {  	v0 =	vmul.f32 $5.656854150e+00, v0  }
0x195: {  	s18 =	simm.s32 $0x18FE0  }
0x196: {  	[tilespmem:s18+$0xFFFFFF20] =	vst v0  }
0x197: {  	v0 =	vld [tilespmem:s21+$0x10];
	_ =	sdelay $0x4  }
0x198: {  	v0 =	vmul.f32 $5.656854150e+00, v0;
	_ =	sdelay $0x1  }
0x199: {  	[tilespmem:s18+$0xFFFFFF30] =	vst v0  }
0x19a: {  	v0 =	vld [tilespmem:s21+$0x1000];
	_ =	sdelay $0x4  }
0x19b: {  	v0 =	vmul.f32 $5.656854150e+00, v0;
	_ =	sdelay $0x1  }
0x19c: {  	[tilespmem:s18+$0xFFFFFF40] =	vst v0  }
0x19d: {  	v0 =	vld [tilespmem:s21+$0x1010];
	_ =	sdelay $0x4  }
0x19e: {  	v0 =	vmul.f32 $5.656854150e+00, v0;
	_ =	sdelay $0x1  }
0x19f: {  	[tilespmem:s18+$0xFFFFFF50] =	vst v0  }
0x1a0: {  	v0 =	vld [tilespmem:s21+$0x2000];
	_ =	sdelay $0x4  }
0x1a1: {  	v0 =	vmul.f32 $5.656854150e+00, v0;
	_ =	sdelay $0x1  }
0x1a2: {  	[tilespmem:s18+$0xFFFFFF60] =	vst v0  }
0x1a3: {  	v0 =	vld [tilespmem:s21+$0x2010];
	_ =	sdelay $0x4  }
0x1a4: {  	v0 =	vmul.f32 $5.656854150e+00, v0;
	_ =	sdelay $0x1  }
0x1a5: {  	[tilespmem:s18+$0xFFFFFF70] =	vst v0  }
0x1a6: {  	v0 =	vld [tilespmem:s21+$0x3000];
	_ =	sdelay $0x4  }
0x1a7: {  	v0 =	vmul.f32 $5.656854150e+00, v0;
	_ =	sdelay $0x1  }
0x1a8: {  	[tilespmem:s18+$0xFFFFFF80] =	vst v0  }
0x1a9: {  	v0 =	vld [tilespmem:s21+$0x3010];
	_ =	sdelay $0x4  }
0x1aa: {  	v0 =	vmul.f32 $5.656854150e+00, v0;
	_ =	sdelay $0x1  }
0x1ab: {  	[tilespmem:s18+$0xFFFFFF90] =	vst v0  }
0x1ac: {  	v0 =	vld [tilespmem:s21+$0x4000];
	_ =	sdelay $0x4  }
0x1ad: {  	v0 =	vmul.f32 $5.656854150e+00, v0;
	_ =	sdelay $0x1  }
0x1ae: {  	[tilespmem:s18+$0xFFFFFFA0] =	vst v0  }
0x1af: {  	v0 =	vld [tilespmem:s21+$0x4010];
	_ =	sdelay $0x4  }
0x1b0: {  	v0 =	vmul.f32 $5.656854150e+00, v0;
	_ =	sdelay $0x1  }
0x1b1: {  	[tilespmem:s18+$0xFFFFFFB0] =	vst v0  }
0x1b2: {  	v0 =	vld [tilespmem:s21+$0x5000];
	_ =	sdelay $0x4  }
0x1b3: {  	v0 =	vmul.f32 $5.656854150e+00, v0;
	_ =	sdelay $0x1  }
0x1b4: {  	[tilespmem:s18+$0xFFFFFFC0] =	vst v0  }
0x1b5: {  	v0 =	vld [tilespmem:s21+$0x5010];
	_ =	sdelay $0x4  }
0x1b6: {  	v0 =	vmul.f32 $5.656854150e+00, v0;
	_ =	sdelay $0x1  }
0x1b7: {  	[tilespmem:s18+$0xFFFFFFD0] =	vst v0  }
0x1b8: {  	v0 =	vld [tilespmem:s21+$0x6000];
	_ =	sdelay $0x4  }
0x1b9: {  	v0 =	vmul.f32 $5.656854150e+00, v0;
	_ =	sdelay $0x1  }
0x1ba: {  	[tilespmem:s18+$0xFFFFFFE0] =	vst v0  }
0x1bb: {  	v0 =	vld [tilespmem:s21+$0x6010];
	_ =	sdelay $0x4  }
0x1bc: {  	v0 =	vmul.f32 $5.656854150e+00, v0;
	_ =	sdelay $0x1  }
0x1bd: {  	[tilespmem:s18+$0xFFFFFFF0] =	vst v0  }
0x1be: {  	v0 =	vld [tilespmem:s21+$0x20];
	_ =	sdelay $0x4  }
0x1bf: {  	v0 =	vmul.f32 $5.656854150e+00, v0;
	_ =	sdelay $0x1  }
0x1c0: {  	[tilespmem:s18+$0x0] =	vst v0  }
0x1c1: {  	v0 =	vld [tilespmem:s21+$0x30];
	_ =	sdelay $0x4  }
0x1c2: {  	v0 =	vmul.f32 $5.656854150e+00, v0;
	_ =	sdelay $0x1  }
0x1c3: {  	[tilespmem:s18+$0x10] =	vst v0  }
0x1c4: {  	v0 =	vld [tilespmem:s21+$0x1020];
	_ =	sdelay $0x4  }
0x1c5: {  	v0 =	vmul.f32 $5.656854150e+00, v0;
	_ =	sdelay $0x1  }
0x1c6: {  	[tilespmem:s18+$0x20] =	vst v0  }
0x1c7: {  	v0 =	vld [tilespmem:s21+$0x1030];
	_ =	sdelay $0x4  }
0x1c8: {  	v0 =	vmul.f32 $5.656854150e+00, v0;
	_ =	sdelay $0x1  }
0x1c9: {  	[tilespmem:s18+$0x30] =	vst v0  }
0x1ca: {  	v0 =	vld [tilespmem:s21+$0x2020];
	_ =	sdelay $0x4  }
0x1cb: {  	v0 =	vmul.f32 $5.656854150e+00, v0;
	_ =	sdelay $0x1  }
0x1cc: {  	[tilespmem:s18+$0x40] =	vst v0  }
0x1cd: {  	v0 =	vld [tilespmem:s21+$0x2030];
	_ =	sdelay $0x4  }
0x1ce: {  	v0 =	vmul.f32 $5.656854150e+00, v0;
	_ =	sdelay $0x1  }
0x1cf: {  	[tilespmem:s18+$0x50] =	vst v0  }
0x1d0: {  	v0 =	vld [tilespmem:s21+$0x3020];
	_ =	sdelay $0x4  }
0x1d1: {  	v0 =	vmul.f32 $5.656854150e+00, v0;
	_ =	sdelay $0x1  }
0x1d2: {  	[tilespmem:s18+$0x60] =	vst v0  }
0x1d3: {  	v0 =	vld [tilespmem:s21+$0x3030];
	_ =	sdelay $0x4  }
0x1d4: {  	v0 =	vmul.f32 $5.656854150e+00, v0;
	_ =	sdelay $0x1  }
0x1d5: {  	[tilespmem:s18+$0x70] =	vst v0  }
0x1d6: {  	v0 =	vld [tilespmem:s21+$0x4020];
	_ =	sdelay $0x4  }
0x1d7: {  	v0 =	vmul.f32 $5.656854150e+00, v0;
	_ =	sdelay $0x1  }
0x1d8: {  	[tilespmem:s18+$0x80] =	vst v0  }
0x1d9: {  	v0 =	vld [tilespmem:s21+$0x4030];
	_ =	sdelay $0x4  }
0x1da: {  	v0 =	vmul.f32 $5.656854150e+00, v0;
	_ =	sdelay $0x1  }
0x1db: {  	[tilespmem:s18+$0x90] =	vst v0  }
0x1dc: {  	v0 =	vld [tilespmem:s21+$0x5020];
	_ =	sdelay $0x4  }
0x1dd: {  	v0 =	vmul.f32 $5.656854150e+00, v0;
	_ =	sdelay $0x1  }
0x1de: {  	[tilespmem:s18+$0xA0] =	vst v0  }
0x1df: {  	v0 =	vld [tilespmem:s21+$0x5030];
	_ =	sdelay $0x4  }
0x1e0: {  	v0 =	vmul.f32 $5.656854150e+00, v0;
	_ =	sdelay $0x1  }
0x1e1: {  	[tilespmem:s18+$0xB0] =	vst v0  }
0x1e2: {  	v0 =	vld [tilespmem:s21+$0x6020];
	_ =	sdelay $0x4  }
0x1e3: {  	v0 =	vmul.f32 $5.656854150e+00, v0;
	_ =	sdelay $0x1  }
0x1e4: {  	[tilespmem:s18+$0xC0] =	vst v0  }
0x1e5: {  	v0 =	vld [tilespmem:s21+$0x6030];
	_ =	sdelay $0x4  }
0x1e6: {  	v0 =	vmul.f32 $5.656854150e+00, v0;
	_ =	sdelay $0x1  }
0x1e7: {  	s20 =	simm.s32 $0x0;
	s21 =	simm.s32 $0x11F40;
	[tilespmem:s18+$0xD0] =	vst v0  }
.LBB2_5:
0x1e8: {  	v0 =	vld [tilespmem:s21+$0x0];
	s20 =	sadd.s32 $0x2, s20  }
0x1e9: {  	p0 =	slt.u32 s20, $0x7E;
	_ =	sdelay $0x3  }
0x1ea: {  	v0 =	vmul.f32 $5.656854150e+00, v0  }
0x1eb: {  	s18 =	sadd.s32 $0x1C0, s18  }
0x1ec: {  	[tilespmem:s18+$0xFFFFFF20] =	vst v0  }
0x1ed: {  	v0 =	vld [tilespmem:s21+$0x10];
	_ =	sdelay $0x4  }
0x1ee: {  	v0 =	vmul.f32 $5.656854150e+00, v0;
	_ =	sdelay $0x1  }
0x1ef: {  	[tilespmem:s18+$0xFFFFFF30] =	vst v0  }
0x1f0: {  	v0 =	vld [tilespmem:s21+$0x1000];
	_ =	sdelay $0x4  }
0x1f1: {  	v0 =	vmul.f32 $5.656854150e+00, v0;
	_ =	sdelay $0x1  }
0x1f2: {  	[tilespmem:s18+$0xFFFFFF40] =	vst v0  }
0x1f3: {  	v0 =	vld [tilespmem:s21+$0x1010];
	_ =	sdelay $0x4  }
0x1f4: {  	v0 =	vmul.f32 $5.656854150e+00, v0;
	_ =	sdelay $0x1  }
0x1f5: {  	[tilespmem:s18+$0xFFFFFF50] =	vst v0  }
0x1f6: {  	v0 =	vld [tilespmem:s21+$0x2000];
	_ =	sdelay $0x4  }
0x1f7: {  	v0 =	vmul.f32 $5.656854150e+00, v0;
	_ =	sdelay $0x1  }
0x1f8: {  	[tilespmem:s18+$0xFFFFFF60] =	vst v0  }
0x1f9: {  	v0 =	vld [tilespmem:s21+$0x2010];
	_ =	sdelay $0x4  }
0x1fa: {  	v0 =	vmul.f32 $5.656854150e+00, v0;
	_ =	sdelay $0x1  }
0x1fb: {  	[tilespmem:s18+$0xFFFFFF70] =	vst v0  }
0x1fc: {  	v0 =	vld [tilespmem:s21+$0x3000];
	_ =	sdelay $0x4  }
0x1fd: {  	v0 =	vmul.f32 $5.656854150e+00, v0;
	_ =	sdelay $0x1  }
0x1fe: {  	[tilespmem:s18+$0xFFFFFF80] =	vst v0  }
0x1ff: {  	v0 =	vld [tilespmem:s21+$0x3010];
	_ =	sdelay $0x4  }
0x200: {  	v0 =	vmul.f32 $5.656854150e+00, v0;
	_ =	sdelay $0x1  }
0x201: {  	[tilespmem:s18+$0xFFFFFF90] =	vst v0  }
0x202: {  	v0 =	vld [tilespmem:s21+$0x4000];
	_ =	sdelay $0x4  }
0x203: {  	v0 =	vmul.f32 $5.656854150e+00, v0;
	_ =	sdelay $0x1  }
0x204: {  	[tilespmem:s18+$0xFFFFFFA0] =	vst v0  }
0x205: {  	v0 =	vld [tilespmem:s21+$0x4010];
	_ =	sdelay $0x4  }
0x206: {  	v0 =	vmul.f32 $5.656854150e+00, v0;
	_ =	sdelay $0x1  }
0x207: {  	[tilespmem:s18+$0xFFFFFFB0] =	vst v0  }
0x208: {  	v0 =	vld [tilespmem:s21+$0x5000];
	_ =	sdelay $0x4  }
0x209: {  	v0 =	vmul.f32 $5.656854150e+00, v0;
	_ =	sdelay $0x1  }
0x20a: {  	[tilespmem:s18+$0xFFFFFFC0] =	vst v0  }
0x20b: {  	v0 =	vld [tilespmem:s21+$0x5010];
	_ =	sdelay $0x4  }
0x20c: {  	v0 =	vmul.f32 $5.656854150e+00, v0;
	_ =	sdelay $0x1  }
0x20d: {  	[tilespmem:s18+$0xFFFFFFD0] =	vst v0  }
0x20e: {  	v0 =	vld [tilespmem:s21+$0x6000];
	_ =	sdelay $0x4  }
0x20f: {  	v0 =	vmul.f32 $5.656854150e+00, v0;
	_ =	sdelay $0x1  }
0x210: {  	[tilespmem:s18+$0xFFFFFFE0] =	vst v0  }
0x211: {  	v0 =	vld [tilespmem:s21+$0x6010];
	_ =	sdelay $0x4  }
0x212: {  	v0 =	vmul.f32 $5.656854150e+00, v0;
	_ =	sdelay $0x1  }
0x213: {  	[tilespmem:s18+$0xFFFFFFF0] =	vst v0  }
0x214: {  	v0 =	vld [tilespmem:s21+$0x20];
	_ =	sdelay $0x4  }
0x215: {  	v0 =	vmul.f32 $5.656854150e+00, v0;
	_ =	sdelay $0x1  }
0x216: {  	[tilespmem:s18+$0x0] =	vst v0  }
0x217: {  	v0 =	vld [tilespmem:s21+$0x30];
	_ =	sdelay $0x4  }
0x218: {  	v0 =	vmul.f32 $5.656854150e+00, v0;
	_ =	sdelay $0x1  }
0x219: {  	[tilespmem:s18+$0x10] =	vst v0  }
0x21a: {  	v0 =	vld [tilespmem:s21+$0x1020];
	_ =	sdelay $0x4  }
0x21b: {  	v0 =	vmul.f32 $5.656854150e+00, v0;
	_ =	sdelay $0x1  }
0x21c: {  	[tilespmem:s18+$0x20] =	vst v0  }
0x21d: {  	v0 =	vld [tilespmem:s21+$0x1030];
	_ =	sdelay $0x4  }
0x21e: {  	v0 =	vmul.f32 $5.656854150e+00, v0;
	_ =	sdelay $0x1  }
0x21f: {  	[tilespmem:s18+$0x30] =	vst v0  }
0x220: {  	v0 =	vld [tilespmem:s21+$0x2020];
	_ =	sdelay $0x4  }
0x221: {  	v0 =	vmul.f32 $5.656854150e+00, v0;
	_ =	sdelay $0x1  }
0x222: {  	[tilespmem:s18+$0x40] =	vst v0  }
0x223: {  	v0 =	vld [tilespmem:s21+$0x2030];
	_ =	sdelay $0x4  }
0x224: {  	v0 =	vmul.f32 $5.656854150e+00, v0;
	_ =	sdelay $0x1  }
0x225: {  	[tilespmem:s18+$0x50] =	vst v0  }
0x226: {  	v0 =	vld [tilespmem:s21+$0x3020];
	_ =	sdelay $0x4  }
0x227: {  	v0 =	vmul.f32 $5.656854150e+00, v0;
	_ =	sdelay $0x1  }
0x228: {  	[tilespmem:s18+$0x60] =	vst v0  }
0x229: {  	v0 =	vld [tilespmem:s21+$0x3030];
	_ =	sdelay $0x4  }
0x22a: {  	v0 =	vmul.f32 $5.656854150e+00, v0;
	_ =	sdelay $0x1  }
0x22b: {  	[tilespmem:s18+$0x70] =	vst v0  }
0x22c: {  	v0 =	vld [tilespmem:s21+$0x4020];
	_ =	sdelay $0x4  }
0x22d: {  	v0 =	vmul.f32 $5.656854150e+00, v0;
	_ =	sdelay $0x1  }
0x22e: {  	[tilespmem:s18+$0x80] =	vst v0  }
0x22f: {  	v0 =	vld [tilespmem:s21+$0x4030];
	_ =	sdelay $0x4  }
0x230: {  	v0 =	vmul.f32 $5.656854150e+00, v0;
	_ =	sdelay $0x1  }
0x231: {  	[tilespmem:s18+$0x90] =	vst v0  }
0x232: {  	v0 =	vld [tilespmem:s21+$0x5020];
	_ =	sdelay $0x4  }
0x233: {  	v0 =	vmul.f32 $5.656854150e+00, v0;
	_ =	sdelay $0x1  }
0x234: {  	[tilespmem:s18+$0xA0] =	vst v0  }
0x235: {  	v0 =	vld [tilespmem:s21+$0x5030];
	_ =	sdelay $0x4  }
0x236: {  	v0 =	vmul.f32 $5.656854150e+00, v0;
	_ =	sdelay $0x1  }
0x237: {  	[tilespmem:s18+$0xB0] =	vst v0  }
0x238: {  	v0 =	vld [tilespmem:s21+$0x6020];
	_ =	sdelay $0x4  }
0x239: {  	v0 =	vmul.f32 $5.656854150e+00, v0;
	_ =	sdelay $0x1  }
0x23a: {  	[tilespmem:s18+$0xC0] =	vst v0  }
0x23b: {  	v0 =	vld [tilespmem:s21+$0x6030];
	_ =	sdelay $0x2  }
.Ltmp1:
0x23c: {  	(pc) =	sbr.rel @p0 .LBB2_5-.Ltmp1, $3  }
0x23d: {  	_ = 	snop  }
0x23e: {  	v0 =	vmul.f32 $5.656854150e+00, v0;
	_ =	sdelay $0x1  }
0x23f: {  	s21 =	sadd.s32 $0x40, s21;
	[tilespmem:s18+$0xD0] =	vst v0  }
0x240: {  	s17 =	sadd.s32 s17, s19  }
0x241: {  	s17 =	smul.u32 $0x1C, s17  }
0x242: {  	s16 =	smin.u32 s16, $0x2E  }
0x243: {  	s16 =	sshll.u32 s16, $0x7;
	s17 =	sadd.s32 s2, s17  }
0x244: {  	[hbm4b:s17+s3] =	stream.linear.scatter [tilespmem:s12], [sflag:$0x3], $0x7000, $0x38;
	[tilespmem:$0x1FF00] =	vst v63  }
0x245: {  	s18 =	simm.s32 $0x11F00;
	s21 =	sadd.s32 $0x180, s16  }
0x246: {  	[tilespmem:s18], [sflag:$0x2] =	stream.indirect.gather [hbm4b:s5+s29], $0x20, s21, s29, $0xb8;
	[tilespmem:$0x1FF00] =	vst v63  }
0x247: {  	s20 =	sadd.s32 $0x1C0, s16;
	s21 =	simm.s32 $0x12700  }
0x248: {  	[tilespmem:s21], [sflag:$0x2] =	stream.indirect.gather [hbm4b:s5+s29], $0x20, s20, s29, $0xb8;
	[tilespmem:$0x1FF00] =	vst v63  }
0x249: {  	s20 =	sadd.s32 $0x1A80, s16;
	s21 =	simm.s32 $0x12F00  }
0x24a: {  	[tilespmem:s21], [sflag:$0x2] =	stream.indirect.gather [hbm4b:s6+s29], $0x20, s20, s29, $0xb8;
	[tilespmem:$0x1FF00] =	vst v63  }
0x24b: {  	s20 =	sadd.s32 $0x1AC0, s16;
	s21 =	simm.s32 $0x13700  }
0x24c: {  	[tilespmem:s21], [sflag:$0x2] =	stream.indirect.gather [hbm4b:s6+s29], $0x20, s20, s29, $0xb8;
	[tilespmem:$0x1FF00] =	vst v63  }
0x24d: {  	s20 =	sadd.s32 $0x3380, s16;
	s21 =	simm.s32 $0x13F00  }
0x24e: {  	[tilespmem:s21], [sflag:$0x2] =	stream.indirect.gather [hbm4b:s7+s29], $0x20, s20, s29, $0xb8;
	[tilespmem:$0x1FF00] =	vst v63  }
0x24f: {  	s20 =	sadd.s32 $0x33C0, s16;
	s21 =	simm.s32 $0x14700  }
0x250: {  	[tilespmem:s21], [sflag:$0x2] =	stream.indirect.gather [hbm4b:s7+s29], $0x20, s20, s29, $0xb8;
	[tilespmem:$0x1FF00] =	vst v63  }
0x251: {  	s20 =	sadd.s32 $0x4C80, s16;
	s21 =	simm.s32 $0x14F00  }
0x252: {  	[tilespmem:s21], [sflag:$0x2] =	stream.indirect.gather [hbm4b:s8+s29], $0x20, s20, s29, $0xb8;
	[tilespmem:$0x1FF00] =	vst v63  }
0x253: {  	s20 =	sadd.s32 $0x4CC0, s16;
	s21 =	simm.s32 $0x15700  }
0x254: {  	[tilespmem:s21], [sflag:$0x2] =	stream.indirect.gather [hbm4b:s8+s29], $0x20, s20, s29, $0xb8;
	[tilespmem:$0x1FF00] =	vst v63  }
0x255: {  	s18 =	sadd.s32 $0x6580, s16;
	s20 =	simm.s32 $0x15F00  }
0x256: {  	[tilespmem:s20], [sflag:$0x2] =	stream.indirect.gather [hbm4b:s9+s29], $0x20, s18, s29, $0xb8;
	[tilespmem:$0x1FF00] =	vst v63  }
0x257: {  	s21 =	sadd.s32 $0x65C0, s16  }
0x258: {  	[tilespmem:s22], [sflag:$0x2] =	stream.indirect.gather [hbm4b:s9+s29], $0x20, s21, s29, $0xb8;
	[tilespmem:$0x1FF00] =	vst v63  }
0x259: {  	s18 =	sadd.s32 $0x7E80, s16  }
0x25a: {  	[tilespmem:s23], [sflag:$0x2] =	stream.indirect.gather [hbm4b:s10+s29], $0x20, s18, s29, $0xb8;
	[tilespmem:$0x1FF00] =	vst v63  }
0x25b: {  	s20 =	sadd.s32 $0x7EC0, s16  }
0x25c: {  	[tilespmem:s24], [sflag:$0x2] =	stream.indirect.gather [hbm4b:s10+s29], $0x20, s20, s29, $0xb8;
	[tilespmem:$0x1FF00] =	vst v63  }
0x25d: {  	s21 =	sadd.s32 $0x9780, s16  }
0x25e: {  	[tilespmem:s25], [sflag:$0x2] =	stream.indirect.gather [hbm4b:s11+s29], $0x20, s21, s29, $0xb8;
	[tilespmem:$0x1FF00] =	vst v63  }
0x25f: {  	s16 =	sadd.s32 $0x97C0, s16  }
0x260: {  	[tilespmem:s26], [sflag:$0x2] =	stream.indirect.gather [hbm4b:s11+s29], $0x20, s16, s29, $0xb8;
	[tilespmem:$0x1FF00] =	vst v63  }
0x261: {  	_ =	swait.ge [sflag:s28], $0x800  }
0x262: {  	[sflag:s28] =	ssyncset.done $0x0  }
0x263: {  	[sflag:s28] =	ssyncadd.s32 $0xFFFFF800  }
0x264: {  	_ =	swait.ge [sflag:s28], $0x800  }
0x265: {  	[sflag:s28] =	ssyncset.done $0x0  }
0x266: {  	[sflag:s28] =	ssyncadd.s32 $0xFFFFF800  }
0x267: {  	_ =	swait.ge [sflag:s28], $0x800  }
0x268: {  	[sflag:s28] =	ssyncset.done $0x0  }
0x269: {  	[sflag:s28] =	ssyncadd.s32 $0xFFFFF800  }
0x26a: {  	_ =	swait.ge [sflag:s28], $0x800  }
0x26b: {  	[sflag:s28] =	ssyncset.done $0x0  }
0x26c: {  	[sflag:s28] =	ssyncadd.s32 $0xFFFFF800  }
0x26d: {  	_ =	swait.ge [sflag:s28], $0x800  }
0x26e: {  	[sflag:s28] =	ssyncset.done $0x0  }
0x26f: {  	[sflag:s28] =	ssyncadd.s32 $0xFFFFF800  }
0x270: {  	_ =	swait.ge [sflag:s28], $0x800  }
0x271: {  	[sflag:s28] =	ssyncset.done $0x0  }
0x272: {  	[sflag:s28] =	ssyncadd.s32 $0xFFFFF800  }
0x273: {  	_ =	swait.ge [sflag:s28], $0x800  }
0x274: {  	[sflag:s28] =	ssyncset.done $0x0  }
0x275: {  	[sflag:s28] =	ssyncadd.s32 $0xFFFFF800  }
0x276: {  	_ =	swait.ge [sflag:s28], $0x800  }
0x277: {  	[sflag:s28] =	ssyncset.done $0x0  }
0x278: {  	[sflag:s28] =	ssyncadd.s32 $0xFFFFF800  }
0x279: {  	_ =	swait.ge [sflag:s28], $0x800  }
0x27a: {  	[sflag:s28] =	ssyncset.done $0x0  }
0x27b: {  	[sflag:s28] =	ssyncadd.s32 $0xFFFFF800  }
0x27c: {  	_ =	swait.ge [sflag:s28], $0x800  }
0x27d: {  	[sflag:s28] =	ssyncset.done $0x0  }
0x27e: {  	[sflag:s28] =	ssyncadd.s32 $0xFFFFF800  }
0x27f: {  	_ =	swait.ge [sflag:s28], $0x800  }
0x280: {  	[sflag:s28] =	ssyncset.done $0x0  }
0x281: {  	[sflag:s28] =	ssyncadd.s32 $0xFFFFF800  }
0x282: {  	_ =	swait.ge [sflag:s28], $0x800  }
0x283: {  	[sflag:s28] =	ssyncset.done $0x0  }
0x284: {  	s15 =	sadd.s32 $0x1, s15;
	[sflag:s28] =	ssyncadd.s32 $0xFFFFF800  }
0x285: {  	p0 =	sne.s32 s15, $0x19;
	_ =	swait.ge [sflag:s28], $0x800  }
.Ltmp2:
0x286: {  	[sflag:s28] =	ssyncset.done $0x0;
	(pc) =	sbr.rel @p0 .LBB2_2-.Ltmp2, $4  }
0x287: {  	[sflag:s28] =	ssyncadd.s32 $0xFFFFF800  }
0x288: {  	_ =	swait.ge [sflag:s28], $0x800  }
0x289: {  	[sflag:s28] =	ssyncset.done $0x0  }
0x28a: {  	[sflag:s28] =	ssyncadd.s32 $0xFFFFF800  }
0x28b: {  	_ =	swait.ge [sflag:s14], $0x7000  }
0x28c: {  	s0 =	rddreg [dreg:$0xb]  }
0x28d: {  	s15 =	rddreg [dreg:$0xa];
	s0 =	sadd.s32 $0x1, s0  }
0x28e: {  	p0 =	sne.s32 s0, s15  }
.Ltmp3:
0x28f: {  	_ = 	snop;
	(pc) =	sbr.rel @p0 .LBB2_1-.Ltmp3, $3  }
0x290: {  	_ =	sdelay $0x1  }
0x291: {  	[sflag:s14] =	ssyncset.done $0x0  }
0x292: {  	[sflag:s14] =	ssyncadd.s32 $0xFFFF9000  }
0x293: {  	_ =	sfence.sel $0x180000  }
0x294: {  	[bflag:$0x0] =	sbarrier.arrive $0xFFFF  }
0x295: {  	_ =	strace $0x90000047  }
0x296: {  	s0 =	stileid.u32;
	[bflag:$0x2] =	sbarrier.arrive $0xFFFF  }
0x297: {  	p0 =	sne.s32 s0, $0x0;
	s0 =	rddreg [dreg:$0x2]  }
0x298: {  	s0 =	sadd.s32 @!p0 $0x100000, s0  }
0x299: {  	[sflag:s0] =	ssyncadd.tile.s32 @!p0 $0x1;
	_ =	shalt  }
.Lfunc_end2:
_tile_overlayer_lowered:
.L_overlay_start_2:
0x29a: {  	(tag) =	ssettag $0x2  }
0x29b: {  	s0 =	rddreg [dreg:$0x0];
	s2 =	stileid.u32  }
0x29c: {  	s1 =	rddreg [dreg:$0x1];
	p0 =	sne.s32 s2, $0x0  }
0x29d: {  	s3 =	rddreg [dreg:$0x2];
	[bflag:$0x3] =	sbarrier.arrive $0xFFFF;
	s2 =	simm.s32 @!p0 $0x1C04  }
0x29e: {  	[timem:s3], [sflag:s2] =	dma.local @!p0 [hbm:s0], s1  }
0x29f: {  	s0 =	simm.s32 @!p0 $0x4  }
0x2a0: {  	_ =	swait.ge @!p0 [sflag:s0], s1  }
0x2a1: {  	s1 =	ssub.s32 @!p0 $0x0, s1;
	[sflag:s0] =	ssyncset.done @!p0 $0x0  }
0x2a2: {  	[sflag:s0] =	ssyncadd.s32 @!p0 s1  }
0x2a3: {  	[bflag:$0x3] =	sbarrier.arrive $0xFFFF  }
0x2a4: {  	_ =	shalt  }

// kernel: sparse-core-data-format-call.cloned.1.call-start
scs
called_computation_lowered:
.L_overlay_start_0:
0x0: {  	s2 =	sld [smem:$0x3FD9]  }
0x1: {  	s3 =	sld [smem:$0x3FFE];
	_ =	sdelay $0x1  }
0x2: {  	s1 =	srdreg.scid  }
0x3: {  	s0 =	sand.u32 $0x1, s1  }
0x4: {  	s18 =	sshll.u32 s0, $0xA;
	s2 =	sadd.s32 s3, s2  }
0x5: {  	s2 =	sadd.s32 s2, s18  }
0x6: {  	[smem:$0x3FC0] =	sst s2  }
0x7: {  	_ = 	snop  }
0x8: {  	s2 =	sld [smem:$0x3FD0];
	(tm) =	ssettm $0x1  }
0x9: {  	s19 =	sld [smem:$0x3FFB];
	_ =	sdelay $0x3  }
0xa: {  	_ =	strace s19  }
0xb: {  	s3 =	sld [smem:$0x3FFC];
	_ =	sdelay $0x3  }
0xc: {  	_ =	strace s3  }
0xd: {  	s3 =	sld [smem:$0x3FFD];
	_ =	sdelay $0x3  }
0xe: {  	_ =	strace s3  }
0xf: {  	_ =	strace $0x8FFFFFFF  }
0x10: {  	s20 =	sld [smem:$0x3FDB];
	_ =	sdelay $0x1  }
0x11: {  	s4 =	simm.s32 $_scs_section_size  }
0x12: {  	s5 =	simm.s32 $_size__tile_overlayer_lowered;
	s6 =	simm.s32 $_tile_overlayer_lowered  }
0x13: {  	s23 =	simm.s32 $0x1BFF;
	s22 =	sshll.u32 s6, $0x1;
	s3 =	sadd.s32 s4, s20  }
0x14: {  	s7 =	simm.s32 $0x0;
	s21 =	sshll.u32 s5, $0x1;
	s5 =	sadd.s32 s22, s3  }
0x15: {  	[timem:s7], [sflag:s23] =	dma.local [hbm:s5], s21  }
0x16: {  	_ =	swait.ge [sflag:s23], s21  }
0x17: {  	s4 =	ssub.s32 $0x0, s21;
	[sflag:s23] =	ssyncset.done $0x0  }
0x18: {  	[sflag:s23] =	ssyncadd.s32 s4;
	_ =	sdelay $0x1  }
0x19: {  	s24 =	simm.s32 $0x1B8B  }
0x1a: {  	_ =	swait.ge [sflag:s24], $0x1  }
0x1b: {  	[sflag:s24] =	ssyncset.done $0x0  }
0x1c: {  	s26 =	simm.s32 $0x1B8E;
	s25 =	sld [smem:$0x3FFE];
	[sflag:s24] =	ssyncadd.s32 $0xFFFFFFFF  }
0x1d: {  	s27 =	simm.s32 $execute0_lowered;
	[smem:$0x3FD2] =	sst s26  }
0x1e: {  	s5 =	sshll.u32 s27, $0x1;
	_ =	strace $0x80000049;
	[dreg:$0x1] =	wrdreg $0xFFFFFFFF  }
0x1f: {  	s28 =	simm.s32 $_size_execute0_lowered;
	s3 =	sadd.s32 s3, s5;
	[dreg:$0x0] =	wrdreg $0x0  }
0x20: {  	s5 =	sshll.u32 s28, $0x1;
	[dreg:$0x2] =	wrdreg s3  }
0x21: {  	[dreg:$0x3] =	wrdreg s5  }
0x22: {  	[dreg:$0x4] =	wrdreg $0xC0  }
0x23: {  	_ =	task [dreg:s7], $0x5FFFF  }
0x24: {  	[dreg:$0x1] =	wrdreg $0xFFFFFFFF  }
0x25: {  	[dreg:$0x0] =	wrdreg $0x60  }
0x26: {  	[dreg:$0x2] =	wrdreg s25  }
0x27: {  	[dreg:$0x3] =	wrdreg s2  }
0x28: {  	[dreg:$0x4] =	wrdreg $0x9  }
0x29: {  	_ =	task.clear_ibuf [dreg:s7], $0x5FFFF;
	_ =	strace $0x90000049  }
0x2a: {  	s29 =	simm.s32 $0x9;
	_ =	strace $0x8000004B  }
0x2b: {  	_ =	swait.ge [sflag:s29], $0x1  }
0x2c: {  	[sflag:s29] =	ssyncadd.s32 $0xFFFFFFFF  }
0x2d: {  	_ =	strace $0x9000004B  }
0x2e: {  	_ =	sfence  }
0x2f: {  	s30 =	sld [smem:$0x0];
	_ =	sdelay $0x2  }
0x30: {  	s31 =	sshll.u32 s1, $0xD;
	s1 =	sshrl.u32 s1, $0x2  }
0x31: {  	s3 =	sand.u32 $0x4000, s31;
	s1 =	sadd.s32 s1, s30  }
0x32: {  	s0 =	sor.u32 s3, s0;
	s1 =	sshll.u32 s1, $0x11  }
0x33: {  	s0 =	sor.u32 s1, s0  }
0x34: {  	s0 =	sadd.s32 $0x8F2B, s0  }
0x35: {  	[sflag:s0] =	ssyncadd.remote.s32 $0x1  }
0x36: {  	_ =	sfence.sel $0xFFFF  }
0x37: {  	[dreg:$0x0] =	wrdreg $0xFFFFFFFF;
	(pc) =	sbr.abs _section_cstart, $3  }
0x38: {  	[dreg:$0x1] =	wrdreg $0xFFFFFFFF  }
0x39: {  	_ =	task.clear_ibuf [dreg:s7], $0x2FFFF;
	_ =	strace $0x9FFFFFFF  }
0x3a: {  	(tm) =	ssettm $0x7FFFFFFF  }
0x3b: {  	_ =	shalt  }
tec
execute0_lowered:
.L_overlay_start_1:
0x0: {  	(tag) =	ssettag $0x1  }
0x1: {  	s4 =	rddreg [dreg:$0x0]  }
0x2: {  	s0 =	stileid.u32;
	s2 =	rddreg [dreg:$0x1]  }
0x3: {  	s1 =	rddreg [dreg:$0x2];
	_ =	strace $0x8000004A;
	s10 =	srdreg.scid  }
0x4: {  	s31 =	simm.s32 $0x2;
	s18 =	simm.s32 $0x0;
	s11 =	simm.s32 $0x2000  }
0x5: {  	s19 =	simm.s32 $0x0;
	s20 =	simm.s32 $0x0;
	s12 =	simm.s32 $0x0  }
0x6: {  	s13 =	simm.s32 $0x0;
	s14 =	simm.s32 $0x0;
	s3 =	sshll.u32 s0, $0x7  }
0x7: {  	s17 =	simm.s32 $0x0;
	s4 =	sadd.s32 $0x7800, s4;
	s3 =	sand.u32 $0x380, s3  }
0x8: {  	s5 =	sshrl.u32 s0, $0x3;
	s30 =	sshll.u32 s10, $0x7;
	s6 =	ssub.s32 $0x400, s3  }
0x9: {  	s8 =	ssub.s32 $0xC8, s5;
	s7 =	sshrl.u32 s6, $0xA;
	s6 =	sand.u32 $0x380, s6  }
0xa: {  	s9 =	sshrl.u32 s8, $0x1;
	p0 =	sne.s32 s6, $0x0;
	s6 =	simm.s32 $0x1  }
.Ltmp0:
0xb: {  	s8 =	sand.u32 $0x1, s8;
	s6 =	simm.s32 @!p0 $0x0;
	(pc) =	sbr.rel .LBB1_1-.Ltmp0, $4  }
0xc: {  	s15 =	smov.u32 s5;
	s8 =	sadd.s32 s8, s9;
	s7 =	sadd.s32 s6, s7  }
0xd: {  	s16 =	smov.u32 s3;
	s6 =	simm.s32 $0x1;
	s7 =	smul.u32 s8, s7  }
0xe: {  	p0 =	por $0x0, $0x0;
	s8 =	sand.u32 $0x80, s30;
	[sflag:s6] =	ssyncpa.u1 $0x0  }
0xf: {  	[sflag:s31] =	ssyncpa.u1 $0x0;
	s9 =	sshll.u32 s8, $0x3;
	s10 =	sadd.s32 $0x1, s7  }
.LBB1_4:
0x10: {  	s25 =	sshra.s32 s25, $0x2;
	s26 =	sshrl.u32 s14, $0x7;
	p1 =	sgt.s32 s14, $0x380  }
0x11: {  	s27 =	sshra.s32 s14, $0x1F;
	s29 =	smov.u32 s13;
	s31 =	sshra.s32 s13, $0x1F  }
0x12: {  	s24 =	sadd.s32 s25, s24;
	s30 =	sadd.s32 s26, s12;
	s26 =	smov.u32 s14  }
0x13: {  	v5 =	vld [tilespmem:s22+$0xFFFFFFD0];
	[tilespmem:s23+$0x2040 ss:$0x81] =	vst.msk $0xffff, v4;
	s27 =	sand.u32 s27, s14;
	s25 =	sand.u32 $0x3FFFFF, s30;
	s26 =	simm.s32 @!p1 $0x380  }
0x14: {  	v58 =	vld [tilespmem:s22+$0xFFFFFFE0];
	[tilespmem:s23+$0x2850 ss:$0x81] =	vst.msk $0xffff, v3;
	p1 =	sgt.s32 s13, $0xC7;
	s28 =	smulhi.u32 $0x124924A, s25;
	s26 =	ssub.s32 s26, s27  }
0x15: {  	v59 =	vld [tilespmem:s22+$0xFFFFFFF0];
	[tilespmem:s23+$0x3060 ss:$0x81] =	vst.msk $0xffff, v2;
	s29 =	simm.s32 @!p1 $0xC7;
	s27 =	sand.u32 s31, s13;
	p1 =	sgt.s32 s12, $0x60  }
0x16: {  	v60 =	vld [tilespmem:s22+$0x0];
	[tilespmem:s23+$0x0 ss:$0x81] =	vst.msk $0xffff, v1;
	s23 =	ssub.s32 s29, s27;
	s27 =	smov.u32 s12;
	s30 =	sadd.s32 $0xFFFFFC80, s26  }
0x17: {  	v61 =	vld [tilespmem:s22+$0x10];
	[tilespmem:s24+$0x3870 ss:$0x81] =	vst.msk $0xffff, v0;
	s26 =	ssub.s32 $0x400, s26;
	s27 =	simm.s32 @!p1 $0x60;
	p1 =	sgt.s32 s30, $0x7F  }
0x18: {  	v62 =	vld [tilespmem:s22+$0x20];
	s28 =	smul.u32 $0xE0, s28;
	[tilespmem:s24+$0x810 ss:$0x81] =	vst.msk $0xffff, v5;
	s27 =	ssub.s32 $0xE0, s27;
	s26 =	simm.s32 @p1 $0x0  }
0x19: {  	v63 =	vld [tilespmem:s22+$0xFFFFFFC0];
	s29 =	sand.u32 $0x7, s14;
	s31 =	sadd.s32 $0xFFFFFF39, s23;
	[tilespmem:s24+$0x1020 ss:$0x81] =	vst.msk $0xffff, v58;
	s26 =	smul.u32 s27, s26  }
0x1a: {  	s22 =	ssub.s32 $0xC8, s23;
	[tilespmem:s24+$0x1830 ss:$0x81] =	vst.msk $0xffff, v59;
	p1 =	sgt.s32 s31, $0x0;
	s27 =	smul.u32 $0x7000, s13  }
0x1b: {  	[tilespmem:s24+$0x2040 ss:$0x81] =	vst.msk $0xffff, v60;
	s22 =	simm.s32 @p1 $0x0;
	s25 =	ssub.s32 s25, s28;
	s28 =	sshrl.u32 s14, $0x3  }
0x1c: {  	[tilespmem:s24+$0x2850 ss:$0x81] =	vst.msk $0xffff, v61;
	s23 =	sand.u32 $0xF, s28;
	s22 =	smul.u32 s22, s26;
	s26 =	sadd.s32 s2, s27  }
0x1d: {  	[tilespmem:s24+$0x3060 ss:$0x81] =	vst.msk $0xffff, v62;
	s30 =	sshll.u32 s29, $0x12;
	s25 =	sshll.u32 s25, $0x7;
	s23 =	sadd.s32 s23, s26  }
0x1e: {  	[tilespmem:s24+$0x0 ss:$0x81] =	vst.msk $0xffff, v63;
	s31 =	sor.u32 $0x400, s30;
	s22 =	sand.u32 $0x3FFFFFFF, s22;
	s23 =	sadd.s32 s25, s23  }
0x1f: {  	[hbm4b:s23+s31] =	stream.strided.scatter [tilespmem:s21], [sflag:$0x2], s22, s11, s31, $0x20;
	[tilespmem:$0x10100] =	vst v63  }
.LBB1_5:
0x20: {  	p1 =	slt.u32 s17, $0x2;
	s21 =	smov.u32 s19  }
0x21: {  	s22 =	smov.u32 s20;
	p2 =	sgt.s32 @!p1 s19, $0xC7;
	p3 =	sgt.s32 @!p1 s20, $0x380  }
0x22: {  	s23 =	sshra.s32 @!p1 s20, $0x1F;
	p2 =	por !p2, p1;
	p3 =	por !p3, p1  }
0x23: {  	s20 =	sand.u32 @!p1 s23, s20;
	s21 =	simm.s32 @p2 $0xC7;
	s22 =	simm.s32 @p3 $0x380  }
0x24: {  	p2 =	sgt.s32 @!p1 s18, $0x60;
	s20 =	ssub.s32 @!p1 s22, s20;
	s22 =	sshra.s32 @!p1 s19, $0x1F  }
0x25: {  	p2 =	por !p2, p1;
	s19 =	sand.u32 @!p1 s22, s19;
	s22 =	sadd.s32 @!p1 $0xFFFFFC80, s20  }
0x26: {  	s18 =	simm.s32 @p2 $0x60;
	s19 =	ssub.s32 @!p1 s21, s19;
	p2 =	sgt.s32 @!p1 s22, $0x7F  }
0x27: {  	s20 =	ssub.s32 @!p1 $0x400, s20;
	s21 =	sadd.s32 @!p1 $0xFFFFFF39, s19;
	p2 =	por !p2, p1  }
0x28: {  	s18 =	ssub.s32 @!p1 $0xE0, s18;
	s20 =	simm.s32 @!p2 $0x0;
	p2 =	sgt.s32 @!p1 s21, $0x0  }
0x29: {  	s19 =	ssub.s32 @!p1 $0xC8, s19;
	p2 =	por !p2, p1;
	s18 =	smul.u32 @!p1 s18, s20  }
0x2a: {  	s23 =	smov.u32 s16;
	s21 =	sadd.s32 $0x2, s15;
	s19 =	simm.s32 @!p2 $0x0  }
0x2b: {  	p2 =	sgt.s32 s21, $0xC7;
	s18 =	smul.u32 @!p1 s19, s18;
	s19 =	sadd.s32 $0x400, s16  }
0x2c: {  	s25 =	sadd.s32 $0x1, s17;
	s23 =	smov.u32 @p2 s19  }
0x2d: {  	p0 =	por !p0, !p0;
	s21 =	smov.u32 @p2 s5;
	p2 =	sgt.s32 s23, $0x3FF  }
0x2e: {  	s22 =	simm.s32 @!p1 $0x2;
	s23 =	smov.u32 @p2 s3;
	p2 =	sne.s32 s17, s10  }
.Ltmp1:
0x2f: {  	s20 =	smov.u32 s14;
	s14 =	smov.u32 s16;
	(pc) =	sbr.rel @!p2 .LBB1_6-.Ltmp1, $4  }
0x30: {  	s19 =	smov.u32 s13;
	s13 =	smov.u32 s15;
	s18 =	sand.u32 @!p1 $0x3FFFFFFF, s18  }
0x31: {  	s15 =	smov.u32 s21;
	_ =	swait.ge @!p1 [sflag:s22], s18;
	s24 =	ssub.s32 @!p1 $0x0, s18  }
0x32: {  	s18 =	smov.u32 s12;
	s12 =	smov.u32 s8;
	[sflag:s22] =	ssyncset.done @!p1 $0x0  }
0x33: {  	s17 =	smov.u32 s25;
	s16 =	smov.u32 s23;
	[sflag:s22] =	ssyncadd.s32 @!p1 s24  }
.LBB1_1:
0x34: {  	p1 =	sge.u32 s17, s7  }
0x35: {  	s21 =	sshll.u32 @!p1 s15, $0x8  }
0x36: {  	s22 =	sshll.u32 @!p1 s15, $0x7;
	s21 =	sand.u32 @!p1 $0xFFFFF800, s21  }
0x37: {  	s22 =	sand.u32 @!p1 $0x300, s22;
	s21 =	sor.u32 @!p1 s9, s21  }
0x38: {  	s21 =	sor.u32 @!p1 s22, s21  }
0x39: {  	s21 =	sshrl.u32 @!p1 s21, $0x8  }
0x3a: {  	s22 =	smulhi.u32 @!p1 $0x147AE15, s21;
	_ =	sdelay $0x1  }
0x3b: {  	s22 =	smul.u32 @!p1 $0xC8, s22  }
0x3c: {  	s31 =	sadd.s32 $0xFFFFFFFF, s17;
	s23 =	smul.u32 @!p1 $0x1900, s16  }
0x3d: {  	s24 =	sxor.u32 @!p1 $0xFFFFFFFF, s17;
	s21 =	ssub.s32 @!p1 s21, s22;
	s22 =	sshll.u32 @!p1 s15, $0x4  }
0x3e: {  	s24 =	sshll.u32 @!p1 s24, $0xE;
	s23 =	sadd.s32 @!p1 s4, s23;
	s22 =	sand.u32 @!p1 $0x10, s22  }
0x3f: {  	s24 =	sand.u32 @!p1 $0x4000, s24;
	s21 =	sshll.u32 @!p1 s21, $0x5;
	s22 =	sadd.s32 @!p1 s22, s23  }
0x40: {  	s23 =	simm.s32 @!p1 $0xC800;
	s21 =	sadd.s32 @!p1 s21, s22;
	s22 =	simm.s32 @!p1 $0x80  }
0x41: {  	[tilespmem:s24], [sflag:$0x1] =	stream.strided.gather @!p1 [hbm4b:s21+s22], $0x4000, s23, s22, $0x38;
	[tilespmem:$0x10100] =	vst v63  }
0x42: {  	p1 =	sge.u32 s31, s7  }
.Ltmp2:
0x43: {  	_ = 	snop;
	(pc) =	sbr.rel @p1 .LBB1_5-.Ltmp2, $1  }
0x44: {  	_ =	sdelay $0x3  }
0x45: {  	s21 =	simm.s32 $0x1  }
0x46: {  	_ =	swait.ge [sflag:s6], $0x4000;
	s21 =	simm.s32 @!p0 $0x0  }
0x47: {  	[sflag:s6] =	ssyncset.done $0x0;
	s22 =	sshll.u32 s21, $0xE  }
0x48: {  	[sflag:s6] =	ssyncadd.s32 $0xFFFFC000;
	s22 =	sor.u32 $0x40, s22  }
0x49: {  	s21 =	smul.u32 $0x10200, s21;
	v0 =	vld [tilespmem:s22+$0x30]  }
0x4a: {  	v1 =	vld [tilespmem:s22+$0xFFFFFFD0]  }
0x4b: {  	s21 =	sshrl.u32 s21, $0x2;
	v5 =	vld [tilespmem:s22+$0xFFFFFFE0]  }
0x4c: {  	v6 =	vld [tilespmem:s22+$0xFFFFFFF0];
	s24 =	sor.u32 $0x8000, s21  }
0x4d: {  	s31 =	sand.u32 $0x1, s17;
	v4 =	vld [tilespmem:s22+$0x0];
	s23 =	sadd.s32 $0x0, s24  }
0x4e: {  	v3 =	vld [tilespmem:s22+$0x10];
	s21 =	smul.u32 $0x10200, s31;
	[tilespmem:s23+$0x3870 ss:$0x81] =	vst.msk $0xffff, v0  }
0x4f: {  	v2 =	vld [tilespmem:s22+$0x20];
	[tilespmem:s23+$0x810 ss:$0x81] =	vst.msk $0xffff, v1  }
0x50: {  	s21 =	sshrl.u32 s21, $0x2;
	v1 =	vld [tilespmem:s22+$0xFFFFFFC0];
	[tilespmem:s23+$0x1020 ss:$0x81] =	vst.msk $0xffff, v5;
	s22 =	sadd.s32 $0x80, s22  }
0x51: {  	s25 =	simm.s32 $0x4;
	s26 =	simm.s32 $0x8;
	s21 =	sor.u32 $0x8000, s21;
	[tilespmem:s23+$0x1830 ss:$0x81] =	vst.msk $0xffff, v6;
	v0 =	vld [tilespmem:s22+$0x30]  }
.LBB1_3:
0x52: {  	p1 =	sne.s32 s26, $0x1FC;
	v5 =	vld [tilespmem:s22+$0xFFFFFFD0];
	[tilespmem:s23+$0x2040 ss:$0x81] =	vst.msk $0xffff, v4  }
0x53: {  	v6 =	vld [tilespmem:s22+$0xFFFFFFE0];
	[tilespmem:s23+$0x2850 ss:$0x81] =	vst.msk $0xffff, v3  }
0x54: {  	s27 =	sshra.s32 s25, $0x2;
	s25 =	smov.u32 s26;
	v7 =	vld [tilespmem:s22+$0xFFFFFFF0];
	[tilespmem:s23+$0x3060 ss:$0x81] =	vst.msk $0xffff, v2  }
.Ltmp3:
0x55: {  	v4 =	vld [tilespmem:s22+$0x0];
	[tilespmem:s23+$0x0 ss:$0x81] =	vst.msk $0xffff, v1;
	s23 =	sadd.s32 s27, s24;
	(pc) =	sbr.rel @p1 .LBB1_3-.Ltmp3, $4  }
0x56: {  	v3 =	vld [tilespmem:s22+$0x10];
	[tilespmem:s23+$0x3870 ss:$0x81] =	vst.msk $0xffff, v0  }
0x57: {  	[tilespmem:s23+$0x810 ss:$0x81] =	vst.msk $0xffff, v5;
	v2 =	vld [tilespmem:s22+$0x20]  }
0x58: {  	v1 =	vld [tilespmem:s22+$0xFFFFFFC0];
	[tilespmem:s23+$0x1020 ss:$0x81] =	vst.msk $0xffff, v6;
	s22 =	sadd.s32 $0x80, s22  }
0x59: {  	s26 =	sadd.s32 $0x4, s26;
	v0 =	vld [tilespmem:s22+$0x30];
	[tilespmem:s23+$0x1830 ss:$0x81] =	vst.msk $0xffff, v7  }
.Ltmp4:
0x5a: {  	_ = 	snop;
	(pc) =	sbr.rel .LBB1_4-.Ltmp4, $1  }
0x5b: {  	_ =	sdelay $0x3  }
.LBB1_6:
0x5c: {  	_ =	sfence.sel $0x180000  }
0x5d: {  	s2 =	simm.s32 $0x1;
	[bflag:$0x0] =	sbarrier.arrive $0xFFFF  }
0x5e: {  	s31 =	simm.s32 $0x2;
	[sflag:s2] =	ssyncpa.u1 $0x1  }
0x5f: {  	[sflag:s31] =	ssyncpa.u1 $0x1  }
0x60: {  	p0 =	sne.s32 s0, $0x0;
	_ =	strace $0x9000004A  }
0x61: {  	s0 =	sadd.s32 @!p0 $0x100000, s1;
	[bflag:$0x2] =	sbarrier.arrive $0xFFFF  }
0x62: {  	[sflag:s0] =	ssyncadd.tile.s32 @!p0 $0x1;
	_ =	shalt  }
.Lfunc_end1:
_tile_overlayer_lowered:
.L_overlay_start_2:
0x63: {  	(tag) =	ssettag $0x2  }
0x64: {  	s0 =	rddreg [dreg:$0x0];
	s2 =	stileid.u32  }
0x65: {  	s1 =	rddreg [dreg:$0x1];
	p0 =	sne.s32 s2, $0x0  }
0x66: {  	s3 =	rddreg [dreg:$0x2];
	[bflag:$0x3] =	sbarrier.arrive $0xFFFF;
	s2 =	simm.s32 @!p0 $0x1C01  }
0x67: {  	[timem:s3], [sflag:s2] =	dma.local @!p0 [hbm:s0], s1  }
0x68: {  	s0 =	simm.s32 @!p0 $0x1  }
0x69: {  	_ =	swait.ge @!p0 [sflag:s0], s1  }
0x6a: {  	s1 =	ssub.s32 @!p0 $0x0, s1;
	[sflag:s0] =	ssyncset.done @!p0 $0x0  }
0x6b: {  	[sflag:s0] =	ssyncadd.s32 @!p0 s1  }
0x6c: {  	[bflag:$0x3] =	sbarrier.arrive $0xFFFF  }
0x6d: {  	_ =	shalt  }

</sc_bundles>
